<compile_context>
chip_gen: v7x
topology: tpu7x:2x2x1
jax: 0.10.2.dev20260603
libtpu: 0.0.44.dev20260713+nightly
codegen_flags: <defaults>
</compile_context>

<pallas_src>
import functools

import jax
import jax.numpy as jnp
from jax import lax
from jax.experimental import pallas as pl
from jax.experimental.pallas import tpu as pltpu
from jax.experimental.pallas import tpu_sc as plsc

_TOTAL = 1000000
_EMBED_DIM = 32
_N_FEATURES = 26
_BATCH = 4096
_OFFSET_STEP = 38461

_WIN = 38656
_TAIL_LO = (_TOTAL // 128) * 128
_TAIL = _TOTAL - _TAIL_LO
_VECS = _BATCH // 16

_mesh = plsc.VectorSubcoreMesh(core_axis_name="c", subcore_axis_name="s")


def _win_lo(f):
    return (f * _OFFSET_STEP) // 128 * 128


def _win_sz(f):
    return min(_WIN, _TAIL_LO - _win_lo(f))


@functools.partial(
    pl.kernel,
    mesh=_mesh,
    out_type=jax.ShapeDtypeStruct((_N_FEATURES, _EMBED_DIM, _BATCH), jnp.float32),
    scratch_types=[
        pltpu.VMEM((_WIN,), jnp.float32),
        pltpu.VMEM((_WIN,), jnp.float32),
        pltpu.VMEM((_BATCH,), jnp.int32),
        pltpu.VMEM((_BATCH,), jnp.int32),
        pltpu.VMEM((_BATCH,), jnp.float32),
        pltpu.VMEM((_BATCH,), jnp.float32),
        pltpu.VMEM((128,), jnp.float32),
        pltpu.SemaphoreType.DMA,
        pltpu.SemaphoreType.DMA,
        pltpu.SemaphoreType.DMA,
        pltpu.SemaphoreType.DMA,
    ],
    compiler_params=pltpu.CompilerParams(needs_layout_passes=False),
)
def _emb_lookup(
    vals_hbm, table_hbm, tail_hbm, out_hbm,
    slab0_v, slab1_v, vrow0_v, vrow1_v, orow0_v, orow1_v, tail_v,
    sem_in0, sem_in1, sem_out0, sem_out1,
):
    d = lax.axis_index("s") * 2 + lax.axis_index("c")
    slabs = (slab0_v, slab1_v)
    vrows = (vrow0_v, vrow1_v)
    orows = (orow0_v, orow1_v)
    sems_in = (sem_in0, sem_in1)
    sems_out = (sem_out0, sem_out1)

    def start_in(f):
        b = f % 2
        c_slab = pltpu.async_copy(
            table_hbm.at[d, pl.ds(_win_lo(f), _win_sz(f))],
            slabs[b].at[pl.ds(0, _win_sz(f))],
            sems_in[b],
        )
        c_vals = pltpu.async_copy(vals_hbm.at[f], vrows[b], sems_in[b])
        return (c_slab, c_vals)

    pltpu.sync_copy(tail_hbm.at[d], tail_v)

    in_flight = start_in(0)
    out_flight = [None, None]
    for f in range(_N_FEATURES):
        b = f % 2
        delta = f * _OFFSET_STEP - _win_lo(f)
        win_sz = _win_sz(f)
        last = _win_lo(f) + _WIN > _TAIL_LO

        cur = in_flight
        if f + 1 < _N_FEATURES:
            in_flight = start_in(f + 1)
        for c in cur:
            c.wait()
        if out_flight[b] is not None:
            out_flight[b].wait()

        @pl.loop(0, _VECS)
        def gather_vec(j, delta=delta, win_sz=win_sz, last=last, b=b):
            sl = pl.ds(j * 16, 16)
            idx = vrows[b][sl] + delta
            if last:
                in_tail = idx >= win_sz
                main = plsc.load_gather(slabs[b], [jnp.minimum(idx, win_sz - 1)])
                tail = plsc.load_gather(tail_v, [jnp.maximum(idx - win_sz, 0)])
                orows[b][sl] = jnp.where(in_tail, tail, main)
            else:
                orows[b][sl] = plsc.load_gather(slabs[b], [idx])

        out_flight[b] = pltpu.async_copy(
            orows[b], out_hbm.at[f, d], sems_out[b]
        )

    for c in out_flight:
        if c is not None:
            c.wait()


def kernel(values, emb_table):
    tail = jnp.pad(emb_table[_TAIL_LO:], ((0, 128 - _TAIL), (0, 0)))
    out_t = _emb_lookup(values.T, emb_table.T, tail.T)
    return out_t.transpose(2, 0, 1)

# --- scband reference (transcript-rebuilt; emitter-appended) ---
"""Pipeline reference for scband-shared-embedding-layer-68874095558740 (READ-ONLY COPY).

The authoritative reference and input builder live on the scoring server;
editing this copy changes nothing except your own understanding.
"""

import jax, jax.numpy as jnp
import numpy as np

TOTAL_CATEGORIES = 1000000
EMBED_DIM = 32
N_FEATURES = 26
BATCH = 4096
OFFSET_STEP = 38461


def setup_inputs(seed: int = 0) -> dict:
    key = jax.random.key(seed)
    k1, k2 = jax.random.split(key)
    values = jax.random.randint(k1, (BATCH, N_FEATURES), 0, OFFSET_STEP, dtype=jnp.int32)
    emb_table = jax.random.normal(k2, (TOTAL_CATEGORIES, EMBED_DIM), dtype=jnp.float32) * 0.1
    return {"values": values, "emb_table": emb_table}


def reference(values, emb_table):
    # feature_offsets[i] = i * OFFSET_STEP; each feature i looks up values[:, i] + offset_i
    offsets = (jnp.arange(N_FEATURES, dtype=values.dtype) * OFFSET_STEP)
    idx = values + offsets[None, :]  # (B, F)
    # torch.stack of per-feature embeddings along dim=1 == gather with (B, F) indices
    out = jnp.take(emb_table, idx, axis=0)  # (B, F, D)
    return out

if __name__ == "__main__":
    import jax
    _d = setup_inputs()
    print(jax.jit(kernel)(*tuple(_d.values())))

</pallas_src>

<mosaic_0001>
#map = affine_map<(d0, d1) -> (0, 0)>
#map1 = affine_map<(d0, d1) -> (0, 0, 0)>
module attributes {stable_mosaic.version = 14 : i64} {
  func.func @_emb_lookup(%arg0: i32, %arg1: i32, %arg2: memref<26x4096xi32, #tpu.memory_space<hbm>>, %arg3: memref<32x1000000xf32, #tpu.memory_space<hbm>>, %arg4: memref<32x128xf32, #tpu.memory_space<hbm>>, %arg5: memref<26x32x4096xf32, #tpu.memory_space<hbm>>, %arg6: memref<38656xf32, #tpu.memory_space<vmem>>, %arg7: memref<38656xf32, #tpu.memory_space<vmem>>, %arg8: memref<4096xi32, #tpu.memory_space<vmem>>, %arg9: memref<4096xi32, #tpu.memory_space<vmem>>, %arg10: memref<4096xf32, #tpu.memory_space<vmem>>, %arg11: memref<4096xf32, #tpu.memory_space<vmem>>, %arg12: memref<128xf32, #tpu.memory_space<vmem>>, %arg13: memref<!tpu.dma_semaphore, #tpu.memory_space<semaphore_mem>>, %arg14: memref<!tpu.dma_semaphore, #tpu.memory_space<semaphore_mem>>, %arg15: memref<!tpu.dma_semaphore, #tpu.memory_space<semaphore_mem>>, %arg16: memref<!tpu.dma_semaphore, #tpu.memory_space<semaphore_mem>>) attributes {dimension_semantics = [#tpu.dimension_semantics<core_parallel>, #tpu.dimension_semantics<subcore_parallel>], iteration_bounds = array<i64: 2, 16>, scalar_prefetch = 0 : i64, scratch_operands = 11 : i64, tpu.core_type = #tpu.core_type<sc_vector_subcore>, window_params = [{transform_indices = #map}, {transform_indices = #map}, {transform_indices = #map}, {transform_indices = #map1}]} {
    %mul3A = arith.constant 2 : i32
    %mul3A_0 = arith.muli %arg1, %mul3A : i32
    %add3A = arith.addi %mul3A_0, %arg0 : i32
    "tpu.region"() ({
      %run_scoped3A = tpu.sem_alloc : memref<!tpu.dma_semaphore, #tpu.memory_space<semaphore_mem>>
      %dma_start3A_1376 = arith.constant 0 : i32
      %dma_start3A_1377 = tpu.memref_slice %arg4[%add3A, %dma_start3A_1376] : memref<32x128xf32, #tpu.memory_space<hbm>> -> memref<1x128xf32, #tpu.memory_space<hbm>>
      %dma_start3A_1378 = tpu.memref_squeeze %dma_start3A_1377 : memref<1x128xf32, #tpu.memory_space<hbm>> -> memref<128xf32, #tpu.memory_space<hbm>>
      %dma_start3A_1379 = arith.constant 0 : i32
      %dma_start3A_1380 = tpu.memref_slice %arg4[%add3A, %dma_start3A_1379] : memref<32x128xf32, #tpu.memory_space<hbm>> -> memref<1x128xf32, #tpu.memory_space<hbm>>
      %dma_start3A_1381 = tpu.memref_squeeze %dma_start3A_1380 : memref<1x128xf32, #tpu.memory_space<hbm>> -> memref<128xf32, #tpu.memory_space<hbm>>
      tpu.enqueue_dma source(%dma_start3A_1381 : memref<128xf32, #tpu.memory_space<hbm>>) target(%arg12 : memref<128xf32, #tpu.memory_space<vmem>>) target_semaphore(%run_scoped3A : memref<!tpu.dma_semaphore, #tpu.memory_space<semaphore_mem>>)
      %dma_wait3A_1382 = arith.constant 0 : i32
      %dma_wait3A_1383 = tpu.memref_slice %arg4[%add3A, %dma_wait3A_1382] : memref<32x128xf32, #tpu.memory_space<hbm>> -> memref<1x128xf32, #tpu.memory_space<hbm>>
      %dma_wait3A_1384 = tpu.memref_squeeze %dma_wait3A_1383 : memref<1x128xf32, #tpu.memory_space<hbm>> -> memref<128xf32, #tpu.memory_space<hbm>>
      %dma_wait3A_1385 = arith.constant 0 : i32
      %dma_wait3A_1386 = tpu.memref_slice %arg4[%add3A, %dma_wait3A_1385] : memref<32x128xf32, #tpu.memory_space<hbm>> -> memref<1x128xf32, #tpu.memory_space<hbm>>
      %dma_wait3A_1387 = tpu.memref_squeeze %dma_wait3A_1386 : memref<1x128xf32, #tpu.memory_space<hbm>> -> memref<128xf32, #tpu.memory_space<hbm>>
      tpu.wait_dma2 semaphore(%run_scoped3A : memref<!tpu.dma_semaphore, #tpu.memory_space<semaphore_mem>>) src(%dma_wait3A_1387 : memref<128xf32, #tpu.memory_space<hbm>>) dst(%arg12 : memref<128xf32, #tpu.memory_space<vmem>>)
      tpu.yield
    }) : () -> ()
    %dma_start3A = arith.constant 0 : i32
    %dma_start3A_1 = tpu.memref_slice %arg6[%dma_start3A] : memref<38656xf32, #tpu.memory_space<vmem>> -> memref<38656xf32, #tpu.memory_space<vmem>>
    %dma_start3A_2 = arith.constant 0 : i32
    %dma_start3A_3 = tpu.memref_slice %arg3[%add3A, %dma_start3A_2] : memref<32x1000000xf32, #tpu.memory_space<hbm>> -> memref<1x38656xf32, #tpu.memory_space<hbm>>
    %dma_start3A_4 = tpu.memref_squeeze %dma_start3A_3 : memref<1x38656xf32, #tpu.memory_space<hbm>> -> memref<38656xf32, #tpu.memory_space<hbm>>
    %dma_start3A_5 = arith.constant 0 : i32
    %dma_start3A_6 = tpu.memref_slice %arg6[%dma_start3A_5] : memref<38656xf32, #tpu.memory_space<vmem>> -> memref<38656xf32, #tpu.memory_space<vmem>>
    %dma_start3A_7 = arith.constant 0 : i32
    %dma_start3A_8 = tpu.memref_slice %arg3[%add3A, %dma_start3A_7] : memref<32x1000000xf32, #tpu.memory_space<hbm>> -> memref<1x38656xf32, #tpu.memory_space<hbm>>
    %dma_start3A_9 = tpu.memref_squeeze %dma_start3A_8 : memref<1x38656xf32, #tpu.memory_space<hbm>> -> memref<38656xf32, #tpu.memory_space<hbm>>
    tpu.enqueue_dma source(%dma_start3A_9 : memref<38656xf32, #tpu.memory_space<hbm>>) target(%dma_start3A_6 : memref<38656xf32, #tpu.memory_space<vmem>>) target_semaphore(%arg13 : memref<!tpu.dma_semaphore, #tpu.memory_space<semaphore_mem>>)
    %dma_start3A_10 = arith.constant 0 : i32
    %dma_start3A_11 = arith.constant 0 : i32
    %dma_start3A_12 = tpu.memref_slice %arg2[%dma_start3A_10, %dma_start3A_11] : memref<26x4096xi32, #tpu.memory_space<hbm>> -> memref<1x4096xi32, #tpu.memory_space<hbm>>
    %dma_start3A_13 = tpu.memref_squeeze %dma_start3A_12 : memref<1x4096xi32, #tpu.memory_space<hbm>> -> memref<4096xi32, #tpu.memory_space<hbm>>
    %dma_start3A_14 = arith.constant 0 : i32
    %dma_start3A_15 = tpu.memref_slice %arg2[%dma_start3A_10, %dma_start3A_14] : memref<26x4096xi32, #tpu.memory_space<hbm>> -> memref<1x4096xi32, #tpu.memory_space<hbm>>
    %dma_start3A_16 = tpu.memref_squeeze %dma_start3A_15 : memref<1x4096xi32, #tpu.memory_space<hbm>> -> memref<4096xi32, #tpu.memory_space<hbm>>
    tpu.enqueue_dma source(%dma_start3A_16 : memref<4096xi32, #tpu.memory_space<hbm>>) target(%arg8 : memref<4096xi32, #tpu.memory_space<vmem>>) target_semaphore(%arg13 : memref<!tpu.dma_semaphore, #tpu.memory_space<semaphore_mem>>)
    %dma_start3A_17 = arith.constant 0 : i32
    %dma_start3A_18 = tpu.memref_slice %arg7[%dma_start3A_17] : memref<38656xf32, #tpu.memory_space<vmem>> -> memref<38656xf32, #tpu.memory_space<vmem>>
    %dma_start3A_19 = arith.constant 38400 : i32
    %dma_start3A_20 = tpu.memref_slice %arg3[%add3A, %dma_start3A_19] : memref<32x1000000xf32, #tpu.memory_space<hbm>> -> memref<1x38656xf32, #tpu.memory_space<hbm>>
    %dma_start3A_21 = tpu.memref_squeeze %dma_start3A_20 : memref<1x38656xf32, #tpu.memory_space<hbm>> -> memref<38656xf32, #tpu.memory_space<hbm>>
    %dma_start3A_22 = arith.constant 0 : i32
    %dma_start3A_23 = tpu.memref_slice %arg7[%dma_start3A_22] : memref<38656xf32, #tpu.memory_space<vmem>> -> memref<38656xf32, #tpu.memory_space<vmem>>
    %dma_start3A_24 = arith.constant 38400 : i32
    %dma_start3A_25 = tpu.memref_slice %arg3[%add3A, %dma_start3A_24] : memref<32x1000000xf32, #tpu.memory_space<hbm>> -> memref<1x38656xf32, #tpu.memory_space<hbm>>
    %dma_start3A_26 = tpu.memref_squeeze %dma_start3A_25 : memref<1x38656xf32, #tpu.memory_space<hbm>> -> memref<38656xf32, #tpu.memory_space<hbm>>
    tpu.enqueue_dma source(%dma_start3A_26 : memref<38656xf32, #tpu.memory_space<hbm>>) target(%dma_start3A_23 : memref<38656xf32, #tpu.memory_space<vmem>>) target_semaphore(%arg14 : memref<!tpu.dma_semaphore, #tpu.memory_space<semaphore_mem>>)
    %dma_start3A_27 = arith.constant 1 : i32
    %dma_start3A_28 = arith.constant 0 : i32
    %dma_start3A_29 = tpu.memref_slice %arg2[%dma_start3A_27, %dma_start3A_28] : memref<26x4096xi32, #tpu.memory_space<hbm>> -> memref<1x4096xi32, #tpu.memory_space<hbm>>
    %dma_start3A_30 = tpu.memref_squeeze %dma_start3A_29 : memref<1x4096xi32, #tpu.memory_space<hbm>> -> memref<4096xi32, #tpu.memory_space<hbm>>
    %dma_start3A_31 = arith.constant 0 : i32
    %dma_start3A_32 = tpu.memref_slice %arg2[%dma_start3A_27, %dma_start3A_31] : memref<26x4096xi32, #tpu.memory_space<hbm>> -> memref<1x4096xi32, #tpu.memory_space<hbm>>
    %dma_start3A_33 = tpu.memref_squeeze %dma_start3A_32 : memref<1x4096xi32, #tpu.memory_space<hbm>> -> memref<4096xi32, #tpu.memory_space<hbm>>
    tpu.enqueue_dma source(%dma_start3A_33 : memref<4096xi32, #tpu.memory_space<hbm>>) target(%arg9 : memref<4096xi32, #tpu.memory_space<vmem>>) target_semaphore(%arg14 : memref<!tpu.dma_semaphore, #tpu.memory_space<semaphore_mem>>)
    %dma_wait3A = arith.constant 0 : i32
    %dma_wait3A_34 = tpu.memref_slice %arg6[%dma_wait3A] : memref<38656xf32, #tpu.memory_space<vmem>> -> memref<38656xf32, #tpu.memory_space<vmem>>
    %dma_wait3A_35 = arith.constant 0 : i32
    %dma_wait3A_36 = tpu.memref_slice %arg3[%add3A, %dma_wait3A_35] : memref<32x1000000xf32, #tpu.memory_space<hbm>> -> memref<1x38656xf32, #tpu.memory_space<hbm>>
    %dma_wait3A_37 = tpu.memref_squeeze %dma_wait3A_36 : memref<1x38656xf32, #tpu.memory_space<hbm>> -> memref<38656xf32, #tpu.memory_space<hbm>>
    %dma_wait3A_38 = arith.constant 0 : i32
    %dma_wait3A_39 = tpu.memref_slice %arg6[%dma_wait3A_38] : memref<38656xf32, #tpu.memory_space<vmem>> -> memref<38656xf32, #tpu.memory_space<vmem>>
    %dma_wait3A_40 = arith.constant 0 : i32
    %dma_wait3A_41 = tpu.memref_slice %arg3[%add3A, %dma_wait3A_40] : memref<32x1000000xf32, #tpu.memory_space<hbm>> -> memref<1x38656xf32, #tpu.memory_space<hbm>>
    %dma_wait3A_42 = tpu.memref_squeeze %dma_wait3A_41 : memref<1x38656xf32, #tpu.memory_space<hbm>> -> memref<38656xf32, #tpu.memory_space<hbm>>
    tpu.wait_dma2 semaphore(%arg13 : memref<!tpu.dma_semaphore, #tpu.memory_space<semaphore_mem>>) src(%dma_wait3A_42 : memref<38656xf32, #tpu.memory_space<hbm>>) dst(%dma_wait3A_39 : memref<38656xf32, #tpu.memory_space<vmem>>)
    %dma_wait3A_43 = arith.constant 0 : i32
    %dma_wait3A_44 = arith.constant 0 : i32
    %dma_wait3A_45 = tpu.memref_slice %arg2[%dma_wait3A_43, %dma_wait3A_44] : memref<26x4096xi32, #tpu.memory_space<hbm>> -> memref<1x4096xi32, #tpu.memory_space<hbm>>
    %dma_wait3A_46 = tpu.memref_squeeze %dma_wait3A_45 : memref<1x4096xi32, #tpu.memory_space<hbm>> -> memref<4096xi32, #tpu.memory_space<hbm>>
    %dma_wait3A_47 = arith.constant 0 : i32
    %dma_wait3A_48 = tpu.memref_slice %arg2[%dma_wait3A_43, %dma_wait3A_47] : memref<26x4096xi32, #tpu.memory_space<hbm>> -> memref<1x4096xi32, #tpu.memory_space<hbm>>
    %dma_wait3A_49 = tpu.memref_squeeze %dma_wait3A_48 : memref<1x4096xi32, #tpu.memory_space<hbm>> -> memref<4096xi32, #tpu.memory_space<hbm>>
    tpu.wait_dma2 semaphore(%arg13 : memref<!tpu.dma_semaphore, #tpu.memory_space<semaphore_mem>>) src(%dma_wait3A_49 : memref<4096xi32, #tpu.memory_space<hbm>>) dst(%arg8 : memref<4096xi32, #tpu.memory_space<vmem>>)
    %scan3A = arith.constant 0 : i32
    %scan3A_50 = arith.constant 256 : i32
    %scan3A_51 = arith.addi %scan3A, %scan3A_50 : i32
    %scan3A_52 = arith.constant 1 : i32
    scf.for %scan3A_1376 = %scan3A to %scan3A_51 step %scan3A_52  : i32 {
      %mul3A_1377 = arith.constant 1 : i32
      %mul3A_1378 = arith.muli %scan3A_1376, %mul3A_1377 : i32
      %add3A_1379 = arith.constant 0 : i32
      %add3A_1380 = arith.addi %add3A_1379, %mul3A_1378 : i32
      %mul3A_1381 = arith.constant 16 : i32
      %mul3A_1382 = arith.muli %add3A_1380, %mul3A_1381 : i32
      %get3A = arith.index_cast %mul3A_1382 : i32 to index
      %get3A_1383 = tpu.vector_load %arg8[%get3A] {strides = array<i32>} : memref<4096xi32, #tpu.memory_space<vmem>>, vector<16xi32>,
      %add3A_1384 = arith.constant 0 : i32
      %add3A_1385 = vector.broadcast %add3A_1384 : i32 to vector<16xi32>
      %add3A_1386 = arith.addi %get3A_1383, %add3A_1385 : vector<16xi32>
      %gather3A = tpu.vector_load_idx %arg6[%add3A_1386] : memref<38656xf32, #tpu.memory_space<vmem>>[vector<16xi32>], vector<16xf32>,
      %swap3A = arith.index_cast %mul3A_1382 : i32 to index
      %swap3A_1387 = tpu.vector_load %arg10[%swap3A] {strides = array<i32>} : memref<4096xf32, #tpu.memory_space<vmem>>, vector<16xf32>,
      tpu.vector_store %arg10[%swap3A], %gather3A {strides = array<i32>} : memref<4096xf32, #tpu.memory_space<vmem>>, vector<16xf32>,
    }
    %scan3A_53 = arith.constant 256 : i32
    %dma_start3A_54 = arith.constant 0 : i32
    %dma_start3A_55 = arith.constant 0 : i32
    %dma_start3A_56 = tpu.memref_slice %arg5[%dma_start3A_54, %add3A, %dma_start3A_55] : memref<26x32x4096xf32, #tpu.memory_space<hbm>> -> memref<1x1x4096xf32, #tpu.memory_space<hbm>>
    %dma_start3A_57 = tpu.memref_squeeze %dma_start3A_56 : memref<1x1x4096xf32, #tpu.memory_space<hbm>> -> memref<4096xf32, #tpu.memory_space<hbm>>
    %dma_start3A_58 = arith.constant 0 : i32
    %dma_start3A_59 = tpu.memref_slice %arg5[%dma_start3A_54, %add3A, %dma_start3A_58] : memref<26x32x4096xf32, #tpu.memory_space<hbm>> -> memref<1x1x4096xf32, #tpu.memory_space<hbm>>
    %dma_start3A_60 = tpu.memref_squeeze %dma_start3A_59 : memref<1x1x4096xf32, #tpu.memory_space<hbm>> -> memref<4096xf32, #tpu.memory_space<hbm>>
    tpu.enqueue_dma source(%arg10 : memref<4096xf32, #tpu.memory_space<vmem>>) target(%dma_start3A_60 : memref<4096xf32, #tpu.memory_space<hbm>>) target_semaphore(%arg15 : memref<!tpu.dma_semaphore, #tpu.memory_space<semaphore_mem>>)
    %dma_start3A_61 = arith.constant 0 : i32
    %dma_start3A_62 = tpu.memref_slice %arg6[%dma_start3A_61] : memref<38656xf32, #tpu.memory_space<vmem>> -> memref<38656xf32, #tpu.memory_space<vmem>>
    %dma_start3A_63 = arith.constant 76800 : i32
    %dma_start3A_64 = tpu.memref_slice %arg3[%add3A, %dma_start3A_63] : memref<32x1000000xf32, #tpu.memory_space<hbm>> -> memref<1x38656xf32, #tpu.memory_space<hbm>>
    %dma_start3A_65 = tpu.memref_squeeze %dma_start3A_64 : memref<1x38656xf32, #tpu.memory_space<hbm>> -> memref<38656xf32, #tpu.memory_space<hbm>>
    %dma_start3A_66 = arith.constant 0 : i32
    %dma_start3A_67 = tpu.memref_slice %arg6[%dma_start3A_66] : memref<38656xf32, #tpu.memory_space<vmem>> -> memref<38656xf32, #tpu.memory_space<vmem>>
    %dma_start3A_68 = arith.constant 76800 : i32
    %dma_start3A_69 = tpu.memref_slice %arg3[%add3A, %dma_start3A_68] : memref<32x1000000xf32, #tpu.memory_space<hbm>> -> memref<1x38656xf32, #tpu.memory_space<hbm>>
    %dma_start3A_70 = tpu.memref_squeeze %dma_start3A_69 : memref<1x38656xf32, #tpu.memory_space<hbm>> -> memref<38656xf32, #tpu.memory_space<hbm>>
    tpu.enqueue_dma source(%dma_start3A_70 : memref<38656xf32, #tpu.memory_space<hbm>>) target(%dma_start3A_67 : memref<38656xf32, #tpu.memory_space<vmem>>) target_semaphore(%arg13 : memref<!tpu.dma_semaphore, #tpu.memory_space<semaphore_mem>>)
    %dma_start3A_71 = arith.constant 2 : i32
    %dma_start3A_72 = arith.constant 0 : i32
    %dma_start3A_73 = tpu.memref_slice %arg2[%dma_start3A_71, %dma_start3A_72] : memref<26x4096xi32, #tpu.memory_space<hbm>> -> memref<1x4096xi32, #tpu.memory_space<hbm>>
    %dma_start3A_74 = tpu.memref_squeeze %dma_start3A_73 : memref<1x4096xi32, #tpu.memory_space<hbm>> -> memref<4096xi32, #tpu.memory_space<hbm>>
    %dma_start3A_75 = arith.constant 0 : i32
    %dma_start3A_76 = tpu.memref_slice %arg2[%dma_start3A_71, %dma_start3A_75] : memref<26x4096xi32, #tpu.memory_space<hbm>> -> memref<1x4096xi32, #tpu.memory_space<hbm>>
    %dma_start3A_77 = tpu.memref_squeeze %dma_start3A_76 : memref<1x4096xi32, #tpu.memory_space<hbm>> -> memref<4096xi32, #tpu.memory_space<hbm>>
    tpu.enqueue_dma source(%dma_start3A_77 : memref<4096xi32, #tpu.memory_space<hbm>>) target(%arg8 : memref<4096xi32, #tpu.memory_space<vmem>>) target_semaphore(%arg13 : memref<!tpu.dma_semaphore, #tpu.memory_space<semaphore_mem>>)
    %dma_wait3A_78 = arith.constant 0 : i32
    %dma_wait3A_79 = tpu.memref_slice %arg7[%dma_wait3A_78] : memref<38656xf32, #tpu.memory_space<vmem>> -> memref<38656xf32, #tpu.memory_space<vmem>>
    %dma_wait3A_80 = arith.constant 38400 : i32
    %dma_wait3A_81 = tpu.memref_slice %arg3[%add3A, %dma_wait3A_80] : memref<32x1000000xf32, #tpu.memory_space<hbm>> -> memref<1x38656xf32, #tpu.memory_space<hbm>>
    %dma_wait3A_82 = tpu.memref_squeeze %dma_wait3A_81 : memref<1x38656xf32, #tpu.memory_space<hbm>> -> memref<38656xf32, #tpu.memory_space<hbm>>
    %dma_wait3A_83 = arith.constant 0 : i32
    %dma_wait3A_84 = tpu.memref_slice %arg7[%dma_wait3A_83] : memref<38656xf32, #tpu.memory_space<vmem>> -> memref<38656xf32, #tpu.memory_space<vmem>>
    %dma_wait3A_85 = arith.constant 38400 : i32
    %dma_wait3A_86 = tpu.memref_slice %arg3[%add3A, %dma_wait3A_85] : memref<32x1000000xf32, #tpu.memory_space<hbm>> -> memref<1x38656xf32, #tpu.memory_space<hbm>>
    %dma_wait3A_87 = tpu.memref_squeeze %dma_wait3A_86 : memref<1x38656xf32, #tpu.memory_space<hbm>> -> memref<38656xf32, #tpu.memory_space<hbm>>
    tpu.wait_dma2 semaphore(%arg14 : memref<!tpu.dma_semaphore, #tpu.memory_space<semaphore_mem>>) src(%dma_wait3A_87 : memref<38656xf32, #tpu.memory_space<hbm>>) dst(%dma_wait3A_84 : memref<38656xf32, #tpu.memory_space<vmem>>)
    %dma_wait3A_88 = arith.constant 1 : i32
    %dma_wait3A_89 = arith.constant 0 : i32
    %dma_wait3A_90 = tpu.memref_slice %arg2[%dma_wait3A_88, %dma_wait3A_89] : memref<26x4096xi32, #tpu.memory_space<hbm>> -> memref<1x4096xi32, #tpu.memory_space<hbm>>
    %dma_wait3A_91 = tpu.memref_squeeze %dma_wait3A_90 : memref<1x4096xi32, #tpu.memory_space<hbm>> -> memref<4096xi32, #tpu.memory_space<hbm>>
    %dma_wait3A_92 = arith.constant 0 : i32
    %dma_wait3A_93 = tpu.memref_slice %arg2[%dma_wait3A_88, %dma_wait3A_92] : memref<26x4096xi32, #tpu.memory_space<hbm>> -> memref<1x4096xi32, #tpu.memory_space<hbm>>
    %dma_wait3A_94 = tpu.memref_squeeze %dma_wait3A_93 : memref<1x4096xi32, #tpu.memory_space<hbm>> -> memref<4096xi32, #tpu.memory_space<hbm>>
    tpu.wait_dma2 semaphore(%arg14 : memref<!tpu.dma_semaphore, #tpu.memory_space<semaphore_mem>>) src(%dma_wait3A_94 : memref<4096xi32, #tpu.memory_space<hbm>>) dst(%arg9 : memref<4096xi32, #tpu.memory_space<vmem>>)
    %scan3A_95 = arith.constant 0 : i32
    %scan3A_96 = arith.constant 256 : i32
    %scan3A_97 = arith.addi %scan3A_95, %scan3A_96 : i32
    %scan3A_98 = arith.constant 1 : i32
    scf.for %scan3A_1376 = %scan3A_95 to %scan3A_97 step %scan3A_98  : i32 {
      %mul3A_1377 = arith.constant 1 : i32
      %mul3A_1378 = arith.muli %scan3A_1376, %mul3A_1377 : i32
      %add3A_1379 = arith.constant 0 : i32
      %add3A_1380 = arith.addi %add3A_1379, %mul3A_1378 : i32
      %mul3A_1381 = arith.constant 16 : i32
      %mul3A_1382 = arith.muli %add3A_1380, %mul3A_1381 : i32
      %get3A = arith.index_cast %mul3A_1382 : i32 to index
      %get3A_1383 = tpu.vector_load %arg9[%get3A] {strides = array<i32>} : memref<4096xi32, #tpu.memory_space<vmem>>, vector<16xi32>,
      %add3A_1384 = arith.constant 61 : i32
      %add3A_1385 = vector.broadcast %add3A_1384 : i32 to vector<16xi32>
      %add3A_1386 = arith.addi %get3A_1383, %add3A_1385 : vector<16xi32>
      %gather3A = tpu.vector_load_idx %arg7[%add3A_1386] : memref<38656xf32, #tpu.memory_space<vmem>>[vector<16xi32>], vector<16xf32>,
      %swap3A = arith.index_cast %mul3A_1382 : i32 to index
      %swap3A_1387 = tpu.vector_load %arg11[%swap3A] {strides = array<i32>} : memref<4096xf32, #tpu.memory_space<vmem>>, vector<16xf32>,
      tpu.vector_store %arg11[%swap3A], %gather3A {strides = array<i32>} : memref<4096xf32, #tpu.memory_space<vmem>>, vector<16xf32>,
    }
    %scan3A_99 = arith.constant 256 : i32
    %dma_start3A_100 = arith.constant 1 : i32
    %dma_start3A_101 = arith.constant 0 : i32
    %dma_start3A_102 = tpu.memref_slice %arg5[%dma_start3A_100, %add3A, %dma_start3A_101] : memref<26x32x4096xf32, #tpu.memory_space<hbm>> -> memref<1x1x4096xf32, #tpu.memory_space<hbm>>
    %dma_start3A_103 = tpu.memref_squeeze %dma_start3A_102 : memref<1x1x4096xf32, #tpu.memory_space<hbm>> -> memref<4096xf32, #tpu.memory_space<hbm>>
    %dma_start3A_104 = arith.constant 0 : i32
    %dma_start3A_105 = tpu.memref_slice %arg5[%dma_start3A_100, %add3A, %dma_start3A_104] : memref<26x32x4096xf32, #tpu.memory_space<hbm>> -> memref<1x1x4096xf32, #tpu.memory_space<hbm>>
    %dma_start3A_106 = tpu.memref_squeeze %dma_start3A_105 : memref<1x1x4096xf32, #tpu.memory_space<hbm>> -> memref<4096xf32, #tpu.memory_space<hbm>>
    tpu.enqueue_dma source(%arg11 : memref<4096xf32, #tpu.memory_space<vmem>>) target(%dma_start3A_106 : memref<4096xf32, #tpu.memory_space<hbm>>) target_semaphore(%arg16 : memref<!tpu.dma_semaphore, #tpu.memory_space<semaphore_mem>>)
    %dma_start3A_107 = arith.constant 0 : i32
    %dma_start3A_108 = tpu.memref_slice %arg7[%dma_start3A_107] : memref<38656xf32, #tpu.memory_space<vmem>> -> memref<38656xf32, #tpu.memory_space<vmem>>
    %dma_start3A_109 = arith.constant 115328 : i32
    %dma_start3A_110 = tpu.memref_slice %arg3[%add3A, %dma_start3A_109] : memref<32x1000000xf32, #tpu.memory_space<hbm>> -> memref<1x38656xf32, #tpu.memory_space<hbm>>
    %dma_start3A_111 = tpu.memref_squeeze %dma_start3A_110 : memref<1x38656xf32, #tpu.memory_space<hbm>> -> memref<38656xf32, #tpu.memory_space<hbm>>
    %dma_start3A_112 = arith.constant 0 : i32
    %dma_start3A_113 = tpu.memref_slice %arg7[%dma_start3A_112] : memref<38656xf32, #tpu.memory_space<vmem>> -> memref<38656xf32, #tpu.memory_space<vmem>>
    %dma_start3A_114 = arith.constant 115328 : i32
    %dma_start3A_115 = tpu.memref_slice %arg3[%add3A, %dma_start3A_114] : memref<32x1000000xf32, #tpu.memory_space<hbm>> -> memref<1x38656xf32, #tpu.memory_space<hbm>>
    %dma_start3A_116 = tpu.memref_squeeze %dma_start3A_115 : memref<1x38656xf32, #tpu.memory_space<hbm>> -> memref<38656xf32, #tpu.memory_space<hbm>>
    tpu.enqueue_dma source(%dma_start3A_116 : memref<38656xf32, #tpu.memory_space<hbm>>) target(%dma_start3A_113 : memref<38656xf32, #tpu.memory_space<vmem>>) target_semaphore(%arg14 : memref<!tpu.dma_semaphore, #tpu.memory_space<semaphore_mem>>)
    %dma_start3A_117 = arith.constant 3 : i32
    %dma_start3A_118 = arith.constant 0 : i32
    %dma_start3A_119 = tpu.memref_slice %arg2[%dma_start3A_117, %dma_start3A_118] : memref<26x4096xi32, #tpu.memory_space<hbm>> -> memref<1x4096xi32, #tpu.memory_space<hbm>>
    %dma_start3A_120 = tpu.memref_squeeze %dma_start3A_119 : memref<1x4096xi32, #tpu.memory_space<hbm>> -> memref<4096xi32, #tpu.memory_space<hbm>>
    %dma_start3A_121 = arith.constant 0 : i32
    %dma_start3A_122 = tpu.memref_slice %arg2[%dma_start3A_117, %dma_start3A_121] : memref<26x4096xi32, #tpu.memory_space<hbm>> -> memref<1x4096xi32, #tpu.memory_space<hbm>>
    %dma_start3A_123 = tpu.memref_squeeze %dma_start3A_122 : memref<1x4096xi32, #tpu.memory_space<hbm>> -> memref<4096xi32, #tpu.memory_space<hbm>>
    tpu.enqueue_dma source(%dma_start3A_123 : memref<4096xi32, #tpu.memory_space<hbm>>) target(%arg9 : memref<4096xi32, #tpu.memory_space<vmem>>) target_semaphore(%arg14 : memref<!tpu.dma_semaphore, #tpu.memory_space<semaphore_mem>>)
    %dma_wait3A_124 = arith.constant 0 : i32
    %dma_wait3A_125 = tpu.memref_slice %arg6[%dma_wait3A_124] : memref<38656xf32, #tpu.memory_space<vmem>> -> memref<38656xf32, #tpu.memory_space<vmem>>
    %dma_wait3A_126 = arith.constant 76800 : i32
    %dma_wait3A_127 = tpu.memref_slice %arg3[%add3A, %dma_wait3A_126] : memref<32x1000000xf32, #tpu.memory_space<hbm>> -> memref<1x38656xf32, #tpu.memory_space<hbm>>
    %dma_wait3A_128 = tpu.memref_squeeze %dma_wait3A_127 : memref<1x38656xf32, #tpu.memory_space<hbm>> -> memref<38656xf32, #tpu.memory_space<hbm>>
    %dma_wait3A_129 = arith.constant 0 : i32
    %dma_wait3A_130 = tpu.memref_slice %arg6[%dma_wait3A_129] : memref<38656xf32, #tpu.memory_space<vmem>> -> memref<38656xf32, #tpu.memory_space<vmem>>
    %dma_wait3A_131 = arith.constant 76800 : i32
    %dma_wait3A_132 = tpu.memref_slice %arg3[%add3A, %dma_wait3A_131] : memref<32x1000000xf32, #tpu.memory_space<hbm>> -> memref<1x38656xf32, #tpu.memory_space<hbm>>
    %dma_wait3A_133 = tpu.memref_squeeze %dma_wait3A_132 : memref<1x38656xf32, #tpu.memory_space<hbm>> -> memref<38656xf32, #tpu.memory_space<hbm>>
    tpu.wait_dma2 semaphore(%arg13 : memref<!tpu.dma_semaphore, #tpu.memory_space<semaphore_mem>>) src(%dma_wait3A_133 : memref<38656xf32, #tpu.memory_space<hbm>>) dst(%dma_wait3A_130 : memref<38656xf32, #tpu.memory_space<vmem>>)
    %dma_wait3A_134 = arith.constant 2 : i32
    %dma_wait3A_135 = arith.constant 0 : i32
    %dma_wait3A_136 = tpu.memref_slice %arg2[%dma_wait3A_134, %dma_wait3A_135] : memref<26x4096xi32, #tpu.memory_space<hbm>> -> memref<1x4096xi32, #tpu.memory_space<hbm>>
    %dma_wait3A_137 = tpu.memref_squeeze %dma_wait3A_136 : memref<1x4096xi32, #tpu.memory_space<hbm>> -> memref<4096xi32, #tpu.memory_space<hbm>>
    %dma_wait3A_138 = arith.constant 0 : i32
    %dma_wait3A_139 = tpu.memref_slice %arg2[%dma_wait3A_134, %dma_wait3A_138] : memref<26x4096xi32, #tpu.memory_space<hbm>> -> memref<1x4096xi32, #tpu.memory_space<hbm>>
    %dma_wait3A_140 = tpu.memref_squeeze %dma_wait3A_139 : memref<1x4096xi32, #tpu.memory_space<hbm>> -> memref<4096xi32, #tpu.memory_space<hbm>>
    tpu.wait_dma2 semaphore(%arg13 : memref<!tpu.dma_semaphore, #tpu.memory_space<semaphore_mem>>) src(%dma_wait3A_140 : memref<4096xi32, #tpu.memory_space<hbm>>) dst(%arg8 : memref<4096xi32, #tpu.memory_space<vmem>>)
    %dma_wait3A_141 = arith.constant 0 : i32
    %dma_wait3A_142 = arith.constant 0 : i32
    %dma_wait3A_143 = tpu.memref_slice %arg5[%dma_wait3A_141, %add3A, %dma_wait3A_142] : memref<26x32x4096xf32, #tpu.memory_space<hbm>> -> memref<1x1x4096xf32, #tpu.memory_space<hbm>>
    %dma_wait3A_144 = tpu.memref_squeeze %dma_wait3A_143 : memref<1x1x4096xf32, #tpu.memory_space<hbm>> -> memref<4096xf32, #tpu.memory_space<hbm>>
    %dma_wait3A_145 = arith.constant 0 : i32
    %dma_wait3A_146 = tpu.memref_slice %arg5[%dma_wait3A_141, %add3A, %dma_wait3A_145] : memref<26x32x4096xf32, #tpu.memory_space<hbm>> -> memref<1x1x4096xf32, #tpu.memory_space<hbm>>
    %dma_wait3A_147 = tpu.memref_squeeze %dma_wait3A_146 : memref<1x1x4096xf32, #tpu.memory_space<hbm>> -> memref<4096xf32, #tpu.memory_space<hbm>>
    tpu.wait_dma2 semaphore(%arg15 : memref<!tpu.dma_semaphore, #tpu.memory_space<semaphore_mem>>) src(%arg10 : memref<4096xf32, #tpu.memory_space<vmem>>) dst(%dma_wait3A_147 : memref<4096xf32, #tpu.memory_space<hbm>>)
    %scan3A_148 = arith.constant 0 : i32
    %scan3A_149 = arith.constant 256 : i32
    %scan3A_150 = arith.addi %scan3A_148, %scan3A_149 : i32
    %scan3A_151 = arith.constant 1 : i32
    scf.for %scan3A_1376 = %scan3A_148 to %scan3A_150 step %scan3A_151  : i32 {
      %mul3A_1377 = arith.constant 1 : i32
      %mul3A_1378 = arith.muli %scan3A_1376, %mul3A_1377 : i32
      %add3A_1379 = arith.constant 0 : i32
      %add3A_1380 = arith.addi %add3A_1379, %mul3A_1378 : i32
      %mul3A_1381 = arith.constant 16 : i32
      %mul3A_1382 = arith.muli %add3A_1380, %mul3A_1381 : i32
      %get3A = arith.index_cast %mul3A_1382 : i32 to index
      %get3A_1383 = tpu.vector_load %arg8[%get3A] {strides = array<i32>} : memref<4096xi32, #tpu.memory_space<vmem>>, vector<16xi32>,
      %add3A_1384 = arith.constant 122 : i32
      %add3A_1385 = vector.broadcast %add3A_1384 : i32 to vector<16xi32>
      %add3A_1386 = arith.addi %get3A_1383, %add3A_1385 : vector<16xi32>
      %gather3A = tpu.vector_load_idx %arg6[%add3A_1386] : memref<38656xf32, #tpu.memory_space<vmem>>[vector<16xi32>], vector<16xf32>,
      %swap3A = arith.index_cast %mul3A_1382 : i32 to index
      %swap3A_1387 = tpu.vector_load %arg10[%swap3A] {strides = array<i32>} : memref<4096xf32, #tpu.memory_space<vmem>>, vector<16xf32>,
      tpu.vector_store %arg10[%swap3A], %gather3A {strides = array<i32>} : memref<4096xf32, #tpu.memory_space<vmem>>, vector<16xf32>,
    }
    %scan3A_152 = arith.constant 256 : i32
    %dma_start3A_153 = arith.constant 2 : i32
    %dma_start3A_154 = arith.constant 0 : i32
    %dma_start3A_155 = tpu.memref_slice %arg5[%dma_start3A_153, %add3A, %dma_start3A_154] : memref<26x32x4096xf32, #tpu.memory_space<hbm>> -> memref<1x1x4096xf32, #tpu.memory_space<hbm>>
    %dma_start3A_156 = tpu.memref_squeeze %dma_start3A_155 : memref<1x1x4096xf32, #tpu.memory_space<hbm>> -> memref<4096xf32, #tpu.memory_space<hbm>>
    %dma_start3A_157 = arith.constant 0 : i32
    %dma_start3A_158 = tpu.memref_slice %arg5[%dma_start3A_153, %add3A, %dma_start3A_157] : memref<26x32x4096xf32, #tpu.memory_space<hbm>> -> memref<1x1x4096xf32, #tpu.memory_space<hbm>>
    %dma_start3A_159 = tpu.memref_squeeze %dma_start3A_158 : memref<1x1x4096xf32, #tpu.memory_space<hbm>> -> memref<4096xf32, #tpu.memory_space<hbm>>
    tpu.enqueue_dma source(%arg10 : memref<4096xf32, #tpu.memory_space<vmem>>) target(%dma_start3A_159 : memref<4096xf32, #tpu.memory_space<hbm>>) target_semaphore(%arg15 : memref<!tpu.dma_semaphore, #tpu.memory_space<semaphore_mem>>)
    %dma_start3A_160 = arith.constant 0 : i32
    %dma_start3A_161 = tpu.memref_slice %arg6[%dma_start3A_160] : memref<38656xf32, #tpu.memory_space<vmem>> -> memref<38656xf32, #tpu.memory_space<vmem>>
    %dma_start3A_162 = arith.constant 153728 : i32
    %dma_start3A_163 = tpu.memref_slice %arg3[%add3A, %dma_start3A_162] : memref<32x1000000xf32, #tpu.memory_space<hbm>> -> memref<1x38656xf32, #tpu.memory_space<hbm>>
    %dma_start3A_164 = tpu.memref_squeeze %dma_start3A_163 : memref<1x38656xf32, #tpu.memory_space<hbm>> -> memref<38656xf32, #tpu.memory_space<hbm>>
    %dma_start3A_165 = arith.constant 0 : i32
    %dma_start3A_166 = tpu.memref_slice %arg6[%dma_start3A_165] : memref<38656xf32, #tpu.memory_space<vmem>> -> memref<38656xf32, #tpu.memory_space<vmem>>
    %dma_start3A_167 = arith.constant 153728 : i32
    %dma_start3A_168 = tpu.memref_slice %arg3[%add3A, %dma_start3A_167] : memref<32x1000000xf32, #tpu.memory_space<hbm>> -> memref<1x38656xf32, #tpu.memory_space<hbm>>
    %dma_start3A_169 = tpu.memref_squeeze %dma_start3A_168 : memref<1x38656xf32, #tpu.memory_space<hbm>> -> memref<38656xf32, #tpu.memory_space<hbm>>
    tpu.enqueue_dma source(%dma_start3A_169 : memref<38656xf32, #tpu.memory_space<hbm>>) target(%dma_start3A_166 : memref<38656xf32, #tpu.memory_space<vmem>>) target_semaphore(%arg13 : memref<!tpu.dma_semaphore, #tpu.memory_space<semaphore_mem>>)
    %dma_start3A_170 = arith.constant 4 : i32
    %dma_start3A_171 = arith.constant 0 : i32
    %dma_start3A_172 = tpu.memref_slice %arg2[%dma_start3A_170, %dma_start3A_171] : memref<26x4096xi32, #tpu.memory_space<hbm>> -> memref<1x4096xi32, #tpu.memory_space<hbm>>
    %dma_start3A_173 = tpu.memref_squeeze %dma_start3A_172 : memref<1x4096xi32, #tpu.memory_space<hbm>> -> memref<4096xi32, #tpu.memory_space<hbm>>
    %dma_start3A_174 = arith.constant 0 : i32
    %dma_start3A_175 = tpu.memref_slice %arg2[%dma_start3A_170, %dma_start3A_174] : memref<26x4096xi32, #tpu.memory_space<hbm>> -> memref<1x4096xi32, #tpu.memory_space<hbm>>
    %dma_start3A_176 = tpu.memref_squeeze %dma_start3A_175 : memref<1x4096xi32, #tpu.memory_space<hbm>> -> memref<4096xi32, #tpu.memory_space<hbm>>
    tpu.enqueue_dma source(%dma_start3A_176 : memref<4096xi32, #tpu.memory_space<hbm>>) target(%arg8 : memref<4096xi32, #tpu.memory_space<vmem>>) target_semaphore(%arg13 : memref<!tpu.dma_semaphore, #tpu.memory_space<semaphore_mem>>)
    %dma_wait3A_177 = arith.constant 0 : i32
    %dma_wait3A_178 = tpu.memref_slice %arg7[%dma_wait3A_177] : memref<38656xf32, #tpu.memory_space<vmem>> -> memref<38656xf32, #tpu.memory_space<vmem>>
    %dma_wait3A_179 = arith.constant 115328 : i32
    %dma_wait3A_180 = tpu.memref_slice %arg3[%add3A, %dma_wait3A_179] : memref<32x1000000xf32, #tpu.memory_space<hbm>> -> memref<1x38656xf32, #tpu.memory_space<hbm>>
    %dma_wait3A_181 = tpu.memref_squeeze %dma_wait3A_180 : memref<1x38656xf32, #tpu.memory_space<hbm>> -> memref<38656xf32, #tpu.memory_space<hbm>>
    %dma_wait3A_182 = arith.constant 0 : i32
    %dma_wait3A_183 = tpu.memref_slice %arg7[%dma_wait3A_182] : memref<38656xf32, #tpu.memory_space<vmem>> -> memref<38656xf32, #tpu.memory_space<vmem>>
    %dma_wait3A_184 = arith.constant 115328 : i32
    %dma_wait3A_185 = tpu.memref_slice %arg3[%add3A, %dma_wait3A_184] : memref<32x1000000xf32, #tpu.memory_space<hbm>> -> memref<1x38656xf32, #tpu.memory_space<hbm>>
    %dma_wait3A_186 = tpu.memref_squeeze %dma_wait3A_185 : memref<1x38656xf32, #tpu.memory_space<hbm>> -> memref<38656xf32, #tpu.memory_space<hbm>>
    tpu.wait_dma2 semaphore(%arg14 : memref<!tpu.dma_semaphore, #tpu.memory_space<semaphore_mem>>) src(%dma_wait3A_186 : memref<38656xf32, #tpu.memory_space<hbm>>) dst(%dma_wait3A_183 : memref<38656xf32, #tpu.memory_space<vmem>>)
    %dma_wait3A_187 = arith.constant 3 : i32
    %dma_wait3A_188 = arith.constant 0 : i32
    %dma_wait3A_189 = tpu.memref_slice %arg2[%dma_wait3A_187, %dma_wait3A_188] : memref<26x4096xi32, #tpu.memory_space<hbm>> -> memref<1x4096xi32, #tpu.memory_space<hbm>>
    %dma_wait3A_190 = tpu.memref_squeeze %dma_wait3A_189 : memref<1x4096xi32, #tpu.memory_space<hbm>> -> memref<4096xi32, #tpu.memory_space<hbm>>
    %dma_wait3A_191 = arith.constant 0 : i32
    %dma_wait3A_192 = tpu.memref_slice %arg2[%dma_wait3A_187, %dma_wait3A_191] : memref<26x4096xi32, #tpu.memory_space<hbm>> -> memref<1x4096xi32, #tpu.memory_space<hbm>>
    %dma_wait3A_193 = tpu.memref_squeeze %dma_wait3A_192 : memref<1x4096xi32, #tpu.memory_space<hbm>> -> memref<4096xi32, #tpu.memory_space<hbm>>
    tpu.wait_dma2 semaphore(%arg14 : memref<!tpu.dma_semaphore, #tpu.memory_space<semaphore_mem>>) src(%dma_wait3A_193 : memref<4096xi32, #tpu.memory_space<hbm>>) dst(%arg9 : memref<4096xi32, #tpu.memory_space<vmem>>)
    %dma_wait3A_194 = arith.constant 1 : i32
    %dma_wait3A_195 = arith.constant 0 : i32
    %dma_wait3A_196 = tpu.memref_slice %arg5[%dma_wait3A_194, %add3A, %dma_wait3A_195] : memref<26x32x4096xf32, #tpu.memory_space<hbm>> -> memref<1x1x4096xf32, #tpu.memory_space<hbm>>
    %dma_wait3A_197 = tpu.memref_squeeze %dma_wait3A_196 : memref<1x1x4096xf32, #tpu.memory_space<hbm>> -> memref<4096xf32, #tpu.memory_space<hbm>>
    %dma_wait3A_198 = arith.constant 0 : i32
    %dma_wait3A_199 = tpu.memref_slice %arg5[%dma_wait3A_194, %add3A, %dma_wait3A_198] : memref<26x32x4096xf32, #tpu.memory_space<hbm>> -> memref<1x1x4096xf32, #tpu.memory_space<hbm>>
    %dma_wait3A_200 = tpu.memref_squeeze %dma_wait3A_199 : memref<1x1x4096xf32, #tpu.memory_space<hbm>> -> memref<4096xf32, #tpu.memory_space<hbm>>
    tpu.wait_dma2 semaphore(%arg16 : memref<!tpu.dma_semaphore, #tpu.memory_space<semaphore_mem>>) src(%arg11 : memref<4096xf32, #tpu.memory_space<vmem>>) dst(%dma_wait3A_200 : memref<4096xf32, #tpu.memory_space<hbm>>)
    %scan3A_201 = arith.constant 0 : i32
    %scan3A_202 = arith.constant 256 : i32
    %scan3A_203 = arith.addi %scan3A_201, %scan3A_202 : i32
    %scan3A_204 = arith.constant 1 : i32
    scf.for %scan3A_1376 = %scan3A_201 to %scan3A_203 step %scan3A_204  : i32 {
      %mul3A_1377 = arith.constant 1 : i32
      %mul3A_1378 = arith.muli %scan3A_1376, %mul3A_1377 : i32
      %add3A_1379 = arith.constant 0 : i32
      %add3A_1380 = arith.addi %add3A_1379, %mul3A_1378 : i32
      %mul3A_1381 = arith.constant 16 : i32
      %mul3A_1382 = arith.muli %add3A_1380, %mul3A_1381 : i32
      %get3A = arith.index_cast %mul3A_1382 : i32 to index
      %get3A_1383 = tpu.vector_load %arg9[%get3A] {strides = array<i32>} : memref<4096xi32, #tpu.memory_space<vmem>>, vector<16xi32>,
      %add3A_1384 = arith.constant 55 : i32
      %add3A_1385 = vector.broadcast %add3A_1384 : i32 to vector<16xi32>
      %add3A_1386 = arith.addi %get3A_1383, %add3A_1385 : vector<16xi32>
      %gather3A = tpu.vector_load_idx %arg7[%add3A_1386] : memref<38656xf32, #tpu.memory_space<vmem>>[vector<16xi32>], vector<16xf32>,
      %swap3A = arith.index_cast %mul3A_1382 : i32 to index
      %swap3A_1387 = tpu.vector_load %arg11[%swap3A] {strides = array<i32>} : memref<4096xf32, #tpu.memory_space<vmem>>, vector<16xf32>,
      tpu.vector_store %arg11[%swap3A], %gather3A {strides = array<i32>} : memref<4096xf32, #tpu.memory_space<vmem>>, vector<16xf32>,
    }
    %scan3A_205 = arith.constant 256 : i32
    %dma_start3A_206 = arith.constant 3 : i32
    %dma_start3A_207 = arith.constant 0 : i32
    %dma_start3A_208 = tpu.memref_slice %arg5[%dma_start3A_206, %add3A, %dma_start3A_207] : memref<26x32x4096xf32, #tpu.memory_space<hbm>> -> memref<1x1x4096xf32, #tpu.memory_space<hbm>>
    %dma_start3A_209 = tpu.memref_squeeze %dma_start3A_208 : memref<1x1x4096xf32, #tpu.memory_space<hbm>> -> memref<4096xf32, #tpu.memory_space<hbm>>
    %dma_start3A_210 = arith.constant 0 : i32
    %dma_start3A_211 = tpu.memref_slice %arg5[%dma_start3A_206, %add3A, %dma_start3A_210] : memref<26x32x4096xf32, #tpu.memory_space<hbm>> -> memref<1x1x4096xf32, #tpu.memory_space<hbm>>
    %dma_start3A_212 = tpu.memref_squeeze %dma_start3A_211 : memref<1x1x4096xf32, #tpu.memory_space<hbm>> -> memref<4096xf32, #tpu.memory_space<hbm>>
    tpu.enqueue_dma source(%arg11 : memref<4096xf32, #tpu.memory_space<vmem>>) target(%dma_start3A_212 : memref<4096xf32, #tpu.memory_space<hbm>>) target_semaphore(%arg16 : memref<!tpu.dma_semaphore, #tpu.memory_space<semaphore_mem>>)
    %dma_start3A_213 = arith.constant 0 : i32
    %dma_start3A_214 = tpu.memref_slice %arg7[%dma_start3A_213] : memref<38656xf32, #tpu.memory_space<vmem>> -> memref<38656xf32, #tpu.memory_space<vmem>>
    %dma_start3A_215 = arith.constant 192256 : i32
    %dma_start3A_216 = tpu.memref_slice %arg3[%add3A, %dma_start3A_215] : memref<32x1000000xf32, #tpu.memory_space<hbm>> -> memref<1x38656xf32, #tpu.memory_space<hbm>>
    %dma_start3A_217 = tpu.memref_squeeze %dma_start3A_216 : memref<1x38656xf32, #tpu.memory_space<hbm>> -> memref<38656xf32, #tpu.memory_space<hbm>>
    %dma_start3A_218 = arith.constant 0 : i32
    %dma_start3A_219 = tpu.memref_slice %arg7[%dma_start3A_218] : memref<38656xf32, #tpu.memory_space<vmem>> -> memref<38656xf32, #tpu.memory_space<vmem>>
    %dma_start3A_220 = arith.constant 192256 : i32
    %dma_start3A_221 = tpu.memref_slice %arg3[%add3A, %dma_start3A_220] : memref<32x1000000xf32, #tpu.memory_space<hbm>> -> memref<1x38656xf32, #tpu.memory_space<hbm>>
    %dma_start3A_222 = tpu.memref_squeeze %dma_start3A_221 : memref<1x38656xf32, #tpu.memory_space<hbm>> -> memref<38656xf32, #tpu.memory_space<hbm>>
    tpu.enqueue_dma source(%dma_start3A_222 : memref<38656xf32, #tpu.memory_space<hbm>>) target(%dma_start3A_219 : memref<38656xf32, #tpu.memory_space<vmem>>) target_semaphore(%arg14 : memref<!tpu.dma_semaphore, #tpu.memory_space<semaphore_mem>>)
    %dma_start3A_223 = arith.constant 5 : i32
    %dma_start3A_224 = arith.constant 0 : i32
    %dma_start3A_225 = tpu.memref_slice %arg2[%dma_start3A_223, %dma_start3A_224] : memref<26x4096xi32, #tpu.memory_space<hbm>> -> memref<1x4096xi32, #tpu.memory_space<hbm>>
    %dma_start3A_226 = tpu.memref_squeeze %dma_start3A_225 : memref<1x4096xi32, #tpu.memory_space<hbm>> -> memref<4096xi32, #tpu.memory_space<hbm>>
    %dma_start3A_227 = arith.constant 0 : i32
    %dma_start3A_228 = tpu.memref_slice %arg2[%dma_start3A_223, %dma_start3A_227] : memref<26x4096xi32, #tpu.memory_space<hbm>> -> memref<1x4096xi32, #tpu.memory_space<hbm>>
    %dma_start3A_229 = tpu.memref_squeeze %dma_start3A_228 : memref<1x4096xi32, #tpu.memory_space<hbm>> -> memref<4096xi32, #tpu.memory_space<hbm>>
    tpu.enqueue_dma source(%dma_start3A_229 : memref<4096xi32, #tpu.memory_space<hbm>>) target(%arg9 : memref<4096xi32, #tpu.memory_space<vmem>>) target_semaphore(%arg14 : memref<!tpu.dma_semaphore, #tpu.memory_space<semaphore_mem>>)
    %dma_wait3A_230 = arith.constant 0 : i32
    %dma_wait3A_231 = tpu.memref_slice %arg6[%dma_wait3A_230] : memref<38656xf32, #tpu.memory_space<vmem>> -> memref<38656xf32, #tpu.memory_space<vmem>>
    %dma_wait3A_232 = arith.constant 153728 : i32
    %dma_wait3A_233 = tpu.memref_slice %arg3[%add3A, %dma_wait3A_232] : memref<32x1000000xf32, #tpu.memory_space<hbm>> -> memref<1x38656xf32, #tpu.memory_space<hbm>>
    %dma_wait3A_234 = tpu.memref_squeeze %dma_wait3A_233 : memref<1x38656xf32, #tpu.memory_space<hbm>> -> memref<38656xf32, #tpu.memory_space<hbm>>
    %dma_wait3A_235 = arith.constant 0 : i32
    %dma_wait3A_236 = tpu.memref_slice %arg6[%dma_wait3A_235] : memref<38656xf32, #tpu.memory_space<vmem>> -> memref<38656xf32, #tpu.memory_space<vmem>>
    %dma_wait3A_237 = arith.constant 153728 : i32
    %dma_wait3A_238 = tpu.memref_slice %arg3[%add3A, %dma_wait3A_237] : memref<32x1000000xf32, #tpu.memory_space<hbm>> -> memref<1x38656xf32, #tpu.memory_space<hbm>>
    %dma_wait3A_239 = tpu.memref_squeeze %dma_wait3A_238 : memref<1x38656xf32, #tpu.memory_space<hbm>> -> memref<38656xf32, #tpu.memory_space<hbm>>
    tpu.wait_dma2 semaphore(%arg13 : memref<!tpu.dma_semaphore, #tpu.memory_space<semaphore_mem>>) src(%dma_wait3A_239 : memref<38656xf32, #tpu.memory_space<hbm>>) dst(%dma_wait3A_236 : memref<38656xf32, #tpu.memory_space<vmem>>)
    %dma_wait3A_240 = arith.constant 4 : i32
    %dma_wait3A_241 = arith.constant 0 : i32
    %dma_wait3A_242 = tpu.memref_slice %arg2[%dma_wait3A_240, %dma_wait3A_241] : memref<26x4096xi32, #tpu.memory_space<hbm>> -> memref<1x4096xi32, #tpu.memory_space<hbm>>
    %dma_wait3A_243 = tpu.memref_squeeze %dma_wait3A_242 : memref<1x4096xi32, #tpu.memory_space<hbm>> -> memref<4096xi32, #tpu.memory_space<hbm>>
    %dma_wait3A_244 = arith.constant 0 : i32
    %dma_wait3A_245 = tpu.memref_slice %arg2[%dma_wait3A_240, %dma_wait3A_244] : memref<26x4096xi32, #tpu.memory_space<hbm>> -> memref<1x4096xi32, #tpu.memory_space<hbm>>
    %dma_wait3A_246 = tpu.memref_squeeze %dma_wait3A_245 : memref<1x4096xi32, #tpu.memory_space<hbm>> -> memref<4096xi32, #tpu.memory_space<hbm>>
    tpu.wait_dma2 semaphore(%arg13 : memref<!tpu.dma_semaphore, #tpu.memory_space<semaphore_mem>>) src(%dma_wait3A_246 : memref<4096xi32, #tpu.memory_space<hbm>>) dst(%arg8 : memref<4096xi32, #tpu.memory_space<vmem>>)
    %dma_wait3A_247 = arith.constant 2 : i32
    %dma_wait3A_248 = arith.constant 0 : i32
    %dma_wait3A_249 = tpu.memref_slice %arg5[%dma_wait3A_247, %add3A, %dma_wait3A_248] : memref<26x32x4096xf32, #tpu.memory_space<hbm>> -> memref<1x1x4096xf32, #tpu.memory_space<hbm>>
    %dma_wait3A_250 = tpu.memref_squeeze %dma_wait3A_249 : memref<1x1x4096xf32, #tpu.memory_space<hbm>> -> memref<4096xf32, #tpu.memory_space<hbm>>
    %dma_wait3A_251 = arith.constant 0 : i32
    %dma_wait3A_252 = tpu.memref_slice %arg5[%dma_wait3A_247, %add3A, %dma_wait3A_251] : memref<26x32x4096xf32, #tpu.memory_space<hbm>> -> memref<1x1x4096xf32, #tpu.memory_space<hbm>>
    %dma_wait3A_253 = tpu.memref_squeeze %dma_wait3A_252 : memref<1x1x4096xf32, #tpu.memory_space<hbm>> -> memref<4096xf32, #tpu.memory_space<hbm>>
    tpu.wait_dma2 semaphore(%arg15 : memref<!tpu.dma_semaphore, #tpu.memory_space<semaphore_mem>>) src(%arg10 : memref<4096xf32, #tpu.memory_space<vmem>>) dst(%dma_wait3A_253 : memref<4096xf32, #tpu.memory_space<hbm>>)
    %scan3A_254 = arith.constant 0 : i32
    %scan3A_255 = arith.constant 256 : i32
    %scan3A_256 = arith.addi %scan3A_254, %scan3A_255 : i32
    %scan3A_257 = arith.constant 1 : i32
    scf.for %scan3A_1376 = %scan3A_254 to %scan3A_256 step %scan3A_257  : i32 {
      %mul3A_1377 = arith.constant 1 : i32
      %mul3A_1378 = arith.muli %scan3A_1376, %mul3A_1377 : i32
      %add3A_1379 = arith.constant 0 : i32
      %add3A_1380 = arith.addi %add3A_1379, %mul3A_1378 : i32
      %mul3A_1381 = arith.constant 16 : i32
      %mul3A_1382 = arith.muli %add3A_1380, %mul3A_1381 : i32
      %get3A = arith.index_cast %mul3A_1382 : i32 to index
      %get3A_1383 = tpu.vector_load %arg8[%get3A] {strides = array<i32>} : memref<4096xi32, #tpu.memory_space<vmem>>, vector<16xi32>,
      %add3A_1384 = arith.constant 116 : i32
      %add3A_1385 = vector.broadcast %add3A_1384 : i32 to vector<16xi32>
      %add3A_1386 = arith.addi %get3A_1383, %add3A_1385 : vector<16xi32>
      %gather3A = tpu.vector_load_idx %arg6[%add3A_1386] : memref<38656xf32, #tpu.memory_space<vmem>>[vector<16xi32>], vector<16xf32>,
      %swap3A = arith.index_cast %mul3A_1382 : i32 to index
      %swap3A_1387 = tpu.vector_load %arg10[%swap3A] {strides = array<i32>} : memref<4096xf32, #tpu.memory_space<vmem>>, vector<16xf32>,
      tpu.vector_store %arg10[%swap3A], %gather3A {strides = array<i32>} : memref<4096xf32, #tpu.memory_space<vmem>>, vector<16xf32>,
    }
    %scan3A_258 = arith.constant 256 : i32
    %dma_start3A_259 = arith.constant 4 : i32
    %dma_start3A_260 = arith.constant 0 : i32
    %dma_start3A_261 = tpu.memref_slice %arg5[%dma_start3A_259, %add3A, %dma_start3A_260] : memref<26x32x4096xf32, #tpu.memory_space<hbm>> -> memref<1x1x4096xf32, #tpu.memory_space<hbm>>
    %dma_start3A_262 = tpu.memref_squeeze %dma_start3A_261 : memref<1x1x4096xf32, #tpu.memory_space<hbm>> -> memref<4096xf32, #tpu.memory_space<hbm>>
    %dma_start3A_263 = arith.constant 0 : i32
    %dma_start3A_264 = tpu.memref_slice %arg5[%dma_start3A_259, %add3A, %dma_start3A_263] : memref<26x32x4096xf32, #tpu.memory_space<hbm>> -> memref<1x1x4096xf32, #tpu.memory_space<hbm>>
    %dma_start3A_265 = tpu.memref_squeeze %dma_start3A_264 : memref<1x1x4096xf32, #tpu.memory_space<hbm>> -> memref<4096xf32, #tpu.memory_space<hbm>>
    tpu.enqueue_dma source(%arg10 : memref<4096xf32, #tpu.memory_space<vmem>>) target(%dma_start3A_265 : memref<4096xf32, #tpu.memory_space<hbm>>) target_semaphore(%arg15 : memref<!tpu.dma_semaphore, #tpu.memory_space<semaphore_mem>>)
    %dma_start3A_266 = arith.constant 0 : i32
    %dma_start3A_267 = tpu.memref_slice %arg6[%dma_start3A_266] : memref<38656xf32, #tpu.memory_space<vmem>> -> memref<38656xf32, #tpu.memory_space<vmem>>
    %dma_start3A_268 = arith.constant 230656 : i32
    %dma_start3A_269 = tpu.memref_slice %arg3[%add3A, %dma_start3A_268] : memref<32x1000000xf32, #tpu.memory_space<hbm>> -> memref<1x38656xf32, #tpu.memory_space<hbm>>
    %dma_start3A_270 = tpu.memref_squeeze %dma_start3A_269 : memref<1x38656xf32, #tpu.memory_space<hbm>> -> memref<38656xf32, #tpu.memory_space<hbm>>
    %dma_start3A_271 = arith.constant 0 : i32
    %dma_start3A_272 = tpu.memref_slice %arg6[%dma_start3A_271] : memref<38656xf32, #tpu.memory_space<vmem>> -> memref<38656xf32, #tpu.memory_space<vmem>>
    %dma_start3A_273 = arith.constant 230656 : i32
    %dma_start3A_274 = tpu.memref_slice %arg3[%add3A, %dma_start3A_273] : memref<32x1000000xf32, #tpu.memory_space<hbm>> -> memref<1x38656xf32, #tpu.memory_space<hbm>>
    %dma_start3A_275 = tpu.memref_squeeze %dma_start3A_274 : memref<1x38656xf32, #tpu.memory_space<hbm>> -> memref<38656xf32, #tpu.memory_space<hbm>>
    tpu.enqueue_dma source(%dma_start3A_275 : memref<38656xf32, #tpu.memory_space<hbm>>) target(%dma_start3A_272 : memref<38656xf32, #tpu.memory_space<vmem>>) target_semaphore(%arg13 : memref<!tpu.dma_semaphore, #tpu.memory_space<semaphore_mem>>)
    %dma_start3A_276 = arith.constant 6 : i32
    %dma_start3A_277 = arith.constant 0 : i32
    %dma_start3A_278 = tpu.memref_slice %arg2[%dma_start3A_276, %dma_start3A_277] : memref<26x4096xi32, #tpu.memory_space<hbm>> -> memref<1x4096xi32, #tpu.memory_space<hbm>>
    %dma_start3A_279 = tpu.memref_squeeze %dma_start3A_278 : memref<1x4096xi32, #tpu.memory_space<hbm>> -> memref<4096xi32, #tpu.memory_space<hbm>>
    %dma_start3A_280 = arith.constant 0 : i32
    %dma_start3A_281 = tpu.memref_slice %arg2[%dma_start3A_276, %dma_start3A_280] : memref<26x4096xi32, #tpu.memory_space<hbm>> -> memref<1x4096xi32, #tpu.memory_space<hbm>>
    %dma_start3A_282 = tpu.memref_squeeze %dma_start3A_281 : memref<1x4096xi32, #tpu.memory_space<hbm>> -> memref<4096xi32, #tpu.memory_space<hbm>>
    tpu.enqueue_dma source(%dma_start3A_282 : memref<4096xi32, #tpu.memory_space<hbm>>) target(%arg8 : memref<4096xi32, #tpu.memory_space<vmem>>) target_semaphore(%arg13 : memref<!tpu.dma_semaphore, #tpu.memory_space<semaphore_mem>>)
    %dma_wait3A_283 = arith.constant 0 : i32
    %dma_wait3A_284 = tpu.memref_slice %arg7[%dma_wait3A_283] : memref<38656xf32, #tpu.memory_space<vmem>> -> memref<38656xf32, #tpu.memory_space<vmem>>
    %dma_wait3A_285 = arith.constant 192256 : i32
    %dma_wait3A_286 = tpu.memref_slice %arg3[%add3A, %dma_wait3A_285] : memref<32x1000000xf32, #tpu.memory_space<hbm>> -> memref<1x38656xf32, #tpu.memory_space<hbm>>
    %dma_wait3A_287 = tpu.memref_squeeze %dma_wait3A_286 : memref<1x38656xf32, #tpu.memory_space<hbm>> -> memref<38656xf32, #tpu.memory_space<hbm>>
    %dma_wait3A_288 = arith.constant 0 : i32
    %dma_wait3A_289 = tpu.memref_slice %arg7[%dma_wait3A_288] : memref<38656xf32, #tpu.memory_space<vmem>> -> memref<38656xf32, #tpu.memory_space<vmem>>
    %dma_wait3A_290 = arith.constant 192256 : i32
    %dma_wait3A_291 = tpu.memref_slice %arg3[%add3A, %dma_wait3A_290] : memref<32x1000000xf32, #tpu.memory_space<hbm>> -> memref<1x38656xf32, #tpu.memory_space<hbm>>
    %dma_wait3A_292 = tpu.memref_squeeze %dma_wait3A_291 : memref<1x38656xf32, #tpu.memory_space<hbm>> -> memref<38656xf32, #tpu.memory_space<hbm>>
    tpu.wait_dma2 semaphore(%arg14 : memref<!tpu.dma_semaphore, #tpu.memory_space<semaphore_mem>>) src(%dma_wait3A_292 : memref<38656xf32, #tpu.memory_space<hbm>>) dst(%dma_wait3A_289 : memref<38656xf32, #tpu.memory_space<vmem>>)
    %dma_wait3A_293 = arith.constant 5 : i32
    %dma_wait3A_294 = arith.constant 0 : i32
    %dma_wait3A_295 = tpu.memref_slice %arg2[%dma_wait3A_293, %dma_wait3A_294] : memref<26x4096xi32, #tpu.memory_space<hbm>> -> memref<1x4096xi32, #tpu.memory_space<hbm>>
    %dma_wait3A_296 = tpu.memref_squeeze %dma_wait3A_295 : memref<1x4096xi32, #tpu.memory_space<hbm>> -> memref<4096xi32, #tpu.memory_space<hbm>>
    %dma_wait3A_297 = arith.constant 0 : i32
    %dma_wait3A_298 = tpu.memref_slice %arg2[%dma_wait3A_293, %dma_wait3A_297] : memref<26x4096xi32, #tpu.memory_space<hbm>> -> memref<1x4096xi32, #tpu.memory_space<hbm>>
    %dma_wait3A_299 = tpu.memref_squeeze %dma_wait3A_298 : memref<1x4096xi32, #tpu.memory_space<hbm>> -> memref<4096xi32, #tpu.memory_space<hbm>>
    tpu.wait_dma2 semaphore(%arg14 : memref<!tpu.dma_semaphore, #tpu.memory_space<semaphore_mem>>) src(%dma_wait3A_299 : memref<4096xi32, #tpu.memory_space<hbm>>) dst(%arg9 : memref<4096xi32, #tpu.memory_space<vmem>>)
    %dma_wait3A_300 = arith.constant 3 : i32
    %dma_wait3A_301 = arith.constant 0 : i32
    %dma_wait3A_302 = tpu.memref_slice %arg5[%dma_wait3A_300, %add3A, %dma_wait3A_301] : memref<26x32x4096xf32, #tpu.memory_space<hbm>> -> memref<1x1x4096xf32, #tpu.memory_space<hbm>>
    %dma_wait3A_303 = tpu.memref_squeeze %dma_wait3A_302 : memref<1x1x4096xf32, #tpu.memory_space<hbm>> -> memref<4096xf32, #tpu.memory_space<hbm>>
    %dma_wait3A_304 = arith.constant 0 : i32
    %dma_wait3A_305 = tpu.memref_slice %arg5[%dma_wait3A_300, %add3A, %dma_wait3A_304] : memref<26x32x4096xf32, #tpu.memory_space<hbm>> -> memref<1x1x4096xf32, #tpu.memory_space<hbm>>
    %dma_wait3A_306 = tpu.memref_squeeze %dma_wait3A_305 : memref<1x1x4096xf32, #tpu.memory_space<hbm>> -> memref<4096xf32, #tpu.memory_space<hbm>>
    tpu.wait_dma2 semaphore(%arg16 : memref<!tpu.dma_semaphore, #tpu.memory_space<semaphore_mem>>) src(%arg11 : memref<4096xf32, #tpu.memory_space<vmem>>) dst(%dma_wait3A_306 : memref<4096xf32, #tpu.memory_space<hbm>>)
    %scan3A_307 = arith.constant 0 : i32
    %scan3A_308 = arith.constant 256 : i32
    %scan3A_309 = arith.addi %scan3A_307, %scan3A_308 : i32
    %scan3A_310 = arith.constant 1 : i32
    scf.for %scan3A_1376 = %scan3A_307 to %scan3A_309 step %scan3A_310  : i32 {
      %mul3A_1377 = arith.constant 1 : i32
      %mul3A_1378 = arith.muli %scan3A_1376, %mul3A_1377 : i32
      %add3A_1379 = arith.constant 0 : i32
      %add3A_1380 = arith.addi %add3A_1379, %mul3A_1378 : i32
      %mul3A_1381 = arith.constant 16 : i32
      %mul3A_1382 = arith.muli %add3A_1380, %mul3A_1381 : i32
      %get3A = arith.index_cast %mul3A_1382 : i32 to index
      %get3A_1383 = tpu.vector_load %arg9[%get3A] {strides = array<i32>} : memref<4096xi32, #tpu.memory_space<vmem>>, vector<16xi32>,
      %add3A_1384 = arith.constant 49 : i32
      %add3A_1385 = vector.broadcast %add3A_1384 : i32 to vector<16xi32>
      %add3A_1386 = arith.addi %get3A_1383, %add3A_1385 : vector<16xi32>
      %gather3A = tpu.vector_load_idx %arg7[%add3A_1386] : memref<38656xf32, #tpu.memory_space<vmem>>[vector<16xi32>], vector<16xf32>,
      %swap3A = arith.index_cast %mul3A_1382 : i32 to index
      %swap3A_1387 = tpu.vector_load %arg11[%swap3A] {strides = array<i32>} : memref<4096xf32, #tpu.memory_space<vmem>>, vector<16xf32>,
      tpu.vector_store %arg11[%swap3A], %gather3A {strides = array<i32>} : memref<4096xf32, #tpu.memory_space<vmem>>, vector<16xf32>,
    }
    %scan3A_311 = arith.constant 256 : i32
    %dma_start3A_312 = arith.constant 5 : i32
    %dma_start3A_313 = arith.constant 0 : i32
    %dma_start3A_314 = tpu.memref_slice %arg5[%dma_start3A_312, %add3A, %dma_start3A_313] : memref<26x32x4096xf32, #tpu.memory_space<hbm>> -> memref<1x1x4096xf32, #tpu.memory_space<hbm>>
    %dma_start3A_315 = tpu.memref_squeeze %dma_start3A_314 : memref<1x1x4096xf32, #tpu.memory_space<hbm>> -> memref<4096xf32, #tpu.memory_space<hbm>>
    %dma_start3A_316 = arith.constant 0 : i32
    %dma_start3A_317 = tpu.memref_slice %arg5[%dma_start3A_312, %add3A, %dma_start3A_316] : memref<26x32x4096xf32, #tpu.memory_space<hbm>> -> memref<1x1x4096xf32, #tpu.memory_space<hbm>>
    %dma_start3A_318 = tpu.memref_squeeze %dma_start3A_317 : memref<1x1x4096xf32, #tpu.memory_space<hbm>> -> memref<4096xf32, #tpu.memory_space<hbm>>
    tpu.enqueue_dma source(%arg11 : memref<4096xf32, #tpu.memory_space<vmem>>) target(%dma_start3A_318 : memref<4096xf32, #tpu.memory_space<hbm>>) target_semaphore(%arg16 : memref<!tpu.dma_semaphore, #tpu.memory_space<semaphore_mem>>)
    %dma_start3A_319 = arith.constant 0 : i32
    %dma_start3A_320 = tpu.memref_slice %arg7[%dma_start3A_319] : memref<38656xf32, #tpu.memory_space<vmem>> -> memref<38656xf32, #tpu.memory_space<vmem>>
    %dma_start3A_321 = arith.constant 269184 : i32
    %dma_start3A_322 = tpu.memref_slice %arg3[%add3A, %dma_start3A_321] : memref<32x1000000xf32, #tpu.memory_space<hbm>> -> memref<1x38656xf32, #tpu.memory_space<hbm>>
    %dma_start3A_323 = tpu.memref_squeeze %dma_start3A_322 : memref<1x38656xf32, #tpu.memory_space<hbm>> -> memref<38656xf32, #tpu.memory_space<hbm>>
    %dma_start3A_324 = arith.constant 0 : i32
    %dma_start3A_325 = tpu.memref_slice %arg7[%dma_start3A_324] : memref<38656xf32, #tpu.memory_space<vmem>> -> memref<38656xf32, #tpu.memory_space<vmem>>
    %dma_start3A_326 = arith.constant 269184 : i32
    %dma_start3A_327 = tpu.memref_slice %arg3[%add3A, %dma_start3A_326] : memref<32x1000000xf32, #tpu.memory_space<hbm>> -> memref<1x38656xf32, #tpu.memory_space<hbm>>
    %dma_start3A_328 = tpu.memref_squeeze %dma_start3A_327 : memref<1x38656xf32, #tpu.memory_space<hbm>> -> memref<38656xf32, #tpu.memory_space<hbm>>
    tpu.enqueue_dma source(%dma_start3A_328 : memref<38656xf32, #tpu.memory_space<hbm>>) target(%dma_start3A_325 : memref<38656xf32, #tpu.memory_space<vmem>>) target_semaphore(%arg14 : memref<!tpu.dma_semaphore, #tpu.memory_space<semaphore_mem>>)
    %dma_start3A_329 = arith.constant 7 : i32
    %dma_start3A_330 = arith.constant 0 : i32
    %dma_start3A_331 = tpu.memref_slice %arg2[%dma_start3A_329, %dma_start3A_330] : memref<26x4096xi32, #tpu.memory_space<hbm>> -> memref<1x4096xi32, #tpu.memory_space<hbm>>
    %dma_start3A_332 = tpu.memref_squeeze %dma_start3A_331 : memref<1x4096xi32, #tpu.memory_space<hbm>> -> memref<4096xi32, #tpu.memory_space<hbm>>
    %dma_start3A_333 = arith.constant 0 : i32
    %dma_start3A_334 = tpu.memref_slice %arg2[%dma_start3A_329, %dma_start3A_333] : memref<26x4096xi32, #tpu.memory_space<hbm>> -> memref<1x4096xi32, #tpu.memory_space<hbm>>
    %dma_start3A_335 = tpu.memref_squeeze %dma_start3A_334 : memref<1x4096xi32, #tpu.memory_space<hbm>> -> memref<4096xi32, #tpu.memory_space<hbm>>
    tpu.enqueue_dma source(%dma_start3A_335 : memref<4096xi32, #tpu.memory_space<hbm>>) target(%arg9 : memref<4096xi32, #tpu.memory_space<vmem>>) target_semaphore(%arg14 : memref<!tpu.dma_semaphore, #tpu.memory_space<semaphore_mem>>)
    %dma_wait3A_336 = arith.constant 0 : i32
    %dma_wait3A_337 = tpu.memref_slice %arg6[%dma_wait3A_336] : memref<38656xf32, #tpu.memory_space<vmem>> -> memref<38656xf32, #tpu.memory_space<vmem>>
    %dma_wait3A_338 = arith.constant 230656 : i32
    %dma_wait3A_339 = tpu.memref_slice %arg3[%add3A, %dma_wait3A_338] : memref<32x1000000xf32, #tpu.memory_space<hbm>> -> memref<1x38656xf32, #tpu.memory_space<hbm>>
    %dma_wait3A_340 = tpu.memref_squeeze %dma_wait3A_339 : memref<1x38656xf32, #tpu.memory_space<hbm>> -> memref<38656xf32, #tpu.memory_space<hbm>>
    %dma_wait3A_341 = arith.constant 0 : i32
    %dma_wait3A_342 = tpu.memref_slice %arg6[%dma_wait3A_341] : memref<38656xf32, #tpu.memory_space<vmem>> -> memref<38656xf32, #tpu.memory_space<vmem>>
    %dma_wait3A_343 = arith.constant 230656 : i32
    %dma_wait3A_344 = tpu.memref_slice %arg3[%add3A, %dma_wait3A_343] : memref<32x1000000xf32, #tpu.memory_space<hbm>> -> memref<1x38656xf32, #tpu.memory_space<hbm>>
    %dma_wait3A_345 = tpu.memref_squeeze %dma_wait3A_344 : memref<1x38656xf32, #tpu.memory_space<hbm>> -> memref<38656xf32, #tpu.memory_space<hbm>>
    tpu.wait_dma2 semaphore(%arg13 : memref<!tpu.dma_semaphore, #tpu.memory_space<semaphore_mem>>) src(%dma_wait3A_345 : memref<38656xf32, #tpu.memory_space<hbm>>) dst(%dma_wait3A_342 : memref<38656xf32, #tpu.memory_space<vmem>>)
    %dma_wait3A_346 = arith.constant 6 : i32
    %dma_wait3A_347 = arith.constant 0 : i32
    %dma_wait3A_348 = tpu.memref_slice %arg2[%dma_wait3A_346, %dma_wait3A_347] : memref<26x4096xi32, #tpu.memory_space<hbm>> -> memref<1x4096xi32, #tpu.memory_space<hbm>>
    %dma_wait3A_349 = tpu.memref_squeeze %dma_wait3A_348 : memref<1x4096xi32, #tpu.memory_space<hbm>> -> memref<4096xi32, #tpu.memory_space<hbm>>
    %dma_wait3A_350 = arith.constant 0 : i32
    %dma_wait3A_351 = tpu.memref_slice %arg2[%dma_wait3A_346, %dma_wait3A_350] : memref<26x4096xi32, #tpu.memory_space<hbm>> -> memref<1x4096xi32, #tpu.memory_space<hbm>>
    %dma_wait3A_352 = tpu.memref_squeeze %dma_wait3A_351 : memref<1x4096xi32, #tpu.memory_space<hbm>> -> memref<4096xi32, #tpu.memory_space<hbm>>
    tpu.wait_dma2 semaphore(%arg13 : memref<!tpu.dma_semaphore, #tpu.memory_space<semaphore_mem>>) src(%dma_wait3A_352 : memref<4096xi32, #tpu.memory_space<hbm>>) dst(%arg8 : memref<4096xi32, #tpu.memory_space<vmem>>)
    %dma_wait3A_353 = arith.constant 4 : i32
    %dma_wait3A_354 = arith.constant 0 : i32
    %dma_wait3A_355 = tpu.memref_slice %arg5[%dma_wait3A_353, %add3A, %dma_wait3A_354] : memref<26x32x4096xf32, #tpu.memory_space<hbm>> -> memref<1x1x4096xf32, #tpu.memory_space<hbm>>
    %dma_wait3A_356 = tpu.memref_squeeze %dma_wait3A_355 : memref<1x1x4096xf32, #tpu.memory_space<hbm>> -> memref<4096xf32, #tpu.memory_space<hbm>>
    %dma_wait3A_357 = arith.constant 0 : i32
    %dma_wait3A_358 = tpu.memref_slice %arg5[%dma_wait3A_353, %add3A, %dma_wait3A_357] : memref<26x32x4096xf32, #tpu.memory_space<hbm>> -> memref<1x1x4096xf32, #tpu.memory_space<hbm>>
    %dma_wait3A_359 = tpu.memref_squeeze %dma_wait3A_358 : memref<1x1x4096xf32, #tpu.memory_space<hbm>> -> memref<4096xf32, #tpu.memory_space<hbm>>
    tpu.wait_dma2 semaphore(%arg15 : memref<!tpu.dma_semaphore, #tpu.memory_space<semaphore_mem>>) src(%arg10 : memref<4096xf32, #tpu.memory_space<vmem>>) dst(%dma_wait3A_359 : memref<4096xf32, #tpu.memory_space<hbm>>)
    %scan3A_360 = arith.constant 0 : i32
    %scan3A_361 = arith.constant 256 : i32
    %scan3A_362 = arith.addi %scan3A_360, %scan3A_361 : i32
    %scan3A_363 = arith.constant 1 : i32
    scf.for %scan3A_1376 = %scan3A_360 to %scan3A_362 step %scan3A_363  : i32 {
      %mul3A_1377 = arith.constant 1 : i32
      %mul3A_1378 = arith.muli %scan3A_1376, %mul3A_1377 : i32
      %add3A_1379 = arith.constant 0 : i32
      %add3A_1380 = arith.addi %add3A_1379, %mul3A_1378 : i32
      %mul3A_1381 = arith.constant 16 : i32
      %mul3A_1382 = arith.muli %add3A_1380, %mul3A_1381 : i32
      %get3A = arith.index_cast %mul3A_1382 : i32 to index
      %get3A_1383 = tpu.vector_load %arg8[%get3A] {strides = array<i32>} : memref<4096xi32, #tpu.memory_space<vmem>>, vector<16xi32>,
      %add3A_1384 = arith.constant 110 : i32
      %add3A_1385 = vector.broadcast %add3A_1384 : i32 to vector<16xi32>
      %add3A_1386 = arith.addi %get3A_1383, %add3A_1385 : vector<16xi32>
      %gather3A = tpu.vector_load_idx %arg6[%add3A_1386] : memref<38656xf32, #tpu.memory_space<vmem>>[vector<16xi32>], vector<16xf32>,
      %swap3A = arith.index_cast %mul3A_1382 : i32 to index
      %swap3A_1387 = tpu.vector_load %arg10[%swap3A] {strides = array<i32>} : memref<4096xf32, #tpu.memory_space<vmem>>, vector<16xf32>,
      tpu.vector_store %arg10[%swap3A], %gather3A {strides = array<i32>} : memref<4096xf32, #tpu.memory_space<vmem>>, vector<16xf32>,
    }
    %scan3A_364 = arith.constant 256 : i32
    %dma_start3A_365 = arith.constant 6 : i32
    %dma_start3A_366 = arith.constant 0 : i32
    %dma_start3A_367 = tpu.memref_slice %arg5[%dma_start3A_365, %add3A, %dma_start3A_366] : memref<26x32x4096xf32, #tpu.memory_space<hbm>> -> memref<1x1x4096xf32, #tpu.memory_space<hbm>>
    %dma_start3A_368 = tpu.memref_squeeze %dma_start3A_367 : memref<1x1x4096xf32, #tpu.memory_space<hbm>> -> memref<4096xf32, #tpu.memory_space<hbm>>
    %dma_start3A_369 = arith.constant 0 : i32
    %dma_start3A_370 = tpu.memref_slice %arg5[%dma_start3A_365, %add3A, %dma_start3A_369] : memref<26x32x4096xf32, #tpu.memory_space<hbm>> -> memref<1x1x4096xf32, #tpu.memory_space<hbm>>
    %dma_start3A_371 = tpu.memref_squeeze %dma_start3A_370 : memref<1x1x4096xf32, #tpu.memory_space<hbm>> -> memref<4096xf32, #tpu.memory_space<hbm>>
    tpu.enqueue_dma source(%arg10 : memref<4096xf32, #tpu.memory_space<vmem>>) target(%dma_start3A_371 : memref<4096xf32, #tpu.memory_space<hbm>>) target_semaphore(%arg15 : memref<!tpu.dma_semaphore, #tpu.memory_space<semaphore_mem>>)
    %dma_start3A_372 = arith.constant 0 : i32
    %dma_start3A_373 = tpu.memref_slice %arg6[%dma_start3A_372] : memref<38656xf32, #tpu.memory_space<vmem>> -> memref<38656xf32, #tpu.memory_space<vmem>>
    %dma_start3A_374 = arith.constant 307584 : i32
    %dma_start3A_375 = tpu.memref_slice %arg3[%add3A, %dma_start3A_374] : memref<32x1000000xf32, #tpu.memory_space<hbm>> -> memref<1x38656xf32, #tpu.memory_space<hbm>>
    %dma_start3A_376 = tpu.memref_squeeze %dma_start3A_375 : memref<1x38656xf32, #tpu.memory_space<hbm>> -> memref<38656xf32, #tpu.memory_space<hbm>>
    %dma_start3A_377 = arith.constant 0 : i32
    %dma_start3A_378 = tpu.memref_slice %arg6[%dma_start3A_377] : memref<38656xf32, #tpu.memory_space<vmem>> -> memref<38656xf32, #tpu.memory_space<vmem>>
    %dma_start3A_379 = arith.constant 307584 : i32
    %dma_start3A_380 = tpu.memref_slice %arg3[%add3A, %dma_start3A_379] : memref<32x1000000xf32, #tpu.memory_space<hbm>> -> memref<1x38656xf32, #tpu.memory_space<hbm>>
    %dma_start3A_381 = tpu.memref_squeeze %dma_start3A_380 : memref<1x38656xf32, #tpu.memory_space<hbm>> -> memref<38656xf32, #tpu.memory_space<hbm>>
    tpu.enqueue_dma source(%dma_start3A_381 : memref<38656xf32, #tpu.memory_space<hbm>>) target(%dma_start3A_378 : memref<38656xf32, #tpu.memory_space<vmem>>) target_semaphore(%arg13 : memref<!tpu.dma_semaphore, #tpu.memory_space<semaphore_mem>>)
    %dma_start3A_382 = arith.constant 8 : i32
    %dma_start3A_383 = arith.constant 0 : i32
    %dma_start3A_384 = tpu.memref_slice %arg2[%dma_start3A_382, %dma_start3A_383] : memref<26x4096xi32, #tpu.memory_space<hbm>> -> memref<1x4096xi32, #tpu.memory_space<hbm>>
    %dma_start3A_385 = tpu.memref_squeeze %dma_start3A_384 : memref<1x4096xi32, #tpu.memory_space<hbm>> -> memref<4096xi32, #tpu.memory_space<hbm>>
    %dma_start3A_386 = arith.constant 0 : i32
    %dma_start3A_387 = tpu.memref_slice %arg2[%dma_start3A_382, %dma_start3A_386] : memref<26x4096xi32, #tpu.memory_space<hbm>> -> memref<1x4096xi32, #tpu.memory_space<hbm>>
    %dma_start3A_388 = tpu.memref_squeeze %dma_start3A_387 : memref<1x4096xi32, #tpu.memory_space<hbm>> -> memref<4096xi32, #tpu.memory_space<hbm>>
    tpu.enqueue_dma source(%dma_start3A_388 : memref<4096xi32, #tpu.memory_space<hbm>>) target(%arg8 : memref<4096xi32, #tpu.memory_space<vmem>>) target_semaphore(%arg13 : memref<!tpu.dma_semaphore, #tpu.memory_space<semaphore_mem>>)
    %dma_wait3A_389 = arith.constant 0 : i32
    %dma_wait3A_390 = tpu.memref_slice %arg7[%dma_wait3A_389] : memref<38656xf32, #tpu.memory_space<vmem>> -> memref<38656xf32, #tpu.memory_space<vmem>>
    %dma_wait3A_391 = arith.constant 269184 : i32
    %dma_wait3A_392 = tpu.memref_slice %arg3[%add3A, %dma_wait3A_391] : memref<32x1000000xf32, #tpu.memory_space<hbm>> -> memref<1x38656xf32, #tpu.memory_space<hbm>>
    %dma_wait3A_393 = tpu.memref_squeeze %dma_wait3A_392 : memref<1x38656xf32, #tpu.memory_space<hbm>> -> memref<38656xf32, #tpu.memory_space<hbm>>
    %dma_wait3A_394 = arith.constant 0 : i32
    %dma_wait3A_395 = tpu.memref_slice %arg7[%dma_wait3A_394] : memref<38656xf32, #tpu.memory_space<vmem>> -> memref<38656xf32, #tpu.memory_space<vmem>>
    %dma_wait3A_396 = arith.constant 269184 : i32
    %dma_wait3A_397 = tpu.memref_slice %arg3[%add3A, %dma_wait3A_396] : memref<32x1000000xf32, #tpu.memory_space<hbm>> -> memref<1x38656xf32, #tpu.memory_space<hbm>>
    %dma_wait3A_398 = tpu.memref_squeeze %dma_wait3A_397 : memref<1x38656xf32, #tpu.memory_space<hbm>> -> memref<38656xf32, #tpu.memory_space<hbm>>
    tpu.wait_dma2 semaphore(%arg14 : memref<!tpu.dma_semaphore, #tpu.memory_space<semaphore_mem>>) src(%dma_wait3A_398 : memref<38656xf32, #tpu.memory_space<hbm>>) dst(%dma_wait3A_395 : memref<38656xf32, #tpu.memory_space<vmem>>)
    %dma_wait3A_399 = arith.constant 7 : i32
    %dma_wait3A_400 = arith.constant 0 : i32
    %dma_wait3A_401 = tpu.memref_slice %arg2[%dma_wait3A_399, %dma_wait3A_400] : memref<26x4096xi32, #tpu.memory_space<hbm>> -> memref<1x4096xi32, #tpu.memory_space<hbm>>
    %dma_wait3A_402 = tpu.memref_squeeze %dma_wait3A_401 : memref<1x4096xi32, #tpu.memory_space<hbm>> -> memref<4096xi32, #tpu.memory_space<hbm>>
    %dma_wait3A_403 = arith.constant 0 : i32
    %dma_wait3A_404 = tpu.memref_slice %arg2[%dma_wait3A_399, %dma_wait3A_403] : memref<26x4096xi32, #tpu.memory_space<hbm>> -> memref<1x4096xi32, #tpu.memory_space<hbm>>
    %dma_wait3A_405 = tpu.memref_squeeze %dma_wait3A_404 : memref<1x4096xi32, #tpu.memory_space<hbm>> -> memref<4096xi32, #tpu.memory_space<hbm>>
    tpu.wait_dma2 semaphore(%arg14 : memref<!tpu.dma_semaphore, #tpu.memory_space<semaphore_mem>>) src(%dma_wait3A_405 : memref<4096xi32, #tpu.memory_space<hbm>>) dst(%arg9 : memref<4096xi32, #tpu.memory_space<vmem>>)
    %dma_wait3A_406 = arith.constant 5 : i32
    %dma_wait3A_407 = arith.constant 0 : i32
    %dma_wait3A_408 = tpu.memref_slice %arg5[%dma_wait3A_406, %add3A, %dma_wait3A_407] : memref<26x32x4096xf32, #tpu.memory_space<hbm>> -> memref<1x1x4096xf32, #tpu.memory_space<hbm>>
    %dma_wait3A_409 = tpu.memref_squeeze %dma_wait3A_408 : memref<1x1x4096xf32, #tpu.memory_space<hbm>> -> memref<4096xf32, #tpu.memory_space<hbm>>
    %dma_wait3A_410 = arith.constant 0 : i32
    %dma_wait3A_411 = tpu.memref_slice %arg5[%dma_wait3A_406, %add3A, %dma_wait3A_410] : memref<26x32x4096xf32, #tpu.memory_space<hbm>> -> memref<1x1x4096xf32, #tpu.memory_space<hbm>>
    %dma_wait3A_412 = tpu.memref_squeeze %dma_wait3A_411 : memref<1x1x4096xf32, #tpu.memory_space<hbm>> -> memref<4096xf32, #tpu.memory_space<hbm>>
    tpu.wait_dma2 semaphore(%arg16 : memref<!tpu.dma_semaphore, #tpu.memory_space<semaphore_mem>>) src(%arg11 : memref<4096xf32, #tpu.memory_space<vmem>>) dst(%dma_wait3A_412 : memref<4096xf32, #tpu.memory_space<hbm>>)
    %scan3A_413 = arith.constant 0 : i32
    %scan3A_414 = arith.constant 256 : i32
    %scan3A_415 = arith.addi %scan3A_413, %scan3A_414 : i32
    %scan3A_416 = arith.constant 1 : i32
    scf.for %scan3A_1376 = %scan3A_413 to %scan3A_415 step %scan3A_416  : i32 {
      %mul3A_1377 = arith.constant 1 : i32
      %mul3A_1378 = arith.muli %scan3A_1376, %mul3A_1377 : i32
      %add3A_1379 = arith.constant 0 : i32
      %add3A_1380 = arith.addi %add3A_1379, %mul3A_1378 : i32
      %mul3A_1381 = arith.constant 16 : i32
      %mul3A_1382 = arith.muli %add3A_1380, %mul3A_1381 : i32
      %get3A = arith.index_cast %mul3A_1382 : i32 to index
      %get3A_1383 = tpu.vector_load %arg9[%get3A] {strides = array<i32>} : memref<4096xi32, #tpu.memory_space<vmem>>, vector<16xi32>,
      %add3A_1384 = arith.constant 43 : i32
      %add3A_1385 = vector.broadcast %add3A_1384 : i32 to vector<16xi32>
      %add3A_1386 = arith.addi %get3A_1383, %add3A_1385 : vector<16xi32>
      %gather3A = tpu.vector_load_idx %arg7[%add3A_1386] : memref<38656xf32, #tpu.memory_space<vmem>>[vector<16xi32>], vector<16xf32>,
      %swap3A = arith.index_cast %mul3A_1382 : i32 to index
      %swap3A_1387 = tpu.vector_load %arg11[%swap3A] {strides = array<i32>} : memref<4096xf32, #tpu.memory_space<vmem>>, vector<16xf32>,
      tpu.vector_store %arg11[%swap3A], %gather3A {strides = array<i32>} : memref<4096xf32, #tpu.memory_space<vmem>>, vector<16xf32>,
    }
    %scan3A_417 = arith.constant 256 : i32
    %dma_start3A_418 = arith.constant 7 : i32
    %dma_start3A_419 = arith.constant 0 : i32
    %dma_start3A_420 = tpu.memref_slice %arg5[%dma_start3A_418, %add3A, %dma_start3A_419] : memref<26x32x4096xf32, #tpu.memory_space<hbm>> -> memref<1x1x4096xf32, #tpu.memory_space<hbm>>
    %dma_start3A_421 = tpu.memref_squeeze %dma_start3A_420 : memref<1x1x4096xf32, #tpu.memory_space<hbm>> -> memref<4096xf32, #tpu.memory_space<hbm>>
    %dma_start3A_422 = arith.constant 0 : i32
    %dma_start3A_423 = tpu.memref_slice %arg5[%dma_start3A_418, %add3A, %dma_start3A_422] : memref<26x32x4096xf32, #tpu.memory_space<hbm>> -> memref<1x1x4096xf32, #tpu.memory_space<hbm>>
    %dma_start3A_424 = tpu.memref_squeeze %dma_start3A_423 : memref<1x1x4096xf32, #tpu.memory_space<hbm>> -> memref<4096xf32, #tpu.memory_space<hbm>>
    tpu.enqueue_dma source(%arg11 : memref<4096xf32, #tpu.memory_space<vmem>>) target(%dma_start3A_424 : memref<4096xf32, #tpu.memory_space<hbm>>) target_semaphore(%arg16 : memref<!tpu.dma_semaphore, #tpu.memory_space<semaphore_mem>>)
    %dma_start3A_425 = arith.constant 0 : i32
    %dma_start3A_426 = tpu.memref_slice %arg7[%dma_start3A_425] : memref<38656xf32, #tpu.memory_space<vmem>> -> memref<38656xf32, #tpu.memory_space<vmem>>
    %dma_start3A_427 = arith.constant 346112 : i32
    %dma_start3A_428 = tpu.memref_slice %arg3[%add3A, %dma_start3A_427] : memref<32x1000000xf32, #tpu.memory_space<hbm>> -> memref<1x38656xf32, #tpu.memory_space<hbm>>
    %dma_start3A_429 = tpu.memref_squeeze %dma_start3A_428 : memref<1x38656xf32, #tpu.memory_space<hbm>> -> memref<38656xf32, #tpu.memory_space<hbm>>
    %dma_start3A_430 = arith.constant 0 : i32
    %dma_start3A_431 = tpu.memref_slice %arg7[%dma_start3A_430] : memref<38656xf32, #tpu.memory_space<vmem>> -> memref<38656xf32, #tpu.memory_space<vmem>>
    %dma_start3A_432 = arith.constant 346112 : i32
    %dma_start3A_433 = tpu.memref_slice %arg3[%add3A, %dma_start3A_432] : memref<32x1000000xf32, #tpu.memory_space<hbm>> -> memref<1x38656xf32, #tpu.memory_space<hbm>>
    %dma_start3A_434 = tpu.memref_squeeze %dma_start3A_433 : memref<1x38656xf32, #tpu.memory_space<hbm>> -> memref<38656xf32, #tpu.memory_space<hbm>>
    tpu.enqueue_dma source(%dma_start3A_434 : memref<38656xf32, #tpu.memory_space<hbm>>) target(%dma_start3A_431 : memref<38656xf32, #tpu.memory_space<vmem>>) target_semaphore(%arg14 : memref<!tpu.dma_semaphore, #tpu.memory_space<semaphore_mem>>)
    %dma_start3A_435 = arith.constant 9 : i32
    %dma_start3A_436 = arith.constant 0 : i32
    %dma_start3A_437 = tpu.memref_slice %arg2[%dma_start3A_435, %dma_start3A_436] : memref<26x4096xi32, #tpu.memory_space<hbm>> -> memref<1x4096xi32, #tpu.memory_space<hbm>>
    %dma_start3A_438 = tpu.memref_squeeze %dma_start3A_437 : memref<1x4096xi32, #tpu.memory_space<hbm>> -> memref<4096xi32, #tpu.memory_space<hbm>>
    %dma_start3A_439 = arith.constant 0 : i32
    %dma_start3A_440 = tpu.memref_slice %arg2[%dma_start3A_435, %dma_start3A_439] : memref<26x4096xi32, #tpu.memory_space<hbm>> -> memref<1x4096xi32, #tpu.memory_space<hbm>>
    %dma_start3A_441 = tpu.memref_squeeze %dma_start3A_440 : memref<1x4096xi32, #tpu.memory_space<hbm>> -> memref<4096xi32, #tpu.memory_space<hbm>>
    tpu.enqueue_dma source(%dma_start3A_441 : memref<4096xi32, #tpu.memory_space<hbm>>) target(%arg9 : memref<4096xi32, #tpu.memory_space<vmem>>) target_semaphore(%arg14 : memref<!tpu.dma_semaphore, #tpu.memory_space<semaphore_mem>>)
    %dma_wait3A_442 = arith.constant 0 : i32
    %dma_wait3A_443 = tpu.memref_slice %arg6[%dma_wait3A_442] : memref<38656xf32, #tpu.memory_space<vmem>> -> memref<38656xf32, #tpu.memory_space<vmem>>
    %dma_wait3A_444 = arith.constant 307584 : i32
    %dma_wait3A_445 = tpu.memref_slice %arg3[%add3A, %dma_wait3A_444] : memref<32x1000000xf32, #tpu.memory_space<hbm>> -> memref<1x38656xf32, #tpu.memory_space<hbm>>
    %dma_wait3A_446 = tpu.memref_squeeze %dma_wait3A_445 : memref<1x38656xf32, #tpu.memory_space<hbm>> -> memref<38656xf32, #tpu.memory_space<hbm>>
    %dma_wait3A_447 = arith.constant 0 : i32
    %dma_wait3A_448 = tpu.memref_slice %arg6[%dma_wait3A_447] : memref<38656xf32, #tpu.memory_space<vmem>> -> memref<38656xf32, #tpu.memory_space<vmem>>
    %dma_wait3A_449 = arith.constant 307584 : i32
    %dma_wait3A_450 = tpu.memref_slice %arg3[%add3A, %dma_wait3A_449] : memref<32x1000000xf32, #tpu.memory_space<hbm>> -> memref<1x38656xf32, #tpu.memory_space<hbm>>
    %dma_wait3A_451 = tpu.memref_squeeze %dma_wait3A_450 : memref<1x38656xf32, #tpu.memory_space<hbm>> -> memref<38656xf32, #tpu.memory_space<hbm>>
    tpu.wait_dma2 semaphore(%arg13 : memref<!tpu.dma_semaphore, #tpu.memory_space<semaphore_mem>>) src(%dma_wait3A_451 : memref<38656xf32, #tpu.memory_space<hbm>>) dst(%dma_wait3A_448 : memref<38656xf32, #tpu.memory_space<vmem>>)
    %dma_wait3A_452 = arith.constant 8 : i32
    %dma_wait3A_453 = arith.constant 0 : i32
    %dma_wait3A_454 = tpu.memref_slice %arg2[%dma_wait3A_452, %dma_wait3A_453] : memref<26x4096xi32, #tpu.memory_space<hbm>> -> memref<1x4096xi32, #tpu.memory_space<hbm>>
    %dma_wait3A_455 = tpu.memref_squeeze %dma_wait3A_454 : memref<1x4096xi32, #tpu.memory_space<hbm>> -> memref<4096xi32, #tpu.memory_space<hbm>>
    %dma_wait3A_456 = arith.constant 0 : i32
    %dma_wait3A_457 = tpu.memref_slice %arg2[%dma_wait3A_452, %dma_wait3A_456] : memref<26x4096xi32, #tpu.memory_space<hbm>> -> memref<1x4096xi32, #tpu.memory_space<hbm>>
    %dma_wait3A_458 = tpu.memref_squeeze %dma_wait3A_457 : memref<1x4096xi32, #tpu.memory_space<hbm>> -> memref<4096xi32, #tpu.memory_space<hbm>>
    tpu.wait_dma2 semaphore(%arg13 : memref<!tpu.dma_semaphore, #tpu.memory_space<semaphore_mem>>) src(%dma_wait3A_458 : memref<4096xi32, #tpu.memory_space<hbm>>) dst(%arg8 : memref<4096xi32, #tpu.memory_space<vmem>>)
    %dma_wait3A_459 = arith.constant 6 : i32
    %dma_wait3A_460 = arith.constant 0 : i32
    %dma_wait3A_461 = tpu.memref_slice %arg5[%dma_wait3A_459, %add3A, %dma_wait3A_460] : memref<26x32x4096xf32, #tpu.memory_space<hbm>> -> memref<1x1x4096xf32, #tpu.memory_space<hbm>>
    %dma_wait3A_462 = tpu.memref_squeeze %dma_wait3A_461 : memref<1x1x4096xf32, #tpu.memory_space<hbm>> -> memref<4096xf32, #tpu.memory_space<hbm>>
    %dma_wait3A_463 = arith.constant 0 : i32
    %dma_wait3A_464 = tpu.memref_slice %arg5[%dma_wait3A_459, %add3A, %dma_wait3A_463] : memref<26x32x4096xf32, #tpu.memory_space<hbm>> -> memref<1x1x4096xf32, #tpu.memory_space<hbm>>
    %dma_wait3A_465 = tpu.memref_squeeze %dma_wait3A_464 : memref<1x1x4096xf32, #tpu.memory_space<hbm>> -> memref<4096xf32, #tpu.memory_space<hbm>>
    tpu.wait_dma2 semaphore(%arg15 : memref<!tpu.dma_semaphore, #tpu.memory_space<semaphore_mem>>) src(%arg10 : memref<4096xf32, #tpu.memory_space<vmem>>) dst(%dma_wait3A_465 : memref<4096xf32, #tpu.memory_space<hbm>>)
    %scan3A_466 = arith.constant 0 : i32
    %scan3A_467 = arith.constant 256 : i32
    %scan3A_468 = arith.addi %scan3A_466, %scan3A_467 : i32
    %scan3A_469 = arith.constant 1 : i32
    scf.for %scan3A_1376 = %scan3A_466 to %scan3A_468 step %scan3A_469  : i32 {
      %mul3A_1377 = arith.constant 1 : i32
      %mul3A_1378 = arith.muli %scan3A_1376, %mul3A_1377 : i32
      %add3A_1379 = arith.constant 0 : i32
      %add3A_1380 = arith.addi %add3A_1379, %mul3A_1378 : i32
      %mul3A_1381 = arith.constant 16 : i32
      %mul3A_1382 = arith.muli %add3A_1380, %mul3A_1381 : i32
      %get3A = arith.index_cast %mul3A_1382 : i32 to index
      %get3A_1383 = tpu.vector_load %arg8[%get3A] {strides = array<i32>} : memref<4096xi32, #tpu.memory_space<vmem>>, vector<16xi32>,
      %add3A_1384 = arith.constant 104 : i32
      %add3A_1385 = vector.broadcast %add3A_1384 : i32 to vector<16xi32>
      %add3A_1386 = arith.addi %get3A_1383, %add3A_1385 : vector<16xi32>
      %gather3A = tpu.vector_load_idx %arg6[%add3A_1386] : memref<38656xf32, #tpu.memory_space<vmem>>[vector<16xi32>], vector<16xf32>,
      %swap3A = arith.index_cast %mul3A_1382 : i32 to index
      %swap3A_1387 = tpu.vector_load %arg10[%swap3A] {strides = array<i32>} : memref<4096xf32, #tpu.memory_space<vmem>>, vector<16xf32>,
      tpu.vector_store %arg10[%swap3A], %gather3A {strides = array<i32>} : memref<4096xf32, #tpu.memory_space<vmem>>, vector<16xf32>,
    }
    %scan3A_470 = arith.constant 256 : i32
    %dma_start3A_471 = arith.constant 8 : i32
    %dma_start3A_472 = arith.constant 0 : i32
    %dma_start3A_473 = tpu.memref_slice %arg5[%dma_start3A_471, %add3A, %dma_start3A_472] : memref<26x32x4096xf32, #tpu.memory_space<hbm>> -> memref<1x1x4096xf32, #tpu.memory_space<hbm>>
    %dma_start3A_474 = tpu.memref_squeeze %dma_start3A_473 : memref<1x1x4096xf32, #tpu.memory_space<hbm>> -> memref<4096xf32, #tpu.memory_space<hbm>>
    %dma_start3A_475 = arith.constant 0 : i32
    %dma_start3A_476 = tpu.memref_slice %arg5[%dma_start3A_471, %add3A, %dma_start3A_475] : memref<26x32x4096xf32, #tpu.memory_space<hbm>> -> memref<1x1x4096xf32, #tpu.memory_space<hbm>>
    %dma_start3A_477 = tpu.memref_squeeze %dma_start3A_476 : memref<1x1x4096xf32, #tpu.memory_space<hbm>> -> memref<4096xf32, #tpu.memory_space<hbm>>
    tpu.enqueue_dma source(%arg10 : memref<4096xf32, #tpu.memory_space<vmem>>) target(%dma_start3A_477 : memref<4096xf32, #tpu.memory_space<hbm>>) target_semaphore(%arg15 : memref<!tpu.dma_semaphore, #tpu.memory_space<semaphore_mem>>)
    %dma_start3A_478 = arith.constant 0 : i32
    %dma_start3A_479 = tpu.memref_slice %arg6[%dma_start3A_478] : memref<38656xf32, #tpu.memory_space<vmem>> -> memref<38656xf32, #tpu.memory_space<vmem>>
    %dma_start3A_480 = arith.constant 384512 : i32
    %dma_start3A_481 = tpu.memref_slice %arg3[%add3A, %dma_start3A_480] : memref<32x1000000xf32, #tpu.memory_space<hbm>> -> memref<1x38656xf32, #tpu.memory_space<hbm>>
    %dma_start3A_482 = tpu.memref_squeeze %dma_start3A_481 : memref<1x38656xf32, #tpu.memory_space<hbm>> -> memref<38656xf32, #tpu.memory_space<hbm>>
    %dma_start3A_483 = arith.constant 0 : i32
    %dma_start3A_484 = tpu.memref_slice %arg6[%dma_start3A_483] : memref<38656xf32, #tpu.memory_space<vmem>> -> memref<38656xf32, #tpu.memory_space<vmem>>
    %dma_start3A_485 = arith.constant 384512 : i32
    %dma_start3A_486 = tpu.memref_slice %arg3[%add3A, %dma_start3A_485] : memref<32x1000000xf32, #tpu.memory_space<hbm>> -> memref<1x38656xf32, #tpu.memory_space<hbm>>
    %dma_start3A_487 = tpu.memref_squeeze %dma_start3A_486 : memref<1x38656xf32, #tpu.memory_space<hbm>> -> memref<38656xf32, #tpu.memory_space<hbm>>
    tpu.enqueue_dma source(%dma_start3A_487 : memref<38656xf32, #tpu.memory_space<hbm>>) target(%dma_start3A_484 : memref<38656xf32, #tpu.memory_space<vmem>>) target_semaphore(%arg13 : memref<!tpu.dma_semaphore, #tpu.memory_space<semaphore_mem>>)
    %dma_start3A_488 = arith.constant 10 : i32
    %dma_start3A_489 = arith.constant 0 : i32
    %dma_start3A_490 = tpu.memref_slice %arg2[%dma_start3A_488, %dma_start3A_489] : memref<26x4096xi32, #tpu.memory_space<hbm>> -> memref<1x4096xi32, #tpu.memory_space<hbm>>
    %dma_start3A_491 = tpu.memref_squeeze %dma_start3A_490 : memref<1x4096xi32, #tpu.memory_space<hbm>> -> memref<4096xi32, #tpu.memory_space<hbm>>
    %dma_start3A_492 = arith.constant 0 : i32
    %dma_start3A_493 = tpu.memref_slice %arg2[%dma_start3A_488, %dma_start3A_492] : memref<26x4096xi32, #tpu.memory_space<hbm>> -> memref<1x4096xi32, #tpu.memory_space<hbm>>
    %dma_start3A_494 = tpu.memref_squeeze %dma_start3A_493 : memref<1x4096xi32, #tpu.memory_space<hbm>> -> memref<4096xi32, #tpu.memory_space<hbm>>
    tpu.enqueue_dma source(%dma_start3A_494 : memref<4096xi32, #tpu.memory_space<hbm>>) target(%arg8 : memref<4096xi32, #tpu.memory_space<vmem>>) target_semaphore(%arg13 : memref<!tpu.dma_semaphore, #tpu.memory_space<semaphore_mem>>)
    %dma_wait3A_495 = arith.constant 0 : i32
    %dma_wait3A_496 = tpu.memref_slice %arg7[%dma_wait3A_495] : memref<38656xf32, #tpu.memory_space<vmem>> -> memref<38656xf32, #tpu.memory_space<vmem>>
    %dma_wait3A_497 = arith.constant 346112 : i32
    %dma_wait3A_498 = tpu.memref_slice %arg3[%add3A, %dma_wait3A_497] : memref<32x1000000xf32, #tpu.memory_space<hbm>> -> memref<1x38656xf32, #tpu.memory_space<hbm>>
    %dma_wait3A_499 = tpu.memref_squeeze %dma_wait3A_498 : memref<1x38656xf32, #tpu.memory_space<hbm>> -> memref<38656xf32, #tpu.memory_space<hbm>>
    %dma_wait3A_500 = arith.constant 0 : i32
    %dma_wait3A_501 = tpu.memref_slice %arg7[%dma_wait3A_500] : memref<38656xf32, #tpu.memory_space<vmem>> -> memref<38656xf32, #tpu.memory_space<vmem>>
    %dma_wait3A_502 = arith.constant 346112 : i32
    %dma_wait3A_503 = tpu.memref_slice %arg3[%add3A, %dma_wait3A_502] : memref<32x1000000xf32, #tpu.memory_space<hbm>> -> memref<1x38656xf32, #tpu.memory_space<hbm>>
    %dma_wait3A_504 = tpu.memref_squeeze %dma_wait3A_503 : memref<1x38656xf32, #tpu.memory_space<hbm>> -> memref<38656xf32, #tpu.memory_space<hbm>>
    tpu.wait_dma2 semaphore(%arg14 : memref<!tpu.dma_semaphore, #tpu.memory_space<semaphore_mem>>) src(%dma_wait3A_504 : memref<38656xf32, #tpu.memory_space<hbm>>) dst(%dma_wait3A_501 : memref<38656xf32, #tpu.memory_space<vmem>>)
    %dma_wait3A_505 = arith.constant 9 : i32
    %dma_wait3A_506 = arith.constant 0 : i32
    %dma_wait3A_507 = tpu.memref_slice %arg2[%dma_wait3A_505, %dma_wait3A_506] : memref<26x4096xi32, #tpu.memory_space<hbm>> -> memref<1x4096xi32, #tpu.memory_space<hbm>>
    %dma_wait3A_508 = tpu.memref_squeeze %dma_wait3A_507 : memref<1x4096xi32, #tpu.memory_space<hbm>> -> memref<4096xi32, #tpu.memory_space<hbm>>
    %dma_wait3A_509 = arith.constant 0 : i32
    %dma_wait3A_510 = tpu.memref_slice %arg2[%dma_wait3A_505, %dma_wait3A_509] : memref<26x4096xi32, #tpu.memory_space<hbm>> -> memref<1x4096xi32, #tpu.memory_space<hbm>>
    %dma_wait3A_511 = tpu.memref_squeeze %dma_wait3A_510 : memref<1x4096xi32, #tpu.memory_space<hbm>> -> memref<4096xi32, #tpu.memory_space<hbm>>
    tpu.wait_dma2 semaphore(%arg14 : memref<!tpu.dma_semaphore, #tpu.memory_space<semaphore_mem>>) src(%dma_wait3A_511 : memref<4096xi32, #tpu.memory_space<hbm>>) dst(%arg9 : memref<4096xi32, #tpu.memory_space<vmem>>)
    %dma_wait3A_512 = arith.constant 7 : i32
    %dma_wait3A_513 = arith.constant 0 : i32
    %dma_wait3A_514 = tpu.memref_slice %arg5[%dma_wait3A_512, %add3A, %dma_wait3A_513] : memref<26x32x4096xf32, #tpu.memory_space<hbm>> -> memref<1x1x4096xf32, #tpu.memory_space<hbm>>
    %dma_wait3A_515 = tpu.memref_squeeze %dma_wait3A_514 : memref<1x1x4096xf32, #tpu.memory_space<hbm>> -> memref<4096xf32, #tpu.memory_space<hbm>>
    %dma_wait3A_516 = arith.constant 0 : i32
    %dma_wait3A_517 = tpu.memref_slice %arg5[%dma_wait3A_512, %add3A, %dma_wait3A_516] : memref<26x32x4096xf32, #tpu.memory_space<hbm>> -> memref<1x1x4096xf32, #tpu.memory_space<hbm>>
    %dma_wait3A_518 = tpu.memref_squeeze %dma_wait3A_517 : memref<1x1x4096xf32, #tpu.memory_space<hbm>> -> memref<4096xf32, #tpu.memory_space<hbm>>
    tpu.wait_dma2 semaphore(%arg16 : memref<!tpu.dma_semaphore, #tpu.memory_space<semaphore_mem>>) src(%arg11 : memref<4096xf32, #tpu.memory_space<vmem>>) dst(%dma_wait3A_518 : memref<4096xf32, #tpu.memory_space<hbm>>)
    %scan3A_519 = arith.constant 0 : i32
    %scan3A_520 = arith.constant 256 : i32
    %scan3A_521 = arith.addi %scan3A_519, %scan3A_520 : i32
    %scan3A_522 = arith.constant 1 : i32
    scf.for %scan3A_1376 = %scan3A_519 to %scan3A_521 step %scan3A_522  : i32 {
      %mul3A_1377 = arith.constant 1 : i32
      %mul3A_1378 = arith.muli %scan3A_1376, %mul3A_1377 : i32
      %add3A_1379 = arith.constant 0 : i32
      %add3A_1380 = arith.addi %add3A_1379, %mul3A_1378 : i32
      %mul3A_1381 = arith.constant 16 : i32
      %mul3A_1382 = arith.muli %add3A_1380, %mul3A_1381 : i32
      %get3A = arith.index_cast %mul3A_1382 : i32 to index
      %get3A_1383 = tpu.vector_load %arg9[%get3A] {strides = array<i32>} : memref<4096xi32, #tpu.memory_space<vmem>>, vector<16xi32>,
      %add3A_1384 = arith.constant 37 : i32
      %add3A_1385 = vector.broadcast %add3A_1384 : i32 to vector<16xi32>
      %add3A_1386 = arith.addi %get3A_1383, %add3A_1385 : vector<16xi32>
      %gather3A = tpu.vector_load_idx %arg7[%add3A_1386] : memref<38656xf32, #tpu.memory_space<vmem>>[vector<16xi32>], vector<16xf32>,
      %swap3A = arith.index_cast %mul3A_1382 : i32 to index
      %swap3A_1387 = tpu.vector_load %arg11[%swap3A] {strides = array<i32>} : memref<4096xf32, #tpu.memory_space<vmem>>, vector<16xf32>,
      tpu.vector_store %arg11[%swap3A], %gather3A {strides = array<i32>} : memref<4096xf32, #tpu.memory_space<vmem>>, vector<16xf32>,
    }
    %scan3A_523 = arith.constant 256 : i32
    %dma_start3A_524 = arith.constant 9 : i32
    %dma_start3A_525 = arith.constant 0 : i32
    %dma_start3A_526 = tpu.memref_slice %arg5[%dma_start3A_524, %add3A, %dma_start3A_525] : memref<26x32x4096xf32, #tpu.memory_space<hbm>> -> memref<1x1x4096xf32, #tpu.memory_space<hbm>>
    %dma_start3A_527 = tpu.memref_squeeze %dma_start3A_526 : memref<1x1x4096xf32, #tpu.memory_space<hbm>> -> memref<4096xf32, #tpu.memory_space<hbm>>
    %dma_start3A_528 = arith.constant 0 : i32
    %dma_start3A_529 = tpu.memref_slice %arg5[%dma_start3A_524, %add3A, %dma_start3A_528] : memref<26x32x4096xf32, #tpu.memory_space<hbm>> -> memref<1x1x4096xf32, #tpu.memory_space<hbm>>
    %dma_start3A_530 = tpu.memref_squeeze %dma_start3A_529 : memref<1x1x4096xf32, #tpu.memory_space<hbm>> -> memref<4096xf32, #tpu.memory_space<hbm>>
    tpu.enqueue_dma source(%arg11 : memref<4096xf32, #tpu.memory_space<vmem>>) target(%dma_start3A_530 : memref<4096xf32, #tpu.memory_space<hbm>>) target_semaphore(%arg16 : memref<!tpu.dma_semaphore, #tpu.memory_space<semaphore_mem>>)
    %dma_start3A_531 = arith.constant 0 : i32
    %dma_start3A_532 = tpu.memref_slice %arg7[%dma_start3A_531] : memref<38656xf32, #tpu.memory_space<vmem>> -> memref<38656xf32, #tpu.memory_space<vmem>>
    %dma_start3A_533 = arith.constant 423040 : i32
    %dma_start3A_534 = tpu.memref_slice %arg3[%add3A, %dma_start3A_533] : memref<32x1000000xf32, #tpu.memory_space<hbm>> -> memref<1x38656xf32, #tpu.memory_space<hbm>>
    %dma_start3A_535 = tpu.memref_squeeze %dma_start3A_534 : memref<1x38656xf32, #tpu.memory_space<hbm>> -> memref<38656xf32, #tpu.memory_space<hbm>>
    %dma_start3A_536 = arith.constant 0 : i32
    %dma_start3A_537 = tpu.memref_slice %arg7[%dma_start3A_536] : memref<38656xf32, #tpu.memory_space<vmem>> -> memref<38656xf32, #tpu.memory_space<vmem>>
    %dma_start3A_538 = arith.constant 423040 : i32
    %dma_start3A_539 = tpu.memref_slice %arg3[%add3A, %dma_start3A_538] : memref<32x1000000xf32, #tpu.memory_space<hbm>> -> memref<1x38656xf32, #tpu.memory_space<hbm>>
    %dma_start3A_540 = tpu.memref_squeeze %dma_start3A_539 : memref<1x38656xf32, #tpu.memory_space<hbm>> -> memref<38656xf32, #tpu.memory_space<hbm>>
    tpu.enqueue_dma source(%dma_start3A_540 : memref<38656xf32, #tpu.memory_space<hbm>>) target(%dma_start3A_537 : memref<38656xf32, #tpu.memory_space<vmem>>) target_semaphore(%arg14 : memref<!tpu.dma_semaphore, #tpu.memory_space<semaphore_mem>>)
    %dma_start3A_541 = arith.constant 11 : i32
    %dma_start3A_542 = arith.constant 0 : i32
    %dma_start3A_543 = tpu.memref_slice %arg2[%dma_start3A_541, %dma_start3A_542] : memref<26x4096xi32, #tpu.memory_space<hbm>> -> memref<1x4096xi32, #tpu.memory_space<hbm>>
    %dma_start3A_544 = tpu.memref_squeeze %dma_start3A_543 : memref<1x4096xi32, #tpu.memory_space<hbm>> -> memref<4096xi32, #tpu.memory_space<hbm>>
    %dma_start3A_545 = arith.constant 0 : i32
    %dma_start3A_546 = tpu.memref_slice %arg2[%dma_start3A_541, %dma_start3A_545] : memref<26x4096xi32, #tpu.memory_space<hbm>> -> memref<1x4096xi32, #tpu.memory_space<hbm>>
    %dma_start3A_547 = tpu.memref_squeeze %dma_start3A_546 : memref<1x4096xi32, #tpu.memory_space<hbm>> -> memref<4096xi32, #tpu.memory_space<hbm>>
    tpu.enqueue_dma source(%dma_start3A_547 : memref<4096xi32, #tpu.memory_space<hbm>>) target(%arg9 : memref<4096xi32, #tpu.memory_space<vmem>>) target_semaphore(%arg14 : memref<!tpu.dma_semaphore, #tpu.memory_space<semaphore_mem>>)
    %dma_wait3A_548 = arith.constant 0 : i32
    %dma_wait3A_549 = tpu.memref_slice %arg6[%dma_wait3A_548] : memref<38656xf32, #tpu.memory_space<vmem>> -> memref<38656xf32, #tpu.memory_space<vmem>>
    %dma_wait3A_550 = arith.constant 384512 : i32
    %dma_wait3A_551 = tpu.memref_slice %arg3[%add3A, %dma_wait3A_550] : memref<32x1000000xf32, #tpu.memory_space<hbm>> -> memref<1x38656xf32, #tpu.memory_space<hbm>>
    %dma_wait3A_552 = tpu.memref_squeeze %dma_wait3A_551 : memref<1x38656xf32, #tpu.memory_space<hbm>> -> memref<38656xf32, #tpu.memory_space<hbm>>
    %dma_wait3A_553 = arith.constant 0 : i32
    %dma_wait3A_554 = tpu.memref_slice %arg6[%dma_wait3A_553] : memref<38656xf32, #tpu.memory_space<vmem>> -> memref<38656xf32, #tpu.memory_space<vmem>>
    %dma_wait3A_555 = arith.constant 384512 : i32
    %dma_wait3A_556 = tpu.memref_slice %arg3[%add3A, %dma_wait3A_555] : memref<32x1000000xf32, #tpu.memory_space<hbm>> -> memref<1x38656xf32, #tpu.memory_space<hbm>>
    %dma_wait3A_557 = tpu.memref_squeeze %dma_wait3A_556 : memref<1x38656xf32, #tpu.memory_space<hbm>> -> memref<38656xf32, #tpu.memory_space<hbm>>
    tpu.wait_dma2 semaphore(%arg13 : memref<!tpu.dma_semaphore, #tpu.memory_space<semaphore_mem>>) src(%dma_wait3A_557 : memref<38656xf32, #tpu.memory_space<hbm>>) dst(%dma_wait3A_554 : memref<38656xf32, #tpu.memory_space<vmem>>)
    %dma_wait3A_558 = arith.constant 10 : i32
    %dma_wait3A_559 = arith.constant 0 : i32
    %dma_wait3A_560 = tpu.memref_slice %arg2[%dma_wait3A_558, %dma_wait3A_559] : memref<26x4096xi32, #tpu.memory_space<hbm>> -> memref<1x4096xi32, #tpu.memory_space<hbm>>
    %dma_wait3A_561 = tpu.memref_squeeze %dma_wait3A_560 : memref<1x4096xi32, #tpu.memory_space<hbm>> -> memref<4096xi32, #tpu.memory_space<hbm>>
    %dma_wait3A_562 = arith.constant 0 : i32
    %dma_wait3A_563 = tpu.memref_slice %arg2[%dma_wait3A_558, %dma_wait3A_562] : memref<26x4096xi32, #tpu.memory_space<hbm>> -> memref<1x4096xi32, #tpu.memory_space<hbm>>
    %dma_wait3A_564 = tpu.memref_squeeze %dma_wait3A_563 : memref<1x4096xi32, #tpu.memory_space<hbm>> -> memref<4096xi32, #tpu.memory_space<hbm>>
    tpu.wait_dma2 semaphore(%arg13 : memref<!tpu.dma_semaphore, #tpu.memory_space<semaphore_mem>>) src(%dma_wait3A_564 : memref<4096xi32, #tpu.memory_space<hbm>>) dst(%arg8 : memref<4096xi32, #tpu.memory_space<vmem>>)
    %dma_wait3A_565 = arith.constant 8 : i32
    %dma_wait3A_566 = arith.constant 0 : i32
    %dma_wait3A_567 = tpu.memref_slice %arg5[%dma_wait3A_565, %add3A, %dma_wait3A_566] : memref<26x32x4096xf32, #tpu.memory_space<hbm>> -> memref<1x1x4096xf32, #tpu.memory_space<hbm>>
    %dma_wait3A_568 = tpu.memref_squeeze %dma_wait3A_567 : memref<1x1x4096xf32, #tpu.memory_space<hbm>> -> memref<4096xf32, #tpu.memory_space<hbm>>
    %dma_wait3A_569 = arith.constant 0 : i32
    %dma_wait3A_570 = tpu.memref_slice %arg5[%dma_wait3A_565, %add3A, %dma_wait3A_569] : memref<26x32x4096xf32, #tpu.memory_space<hbm>> -> memref<1x1x4096xf32, #tpu.memory_space<hbm>>
    %dma_wait3A_571 = tpu.memref_squeeze %dma_wait3A_570 : memref<1x1x4096xf32, #tpu.memory_space<hbm>> -> memref<4096xf32, #tpu.memory_space<hbm>>
    tpu.wait_dma2 semaphore(%arg15 : memref<!tpu.dma_semaphore, #tpu.memory_space<semaphore_mem>>) src(%arg10 : memref<4096xf32, #tpu.memory_space<vmem>>) dst(%dma_wait3A_571 : memref<4096xf32, #tpu.memory_space<hbm>>)
    %scan3A_572 = arith.constant 0 : i32
    %scan3A_573 = arith.constant 256 : i32
    %scan3A_574 = arith.addi %scan3A_572, %scan3A_573 : i32
    %scan3A_575 = arith.constant 1 : i32
    scf.for %scan3A_1376 = %scan3A_572 to %scan3A_574 step %scan3A_575  : i32 {
      %mul3A_1377 = arith.constant 1 : i32
      %mul3A_1378 = arith.muli %scan3A_1376, %mul3A_1377 : i32
      %add3A_1379 = arith.constant 0 : i32
      %add3A_1380 = arith.addi %add3A_1379, %mul3A_1378 : i32
      %mul3A_1381 = arith.constant 16 : i32
      %mul3A_1382 = arith.muli %add3A_1380, %mul3A_1381 : i32
      %get3A = arith.index_cast %mul3A_1382 : i32 to index
      %get3A_1383 = tpu.vector_load %arg8[%get3A] {strides = array<i32>} : memref<4096xi32, #tpu.memory_space<vmem>>, vector<16xi32>,
      %add3A_1384 = arith.constant 98 : i32
      %add3A_1385 = vector.broadcast %add3A_1384 : i32 to vector<16xi32>
      %add3A_1386 = arith.addi %get3A_1383, %add3A_1385 : vector<16xi32>
      %gather3A = tpu.vector_load_idx %arg6[%add3A_1386] : memref<38656xf32, #tpu.memory_space<vmem>>[vector<16xi32>], vector<16xf32>,
      %swap3A = arith.index_cast %mul3A_1382 : i32 to index
      %swap3A_1387 = tpu.vector_load %arg10[%swap3A] {strides = array<i32>} : memref<4096xf32, #tpu.memory_space<vmem>>, vector<16xf32>,
      tpu.vector_store %arg10[%swap3A], %gather3A {strides = array<i32>} : memref<4096xf32, #tpu.memory_space<vmem>>, vector<16xf32>,
    }
    %scan3A_576 = arith.constant 256 : i32
    %dma_start3A_577 = arith.constant 10 : i32
    %dma_start3A_578 = arith.constant 0 : i32
    %dma_start3A_579 = tpu.memref_slice %arg5[%dma_start3A_577, %add3A, %dma_start3A_578] : memref<26x32x4096xf32, #tpu.memory_space<hbm>> -> memref<1x1x4096xf32, #tpu.memory_space<hbm>>
    %dma_start3A_580 = tpu.memref_squeeze %dma_start3A_579 : memref<1x1x4096xf32, #tpu.memory_space<hbm>> -> memref<4096xf32, #tpu.memory_space<hbm>>
    %dma_start3A_581 = arith.constant 0 : i32
    %dma_start3A_582 = tpu.memref_slice %arg5[%dma_start3A_577, %add3A, %dma_start3A_581] : memref<26x32x4096xf32, #tpu.memory_space<hbm>> -> memref<1x1x4096xf32, #tpu.memory_space<hbm>>
    %dma_start3A_583 = tpu.memref_squeeze %dma_start3A_582 : memref<1x1x4096xf32, #tpu.memory_space<hbm>> -> memref<4096xf32, #tpu.memory_space<hbm>>
    tpu.enqueue_dma source(%arg10 : memref<4096xf32, #tpu.memory_space<vmem>>) target(%dma_start3A_583 : memref<4096xf32, #tpu.memory_space<hbm>>) target_semaphore(%arg15 : memref<!tpu.dma_semaphore, #tpu.memory_space<semaphore_mem>>)
    %dma_start3A_584 = arith.constant 0 : i32
    %dma_start3A_585 = tpu.memref_slice %arg6[%dma_start3A_584] : memref<38656xf32, #tpu.memory_space<vmem>> -> memref<38656xf32, #tpu.memory_space<vmem>>
    %dma_start3A_586 = arith.constant 461440 : i32
    %dma_start3A_587 = tpu.memref_slice %arg3[%add3A, %dma_start3A_586] : memref<32x1000000xf32, #tpu.memory_space<hbm>> -> memref<1x38656xf32, #tpu.memory_space<hbm>>
    %dma_start3A_588 = tpu.memref_squeeze %dma_start3A_587 : memref<1x38656xf32, #tpu.memory_space<hbm>> -> memref<38656xf32, #tpu.memory_space<hbm>>
    %dma_start3A_589 = arith.constant 0 : i32
    %dma_start3A_590 = tpu.memref_slice %arg6[%dma_start3A_589] : memref<38656xf32, #tpu.memory_space<vmem>> -> memref<38656xf32, #tpu.memory_space<vmem>>
    %dma_start3A_591 = arith.constant 461440 : i32
    %dma_start3A_592 = tpu.memref_slice %arg3[%add3A, %dma_start3A_591] : memref<32x1000000xf32, #tpu.memory_space<hbm>> -> memref<1x38656xf32, #tpu.memory_space<hbm>>
    %dma_start3A_593 = tpu.memref_squeeze %dma_start3A_592 : memref<1x38656xf32, #tpu.memory_space<hbm>> -> memref<38656xf32, #tpu.memory_space<hbm>>
    tpu.enqueue_dma source(%dma_start3A_593 : memref<38656xf32, #tpu.memory_space<hbm>>) target(%dma_start3A_590 : memref<38656xf32, #tpu.memory_space<vmem>>) target_semaphore(%arg13 : memref<!tpu.dma_semaphore, #tpu.memory_space<semaphore_mem>>)
    %dma_start3A_594 = arith.constant 12 : i32
    %dma_start3A_595 = arith.constant 0 : i32
    %dma_start3A_596 = tpu.memref_slice %arg2[%dma_start3A_594, %dma_start3A_595] : memref<26x4096xi32, #tpu.memory_space<hbm>> -> memref<1x4096xi32, #tpu.memory_space<hbm>>
    %dma_start3A_597 = tpu.memref_squeeze %dma_start3A_596 : memref<1x4096xi32, #tpu.memory_space<hbm>> -> memref<4096xi32, #tpu.memory_space<hbm>>
    %dma_start3A_598 = arith.constant 0 : i32
    %dma_start3A_599 = tpu.memref_slice %arg2[%dma_start3A_594, %dma_start3A_598] : memref<26x4096xi32, #tpu.memory_space<hbm>> -> memref<1x4096xi32, #tpu.memory_space<hbm>>
    %dma_start3A_600 = tpu.memref_squeeze %dma_start3A_599 : memref<1x4096xi32, #tpu.memory_space<hbm>> -> memref<4096xi32, #tpu.memory_space<hbm>>
    tpu.enqueue_dma source(%dma_start3A_600 : memref<4096xi32, #tpu.memory_space<hbm>>) target(%arg8 : memref<4096xi32, #tpu.memory_space<vmem>>) target_semaphore(%arg13 : memref<!tpu.dma_semaphore, #tpu.memory_space<semaphore_mem>>)
    %dma_wait3A_601 = arith.constant 0 : i32
    %dma_wait3A_602 = tpu.memref_slice %arg7[%dma_wait3A_601] : memref<38656xf32, #tpu.memory_space<vmem>> -> memref<38656xf32, #tpu.memory_space<vmem>>
    %dma_wait3A_603 = arith.constant 423040 : i32
    %dma_wait3A_604 = tpu.memref_slice %arg3[%add3A, %dma_wait3A_603] : memref<32x1000000xf32, #tpu.memory_space<hbm>> -> memref<1x38656xf32, #tpu.memory_space<hbm>>
    %dma_wait3A_605 = tpu.memref_squeeze %dma_wait3A_604 : memref<1x38656xf32, #tpu.memory_space<hbm>> -> memref<38656xf32, #tpu.memory_space<hbm>>
    %dma_wait3A_606 = arith.constant 0 : i32
    %dma_wait3A_607 = tpu.memref_slice %arg7[%dma_wait3A_606] : memref<38656xf32, #tpu.memory_space<vmem>> -> memref<38656xf32, #tpu.memory_space<vmem>>
    %dma_wait3A_608 = arith.constant 423040 : i32
    %dma_wait3A_609 = tpu.memref_slice %arg3[%add3A, %dma_wait3A_608] : memref<32x1000000xf32, #tpu.memory_space<hbm>> -> memref<1x38656xf32, #tpu.memory_space<hbm>>
    %dma_wait3A_610 = tpu.memref_squeeze %dma_wait3A_609 : memref<1x38656xf32, #tpu.memory_space<hbm>> -> memref<38656xf32, #tpu.memory_space<hbm>>
    tpu.wait_dma2 semaphore(%arg14 : memref<!tpu.dma_semaphore, #tpu.memory_space<semaphore_mem>>) src(%dma_wait3A_610 : memref<38656xf32, #tpu.memory_space<hbm>>) dst(%dma_wait3A_607 : memref<38656xf32, #tpu.memory_space<vmem>>)
    %dma_wait3A_611 = arith.constant 11 : i32
    %dma_wait3A_612 = arith.constant 0 : i32
    %dma_wait3A_613 = tpu.memref_slice %arg2[%dma_wait3A_611, %dma_wait3A_612] : memref<26x4096xi32, #tpu.memory_space<hbm>> -> memref<1x4096xi32, #tpu.memory_space<hbm>>
    %dma_wait3A_614 = tpu.memref_squeeze %dma_wait3A_613 : memref<1x4096xi32, #tpu.memory_space<hbm>> -> memref<4096xi32, #tpu.memory_space<hbm>>
    %dma_wait3A_615 = arith.constant 0 : i32
    %dma_wait3A_616 = tpu.memref_slice %arg2[%dma_wait3A_611, %dma_wait3A_615] : memref<26x4096xi32, #tpu.memory_space<hbm>> -> memref<1x4096xi32, #tpu.memory_space<hbm>>
    %dma_wait3A_617 = tpu.memref_squeeze %dma_wait3A_616 : memref<1x4096xi32, #tpu.memory_space<hbm>> -> memref<4096xi32, #tpu.memory_space<hbm>>
    tpu.wait_dma2 semaphore(%arg14 : memref<!tpu.dma_semaphore, #tpu.memory_space<semaphore_mem>>) src(%dma_wait3A_617 : memref<4096xi32, #tpu.memory_space<hbm>>) dst(%arg9 : memref<4096xi32, #tpu.memory_space<vmem>>)
    %dma_wait3A_618 = arith.constant 9 : i32
    %dma_wait3A_619 = arith.constant 0 : i32
    %dma_wait3A_620 = tpu.memref_slice %arg5[%dma_wait3A_618, %add3A, %dma_wait3A_619] : memref<26x32x4096xf32, #tpu.memory_space<hbm>> -> memref<1x1x4096xf32, #tpu.memory_space<hbm>>
    %dma_wait3A_621 = tpu.memref_squeeze %dma_wait3A_620 : memref<1x1x4096xf32, #tpu.memory_space<hbm>> -> memref<4096xf32, #tpu.memory_space<hbm>>
    %dma_wait3A_622 = arith.constant 0 : i32
    %dma_wait3A_623 = tpu.memref_slice %arg5[%dma_wait3A_618, %add3A, %dma_wait3A_622] : memref<26x32x4096xf32, #tpu.memory_space<hbm>> -> memref<1x1x4096xf32, #tpu.memory_space<hbm>>
    %dma_wait3A_624 = tpu.memref_squeeze %dma_wait3A_623 : memref<1x1x4096xf32, #tpu.memory_space<hbm>> -> memref<4096xf32, #tpu.memory_space<hbm>>
    tpu.wait_dma2 semaphore(%arg16 : memref<!tpu.dma_semaphore, #tpu.memory_space<semaphore_mem>>) src(%arg11 : memref<4096xf32, #tpu.memory_space<vmem>>) dst(%dma_wait3A_624 : memref<4096xf32, #tpu.memory_space<hbm>>)
    %scan3A_625 = arith.constant 0 : i32
    %scan3A_626 = arith.constant 256 : i32
    %scan3A_627 = arith.addi %scan3A_625, %scan3A_626 : i32
    %scan3A_628 = arith.constant 1 : i32
    scf.for %scan3A_1376 = %scan3A_625 to %scan3A_627 step %scan3A_628  : i32 {
      %mul3A_1377 = arith.constant 1 : i32
      %mul3A_1378 = arith.muli %scan3A_1376, %mul3A_1377 : i32
      %add3A_1379 = arith.constant 0 : i32
      %add3A_1380 = arith.addi %add3A_1379, %mul3A_1378 : i32
      %mul3A_1381 = arith.constant 16 : i32
      %mul3A_1382 = arith.muli %add3A_1380, %mul3A_1381 : i32
      %get3A = arith.index_cast %mul3A_1382 : i32 to index
      %get3A_1383 = tpu.vector_load %arg9[%get3A] {strides = array<i32>} : memref<4096xi32, #tpu.memory_space<vmem>>, vector<16xi32>,
      %add3A_1384 = arith.constant 31 : i32
      %add3A_1385 = vector.broadcast %add3A_1384 : i32 to vector<16xi32>
      %add3A_1386 = arith.addi %get3A_1383, %add3A_1385 : vector<16xi32>
      %gather3A = tpu.vector_load_idx %arg7[%add3A_1386] : memref<38656xf32, #tpu.memory_space<vmem>>[vector<16xi32>], vector<16xf32>,
      %swap3A = arith.index_cast %mul3A_1382 : i32 to index
      %swap3A_1387 = tpu.vector_load %arg11[%swap3A] {strides = array<i32>} : memref<4096xf32, #tpu.memory_space<vmem>>, vector<16xf32>,
      tpu.vector_store %arg11[%swap3A], %gather3A {strides = array<i32>} : memref<4096xf32, #tpu.memory_space<vmem>>, vector<16xf32>,
    }
    %scan3A_629 = arith.constant 256 : i32
    %dma_start3A_630 = arith.constant 11 : i32
    %dma_start3A_631 = arith.constant 0 : i32
    %dma_start3A_632 = tpu.memref_slice %arg5[%dma_start3A_630, %add3A, %dma_start3A_631] : memref<26x32x4096xf32, #tpu.memory_space<hbm>> -> memref<1x1x4096xf32, #tpu.memory_space<hbm>>
    %dma_start3A_633 = tpu.memref_squeeze %dma_start3A_632 : memref<1x1x4096xf32, #tpu.memory_space<hbm>> -> memref<4096xf32, #tpu.memory_space<hbm>>
    %dma_start3A_634 = arith.constant 0 : i32
    %dma_start3A_635 = tpu.memref_slice %arg5[%dma_start3A_630, %add3A, %dma_start3A_634] : memref<26x32x4096xf32, #tpu.memory_space<hbm>> -> memref<1x1x4096xf32, #tpu.memory_space<hbm>>
    %dma_start3A_636 = tpu.memref_squeeze %dma_start3A_635 : memref<1x1x4096xf32, #tpu.memory_space<hbm>> -> memref<4096xf32, #tpu.memory_space<hbm>>
    tpu.enqueue_dma source(%arg11 : memref<4096xf32, #tpu.memory_space<vmem>>) target(%dma_start3A_636 : memref<4096xf32, #tpu.memory_space<hbm>>) target_semaphore(%arg16 : memref<!tpu.dma_semaphore, #tpu.memory_space<semaphore_mem>>)
    %dma_start3A_637 = arith.constant 0 : i32
    %dma_start3A_638 = tpu.memref_slice %arg7[%dma_start3A_637] : memref<38656xf32, #tpu.memory_space<vmem>> -> memref<38656xf32, #tpu.memory_space<vmem>>
    %dma_start3A_639 = arith.constant 499968 : i32
    %dma_start3A_640 = tpu.memref_slice %arg3[%add3A, %dma_start3A_639] : memref<32x1000000xf32, #tpu.memory_space<hbm>> -> memref<1x38656xf32, #tpu.memory_space<hbm>>
    %dma_start3A_641 = tpu.memref_squeeze %dma_start3A_640 : memref<1x38656xf32, #tpu.memory_space<hbm>> -> memref<38656xf32, #tpu.memory_space<hbm>>
    %dma_start3A_642 = arith.constant 0 : i32
    %dma_start3A_643 = tpu.memref_slice %arg7[%dma_start3A_642] : memref<38656xf32, #tpu.memory_space<vmem>> -> memref<38656xf32, #tpu.memory_space<vmem>>
    %dma_start3A_644 = arith.constant 499968 : i32
    %dma_start3A_645 = tpu.memref_slice %arg3[%add3A, %dma_start3A_644] : memref<32x1000000xf32, #tpu.memory_space<hbm>> -> memref<1x38656xf32, #tpu.memory_space<hbm>>
    %dma_start3A_646 = tpu.memref_squeeze %dma_start3A_645 : memref<1x38656xf32, #tpu.memory_space<hbm>> -> memref<38656xf32, #tpu.memory_space<hbm>>
    tpu.enqueue_dma source(%dma_start3A_646 : memref<38656xf32, #tpu.memory_space<hbm>>) target(%dma_start3A_643 : memref<38656xf32, #tpu.memory_space<vmem>>) target_semaphore(%arg14 : memref<!tpu.dma_semaphore, #tpu.memory_space<semaphore_mem>>)
    %dma_start3A_647 = arith.constant 13 : i32
    %dma_start3A_648 = arith.constant 0 : i32
    %dma_start3A_649 = tpu.memref_slice %arg2[%dma_start3A_647, %dma_start3A_648] : memref<26x4096xi32, #tpu.memory_space<hbm>> -> memref<1x4096xi32, #tpu.memory_space<hbm>>
    %dma_start3A_650 = tpu.memref_squeeze %dma_start3A_649 : memref<1x4096xi32, #tpu.memory_space<hbm>> -> memref<4096xi32, #tpu.memory_space<hbm>>
    %dma_start3A_651 = arith.constant 0 : i32
    %dma_start3A_652 = tpu.memref_slice %arg2[%dma_start3A_647, %dma_start3A_651] : memref<26x4096xi32, #tpu.memory_space<hbm>> -> memref<1x4096xi32, #tpu.memory_space<hbm>>
    %dma_start3A_653 = tpu.memref_squeeze %dma_start3A_652 : memref<1x4096xi32, #tpu.memory_space<hbm>> -> memref<4096xi32, #tpu.memory_space<hbm>>
    tpu.enqueue_dma source(%dma_start3A_653 : memref<4096xi32, #tpu.memory_space<hbm>>) target(%arg9 : memref<4096xi32, #tpu.memory_space<vmem>>) target_semaphore(%arg14 : memref<!tpu.dma_semaphore, #tpu.memory_space<semaphore_mem>>)
    %dma_wait3A_654 = arith.constant 0 : i32
    %dma_wait3A_655 = tpu.memref_slice %arg6[%dma_wait3A_654] : memref<38656xf32, #tpu.memory_space<vmem>> -> memref<38656xf32, #tpu.memory_space<vmem>>
    %dma_wait3A_656 = arith.constant 461440 : i32
    %dma_wait3A_657 = tpu.memref_slice %arg3[%add3A, %dma_wait3A_656] : memref<32x1000000xf32, #tpu.memory_space<hbm>> -> memref<1x38656xf32, #tpu.memory_space<hbm>>
    %dma_wait3A_658 = tpu.memref_squeeze %dma_wait3A_657 : memref<1x38656xf32, #tpu.memory_space<hbm>> -> memref<38656xf32, #tpu.memory_space<hbm>>
    %dma_wait3A_659 = arith.constant 0 : i32
    %dma_wait3A_660 = tpu.memref_slice %arg6[%dma_wait3A_659] : memref<38656xf32, #tpu.memory_space<vmem>> -> memref<38656xf32, #tpu.memory_space<vmem>>
    %dma_wait3A_661 = arith.constant 461440 : i32
    %dma_wait3A_662 = tpu.memref_slice %arg3[%add3A, %dma_wait3A_661] : memref<32x1000000xf32, #tpu.memory_space<hbm>> -> memref<1x38656xf32, #tpu.memory_space<hbm>>
    %dma_wait3A_663 = tpu.memref_squeeze %dma_wait3A_662 : memref<1x38656xf32, #tpu.memory_space<hbm>> -> memref<38656xf32, #tpu.memory_space<hbm>>
    tpu.wait_dma2 semaphore(%arg13 : memref<!tpu.dma_semaphore, #tpu.memory_space<semaphore_mem>>) src(%dma_wait3A_663 : memref<38656xf32, #tpu.memory_space<hbm>>) dst(%dma_wait3A_660 : memref<38656xf32, #tpu.memory_space<vmem>>)
    %dma_wait3A_664 = arith.constant 12 : i32
    %dma_wait3A_665 = arith.constant 0 : i32
    %dma_wait3A_666 = tpu.memref_slice %arg2[%dma_wait3A_664, %dma_wait3A_665] : memref<26x4096xi32, #tpu.memory_space<hbm>> -> memref<1x4096xi32, #tpu.memory_space<hbm>>
    %dma_wait3A_667 = tpu.memref_squeeze %dma_wait3A_666 : memref<1x4096xi32, #tpu.memory_space<hbm>> -> memref<4096xi32, #tpu.memory_space<hbm>>
    %dma_wait3A_668 = arith.constant 0 : i32
    %dma_wait3A_669 = tpu.memref_slice %arg2[%dma_wait3A_664, %dma_wait3A_668] : memref<26x4096xi32, #tpu.memory_space<hbm>> -> memref<1x4096xi32, #tpu.memory_space<hbm>>
    %dma_wait3A_670 = tpu.memref_squeeze %dma_wait3A_669 : memref<1x4096xi32, #tpu.memory_space<hbm>> -> memref<4096xi32, #tpu.memory_space<hbm>>
    tpu.wait_dma2 semaphore(%arg13 : memref<!tpu.dma_semaphore, #tpu.memory_space<semaphore_mem>>) src(%dma_wait3A_670 : memref<4096xi32, #tpu.memory_space<hbm>>) dst(%arg8 : memref<4096xi32, #tpu.memory_space<vmem>>)
    %dma_wait3A_671 = arith.constant 10 : i32
    %dma_wait3A_672 = arith.constant 0 : i32
    %dma_wait3A_673 = tpu.memref_slice %arg5[%dma_wait3A_671, %add3A, %dma_wait3A_672] : memref<26x32x4096xf32, #tpu.memory_space<hbm>> -> memref<1x1x4096xf32, #tpu.memory_space<hbm>>
    %dma_wait3A_674 = tpu.memref_squeeze %dma_wait3A_673 : memref<1x1x4096xf32, #tpu.memory_space<hbm>> -> memref<4096xf32, #tpu.memory_space<hbm>>
    %dma_wait3A_675 = arith.constant 0 : i32
    %dma_wait3A_676 = tpu.memref_slice %arg5[%dma_wait3A_671, %add3A, %dma_wait3A_675] : memref<26x32x4096xf32, #tpu.memory_space<hbm>> -> memref<1x1x4096xf32, #tpu.memory_space<hbm>>
    %dma_wait3A_677 = tpu.memref_squeeze %dma_wait3A_676 : memref<1x1x4096xf32, #tpu.memory_space<hbm>> -> memref<4096xf32, #tpu.memory_space<hbm>>
    tpu.wait_dma2 semaphore(%arg15 : memref<!tpu.dma_semaphore, #tpu.memory_space<semaphore_mem>>) src(%arg10 : memref<4096xf32, #tpu.memory_space<vmem>>) dst(%dma_wait3A_677 : memref<4096xf32, #tpu.memory_space<hbm>>)
    %scan3A_678 = arith.constant 0 : i32
    %scan3A_679 = arith.constant 256 : i32
    %scan3A_680 = arith.addi %scan3A_678, %scan3A_679 : i32
    %scan3A_681 = arith.constant 1 : i32
    scf.for %scan3A_1376 = %scan3A_678 to %scan3A_680 step %scan3A_681  : i32 {
      %mul3A_1377 = arith.constant 1 : i32
      %mul3A_1378 = arith.muli %scan3A_1376, %mul3A_1377 : i32
      %add3A_1379 = arith.constant 0 : i32
      %add3A_1380 = arith.addi %add3A_1379, %mul3A_1378 : i32
      %mul3A_1381 = arith.constant 16 : i32
      %mul3A_1382 = arith.muli %add3A_1380, %mul3A_1381 : i32
      %get3A = arith.index_cast %mul3A_1382 : i32 to index
      %get3A_1383 = tpu.vector_load %arg8[%get3A] {strides = array<i32>} : memref<4096xi32, #tpu.memory_space<vmem>>, vector<16xi32>,
      %add3A_1384 = arith.constant 92 : i32
      %add3A_1385 = vector.broadcast %add3A_1384 : i32 to vector<16xi32>
      %add3A_1386 = arith.addi %get3A_1383, %add3A_1385 : vector<16xi32>
      %gather3A = tpu.vector_load_idx %arg6[%add3A_1386] : memref<38656xf32, #tpu.memory_space<vmem>>[vector<16xi32>], vector<16xf32>,
      %swap3A = arith.index_cast %mul3A_1382 : i32 to index
      %swap3A_1387 = tpu.vector_load %arg10[%swap3A] {strides = array<i32>} : memref<4096xf32, #tpu.memory_space<vmem>>, vector<16xf32>,
      tpu.vector_store %arg10[%swap3A], %gather3A {strides = array<i32>} : memref<4096xf32, #tpu.memory_space<vmem>>, vector<16xf32>,
    }
    %scan3A_682 = arith.constant 256 : i32
    %dma_start3A_683 = arith.constant 12 : i32
    %dma_start3A_684 = arith.constant 0 : i32
    %dma_start3A_685 = tpu.memref_slice %arg5[%dma_start3A_683, %add3A, %dma_start3A_684] : memref<26x32x4096xf32, #tpu.memory_space<hbm>> -> memref<1x1x4096xf32, #tpu.memory_space<hbm>>
    %dma_start3A_686 = tpu.memref_squeeze %dma_start3A_685 : memref<1x1x4096xf32, #tpu.memory_space<hbm>> -> memref<4096xf32, #tpu.memory_space<hbm>>
    %dma_start3A_687 = arith.constant 0 : i32
    %dma_start3A_688 = tpu.memref_slice %arg5[%dma_start3A_683, %add3A, %dma_start3A_687] : memref<26x32x4096xf32, #tpu.memory_space<hbm>> -> memref<1x1x4096xf32, #tpu.memory_space<hbm>>
    %dma_start3A_689 = tpu.memref_squeeze %dma_start3A_688 : memref<1x1x4096xf32, #tpu.memory_space<hbm>> -> memref<4096xf32, #tpu.memory_space<hbm>>
    tpu.enqueue_dma source(%arg10 : memref<4096xf32, #tpu.memory_space<vmem>>) target(%dma_start3A_689 : memref<4096xf32, #tpu.memory_space<hbm>>) target_semaphore(%arg15 : memref<!tpu.dma_semaphore, #tpu.memory_space<semaphore_mem>>)
    %dma_start3A_690 = arith.constant 0 : i32
    %dma_start3A_691 = tpu.memref_slice %arg6[%dma_start3A_690] : memref<38656xf32, #tpu.memory_space<vmem>> -> memref<38656xf32, #tpu.memory_space<vmem>>
    %dma_start3A_692 = arith.constant 538368 : i32
    %dma_start3A_693 = tpu.memref_slice %arg3[%add3A, %dma_start3A_692] : memref<32x1000000xf32, #tpu.memory_space<hbm>> -> memref<1x38656xf32, #tpu.memory_space<hbm>>
    %dma_start3A_694 = tpu.memref_squeeze %dma_start3A_693 : memref<1x38656xf32, #tpu.memory_space<hbm>> -> memref<38656xf32, #tpu.memory_space<hbm>>
    %dma_start3A_695 = arith.constant 0 : i32
    %dma_start3A_696 = tpu.memref_slice %arg6[%dma_start3A_695] : memref<38656xf32, #tpu.memory_space<vmem>> -> memref<38656xf32, #tpu.memory_space<vmem>>
    %dma_start3A_697 = arith.constant 538368 : i32
    %dma_start3A_698 = tpu.memref_slice %arg3[%add3A, %dma_start3A_697] : memref<32x1000000xf32, #tpu.memory_space<hbm>> -> memref<1x38656xf32, #tpu.memory_space<hbm>>
    %dma_start3A_699 = tpu.memref_squeeze %dma_start3A_698 : memref<1x38656xf32, #tpu.memory_space<hbm>> -> memref<38656xf32, #tpu.memory_space<hbm>>
    tpu.enqueue_dma source(%dma_start3A_699 : memref<38656xf32, #tpu.memory_space<hbm>>) target(%dma_start3A_696 : memref<38656xf32, #tpu.memory_space<vmem>>) target_semaphore(%arg13 : memref<!tpu.dma_semaphore, #tpu.memory_space<semaphore_mem>>)
    %dma_start3A_700 = arith.constant 14 : i32
    %dma_start3A_701 = arith.constant 0 : i32
    %dma_start3A_702 = tpu.memref_slice %arg2[%dma_start3A_700, %dma_start3A_701] : memref<26x4096xi32, #tpu.memory_space<hbm>> -> memref<1x4096xi32, #tpu.memory_space<hbm>>
    %dma_start3A_703 = tpu.memref_squeeze %dma_start3A_702 : memref<1x4096xi32, #tpu.memory_space<hbm>> -> memref<4096xi32, #tpu.memory_space<hbm>>
    %dma_start3A_704 = arith.constant 0 : i32
    %dma_start3A_705 = tpu.memref_slice %arg2[%dma_start3A_700, %dma_start3A_704] : memref<26x4096xi32, #tpu.memory_space<hbm>> -> memref<1x4096xi32, #tpu.memory_space<hbm>>
    %dma_start3A_706 = tpu.memref_squeeze %dma_start3A_705 : memref<1x4096xi32, #tpu.memory_space<hbm>> -> memref<4096xi32, #tpu.memory_space<hbm>>
    tpu.enqueue_dma source(%dma_start3A_706 : memref<4096xi32, #tpu.memory_space<hbm>>) target(%arg8 : memref<4096xi32, #tpu.memory_space<vmem>>) target_semaphore(%arg13 : memref<!tpu.dma_semaphore, #tpu.memory_space<semaphore_mem>>)
    %dma_wait3A_707 = arith.constant 0 : i32
    %dma_wait3A_708 = tpu.memref_slice %arg7[%dma_wait3A_707] : memref<38656xf32, #tpu.memory_space<vmem>> -> memref<38656xf32, #tpu.memory_space<vmem>>
    %dma_wait3A_709 = arith.constant 499968 : i32
    %dma_wait3A_710 = tpu.memref_slice %arg3[%add3A, %dma_wait3A_709] : memref<32x1000000xf32, #tpu.memory_space<hbm>> -> memref<1x38656xf32, #tpu.memory_space<hbm>>
    %dma_wait3A_711 = tpu.memref_squeeze %dma_wait3A_710 : memref<1x38656xf32, #tpu.memory_space<hbm>> -> memref<38656xf32, #tpu.memory_space<hbm>>
    %dma_wait3A_712 = arith.constant 0 : i32
    %dma_wait3A_713 = tpu.memref_slice %arg7[%dma_wait3A_712] : memref<38656xf32, #tpu.memory_space<vmem>> -> memref<38656xf32, #tpu.memory_space<vmem>>
    %dma_wait3A_714 = arith.constant 499968 : i32
    %dma_wait3A_715 = tpu.memref_slice %arg3[%add3A, %dma_wait3A_714] : memref<32x1000000xf32, #tpu.memory_space<hbm>> -> memref<1x38656xf32, #tpu.memory_space<hbm>>
    %dma_wait3A_716 = tpu.memref_squeeze %dma_wait3A_715 : memref<1x38656xf32, #tpu.memory_space<hbm>> -> memref<38656xf32, #tpu.memory_space<hbm>>
    tpu.wait_dma2 semaphore(%arg14 : memref<!tpu.dma_semaphore, #tpu.memory_space<semaphore_mem>>) src(%dma_wait3A_716 : memref<38656xf32, #tpu.memory_space<hbm>>) dst(%dma_wait3A_713 : memref<38656xf32, #tpu.memory_space<vmem>>)
    %dma_wait3A_717 = arith.constant 13 : i32
    %dma_wait3A_718 = arith.constant 0 : i32
    %dma_wait3A_719 = tpu.memref_slice %arg2[%dma_wait3A_717, %dma_wait3A_718] : memref<26x4096xi32, #tpu.memory_space<hbm>> -> memref<1x4096xi32, #tpu.memory_space<hbm>>
    %dma_wait3A_720 = tpu.memref_squeeze %dma_wait3A_719 : memref<1x4096xi32, #tpu.memory_space<hbm>> -> memref<4096xi32, #tpu.memory_space<hbm>>
    %dma_wait3A_721 = arith.constant 0 : i32
    %dma_wait3A_722 = tpu.memref_slice %arg2[%dma_wait3A_717, %dma_wait3A_721] : memref<26x4096xi32, #tpu.memory_space<hbm>> -> memref<1x4096xi32, #tpu.memory_space<hbm>>
    %dma_wait3A_723 = tpu.memref_squeeze %dma_wait3A_722 : memref<1x4096xi32, #tpu.memory_space<hbm>> -> memref<4096xi32, #tpu.memory_space<hbm>>
    tpu.wait_dma2 semaphore(%arg14 : memref<!tpu.dma_semaphore, #tpu.memory_space<semaphore_mem>>) src(%dma_wait3A_723 : memref<4096xi32, #tpu.memory_space<hbm>>) dst(%arg9 : memref<4096xi32, #tpu.memory_space<vmem>>)
    %dma_wait3A_724 = arith.constant 11 : i32
    %dma_wait3A_725 = arith.constant 0 : i32
    %dma_wait3A_726 = tpu.memref_slice %arg5[%dma_wait3A_724, %add3A, %dma_wait3A_725] : memref<26x32x4096xf32, #tpu.memory_space<hbm>> -> memref<1x1x4096xf32, #tpu.memory_space<hbm>>
    %dma_wait3A_727 = tpu.memref_squeeze %dma_wait3A_726 : memref<1x1x4096xf32, #tpu.memory_space<hbm>> -> memref<4096xf32, #tpu.memory_space<hbm>>
    %dma_wait3A_728 = arith.constant 0 : i32
    %dma_wait3A_729 = tpu.memref_slice %arg5[%dma_wait3A_724, %add3A, %dma_wait3A_728] : memref<26x32x4096xf32, #tpu.memory_space<hbm>> -> memref<1x1x4096xf32, #tpu.memory_space<hbm>>
    %dma_wait3A_730 = tpu.memref_squeeze %dma_wait3A_729 : memref<1x1x4096xf32, #tpu.memory_space<hbm>> -> memref<4096xf32, #tpu.memory_space<hbm>>
    tpu.wait_dma2 semaphore(%arg16 : memref<!tpu.dma_semaphore, #tpu.memory_space<semaphore_mem>>) src(%arg11 : memref<4096xf32, #tpu.memory_space<vmem>>) dst(%dma_wait3A_730 : memref<4096xf32, #tpu.memory_space<hbm>>)
    %scan3A_731 = arith.constant 0 : i32
    %scan3A_732 = arith.constant 256 : i32
    %scan3A_733 = arith.addi %scan3A_731, %scan3A_732 : i32
    %scan3A_734 = arith.constant 1 : i32
    scf.for %scan3A_1376 = %scan3A_731 to %scan3A_733 step %scan3A_734  : i32 {
      %mul3A_1377 = arith.constant 1 : i32
      %mul3A_1378 = arith.muli %scan3A_1376, %mul3A_1377 : i32
      %add3A_1379 = arith.constant 0 : i32
      %add3A_1380 = arith.addi %add3A_1379, %mul3A_1378 : i32
      %mul3A_1381 = arith.constant 16 : i32
      %mul3A_1382 = arith.muli %add3A_1380, %mul3A_1381 : i32
      %get3A = arith.index_cast %mul3A_1382 : i32 to index
      %get3A_1383 = tpu.vector_load %arg9[%get3A] {strides = array<i32>} : memref<4096xi32, #tpu.memory_space<vmem>>, vector<16xi32>,
      %add3A_1384 = arith.constant 25 : i32
      %add3A_1385 = vector.broadcast %add3A_1384 : i32 to vector<16xi32>
      %add3A_1386 = arith.addi %get3A_1383, %add3A_1385 : vector<16xi32>
      %gather3A = tpu.vector_load_idx %arg7[%add3A_1386] : memref<38656xf32, #tpu.memory_space<vmem>>[vector<16xi32>], vector<16xf32>,
      %swap3A = arith.index_cast %mul3A_1382 : i32 to index
      %swap3A_1387 = tpu.vector_load %arg11[%swap3A] {strides = array<i32>} : memref<4096xf32, #tpu.memory_space<vmem>>, vector<16xf32>,
      tpu.vector_store %arg11[%swap3A], %gather3A {strides = array<i32>} : memref<4096xf32, #tpu.memory_space<vmem>>, vector<16xf32>,
    }
    %scan3A_735 = arith.constant 256 : i32
    %dma_start3A_736 = arith.constant 13 : i32
    %dma_start3A_737 = arith.constant 0 : i32
    %dma_start3A_738 = tpu.memref_slice %arg5[%dma_start3A_736, %add3A, %dma_start3A_737] : memref<26x32x4096xf32, #tpu.memory_space<hbm>> -> memref<1x1x4096xf32, #tpu.memory_space<hbm>>
    %dma_start3A_739 = tpu.memref_squeeze %dma_start3A_738 : memref<1x1x4096xf32, #tpu.memory_space<hbm>> -> memref<4096xf32, #tpu.memory_space<hbm>>
    %dma_start3A_740 = arith.constant 0 : i32
    %dma_start3A_741 = tpu.memref_slice %arg5[%dma_start3A_736, %add3A, %dma_start3A_740] : memref<26x32x4096xf32, #tpu.memory_space<hbm>> -> memref<1x1x4096xf32, #tpu.memory_space<hbm>>
    %dma_start3A_742 = tpu.memref_squeeze %dma_start3A_741 : memref<1x1x4096xf32, #tpu.memory_space<hbm>> -> memref<4096xf32, #tpu.memory_space<hbm>>
    tpu.enqueue_dma source(%arg11 : memref<4096xf32, #tpu.memory_space<vmem>>) target(%dma_start3A_742 : memref<4096xf32, #tpu.memory_space<hbm>>) target_semaphore(%arg16 : memref<!tpu.dma_semaphore, #tpu.memory_space<semaphore_mem>>)
    %dma_start3A_743 = arith.constant 0 : i32
    %dma_start3A_744 = tpu.memref_slice %arg7[%dma_start3A_743] : memref<38656xf32, #tpu.memory_space<vmem>> -> memref<38656xf32, #tpu.memory_space<vmem>>
    %dma_start3A_745 = arith.constant 576896 : i32
    %dma_start3A_746 = tpu.memref_slice %arg3[%add3A, %dma_start3A_745] : memref<32x1000000xf32, #tpu.memory_space<hbm>> -> memref<1x38656xf32, #tpu.memory_space<hbm>>
    %dma_start3A_747 = tpu.memref_squeeze %dma_start3A_746 : memref<1x38656xf32, #tpu.memory_space<hbm>> -> memref<38656xf32, #tpu.memory_space<hbm>>
    %dma_start3A_748 = arith.constant 0 : i32
    %dma_start3A_749 = tpu.memref_slice %arg7[%dma_start3A_748] : memref<38656xf32, #tpu.memory_space<vmem>> -> memref<38656xf32, #tpu.memory_space<vmem>>
    %dma_start3A_750 = arith.constant 576896 : i32
    %dma_start3A_751 = tpu.memref_slice %arg3[%add3A, %dma_start3A_750] : memref<32x1000000xf32, #tpu.memory_space<hbm>> -> memref<1x38656xf32, #tpu.memory_space<hbm>>
    %dma_start3A_752 = tpu.memref_squeeze %dma_start3A_751 : memref<1x38656xf32, #tpu.memory_space<hbm>> -> memref<38656xf32, #tpu.memory_space<hbm>>
    tpu.enqueue_dma source(%dma_start3A_752 : memref<38656xf32, #tpu.memory_space<hbm>>) target(%dma_start3A_749 : memref<38656xf32, #tpu.memory_space<vmem>>) target_semaphore(%arg14 : memref<!tpu.dma_semaphore, #tpu.memory_space<semaphore_mem>>)
    %dma_start3A_753 = arith.constant 15 : i32
    %dma_start3A_754 = arith.constant 0 : i32
    %dma_start3A_755 = tpu.memref_slice %arg2[%dma_start3A_753, %dma_start3A_754] : memref<26x4096xi32, #tpu.memory_space<hbm>> -> memref<1x4096xi32, #tpu.memory_space<hbm>>
    %dma_start3A_756 = tpu.memref_squeeze %dma_start3A_755 : memref<1x4096xi32, #tpu.memory_space<hbm>> -> memref<4096xi32, #tpu.memory_space<hbm>>
    %dma_start3A_757 = arith.constant 0 : i32
    %dma_start3A_758 = tpu.memref_slice %arg2[%dma_start3A_753, %dma_start3A_757] : memref<26x4096xi32, #tpu.memory_space<hbm>> -> memref<1x4096xi32, #tpu.memory_space<hbm>>
    %dma_start3A_759 = tpu.memref_squeeze %dma_start3A_758 : memref<1x4096xi32, #tpu.memory_space<hbm>> -> memref<4096xi32, #tpu.memory_space<hbm>>
    tpu.enqueue_dma source(%dma_start3A_759 : memref<4096xi32, #tpu.memory_space<hbm>>) target(%arg9 : memref<4096xi32, #tpu.memory_space<vmem>>) target_semaphore(%arg14 : memref<!tpu.dma_semaphore, #tpu.memory_space<semaphore_mem>>)
    %dma_wait3A_760 = arith.constant 0 : i32
    %dma_wait3A_761 = tpu.memref_slice %arg6[%dma_wait3A_760] : memref<38656xf32, #tpu.memory_space<vmem>> -> memref<38656xf32, #tpu.memory_space<vmem>>
    %dma_wait3A_762 = arith.constant 538368 : i32
    %dma_wait3A_763 = tpu.memref_slice %arg3[%add3A, %dma_wait3A_762] : memref<32x1000000xf32, #tpu.memory_space<hbm>> -> memref<1x38656xf32, #tpu.memory_space<hbm>>
    %dma_wait3A_764 = tpu.memref_squeeze %dma_wait3A_763 : memref<1x38656xf32, #tpu.memory_space<hbm>> -> memref<38656xf32, #tpu.memory_space<hbm>>
    %dma_wait3A_765 = arith.constant 0 : i32
    %dma_wait3A_766 = tpu.memref_slice %arg6[%dma_wait3A_765] : memref<38656xf32, #tpu.memory_space<vmem>> -> memref<38656xf32, #tpu.memory_space<vmem>>
    %dma_wait3A_767 = arith.constant 538368 : i32
    %dma_wait3A_768 = tpu.memref_slice %arg3[%add3A, %dma_wait3A_767] : memref<32x1000000xf32, #tpu.memory_space<hbm>> -> memref<1x38656xf32, #tpu.memory_space<hbm>>
    %dma_wait3A_769 = tpu.memref_squeeze %dma_wait3A_768 : memref<1x38656xf32, #tpu.memory_space<hbm>> -> memref<38656xf32, #tpu.memory_space<hbm>>
    tpu.wait_dma2 semaphore(%arg13 : memref<!tpu.dma_semaphore, #tpu.memory_space<semaphore_mem>>) src(%dma_wait3A_769 : memref<38656xf32, #tpu.memory_space<hbm>>) dst(%dma_wait3A_766 : memref<38656xf32, #tpu.memory_space<vmem>>)
    %dma_wait3A_770 = arith.constant 14 : i32
    %dma_wait3A_771 = arith.constant 0 : i32
    %dma_wait3A_772 = tpu.memref_slice %arg2[%dma_wait3A_770, %dma_wait3A_771] : memref<26x4096xi32, #tpu.memory_space<hbm>> -> memref<1x4096xi32, #tpu.memory_space<hbm>>
    %dma_wait3A_773 = tpu.memref_squeeze %dma_wait3A_772 : memref<1x4096xi32, #tpu.memory_space<hbm>> -> memref<4096xi32, #tpu.memory_space<hbm>>
    %dma_wait3A_774 = arith.constant 0 : i32
    %dma_wait3A_775 = tpu.memref_slice %arg2[%dma_wait3A_770, %dma_wait3A_774] : memref<26x4096xi32, #tpu.memory_space<hbm>> -> memref<1x4096xi32, #tpu.memory_space<hbm>>
    %dma_wait3A_776 = tpu.memref_squeeze %dma_wait3A_775 : memref<1x4096xi32, #tpu.memory_space<hbm>> -> memref<4096xi32, #tpu.memory_space<hbm>>
    tpu.wait_dma2 semaphore(%arg13 : memref<!tpu.dma_semaphore, #tpu.memory_space<semaphore_mem>>) src(%dma_wait3A_776 : memref<4096xi32, #tpu.memory_space<hbm>>) dst(%arg8 : memref<4096xi32, #tpu.memory_space<vmem>>)
    %dma_wait3A_777 = arith.constant 12 : i32
    %dma_wait3A_778 = arith.constant 0 : i32
    %dma_wait3A_779 = tpu.memref_slice %arg5[%dma_wait3A_777, %add3A, %dma_wait3A_778] : memref<26x32x4096xf32, #tpu.memory_space<hbm>> -> memref<1x1x4096xf32, #tpu.memory_space<hbm>>
    %dma_wait3A_780 = tpu.memref_squeeze %dma_wait3A_779 : memref<1x1x4096xf32, #tpu.memory_space<hbm>> -> memref<4096xf32, #tpu.memory_space<hbm>>
    %dma_wait3A_781 = arith.constant 0 : i32
    %dma_wait3A_782 = tpu.memref_slice %arg5[%dma_wait3A_777, %add3A, %dma_wait3A_781] : memref<26x32x4096xf32, #tpu.memory_space<hbm>> -> memref<1x1x4096xf32, #tpu.memory_space<hbm>>
    %dma_wait3A_783 = tpu.memref_squeeze %dma_wait3A_782 : memref<1x1x4096xf32, #tpu.memory_space<hbm>> -> memref<4096xf32, #tpu.memory_space<hbm>>
    tpu.wait_dma2 semaphore(%arg15 : memref<!tpu.dma_semaphore, #tpu.memory_space<semaphore_mem>>) src(%arg10 : memref<4096xf32, #tpu.memory_space<vmem>>) dst(%dma_wait3A_783 : memref<4096xf32, #tpu.memory_space<hbm>>)
    %scan3A_784 = arith.constant 0 : i32
    %scan3A_785 = arith.constant 256 : i32
    %scan3A_786 = arith.addi %scan3A_784, %scan3A_785 : i32
    %scan3A_787 = arith.constant 1 : i32
    scf.for %scan3A_1376 = %scan3A_784 to %scan3A_786 step %scan3A_787  : i32 {
      %mul3A_1377 = arith.constant 1 : i32
      %mul3A_1378 = arith.muli %scan3A_1376, %mul3A_1377 : i32
      %add3A_1379 = arith.constant 0 : i32
      %add3A_1380 = arith.addi %add3A_1379, %mul3A_1378 : i32
      %mul3A_1381 = arith.constant 16 : i32
      %mul3A_1382 = arith.muli %add3A_1380, %mul3A_1381 : i32
      %get3A = arith.index_cast %mul3A_1382 : i32 to index
      %get3A_1383 = tpu.vector_load %arg8[%get3A] {strides = array<i32>} : memref<4096xi32, #tpu.memory_space<vmem>>, vector<16xi32>,
      %add3A_1384 = arith.constant 86 : i32
      %add3A_1385 = vector.broadcast %add3A_1384 : i32 to vector<16xi32>
      %add3A_1386 = arith.addi %get3A_1383, %add3A_1385 : vector<16xi32>
      %gather3A = tpu.vector_load_idx %arg6[%add3A_1386] : memref<38656xf32, #tpu.memory_space<vmem>>[vector<16xi32>], vector<16xf32>,
      %swap3A = arith.index_cast %mul3A_1382 : i32 to index
      %swap3A_1387 = tpu.vector_load %arg10[%swap3A] {strides = array<i32>} : memref<4096xf32, #tpu.memory_space<vmem>>, vector<16xf32>,
      tpu.vector_store %arg10[%swap3A], %gather3A {strides = array<i32>} : memref<4096xf32, #tpu.memory_space<vmem>>, vector<16xf32>,
    }
    %scan3A_788 = arith.constant 256 : i32
    %dma_start3A_789 = arith.constant 14 : i32
    %dma_start3A_790 = arith.constant 0 : i32
    %dma_start3A_791 = tpu.memref_slice %arg5[%dma_start3A_789, %add3A, %dma_start3A_790] : memref<26x32x4096xf32, #tpu.memory_space<hbm>> -> memref<1x1x4096xf32, #tpu.memory_space<hbm>>
    %dma_start3A_792 = tpu.memref_squeeze %dma_start3A_791 : memref<1x1x4096xf32, #tpu.memory_space<hbm>> -> memref<4096xf32, #tpu.memory_space<hbm>>
    %dma_start3A_793 = arith.constant 0 : i32
    %dma_start3A_794 = tpu.memref_slice %arg5[%dma_start3A_789, %add3A, %dma_start3A_793] : memref<26x32x4096xf32, #tpu.memory_space<hbm>> -> memref<1x1x4096xf32, #tpu.memory_space<hbm>>
    %dma_start3A_795 = tpu.memref_squeeze %dma_start3A_794 : memref<1x1x4096xf32, #tpu.memory_space<hbm>> -> memref<4096xf32, #tpu.memory_space<hbm>>
    tpu.enqueue_dma source(%arg10 : memref<4096xf32, #tpu.memory_space<vmem>>) target(%dma_start3A_795 : memref<4096xf32, #tpu.memory_space<hbm>>) target_semaphore(%arg15 : memref<!tpu.dma_semaphore, #tpu.memory_space<semaphore_mem>>)
    %dma_start3A_796 = arith.constant 0 : i32
    %dma_start3A_797 = tpu.memref_slice %arg6[%dma_start3A_796] : memref<38656xf32, #tpu.memory_space<vmem>> -> memref<38656xf32, #tpu.memory_space<vmem>>
    %dma_start3A_798 = arith.constant 615296 : i32
    %dma_start3A_799 = tpu.memref_slice %arg3[%add3A, %dma_start3A_798] : memref<32x1000000xf32, #tpu.memory_space<hbm>> -> memref<1x38656xf32, #tpu.memory_space<hbm>>
    %dma_start3A_800 = tpu.memref_squeeze %dma_start3A_799 : memref<1x38656xf32, #tpu.memory_space<hbm>> -> memref<38656xf32, #tpu.memory_space<hbm>>
    %dma_start3A_801 = arith.constant 0 : i32
    %dma_start3A_802 = tpu.memref_slice %arg6[%dma_start3A_801] : memref<38656xf32, #tpu.memory_space<vmem>> -> memref<38656xf32, #tpu.memory_space<vmem>>
    %dma_start3A_803 = arith.constant 615296 : i32
    %dma_start3A_804 = tpu.memref_slice %arg3[%add3A, %dma_start3A_803] : memref<32x1000000xf32, #tpu.memory_space<hbm>> -> memref<1x38656xf32, #tpu.memory_space<hbm>>
    %dma_start3A_805 = tpu.memref_squeeze %dma_start3A_804 : memref<1x38656xf32, #tpu.memory_space<hbm>> -> memref<38656xf32, #tpu.memory_space<hbm>>
    tpu.enqueue_dma source(%dma_start3A_805 : memref<38656xf32, #tpu.memory_space<hbm>>) target(%dma_start3A_802 : memref<38656xf32, #tpu.memory_space<vmem>>) target_semaphore(%arg13 : memref<!tpu.dma_semaphore, #tpu.memory_space<semaphore_mem>>)
    %dma_start3A_806 = arith.constant 16 : i32
    %dma_start3A_807 = arith.constant 0 : i32
    %dma_start3A_808 = tpu.memref_slice %arg2[%dma_start3A_806, %dma_start3A_807] : memref<26x4096xi32, #tpu.memory_space<hbm>> -> memref<1x4096xi32, #tpu.memory_space<hbm>>
    %dma_start3A_809 = tpu.memref_squeeze %dma_start3A_808 : memref<1x4096xi32, #tpu.memory_space<hbm>> -> memref<4096xi32, #tpu.memory_space<hbm>>
    %dma_start3A_810 = arith.constant 0 : i32
    %dma_start3A_811 = tpu.memref_slice %arg2[%dma_start3A_806, %dma_start3A_810] : memref<26x4096xi32, #tpu.memory_space<hbm>> -> memref<1x4096xi32, #tpu.memory_space<hbm>>
    %dma_start3A_812 = tpu.memref_squeeze %dma_start3A_811 : memref<1x4096xi32, #tpu.memory_space<hbm>> -> memref<4096xi32, #tpu.memory_space<hbm>>
    tpu.enqueue_dma source(%dma_start3A_812 : memref<4096xi32, #tpu.memory_space<hbm>>) target(%arg8 : memref<4096xi32, #tpu.memory_space<vmem>>) target_semaphore(%arg13 : memref<!tpu.dma_semaphore, #tpu.memory_space<semaphore_mem>>)
    %dma_wait3A_813 = arith.constant 0 : i32
    %dma_wait3A_814 = tpu.memref_slice %arg7[%dma_wait3A_813] : memref<38656xf32, #tpu.memory_space<vmem>> -> memref<38656xf32, #tpu.memory_space<vmem>>
    %dma_wait3A_815 = arith.constant 576896 : i32
    %dma_wait3A_816 = tpu.memref_slice %arg3[%add3A, %dma_wait3A_815] : memref<32x1000000xf32, #tpu.memory_space<hbm>> -> memref<1x38656xf32, #tpu.memory_space<hbm>>
    %dma_wait3A_817 = tpu.memref_squeeze %dma_wait3A_816 : memref<1x38656xf32, #tpu.memory_space<hbm>> -> memref<38656xf32, #tpu.memory_space<hbm>>
    %dma_wait3A_818 = arith.constant 0 : i32
    %dma_wait3A_819 = tpu.memref_slice %arg7[%dma_wait3A_818] : memref<38656xf32, #tpu.memory_space<vmem>> -> memref<38656xf32, #tpu.memory_space<vmem>>
    %dma_wait3A_820 = arith.constant 576896 : i32
    %dma_wait3A_821 = tpu.memref_slice %arg3[%add3A, %dma_wait3A_820] : memref<32x1000000xf32, #tpu.memory_space<hbm>> -> memref<1x38656xf32, #tpu.memory_space<hbm>>
    %dma_wait3A_822 = tpu.memref_squeeze %dma_wait3A_821 : memref<1x38656xf32, #tpu.memory_space<hbm>> -> memref<38656xf32, #tpu.memory_space<hbm>>
    tpu.wait_dma2 semaphore(%arg14 : memref<!tpu.dma_semaphore, #tpu.memory_space<semaphore_mem>>) src(%dma_wait3A_822 : memref<38656xf32, #tpu.memory_space<hbm>>) dst(%dma_wait3A_819 : memref<38656xf32, #tpu.memory_space<vmem>>)
    %dma_wait3A_823 = arith.constant 15 : i32
    %dma_wait3A_824 = arith.constant 0 : i32
    %dma_wait3A_825 = tpu.memref_slice %arg2[%dma_wait3A_823, %dma_wait3A_824] : memref<26x4096xi32, #tpu.memory_space<hbm>> -> memref<1x4096xi32, #tpu.memory_space<hbm>>
    %dma_wait3A_826 = tpu.memref_squeeze %dma_wait3A_825 : memref<1x4096xi32, #tpu.memory_space<hbm>> -> memref<4096xi32, #tpu.memory_space<hbm>>
    %dma_wait3A_827 = arith.constant 0 : i32
    %dma_wait3A_828 = tpu.memref_slice %arg2[%dma_wait3A_823, %dma_wait3A_827] : memref<26x4096xi32, #tpu.memory_space<hbm>> -> memref<1x4096xi32, #tpu.memory_space<hbm>>
    %dma_wait3A_829 = tpu.memref_squeeze %dma_wait3A_828 : memref<1x4096xi32, #tpu.memory_space<hbm>> -> memref<4096xi32, #tpu.memory_space<hbm>>
    tpu.wait_dma2 semaphore(%arg14 : memref<!tpu.dma_semaphore, #tpu.memory_space<semaphore_mem>>) src(%dma_wait3A_829 : memref<4096xi32, #tpu.memory_space<hbm>>) dst(%arg9 : memref<4096xi32, #tpu.memory_space<vmem>>)
    %dma_wait3A_830 = arith.constant 13 : i32
    %dma_wait3A_831 = arith.constant 0 : i32
    %dma_wait3A_832 = tpu.memref_slice %arg5[%dma_wait3A_830, %add3A, %dma_wait3A_831] : memref<26x32x4096xf32, #tpu.memory_space<hbm>> -> memref<1x1x4096xf32, #tpu.memory_space<hbm>>
    %dma_wait3A_833 = tpu.memref_squeeze %dma_wait3A_832 : memref<1x1x4096xf32, #tpu.memory_space<hbm>> -> memref<4096xf32, #tpu.memory_space<hbm>>
    %dma_wait3A_834 = arith.constant 0 : i32
    %dma_wait3A_835 = tpu.memref_slice %arg5[%dma_wait3A_830, %add3A, %dma_wait3A_834] : memref<26x32x4096xf32, #tpu.memory_space<hbm>> -> memref<1x1x4096xf32, #tpu.memory_space<hbm>>
    %dma_wait3A_836 = tpu.memref_squeeze %dma_wait3A_835 : memref<1x1x4096xf32, #tpu.memory_space<hbm>> -> memref<4096xf32, #tpu.memory_space<hbm>>
    tpu.wait_dma2 semaphore(%arg16 : memref<!tpu.dma_semaphore, #tpu.memory_space<semaphore_mem>>) src(%arg11 : memref<4096xf32, #tpu.memory_space<vmem>>) dst(%dma_wait3A_836 : memref<4096xf32, #tpu.memory_space<hbm>>)
    %scan3A_837 = arith.constant 0 : i32
    %scan3A_838 = arith.constant 256 : i32
    %scan3A_839 = arith.addi %scan3A_837, %scan3A_838 : i32
    %scan3A_840 = arith.constant 1 : i32
    scf.for %scan3A_1376 = %scan3A_837 to %scan3A_839 step %scan3A_840  : i32 {
      %mul3A_1377 = arith.constant 1 : i32
      %mul3A_1378 = arith.muli %scan3A_1376, %mul3A_1377 : i32
      %add3A_1379 = arith.constant 0 : i32
      %add3A_1380 = arith.addi %add3A_1379, %mul3A_1378 : i32
      %mul3A_1381 = arith.constant 16 : i32
      %mul3A_1382 = arith.muli %add3A_1380, %mul3A_1381 : i32
      %get3A = arith.index_cast %mul3A_1382 : i32 to index
      %get3A_1383 = tpu.vector_load %arg9[%get3A] {strides = array<i32>} : memref<4096xi32, #tpu.memory_space<vmem>>, vector<16xi32>,
      %add3A_1384 = arith.constant 19 : i32
      %add3A_1385 = vector.broadcast %add3A_1384 : i32 to vector<16xi32>
      %add3A_1386 = arith.addi %get3A_1383, %add3A_1385 : vector<16xi32>
      %gather3A = tpu.vector_load_idx %arg7[%add3A_1386] : memref<38656xf32, #tpu.memory_space<vmem>>[vector<16xi32>], vector<16xf32>,
      %swap3A = arith.index_cast %mul3A_1382 : i32 to index
      %swap3A_1387 = tpu.vector_load %arg11[%swap3A] {strides = array<i32>} : memref<4096xf32, #tpu.memory_space<vmem>>, vector<16xf32>,
      tpu.vector_store %arg11[%swap3A], %gather3A {strides = array<i32>} : memref<4096xf32, #tpu.memory_space<vmem>>, vector<16xf32>,
    }
    %scan3A_841 = arith.constant 256 : i32
    %dma_start3A_842 = arith.constant 15 : i32
    %dma_start3A_843 = arith.constant 0 : i32
    %dma_start3A_844 = tpu.memref_slice %arg5[%dma_start3A_842, %add3A, %dma_start3A_843] : memref<26x32x4096xf32, #tpu.memory_space<hbm>> -> memref<1x1x4096xf32, #tpu.memory_space<hbm>>
    %dma_start3A_845 = tpu.memref_squeeze %dma_start3A_844 : memref<1x1x4096xf32, #tpu.memory_space<hbm>> -> memref<4096xf32, #tpu.memory_space<hbm>>
    %dma_start3A_846 = arith.constant 0 : i32
    %dma_start3A_847 = tpu.memref_slice %arg5[%dma_start3A_842, %add3A, %dma_start3A_846] : memref<26x32x4096xf32, #tpu.memory_space<hbm>> -> memref<1x1x4096xf32, #tpu.memory_space<hbm>>
    %dma_start3A_848 = tpu.memref_squeeze %dma_start3A_847 : memref<1x1x4096xf32, #tpu.memory_space<hbm>> -> memref<4096xf32, #tpu.memory_space<hbm>>
    tpu.enqueue_dma source(%arg11 : memref<4096xf32, #tpu.memory_space<vmem>>) target(%dma_start3A_848 : memref<4096xf32, #tpu.memory_space<hbm>>) target_semaphore(%arg16 : memref<!tpu.dma_semaphore, #tpu.memory_space<semaphore_mem>>)
    %dma_start3A_849 = arith.constant 0 : i32
    %dma_start3A_850 = tpu.memref_slice %arg7[%dma_start3A_849] : memref<38656xf32, #tpu.memory_space<vmem>> -> memref<38656xf32, #tpu.memory_space<vmem>>
    %dma_start3A_851 = arith.constant 653824 : i32
    %dma_start3A_852 = tpu.memref_slice %arg3[%add3A, %dma_start3A_851] : memref<32x1000000xf32, #tpu.memory_space<hbm>> -> memref<1x38656xf32, #tpu.memory_space<hbm>>
    %dma_start3A_853 = tpu.memref_squeeze %dma_start3A_852 : memref<1x38656xf32, #tpu.memory_space<hbm>> -> memref<38656xf32, #tpu.memory_space<hbm>>
    %dma_start3A_854 = arith.constant 0 : i32
    %dma_start3A_855 = tpu.memref_slice %arg7[%dma_start3A_854] : memref<38656xf32, #tpu.memory_space<vmem>> -> memref<38656xf32, #tpu.memory_space<vmem>>
    %dma_start3A_856 = arith.constant 653824 : i32
    %dma_start3A_857 = tpu.memref_slice %arg3[%add3A, %dma_start3A_856] : memref<32x1000000xf32, #tpu.memory_space<hbm>> -> memref<1x38656xf32, #tpu.memory_space<hbm>>
    %dma_start3A_858 = tpu.memref_squeeze %dma_start3A_857 : memref<1x38656xf32, #tpu.memory_space<hbm>> -> memref<38656xf32, #tpu.memory_space<hbm>>
    tpu.enqueue_dma source(%dma_start3A_858 : memref<38656xf32, #tpu.memory_space<hbm>>) target(%dma_start3A_855 : memref<38656xf32, #tpu.memory_space<vmem>>) target_semaphore(%arg14 : memref<!tpu.dma_semaphore, #tpu.memory_space<semaphore_mem>>)
    %dma_start3A_859 = arith.constant 17 : i32
    %dma_start3A_860 = arith.constant 0 : i32
    %dma_start3A_861 = tpu.memref_slice %arg2[%dma_start3A_859, %dma_start3A_860] : memref<26x4096xi32, #tpu.memory_space<hbm>> -> memref<1x4096xi32, #tpu.memory_space<hbm>>
    %dma_start3A_862 = tpu.memref_squeeze %dma_start3A_861 : memref<1x4096xi32, #tpu.memory_space<hbm>> -> memref<4096xi32, #tpu.memory_space<hbm>>
    %dma_start3A_863 = arith.constant 0 : i32
    %dma_start3A_864 = tpu.memref_slice %arg2[%dma_start3A_859, %dma_start3A_863] : memref<26x4096xi32, #tpu.memory_space<hbm>> -> memref<1x4096xi32, #tpu.memory_space<hbm>>
    %dma_start3A_865 = tpu.memref_squeeze %dma_start3A_864 : memref<1x4096xi32, #tpu.memory_space<hbm>> -> memref<4096xi32, #tpu.memory_space<hbm>>
    tpu.enqueue_dma source(%dma_start3A_865 : memref<4096xi32, #tpu.memory_space<hbm>>) target(%arg9 : memref<4096xi32, #tpu.memory_space<vmem>>) target_semaphore(%arg14 : memref<!tpu.dma_semaphore, #tpu.memory_space<semaphore_mem>>)
    %dma_wait3A_866 = arith.constant 0 : i32
    %dma_wait3A_867 = tpu.memref_slice %arg6[%dma_wait3A_866] : memref<38656xf32, #tpu.memory_space<vmem>> -> memref<38656xf32, #tpu.memory_space<vmem>>
    %dma_wait3A_868 = arith.constant 615296 : i32
    %dma_wait3A_869 = tpu.memref_slice %arg3[%add3A, %dma_wait3A_868] : memref<32x1000000xf32, #tpu.memory_space<hbm>> -> memref<1x38656xf32, #tpu.memory_space<hbm>>
    %dma_wait3A_870 = tpu.memref_squeeze %dma_wait3A_869 : memref<1x38656xf32, #tpu.memory_space<hbm>> -> memref<38656xf32, #tpu.memory_space<hbm>>
    %dma_wait3A_871 = arith.constant 0 : i32
    %dma_wait3A_872 = tpu.memref_slice %arg6[%dma_wait3A_871] : memref<38656xf32, #tpu.memory_space<vmem>> -> memref<38656xf32, #tpu.memory_space<vmem>>
    %dma_wait3A_873 = arith.constant 615296 : i32
    %dma_wait3A_874 = tpu.memref_slice %arg3[%add3A, %dma_wait3A_873] : memref<32x1000000xf32, #tpu.memory_space<hbm>> -> memref<1x38656xf32, #tpu.memory_space<hbm>>
    %dma_wait3A_875 = tpu.memref_squeeze %dma_wait3A_874 : memref<1x38656xf32, #tpu.memory_space<hbm>> -> memref<38656xf32, #tpu.memory_space<hbm>>
    tpu.wait_dma2 semaphore(%arg13 : memref<!tpu.dma_semaphore, #tpu.memory_space<semaphore_mem>>) src(%dma_wait3A_875 : memref<38656xf32, #tpu.memory_space<hbm>>) dst(%dma_wait3A_872 : memref<38656xf32, #tpu.memory_space<vmem>>)
    %dma_wait3A_876 = arith.constant 16 : i32
    %dma_wait3A_877 = arith.constant 0 : i32
    %dma_wait3A_878 = tpu.memref_slice %arg2[%dma_wait3A_876, %dma_wait3A_877] : memref<26x4096xi32, #tpu.memory_space<hbm>> -> memref<1x4096xi32, #tpu.memory_space<hbm>>
    %dma_wait3A_879 = tpu.memref_squeeze %dma_wait3A_878 : memref<1x4096xi32, #tpu.memory_space<hbm>> -> memref<4096xi32, #tpu.memory_space<hbm>>
    %dma_wait3A_880 = arith.constant 0 : i32
    %dma_wait3A_881 = tpu.memref_slice %arg2[%dma_wait3A_876, %dma_wait3A_880] : memref<26x4096xi32, #tpu.memory_space<hbm>> -> memref<1x4096xi32, #tpu.memory_space<hbm>>
    %dma_wait3A_882 = tpu.memref_squeeze %dma_wait3A_881 : memref<1x4096xi32, #tpu.memory_space<hbm>> -> memref<4096xi32, #tpu.memory_space<hbm>>
    tpu.wait_dma2 semaphore(%arg13 : memref<!tpu.dma_semaphore, #tpu.memory_space<semaphore_mem>>) src(%dma_wait3A_882 : memref<4096xi32, #tpu.memory_space<hbm>>) dst(%arg8 : memref<4096xi32, #tpu.memory_space<vmem>>)
    %dma_wait3A_883 = arith.constant 14 : i32
    %dma_wait3A_884 = arith.constant 0 : i32
    %dma_wait3A_885 = tpu.memref_slice %arg5[%dma_wait3A_883, %add3A, %dma_wait3A_884] : memref<26x32x4096xf32, #tpu.memory_space<hbm>> -> memref<1x1x4096xf32, #tpu.memory_space<hbm>>
    %dma_wait3A_886 = tpu.memref_squeeze %dma_wait3A_885 : memref<1x1x4096xf32, #tpu.memory_space<hbm>> -> memref<4096xf32, #tpu.memory_space<hbm>>
    %dma_wait3A_887 = arith.constant 0 : i32
    %dma_wait3A_888 = tpu.memref_slice %arg5[%dma_wait3A_883, %add3A, %dma_wait3A_887] : memref<26x32x4096xf32, #tpu.memory_space<hbm>> -> memref<1x1x4096xf32, #tpu.memory_space<hbm>>
    %dma_wait3A_889 = tpu.memref_squeeze %dma_wait3A_888 : memref<1x1x4096xf32, #tpu.memory_space<hbm>> -> memref<4096xf32, #tpu.memory_space<hbm>>
    tpu.wait_dma2 semaphore(%arg15 : memref<!tpu.dma_semaphore, #tpu.memory_space<semaphore_mem>>) src(%arg10 : memref<4096xf32, #tpu.memory_space<vmem>>) dst(%dma_wait3A_889 : memref<4096xf32, #tpu.memory_space<hbm>>)
    %scan3A_890 = arith.constant 0 : i32
    %scan3A_891 = arith.constant 256 : i32
    %scan3A_892 = arith.addi %scan3A_890, %scan3A_891 : i32
    %scan3A_893 = arith.constant 1 : i32
    scf.for %scan3A_1376 = %scan3A_890 to %scan3A_892 step %scan3A_893  : i32 {
      %mul3A_1377 = arith.constant 1 : i32
      %mul3A_1378 = arith.muli %scan3A_1376, %mul3A_1377 : i32
      %add3A_1379 = arith.constant 0 : i32
      %add3A_1380 = arith.addi %add3A_1379, %mul3A_1378 : i32
      %mul3A_1381 = arith.constant 16 : i32
      %mul3A_1382 = arith.muli %add3A_1380, %mul3A_1381 : i32
      %get3A = arith.index_cast %mul3A_1382 : i32 to index
      %get3A_1383 = tpu.vector_load %arg8[%get3A] {strides = array<i32>} : memref<4096xi32, #tpu.memory_space<vmem>>, vector<16xi32>,
      %add3A_1384 = arith.constant 80 : i32
      %add3A_1385 = vector.broadcast %add3A_1384 : i32 to vector<16xi32>
      %add3A_1386 = arith.addi %get3A_1383, %add3A_1385 : vector<16xi32>
      %gather3A = tpu.vector_load_idx %arg6[%add3A_1386] : memref<38656xf32, #tpu.memory_space<vmem>>[vector<16xi32>], vector<16xf32>,
      %swap3A = arith.index_cast %mul3A_1382 : i32 to index
      %swap3A_1387 = tpu.vector_load %arg10[%swap3A] {strides = array<i32>} : memref<4096xf32, #tpu.memory_space<vmem>>, vector<16xf32>,
      tpu.vector_store %arg10[%swap3A], %gather3A {strides = array<i32>} : memref<4096xf32, #tpu.memory_space<vmem>>, vector<16xf32>,
    }
    %scan3A_894 = arith.constant 256 : i32
    %dma_start3A_895 = arith.constant 16 : i32
    %dma_start3A_896 = arith.constant 0 : i32
    %dma_start3A_897 = tpu.memref_slice %arg5[%dma_start3A_895, %add3A, %dma_start3A_896] : memref<26x32x4096xf32, #tpu.memory_space<hbm>> -> memref<1x1x4096xf32, #tpu.memory_space<hbm>>
    %dma_start3A_898 = tpu.memref_squeeze %dma_start3A_897 : memref<1x1x4096xf32, #tpu.memory_space<hbm>> -> memref<4096xf32, #tpu.memory_space<hbm>>
    %dma_start3A_899 = arith.constant 0 : i32
    %dma_start3A_900 = tpu.memref_slice %arg5[%dma_start3A_895, %add3A, %dma_start3A_899] : memref<26x32x4096xf32, #tpu.memory_space<hbm>> -> memref<1x1x4096xf32, #tpu.memory_space<hbm>>
    %dma_start3A_901 = tpu.memref_squeeze %dma_start3A_900 : memref<1x1x4096xf32, #tpu.memory_space<hbm>> -> memref<4096xf32, #tpu.memory_space<hbm>>
    tpu.enqueue_dma source(%arg10 : memref<4096xf32, #tpu.memory_space<vmem>>) target(%dma_start3A_901 : memref<4096xf32, #tpu.memory_space<hbm>>) target_semaphore(%arg15 : memref<!tpu.dma_semaphore, #tpu.memory_space<semaphore_mem>>)
    %dma_start3A_902 = arith.constant 0 : i32
    %dma_start3A_903 = tpu.memref_slice %arg6[%dma_start3A_902] : memref<38656xf32, #tpu.memory_space<vmem>> -> memref<38656xf32, #tpu.memory_space<vmem>>
    %dma_start3A_904 = arith.constant 692224 : i32
    %dma_start3A_905 = tpu.memref_slice %arg3[%add3A, %dma_start3A_904] : memref<32x1000000xf32, #tpu.memory_space<hbm>> -> memref<1x38656xf32, #tpu.memory_space<hbm>>
    %dma_start3A_906 = tpu.memref_squeeze %dma_start3A_905 : memref<1x38656xf32, #tpu.memory_space<hbm>> -> memref<38656xf32, #tpu.memory_space<hbm>>
    %dma_start3A_907 = arith.constant 0 : i32
    %dma_start3A_908 = tpu.memref_slice %arg6[%dma_start3A_907] : memref<38656xf32, #tpu.memory_space<vmem>> -> memref<38656xf32, #tpu.memory_space<vmem>>
    %dma_start3A_909 = arith.constant 692224 : i32
    %dma_start3A_910 = tpu.memref_slice %arg3[%add3A, %dma_start3A_909] : memref<32x1000000xf32, #tpu.memory_space<hbm>> -> memref<1x38656xf32, #tpu.memory_space<hbm>>
    %dma_start3A_911 = tpu.memref_squeeze %dma_start3A_910 : memref<1x38656xf32, #tpu.memory_space<hbm>> -> memref<38656xf32, #tpu.memory_space<hbm>>
    tpu.enqueue_dma source(%dma_start3A_911 : memref<38656xf32, #tpu.memory_space<hbm>>) target(%dma_start3A_908 : memref<38656xf32, #tpu.memory_space<vmem>>) target_semaphore(%arg13 : memref<!tpu.dma_semaphore, #tpu.memory_space<semaphore_mem>>)
    %dma_start3A_912 = arith.constant 18 : i32
    %dma_start3A_913 = arith.constant 0 : i32
    %dma_start3A_914 = tpu.memref_slice %arg2[%dma_start3A_912, %dma_start3A_913] : memref<26x4096xi32, #tpu.memory_space<hbm>> -> memref<1x4096xi32, #tpu.memory_space<hbm>>
    %dma_start3A_915 = tpu.memref_squeeze %dma_start3A_914 : memref<1x4096xi32, #tpu.memory_space<hbm>> -> memref<4096xi32, #tpu.memory_space<hbm>>
    %dma_start3A_916 = arith.constant 0 : i32
    %dma_start3A_917 = tpu.memref_slice %arg2[%dma_start3A_912, %dma_start3A_916] : memref<26x4096xi32, #tpu.memory_space<hbm>> -> memref<1x4096xi32, #tpu.memory_space<hbm>>
    %dma_start3A_918 = tpu.memref_squeeze %dma_start3A_917 : memref<1x4096xi32, #tpu.memory_space<hbm>> -> memref<4096xi32, #tpu.memory_space<hbm>>
    tpu.enqueue_dma source(%dma_start3A_918 : memref<4096xi32, #tpu.memory_space<hbm>>) target(%arg8 : memref<4096xi32, #tpu.memory_space<vmem>>) target_semaphore(%arg13 : memref<!tpu.dma_semaphore, #tpu.memory_space<semaphore_mem>>)
    %dma_wait3A_919 = arith.constant 0 : i32
    %dma_wait3A_920 = tpu.memref_slice %arg7[%dma_wait3A_919] : memref<38656xf32, #tpu.memory_space<vmem>> -> memref<38656xf32, #tpu.memory_space<vmem>>
    %dma_wait3A_921 = arith.constant 653824 : i32
    %dma_wait3A_922 = tpu.memref_slice %arg3[%add3A, %dma_wait3A_921] : memref<32x1000000xf32, #tpu.memory_space<hbm>> -> memref<1x38656xf32, #tpu.memory_space<hbm>>
    %dma_wait3A_923 = tpu.memref_squeeze %dma_wait3A_922 : memref<1x38656xf32, #tpu.memory_space<hbm>> -> memref<38656xf32, #tpu.memory_space<hbm>>
    %dma_wait3A_924 = arith.constant 0 : i32
    %dma_wait3A_925 = tpu.memref_slice %arg7[%dma_wait3A_924] : memref<38656xf32, #tpu.memory_space<vmem>> -> memref<38656xf32, #tpu.memory_space<vmem>>
    %dma_wait3A_926 = arith.constant 653824 : i32
    %dma_wait3A_927 = tpu.memref_slice %arg3[%add3A, %dma_wait3A_926] : memref<32x1000000xf32, #tpu.memory_space<hbm>> -> memref<1x38656xf32, #tpu.memory_space<hbm>>
    %dma_wait3A_928 = tpu.memref_squeeze %dma_wait3A_927 : memref<1x38656xf32, #tpu.memory_space<hbm>> -> memref<38656xf32, #tpu.memory_space<hbm>>
    tpu.wait_dma2 semaphore(%arg14 : memref<!tpu.dma_semaphore, #tpu.memory_space<semaphore_mem>>) src(%dma_wait3A_928 : memref<38656xf32, #tpu.memory_space<hbm>>) dst(%dma_wait3A_925 : memref<38656xf32, #tpu.memory_space<vmem>>)
    %dma_wait3A_929 = arith.constant 17 : i32
    %dma_wait3A_930 = arith.constant 0 : i32
    %dma_wait3A_931 = tpu.memref_slice %arg2[%dma_wait3A_929, %dma_wait3A_930] : memref<26x4096xi32, #tpu.memory_space<hbm>> -> memref<1x4096xi32, #tpu.memory_space<hbm>>
    %dma_wait3A_932 = tpu.memref_squeeze %dma_wait3A_931 : memref<1x4096xi32, #tpu.memory_space<hbm>> -> memref<4096xi32, #tpu.memory_space<hbm>>
    %dma_wait3A_933 = arith.constant 0 : i32
    %dma_wait3A_934 = tpu.memref_slice %arg2[%dma_wait3A_929, %dma_wait3A_933] : memref<26x4096xi32, #tpu.memory_space<hbm>> -> memref<1x4096xi32, #tpu.memory_space<hbm>>
    %dma_wait3A_935 = tpu.memref_squeeze %dma_wait3A_934 : memref<1x4096xi32, #tpu.memory_space<hbm>> -> memref<4096xi32, #tpu.memory_space<hbm>>
    tpu.wait_dma2 semaphore(%arg14 : memref<!tpu.dma_semaphore, #tpu.memory_space<semaphore_mem>>) src(%dma_wait3A_935 : memref<4096xi32, #tpu.memory_space<hbm>>) dst(%arg9 : memref<4096xi32, #tpu.memory_space<vmem>>)
    %dma_wait3A_936 = arith.constant 15 : i32
    %dma_wait3A_937 = arith.constant 0 : i32
    %dma_wait3A_938 = tpu.memref_slice %arg5[%dma_wait3A_936, %add3A, %dma_wait3A_937] : memref<26x32x4096xf32, #tpu.memory_space<hbm>> -> memref<1x1x4096xf32, #tpu.memory_space<hbm>>
    %dma_wait3A_939 = tpu.memref_squeeze %dma_wait3A_938 : memref<1x1x4096xf32, #tpu.memory_space<hbm>> -> memref<4096xf32, #tpu.memory_space<hbm>>
    %dma_wait3A_940 = arith.constant 0 : i32
    %dma_wait3A_941 = tpu.memref_slice %arg5[%dma_wait3A_936, %add3A, %dma_wait3A_940] : memref<26x32x4096xf32, #tpu.memory_space<hbm>> -> memref<1x1x4096xf32, #tpu.memory_space<hbm>>
    %dma_wait3A_942 = tpu.memref_squeeze %dma_wait3A_941 : memref<1x1x4096xf32, #tpu.memory_space<hbm>> -> memref<4096xf32, #tpu.memory_space<hbm>>
    tpu.wait_dma2 semaphore(%arg16 : memref<!tpu.dma_semaphore, #tpu.memory_space<semaphore_mem>>) src(%arg11 : memref<4096xf32, #tpu.memory_space<vmem>>) dst(%dma_wait3A_942 : memref<4096xf32, #tpu.memory_space<hbm>>)
    %scan3A_943 = arith.constant 0 : i32
    %scan3A_944 = arith.constant 256 : i32
    %scan3A_945 = arith.addi %scan3A_943, %scan3A_944 : i32
    %scan3A_946 = arith.constant 1 : i32
    scf.for %scan3A_1376 = %scan3A_943 to %scan3A_945 step %scan3A_946  : i32 {
      %mul3A_1377 = arith.constant 1 : i32
      %mul3A_1378 = arith.muli %scan3A_1376, %mul3A_1377 : i32
      %add3A_1379 = arith.constant 0 : i32
      %add3A_1380 = arith.addi %add3A_1379, %mul3A_1378 : i32
      %mul3A_1381 = arith.constant 16 : i32
      %mul3A_1382 = arith.muli %add3A_1380, %mul3A_1381 : i32
      %get3A = arith.index_cast %mul3A_1382 : i32 to index
      %get3A_1383 = tpu.vector_load %arg9[%get3A] {strides = array<i32>} : memref<4096xi32, #tpu.memory_space<vmem>>, vector<16xi32>,
      %add3A_1384 = arith.constant 13 : i32
      %add3A_1385 = vector.broadcast %add3A_1384 : i32 to vector<16xi32>
      %add3A_1386 = arith.addi %get3A_1383, %add3A_1385 : vector<16xi32>
      %gather3A = tpu.vector_load_idx %arg7[%add3A_1386] : memref<38656xf32, #tpu.memory_space<vmem>>[vector<16xi32>], vector<16xf32>,
      %swap3A = arith.index_cast %mul3A_1382 : i32 to index
      %swap3A_1387 = tpu.vector_load %arg11[%swap3A] {strides = array<i32>} : memref<4096xf32, #tpu.memory_space<vmem>>, vector<16xf32>,
      tpu.vector_store %arg11[%swap3A], %gather3A {strides = array<i32>} : memref<4096xf32, #tpu.memory_space<vmem>>, vector<16xf32>,
    }
    %scan3A_947 = arith.constant 256 : i32
    %dma_start3A_948 = arith.constant 17 : i32
    %dma_start3A_949 = arith.constant 0 : i32
    %dma_start3A_950 = tpu.memref_slice %arg5[%dma_start3A_948, %add3A, %dma_start3A_949] : memref<26x32x4096xf32, #tpu.memory_space<hbm>> -> memref<1x1x4096xf32, #tpu.memory_space<hbm>>
    %dma_start3A_951 = tpu.memref_squeeze %dma_start3A_950 : memref<1x1x4096xf32, #tpu.memory_space<hbm>> -> memref<4096xf32, #tpu.memory_space<hbm>>
    %dma_start3A_952 = arith.constant 0 : i32
    %dma_start3A_953 = tpu.memref_slice %arg5[%dma_start3A_948, %add3A, %dma_start3A_952] : memref<26x32x4096xf32, #tpu.memory_space<hbm>> -> memref<1x1x4096xf32, #tpu.memory_space<hbm>>
    %dma_start3A_954 = tpu.memref_squeeze %dma_start3A_953 : memref<1x1x4096xf32, #tpu.memory_space<hbm>> -> memref<4096xf32, #tpu.memory_space<hbm>>
    tpu.enqueue_dma source(%arg11 : memref<4096xf32, #tpu.memory_space<vmem>>) target(%dma_start3A_954 : memref<4096xf32, #tpu.memory_space<hbm>>) target_semaphore(%arg16 : memref<!tpu.dma_semaphore, #tpu.memory_space<semaphore_mem>>)
    %dma_start3A_955 = arith.constant 0 : i32
    %dma_start3A_956 = tpu.memref_slice %arg7[%dma_start3A_955] : memref<38656xf32, #tpu.memory_space<vmem>> -> memref<38656xf32, #tpu.memory_space<vmem>>
    %dma_start3A_957 = arith.constant 730752 : i32
    %dma_start3A_958 = tpu.memref_slice %arg3[%add3A, %dma_start3A_957] : memref<32x1000000xf32, #tpu.memory_space<hbm>> -> memref<1x38656xf32, #tpu.memory_space<hbm>>
    %dma_start3A_959 = tpu.memref_squeeze %dma_start3A_958 : memref<1x38656xf32, #tpu.memory_space<hbm>> -> memref<38656xf32, #tpu.memory_space<hbm>>
    %dma_start3A_960 = arith.constant 0 : i32
    %dma_start3A_961 = tpu.memref_slice %arg7[%dma_start3A_960] : memref<38656xf32, #tpu.memory_space<vmem>> -> memref<38656xf32, #tpu.memory_space<vmem>>
    %dma_start3A_962 = arith.constant 730752 : i32
    %dma_start3A_963 = tpu.memref_slice %arg3[%add3A, %dma_start3A_962] : memref<32x1000000xf32, #tpu.memory_space<hbm>> -> memref<1x38656xf32, #tpu.memory_space<hbm>>
    %dma_start3A_964 = tpu.memref_squeeze %dma_start3A_963 : memref<1x38656xf32, #tpu.memory_space<hbm>> -> memref<38656xf32, #tpu.memory_space<hbm>>
    tpu.enqueue_dma source(%dma_start3A_964 : memref<38656xf32, #tpu.memory_space<hbm>>) target(%dma_start3A_961 : memref<38656xf32, #tpu.memory_space<vmem>>) target_semaphore(%arg14 : memref<!tpu.dma_semaphore, #tpu.memory_space<semaphore_mem>>)
    %dma_start3A_965 = arith.constant 19 : i32
    %dma_start3A_966 = arith.constant 0 : i32
    %dma_start3A_967 = tpu.memref_slice %arg2[%dma_start3A_965, %dma_start3A_966] : memref<26x4096xi32, #tpu.memory_space<hbm>> -> memref<1x4096xi32, #tpu.memory_space<hbm>>
    %dma_start3A_968 = tpu.memref_squeeze %dma_start3A_967 : memref<1x4096xi32, #tpu.memory_space<hbm>> -> memref<4096xi32, #tpu.memory_space<hbm>>
    %dma_start3A_969 = arith.constant 0 : i32
    %dma_start3A_970 = tpu.memref_slice %arg2[%dma_start3A_965, %dma_start3A_969] : memref<26x4096xi32, #tpu.memory_space<hbm>> -> memref<1x4096xi32, #tpu.memory_space<hbm>>
    %dma_start3A_971 = tpu.memref_squeeze %dma_start3A_970 : memref<1x4096xi32, #tpu.memory_space<hbm>> -> memref<4096xi32, #tpu.memory_space<hbm>>
    tpu.enqueue_dma source(%dma_start3A_971 : memref<4096xi32, #tpu.memory_space<hbm>>) target(%arg9 : memref<4096xi32, #tpu.memory_space<vmem>>) target_semaphore(%arg14 : memref<!tpu.dma_semaphore, #tpu.memory_space<semaphore_mem>>)
    %dma_wait3A_972 = arith.constant 0 : i32
    %dma_wait3A_973 = tpu.memref_slice %arg6[%dma_wait3A_972] : memref<38656xf32, #tpu.memory_space<vmem>> -> memref<38656xf32, #tpu.memory_space<vmem>>
    %dma_wait3A_974 = arith.constant 692224 : i32
    %dma_wait3A_975 = tpu.memref_slice %arg3[%add3A, %dma_wait3A_974] : memref<32x1000000xf32, #tpu.memory_space<hbm>> -> memref<1x38656xf32, #tpu.memory_space<hbm>>
    %dma_wait3A_976 = tpu.memref_squeeze %dma_wait3A_975 : memref<1x38656xf32, #tpu.memory_space<hbm>> -> memref<38656xf32, #tpu.memory_space<hbm>>
    %dma_wait3A_977 = arith.constant 0 : i32
    %dma_wait3A_978 = tpu.memref_slice %arg6[%dma_wait3A_977] : memref<38656xf32, #tpu.memory_space<vmem>> -> memref<38656xf32, #tpu.memory_space<vmem>>
    %dma_wait3A_979 = arith.constant 692224 : i32
    %dma_wait3A_980 = tpu.memref_slice %arg3[%add3A, %dma_wait3A_979] : memref<32x1000000xf32, #tpu.memory_space<hbm>> -> memref<1x38656xf32, #tpu.memory_space<hbm>>
    %dma_wait3A_981 = tpu.memref_squeeze %dma_wait3A_980 : memref<1x38656xf32, #tpu.memory_space<hbm>> -> memref<38656xf32, #tpu.memory_space<hbm>>
    tpu.wait_dma2 semaphore(%arg13 : memref<!tpu.dma_semaphore, #tpu.memory_space<semaphore_mem>>) src(%dma_wait3A_981 : memref<38656xf32, #tpu.memory_space<hbm>>) dst(%dma_wait3A_978 : memref<38656xf32, #tpu.memory_space<vmem>>)
    %dma_wait3A_982 = arith.constant 18 : i32
    %dma_wait3A_983 = arith.constant 0 : i32
    %dma_wait3A_984 = tpu.memref_slice %arg2[%dma_wait3A_982, %dma_wait3A_983] : memref<26x4096xi32, #tpu.memory_space<hbm>> -> memref<1x4096xi32, #tpu.memory_space<hbm>>
    %dma_wait3A_985 = tpu.memref_squeeze %dma_wait3A_984 : memref<1x4096xi32, #tpu.memory_space<hbm>> -> memref<4096xi32, #tpu.memory_space<hbm>>
    %dma_wait3A_986 = arith.constant 0 : i32
    %dma_wait3A_987 = tpu.memref_slice %arg2[%dma_wait3A_982, %dma_wait3A_986] : memref<26x4096xi32, #tpu.memory_space<hbm>> -> memref<1x4096xi32, #tpu.memory_space<hbm>>
    %dma_wait3A_988 = tpu.memref_squeeze %dma_wait3A_987 : memref<1x4096xi32, #tpu.memory_space<hbm>> -> memref<4096xi32, #tpu.memory_space<hbm>>
    tpu.wait_dma2 semaphore(%arg13 : memref<!tpu.dma_semaphore, #tpu.memory_space<semaphore_mem>>) src(%dma_wait3A_988 : memref<4096xi32, #tpu.memory_space<hbm>>) dst(%arg8 : memref<4096xi32, #tpu.memory_space<vmem>>)
    %dma_wait3A_989 = arith.constant 16 : i32
    %dma_wait3A_990 = arith.constant 0 : i32
    %dma_wait3A_991 = tpu.memref_slice %arg5[%dma_wait3A_989, %add3A, %dma_wait3A_990] : memref<26x32x4096xf32, #tpu.memory_space<hbm>> -> memref<1x1x4096xf32, #tpu.memory_space<hbm>>
    %dma_wait3A_992 = tpu.memref_squeeze %dma_wait3A_991 : memref<1x1x4096xf32, #tpu.memory_space<hbm>> -> memref<4096xf32, #tpu.memory_space<hbm>>
    %dma_wait3A_993 = arith.constant 0 : i32
    %dma_wait3A_994 = tpu.memref_slice %arg5[%dma_wait3A_989, %add3A, %dma_wait3A_993] : memref<26x32x4096xf32, #tpu.memory_space<hbm>> -> memref<1x1x4096xf32, #tpu.memory_space<hbm>>
    %dma_wait3A_995 = tpu.memref_squeeze %dma_wait3A_994 : memref<1x1x4096xf32, #tpu.memory_space<hbm>> -> memref<4096xf32, #tpu.memory_space<hbm>>
    tpu.wait_dma2 semaphore(%arg15 : memref<!tpu.dma_semaphore, #tpu.memory_space<semaphore_mem>>) src(%arg10 : memref<4096xf32, #tpu.memory_space<vmem>>) dst(%dma_wait3A_995 : memref<4096xf32, #tpu.memory_space<hbm>>)
    %scan3A_996 = arith.constant 0 : i32
    %scan3A_997 = arith.constant 256 : i32
    %scan3A_998 = arith.addi %scan3A_996, %scan3A_997 : i32
    %scan3A_999 = arith.constant 1 : i32
    scf.for %scan3A_1376 = %scan3A_996 to %scan3A_998 step %scan3A_999  : i32 {
      %mul3A_1377 = arith.constant 1 : i32
      %mul3A_1378 = arith.muli %scan3A_1376, %mul3A_1377 : i32
      %add3A_1379 = arith.constant 0 : i32
      %add3A_1380 = arith.addi %add3A_1379, %mul3A_1378 : i32
      %mul3A_1381 = arith.constant 16 : i32
      %mul3A_1382 = arith.muli %add3A_1380, %mul3A_1381 : i32
      %get3A = arith.index_cast %mul3A_1382 : i32 to index
      %get3A_1383 = tpu.vector_load %arg8[%get3A] {strides = array<i32>} : memref<4096xi32, #tpu.memory_space<vmem>>, vector<16xi32>,
      %add3A_1384 = arith.constant 74 : i32
      %add3A_1385 = vector.broadcast %add3A_1384 : i32 to vector<16xi32>
      %add3A_1386 = arith.addi %get3A_1383, %add3A_1385 : vector<16xi32>
      %gather3A = tpu.vector_load_idx %arg6[%add3A_1386] : memref<38656xf32, #tpu.memory_space<vmem>>[vector<16xi32>], vector<16xf32>,
      %swap3A = arith.index_cast %mul3A_1382 : i32 to index
      %swap3A_1387 = tpu.vector_load %arg10[%swap3A] {strides = array<i32>} : memref<4096xf32, #tpu.memory_space<vmem>>, vector<16xf32>,
      tpu.vector_store %arg10[%swap3A], %gather3A {strides = array<i32>} : memref<4096xf32, #tpu.memory_space<vmem>>, vector<16xf32>,
    }
    %scan3A_1000 = arith.constant 256 : i32
    %dma_start3A_1001 = arith.constant 18 : i32
    %dma_start3A_1002 = arith.constant 0 : i32
    %dma_start3A_1003 = tpu.memref_slice %arg5[%dma_start3A_1001, %add3A, %dma_start3A_1002] : memref<26x32x4096xf32, #tpu.memory_space<hbm>> -> memref<1x1x4096xf32, #tpu.memory_space<hbm>>
    %dma_start3A_1004 = tpu.memref_squeeze %dma_start3A_1003 : memref<1x1x4096xf32, #tpu.memory_space<hbm>> -> memref<4096xf32, #tpu.memory_space<hbm>>
    %dma_start3A_1005 = arith.constant 0 : i32
    %dma_start3A_1006 = tpu.memref_slice %arg5[%dma_start3A_1001, %add3A, %dma_start3A_1005] : memref<26x32x4096xf32, #tpu.memory_space<hbm>> -> memref<1x1x4096xf32, #tpu.memory_space<hbm>>
    %dma_start3A_1007 = tpu.memref_squeeze %dma_start3A_1006 : memref<1x1x4096xf32, #tpu.memory_space<hbm>> -> memref<4096xf32, #tpu.memory_space<hbm>>
    tpu.enqueue_dma source(%arg10 : memref<4096xf32, #tpu.memory_space<vmem>>) target(%dma_start3A_1007 : memref<4096xf32, #tpu.memory_space<hbm>>) target_semaphore(%arg15 : memref<!tpu.dma_semaphore, #tpu.memory_space<semaphore_mem>>)
    %dma_start3A_1008 = arith.constant 0 : i32
    %dma_start3A_1009 = tpu.memref_slice %arg6[%dma_start3A_1008] : memref<38656xf32, #tpu.memory_space<vmem>> -> memref<38656xf32, #tpu.memory_space<vmem>>
    %dma_start3A_1010 = arith.constant 769152 : i32
    %dma_start3A_1011 = tpu.memref_slice %arg3[%add3A, %dma_start3A_1010] : memref<32x1000000xf32, #tpu.memory_space<hbm>> -> memref<1x38656xf32, #tpu.memory_space<hbm>>
    %dma_start3A_1012 = tpu.memref_squeeze %dma_start3A_1011 : memref<1x38656xf32, #tpu.memory_space<hbm>> -> memref<38656xf32, #tpu.memory_space<hbm>>
    %dma_start3A_1013 = arith.constant 0 : i32
    %dma_start3A_1014 = tpu.memref_slice %arg6[%dma_start3A_1013] : memref<38656xf32, #tpu.memory_space<vmem>> -> memref<38656xf32, #tpu.memory_space<vmem>>
    %dma_start3A_1015 = arith.constant 769152 : i32
    %dma_start3A_1016 = tpu.memref_slice %arg3[%add3A, %dma_start3A_1015] : memref<32x1000000xf32, #tpu.memory_space<hbm>> -> memref<1x38656xf32, #tpu.memory_space<hbm>>
    %dma_start3A_1017 = tpu.memref_squeeze %dma_start3A_1016 : memref<1x38656xf32, #tpu.memory_space<hbm>> -> memref<38656xf32, #tpu.memory_space<hbm>>
    tpu.enqueue_dma source(%dma_start3A_1017 : memref<38656xf32, #tpu.memory_space<hbm>>) target(%dma_start3A_1014 : memref<38656xf32, #tpu.memory_space<vmem>>) target_semaphore(%arg13 : memref<!tpu.dma_semaphore, #tpu.memory_space<semaphore_mem>>)
    %dma_start3A_1018 = arith.constant 20 : i32
    %dma_start3A_1019 = arith.constant 0 : i32
    %dma_start3A_1020 = tpu.memref_slice %arg2[%dma_start3A_1018, %dma_start3A_1019] : memref<26x4096xi32, #tpu.memory_space<hbm>> -> memref<1x4096xi32, #tpu.memory_space<hbm>>
    %dma_start3A_1021 = tpu.memref_squeeze %dma_start3A_1020 : memref<1x4096xi32, #tpu.memory_space<hbm>> -> memref<4096xi32, #tpu.memory_space<hbm>>
    %dma_start3A_1022 = arith.constant 0 : i32
    %dma_start3A_1023 = tpu.memref_slice %arg2[%dma_start3A_1018, %dma_start3A_1022] : memref<26x4096xi32, #tpu.memory_space<hbm>> -> memref<1x4096xi32, #tpu.memory_space<hbm>>
    %dma_start3A_1024 = tpu.memref_squeeze %dma_start3A_1023 : memref<1x4096xi32, #tpu.memory_space<hbm>> -> memref<4096xi32, #tpu.memory_space<hbm>>
    tpu.enqueue_dma source(%dma_start3A_1024 : memref<4096xi32, #tpu.memory_space<hbm>>) target(%arg8 : memref<4096xi32, #tpu.memory_space<vmem>>) target_semaphore(%arg13 : memref<!tpu.dma_semaphore, #tpu.memory_space<semaphore_mem>>)
    %dma_wait3A_1025 = arith.constant 0 : i32
    %dma_wait3A_1026 = tpu.memref_slice %arg7[%dma_wait3A_1025] : memref<38656xf32, #tpu.memory_space<vmem>> -> memref<38656xf32, #tpu.memory_space<vmem>>
    %dma_wait3A_1027 = arith.constant 730752 : i32
    %dma_wait3A_1028 = tpu.memref_slice %arg3[%add3A, %dma_wait3A_1027] : memref<32x1000000xf32, #tpu.memory_space<hbm>> -> memref<1x38656xf32, #tpu.memory_space<hbm>>
    %dma_wait3A_1029 = tpu.memref_squeeze %dma_wait3A_1028 : memref<1x38656xf32, #tpu.memory_space<hbm>> -> memref<38656xf32, #tpu.memory_space<hbm>>
    %dma_wait3A_1030 = arith.constant 0 : i32
    %dma_wait3A_1031 = tpu.memref_slice %arg7[%dma_wait3A_1030] : memref<38656xf32, #tpu.memory_space<vmem>> -> memref<38656xf32, #tpu.memory_space<vmem>>
    %dma_wait3A_1032 = arith.constant 730752 : i32
    %dma_wait3A_1033 = tpu.memref_slice %arg3[%add3A, %dma_wait3A_1032] : memref<32x1000000xf32, #tpu.memory_space<hbm>> -> memref<1x38656xf32, #tpu.memory_space<hbm>>
    %dma_wait3A_1034 = tpu.memref_squeeze %dma_wait3A_1033 : memref<1x38656xf32, #tpu.memory_space<hbm>> -> memref<38656xf32, #tpu.memory_space<hbm>>
    tpu.wait_dma2 semaphore(%arg14 : memref<!tpu.dma_semaphore, #tpu.memory_space<semaphore_mem>>) src(%dma_wait3A_1034 : memref<38656xf32, #tpu.memory_space<hbm>>) dst(%dma_wait3A_1031 : memref<38656xf32, #tpu.memory_space<vmem>>)
    %dma_wait3A_1035 = arith.constant 19 : i32
    %dma_wait3A_1036 = arith.constant 0 : i32
    %dma_wait3A_1037 = tpu.memref_slice %arg2[%dma_wait3A_1035, %dma_wait3A_1036] : memref<26x4096xi32, #tpu.memory_space<hbm>> -> memref<1x4096xi32, #tpu.memory_space<hbm>>
    %dma_wait3A_1038 = tpu.memref_squeeze %dma_wait3A_1037 : memref<1x4096xi32, #tpu.memory_space<hbm>> -> memref<4096xi32, #tpu.memory_space<hbm>>
    %dma_wait3A_1039 = arith.constant 0 : i32
    %dma_wait3A_1040 = tpu.memref_slice %arg2[%dma_wait3A_1035, %dma_wait3A_1039] : memref<26x4096xi32, #tpu.memory_space<hbm>> -> memref<1x4096xi32, #tpu.memory_space<hbm>>
    %dma_wait3A_1041 = tpu.memref_squeeze %dma_wait3A_1040 : memref<1x4096xi32, #tpu.memory_space<hbm>> -> memref<4096xi32, #tpu.memory_space<hbm>>
    tpu.wait_dma2 semaphore(%arg14 : memref<!tpu.dma_semaphore, #tpu.memory_space<semaphore_mem>>) src(%dma_wait3A_1041 : memref<4096xi32, #tpu.memory_space<hbm>>) dst(%arg9 : memref<4096xi32, #tpu.memory_space<vmem>>)
    %dma_wait3A_1042 = arith.constant 17 : i32
    %dma_wait3A_1043 = arith.constant 0 : i32
    %dma_wait3A_1044 = tpu.memref_slice %arg5[%dma_wait3A_1042, %add3A, %dma_wait3A_1043] : memref<26x32x4096xf32, #tpu.memory_space<hbm>> -> memref<1x1x4096xf32, #tpu.memory_space<hbm>>
    %dma_wait3A_1045 = tpu.memref_squeeze %dma_wait3A_1044 : memref<1x1x4096xf32, #tpu.memory_space<hbm>> -> memref<4096xf32, #tpu.memory_space<hbm>>
    %dma_wait3A_1046 = arith.constant 0 : i32
    %dma_wait3A_1047 = tpu.memref_slice %arg5[%dma_wait3A_1042, %add3A, %dma_wait3A_1046] : memref<26x32x4096xf32, #tpu.memory_space<hbm>> -> memref<1x1x4096xf32, #tpu.memory_space<hbm>>
    %dma_wait3A_1048 = tpu.memref_squeeze %dma_wait3A_1047 : memref<1x1x4096xf32, #tpu.memory_space<hbm>> -> memref<4096xf32, #tpu.memory_space<hbm>>
    tpu.wait_dma2 semaphore(%arg16 : memref<!tpu.dma_semaphore, #tpu.memory_space<semaphore_mem>>) src(%arg11 : memref<4096xf32, #tpu.memory_space<vmem>>) dst(%dma_wait3A_1048 : memref<4096xf32, #tpu.memory_space<hbm>>)
    %scan3A_1049 = arith.constant 0 : i32
    %scan3A_1050 = arith.constant 256 : i32
    %scan3A_1051 = arith.addi %scan3A_1049, %scan3A_1050 : i32
    %scan3A_1052 = arith.constant 1 : i32
    scf.for %scan3A_1376 = %scan3A_1049 to %scan3A_1051 step %scan3A_1052  : i32 {
      %mul3A_1377 = arith.constant 1 : i32
      %mul3A_1378 = arith.muli %scan3A_1376, %mul3A_1377 : i32
      %add3A_1379 = arith.constant 0 : i32
      %add3A_1380 = arith.addi %add3A_1379, %mul3A_1378 : i32
      %mul3A_1381 = arith.constant 16 : i32
      %mul3A_1382 = arith.muli %add3A_1380, %mul3A_1381 : i32
      %get3A = arith.index_cast %mul3A_1382 : i32 to index
      %get3A_1383 = tpu.vector_load %arg9[%get3A] {strides = array<i32>} : memref<4096xi32, #tpu.memory_space<vmem>>, vector<16xi32>,
      %add3A_1384 = arith.constant 7 : i32
      %add3A_1385 = vector.broadcast %add3A_1384 : i32 to vector<16xi32>
      %add3A_1386 = arith.addi %get3A_1383, %add3A_1385 : vector<16xi32>
      %gather3A = tpu.vector_load_idx %arg7[%add3A_1386] : memref<38656xf32, #tpu.memory_space<vmem>>[vector<16xi32>], vector<16xf32>,
      %swap3A = arith.index_cast %mul3A_1382 : i32 to index
      %swap3A_1387 = tpu.vector_load %arg11[%swap3A] {strides = array<i32>} : memref<4096xf32, #tpu.memory_space<vmem>>, vector<16xf32>,
      tpu.vector_store %arg11[%swap3A], %gather3A {strides = array<i32>} : memref<4096xf32, #tpu.memory_space<vmem>>, vector<16xf32>,
    }
    %scan3A_1053 = arith.constant 256 : i32
    %dma_start3A_1054 = arith.constant 19 : i32
    %dma_start3A_1055 = arith.constant 0 : i32
    %dma_start3A_1056 = tpu.memref_slice %arg5[%dma_start3A_1054, %add3A, %dma_start3A_1055] : memref<26x32x4096xf32, #tpu.memory_space<hbm>> -> memref<1x1x4096xf32, #tpu.memory_space<hbm>>
    %dma_start3A_1057 = tpu.memref_squeeze %dma_start3A_1056 : memref<1x1x4096xf32, #tpu.memory_space<hbm>> -> memref<4096xf32, #tpu.memory_space<hbm>>
    %dma_start3A_1058 = arith.constant 0 : i32
    %dma_start3A_1059 = tpu.memref_slice %arg5[%dma_start3A_1054, %add3A, %dma_start3A_1058] : memref<26x32x4096xf32, #tpu.memory_space<hbm>> -> memref<1x1x4096xf32, #tpu.memory_space<hbm>>
    %dma_start3A_1060 = tpu.memref_squeeze %dma_start3A_1059 : memref<1x1x4096xf32, #tpu.memory_space<hbm>> -> memref<4096xf32, #tpu.memory_space<hbm>>
    tpu.enqueue_dma source(%arg11 : memref<4096xf32, #tpu.memory_space<vmem>>) target(%dma_start3A_1060 : memref<4096xf32, #tpu.memory_space<hbm>>) target_semaphore(%arg16 : memref<!tpu.dma_semaphore, #tpu.memory_space<semaphore_mem>>)
    %dma_start3A_1061 = arith.constant 0 : i32
    %dma_start3A_1062 = tpu.memref_slice %arg7[%dma_start3A_1061] : memref<38656xf32, #tpu.memory_space<vmem>> -> memref<38656xf32, #tpu.memory_space<vmem>>
    %dma_start3A_1063 = arith.constant 807680 : i32
    %dma_start3A_1064 = tpu.memref_slice %arg3[%add3A, %dma_start3A_1063] : memref<32x1000000xf32, #tpu.memory_space<hbm>> -> memref<1x38656xf32, #tpu.memory_space<hbm>>
    %dma_start3A_1065 = tpu.memref_squeeze %dma_start3A_1064 : memref<1x38656xf32, #tpu.memory_space<hbm>> -> memref<38656xf32, #tpu.memory_space<hbm>>
    %dma_start3A_1066 = arith.constant 0 : i32
    %dma_start3A_1067 = tpu.memref_slice %arg7[%dma_start3A_1066] : memref<38656xf32, #tpu.memory_space<vmem>> -> memref<38656xf32, #tpu.memory_space<vmem>>
    %dma_start3A_1068 = arith.constant 807680 : i32
    %dma_start3A_1069 = tpu.memref_slice %arg3[%add3A, %dma_start3A_1068] : memref<32x1000000xf32, #tpu.memory_space<hbm>> -> memref<1x38656xf32, #tpu.memory_space<hbm>>
    %dma_start3A_1070 = tpu.memref_squeeze %dma_start3A_1069 : memref<1x38656xf32, #tpu.memory_space<hbm>> -> memref<38656xf32, #tpu.memory_space<hbm>>
    tpu.enqueue_dma source(%dma_start3A_1070 : memref<38656xf32, #tpu.memory_space<hbm>>) target(%dma_start3A_1067 : memref<38656xf32, #tpu.memory_space<vmem>>) target_semaphore(%arg14 : memref<!tpu.dma_semaphore, #tpu.memory_space<semaphore_mem>>)
    %dma_start3A_1071 = arith.constant 21 : i32
    %dma_start3A_1072 = arith.constant 0 : i32
    %dma_start3A_1073 = tpu.memref_slice %arg2[%dma_start3A_1071, %dma_start3A_1072] : memref<26x4096xi32, #tpu.memory_space<hbm>> -> memref<1x4096xi32, #tpu.memory_space<hbm>>
    %dma_start3A_1074 = tpu.memref_squeeze %dma_start3A_1073 : memref<1x4096xi32, #tpu.memory_space<hbm>> -> memref<4096xi32, #tpu.memory_space<hbm>>
    %dma_start3A_1075 = arith.constant 0 : i32
    %dma_start3A_1076 = tpu.memref_slice %arg2[%dma_start3A_1071, %dma_start3A_1075] : memref<26x4096xi32, #tpu.memory_space<hbm>> -> memref<1x4096xi32, #tpu.memory_space<hbm>>
    %dma_start3A_1077 = tpu.memref_squeeze %dma_start3A_1076 : memref<1x4096xi32, #tpu.memory_space<hbm>> -> memref<4096xi32, #tpu.memory_space<hbm>>
    tpu.enqueue_dma source(%dma_start3A_1077 : memref<4096xi32, #tpu.memory_space<hbm>>) target(%arg9 : memref<4096xi32, #tpu.memory_space<vmem>>) target_semaphore(%arg14 : memref<!tpu.dma_semaphore, #tpu.memory_space<semaphore_mem>>)
    %dma_wait3A_1078 = arith.constant 0 : i32
    %dma_wait3A_1079 = tpu.memref_slice %arg6[%dma_wait3A_1078] : memref<38656xf32, #tpu.memory_space<vmem>> -> memref<38656xf32, #tpu.memory_space<vmem>>
    %dma_wait3A_1080 = arith.constant 769152 : i32
    %dma_wait3A_1081 = tpu.memref_slice %arg3[%add3A, %dma_wait3A_1080] : memref<32x1000000xf32, #tpu.memory_space<hbm>> -> memref<1x38656xf32, #tpu.memory_space<hbm>>
    %dma_wait3A_1082 = tpu.memref_squeeze %dma_wait3A_1081 : memref<1x38656xf32, #tpu.memory_space<hbm>> -> memref<38656xf32, #tpu.memory_space<hbm>>
    %dma_wait3A_1083 = arith.constant 0 : i32
    %dma_wait3A_1084 = tpu.memref_slice %arg6[%dma_wait3A_1083] : memref<38656xf32, #tpu.memory_space<vmem>> -> memref<38656xf32, #tpu.memory_space<vmem>>
    %dma_wait3A_1085 = arith.constant 769152 : i32
    %dma_wait3A_1086 = tpu.memref_slice %arg3[%add3A, %dma_wait3A_1085] : memref<32x1000000xf32, #tpu.memory_space<hbm>> -> memref<1x38656xf32, #tpu.memory_space<hbm>>
    %dma_wait3A_1087 = tpu.memref_squeeze %dma_wait3A_1086 : memref<1x38656xf32, #tpu.memory_space<hbm>> -> memref<38656xf32, #tpu.memory_space<hbm>>
    tpu.wait_dma2 semaphore(%arg13 : memref<!tpu.dma_semaphore, #tpu.memory_space<semaphore_mem>>) src(%dma_wait3A_1087 : memref<38656xf32, #tpu.memory_space<hbm>>) dst(%dma_wait3A_1084 : memref<38656xf32, #tpu.memory_space<vmem>>)
    %dma_wait3A_1088 = arith.constant 20 : i32
    %dma_wait3A_1089 = arith.constant 0 : i32
    %dma_wait3A_1090 = tpu.memref_slice %arg2[%dma_wait3A_1088, %dma_wait3A_1089] : memref<26x4096xi32, #tpu.memory_space<hbm>> -> memref<1x4096xi32, #tpu.memory_space<hbm>>
    %dma_wait3A_1091 = tpu.memref_squeeze %dma_wait3A_1090 : memref<1x4096xi32, #tpu.memory_space<hbm>> -> memref<4096xi32, #tpu.memory_space<hbm>>
    %dma_wait3A_1092 = arith.constant 0 : i32
    %dma_wait3A_1093 = tpu.memref_slice %arg2[%dma_wait3A_1088, %dma_wait3A_1092] : memref<26x4096xi32, #tpu.memory_space<hbm>> -> memref<1x4096xi32, #tpu.memory_space<hbm>>
    %dma_wait3A_1094 = tpu.memref_squeeze %dma_wait3A_1093 : memref<1x4096xi32, #tpu.memory_space<hbm>> -> memref<4096xi32, #tpu.memory_space<hbm>>
    tpu.wait_dma2 semaphore(%arg13 : memref<!tpu.dma_semaphore, #tpu.memory_space<semaphore_mem>>) src(%dma_wait3A_1094 : memref<4096xi32, #tpu.memory_space<hbm>>) dst(%arg8 : memref<4096xi32, #tpu.memory_space<vmem>>)
    %dma_wait3A_1095 = arith.constant 18 : i32
    %dma_wait3A_1096 = arith.constant 0 : i32
    %dma_wait3A_1097 = tpu.memref_slice %arg5[%dma_wait3A_1095, %add3A, %dma_wait3A_1096] : memref<26x32x4096xf32, #tpu.memory_space<hbm>> -> memref<1x1x4096xf32, #tpu.memory_space<hbm>>
    %dma_wait3A_1098 = tpu.memref_squeeze %dma_wait3A_1097 : memref<1x1x4096xf32, #tpu.memory_space<hbm>> -> memref<4096xf32, #tpu.memory_space<hbm>>
    %dma_wait3A_1099 = arith.constant 0 : i32
    %dma_wait3A_1100 = tpu.memref_slice %arg5[%dma_wait3A_1095, %add3A, %dma_wait3A_1099] : memref<26x32x4096xf32, #tpu.memory_space<hbm>> -> memref<1x1x4096xf32, #tpu.memory_space<hbm>>
    %dma_wait3A_1101 = tpu.memref_squeeze %dma_wait3A_1100 : memref<1x1x4096xf32, #tpu.memory_space<hbm>> -> memref<4096xf32, #tpu.memory_space<hbm>>
    tpu.wait_dma2 semaphore(%arg15 : memref<!tpu.dma_semaphore, #tpu.memory_space<semaphore_mem>>) src(%arg10 : memref<4096xf32, #tpu.memory_space<vmem>>) dst(%dma_wait3A_1101 : memref<4096xf32, #tpu.memory_space<hbm>>)
    %scan3A_1102 = arith.constant 0 : i32
    %scan3A_1103 = arith.constant 256 : i32
    %scan3A_1104 = arith.addi %scan3A_1102, %scan3A_1103 : i32
    %scan3A_1105 = arith.constant 1 : i32
    scf.for %scan3A_1376 = %scan3A_1102 to %scan3A_1104 step %scan3A_1105  : i32 {
      %mul3A_1377 = arith.constant 1 : i32
      %mul3A_1378 = arith.muli %scan3A_1376, %mul3A_1377 : i32
      %add3A_1379 = arith.constant 0 : i32
      %add3A_1380 = arith.addi %add3A_1379, %mul3A_1378 : i32
      %mul3A_1381 = arith.constant 16 : i32
      %mul3A_1382 = arith.muli %add3A_1380, %mul3A_1381 : i32
      %get3A = arith.index_cast %mul3A_1382 : i32 to index
      %get3A_1383 = tpu.vector_load %arg8[%get3A] {strides = array<i32>} : memref<4096xi32, #tpu.memory_space<vmem>>, vector<16xi32>,
      %add3A_1384 = arith.constant 68 : i32
      %add3A_1385 = vector.broadcast %add3A_1384 : i32 to vector<16xi32>
      %add3A_1386 = arith.addi %get3A_1383, %add3A_1385 : vector<16xi32>
      %gather3A = tpu.vector_load_idx %arg6[%add3A_1386] : memref<38656xf32, #tpu.memory_space<vmem>>[vector<16xi32>], vector<16xf32>,
      %swap3A = arith.index_cast %mul3A_1382 : i32 to index
      %swap3A_1387 = tpu.vector_load %arg10[%swap3A] {strides = array<i32>} : memref<4096xf32, #tpu.memory_space<vmem>>, vector<16xf32>,
      tpu.vector_store %arg10[%swap3A], %gather3A {strides = array<i32>} : memref<4096xf32, #tpu.memory_space<vmem>>, vector<16xf32>,
    }
    %scan3A_1106 = arith.constant 256 : i32
    %dma_start3A_1107 = arith.constant 20 : i32
    %dma_start3A_1108 = arith.constant 0 : i32
    %dma_start3A_1109 = tpu.memref_slice %arg5[%dma_start3A_1107, %add3A, %dma_start3A_1108] : memref<26x32x4096xf32, #tpu.memory_space<hbm>> -> memref<1x1x4096xf32, #tpu.memory_space<hbm>>
    %dma_start3A_1110 = tpu.memref_squeeze %dma_start3A_1109 : memref<1x1x4096xf32, #tpu.memory_space<hbm>> -> memref<4096xf32, #tpu.memory_space<hbm>>
    %dma_start3A_1111 = arith.constant 0 : i32
    %dma_start3A_1112 = tpu.memref_slice %arg5[%dma_start3A_1107, %add3A, %dma_start3A_1111] : memref<26x32x4096xf32, #tpu.memory_space<hbm>> -> memref<1x1x4096xf32, #tpu.memory_space<hbm>>
    %dma_start3A_1113 = tpu.memref_squeeze %dma_start3A_1112 : memref<1x1x4096xf32, #tpu.memory_space<hbm>> -> memref<4096xf32, #tpu.memory_space<hbm>>
    tpu.enqueue_dma source(%arg10 : memref<4096xf32, #tpu.memory_space<vmem>>) target(%dma_start3A_1113 : memref<4096xf32, #tpu.memory_space<hbm>>) target_semaphore(%arg15 : memref<!tpu.dma_semaphore, #tpu.memory_space<semaphore_mem>>)
    %dma_start3A_1114 = arith.constant 0 : i32
    %dma_start3A_1115 = tpu.memref_slice %arg6[%dma_start3A_1114] : memref<38656xf32, #tpu.memory_space<vmem>> -> memref<38656xf32, #tpu.memory_space<vmem>>
    %dma_start3A_1116 = arith.constant 846080 : i32
    %dma_start3A_1117 = tpu.memref_slice %arg3[%add3A, %dma_start3A_1116] : memref<32x1000000xf32, #tpu.memory_space<hbm>> -> memref<1x38656xf32, #tpu.memory_space<hbm>>
    %dma_start3A_1118 = tpu.memref_squeeze %dma_start3A_1117 : memref<1x38656xf32, #tpu.memory_space<hbm>> -> memref<38656xf32, #tpu.memory_space<hbm>>
    %dma_start3A_1119 = arith.constant 0 : i32
    %dma_start3A_1120 = tpu.memref_slice %arg6[%dma_start3A_1119] : memref<38656xf32, #tpu.memory_space<vmem>> -> memref<38656xf32, #tpu.memory_space<vmem>>
    %dma_start3A_1121 = arith.constant 846080 : i32
    %dma_start3A_1122 = tpu.memref_slice %arg3[%add3A, %dma_start3A_1121] : memref<32x1000000xf32, #tpu.memory_space<hbm>> -> memref<1x38656xf32, #tpu.memory_space<hbm>>
    %dma_start3A_1123 = tpu.memref_squeeze %dma_start3A_1122 : memref<1x38656xf32, #tpu.memory_space<hbm>> -> memref<38656xf32, #tpu.memory_space<hbm>>
    tpu.enqueue_dma source(%dma_start3A_1123 : memref<38656xf32, #tpu.memory_space<hbm>>) target(%dma_start3A_1120 : memref<38656xf32, #tpu.memory_space<vmem>>) target_semaphore(%arg13 : memref<!tpu.dma_semaphore, #tpu.memory_space<semaphore_mem>>)
    %dma_start3A_1124 = arith.constant 22 : i32
    %dma_start3A_1125 = arith.constant 0 : i32
    %dma_start3A_1126 = tpu.memref_slice %arg2[%dma_start3A_1124, %dma_start3A_1125] : memref<26x4096xi32, #tpu.memory_space<hbm>> -> memref<1x4096xi32, #tpu.memory_space<hbm>>
    %dma_start3A_1127 = tpu.memref_squeeze %dma_start3A_1126 : memref<1x4096xi32, #tpu.memory_space<hbm>> -> memref<4096xi32, #tpu.memory_space<hbm>>
    %dma_start3A_1128 = arith.constant 0 : i32
    %dma_start3A_1129 = tpu.memref_slice %arg2[%dma_start3A_1124, %dma_start3A_1128] : memref<26x4096xi32, #tpu.memory_space<hbm>> -> memref<1x4096xi32, #tpu.memory_space<hbm>>
    %dma_start3A_1130 = tpu.memref_squeeze %dma_start3A_1129 : memref<1x4096xi32, #tpu.memory_space<hbm>> -> memref<4096xi32, #tpu.memory_space<hbm>>
    tpu.enqueue_dma source(%dma_start3A_1130 : memref<4096xi32, #tpu.memory_space<hbm>>) target(%arg8 : memref<4096xi32, #tpu.memory_space<vmem>>) target_semaphore(%arg13 : memref<!tpu.dma_semaphore, #tpu.memory_space<semaphore_mem>>)
    %dma_wait3A_1131 = arith.constant 0 : i32
    %dma_wait3A_1132 = tpu.memref_slice %arg7[%dma_wait3A_1131] : memref<38656xf32, #tpu.memory_space<vmem>> -> memref<38656xf32, #tpu.memory_space<vmem>>
    %dma_wait3A_1133 = arith.constant 807680 : i32
    %dma_wait3A_1134 = tpu.memref_slice %arg3[%add3A, %dma_wait3A_1133] : memref<32x1000000xf32, #tpu.memory_space<hbm>> -> memref<1x38656xf32, #tpu.memory_space<hbm>>
    %dma_wait3A_1135 = tpu.memref_squeeze %dma_wait3A_1134 : memref<1x38656xf32, #tpu.memory_space<hbm>> -> memref<38656xf32, #tpu.memory_space<hbm>>
    %dma_wait3A_1136 = arith.constant 0 : i32
    %dma_wait3A_1137 = tpu.memref_slice %arg7[%dma_wait3A_1136] : memref<38656xf32, #tpu.memory_space<vmem>> -> memref<38656xf32, #tpu.memory_space<vmem>>
    %dma_wait3A_1138 = arith.constant 807680 : i32
    %dma_wait3A_1139 = tpu.memref_slice %arg3[%add3A, %dma_wait3A_1138] : memref<32x1000000xf32, #tpu.memory_space<hbm>> -> memref<1x38656xf32, #tpu.memory_space<hbm>>
    %dma_wait3A_1140 = tpu.memref_squeeze %dma_wait3A_1139 : memref<1x38656xf32, #tpu.memory_space<hbm>> -> memref<38656xf32, #tpu.memory_space<hbm>>
    tpu.wait_dma2 semaphore(%arg14 : memref<!tpu.dma_semaphore, #tpu.memory_space<semaphore_mem>>) src(%dma_wait3A_1140 : memref<38656xf32, #tpu.memory_space<hbm>>) dst(%dma_wait3A_1137 : memref<38656xf32, #tpu.memory_space<vmem>>)
    %dma_wait3A_1141 = arith.constant 21 : i32
    %dma_wait3A_1142 = arith.constant 0 : i32
    %dma_wait3A_1143 = tpu.memref_slice %arg2[%dma_wait3A_1141, %dma_wait3A_1142] : memref<26x4096xi32, #tpu.memory_space<hbm>> -> memref<1x4096xi32, #tpu.memory_space<hbm>>
    %dma_wait3A_1144 = tpu.memref_squeeze %dma_wait3A_1143 : memref<1x4096xi32, #tpu.memory_space<hbm>> -> memref<4096xi32, #tpu.memory_space<hbm>>
    %dma_wait3A_1145 = arith.constant 0 : i32
    %dma_wait3A_1146 = tpu.memref_slice %arg2[%dma_wait3A_1141, %dma_wait3A_1145] : memref<26x4096xi32, #tpu.memory_space<hbm>> -> memref<1x4096xi32, #tpu.memory_space<hbm>>
    %dma_wait3A_1147 = tpu.memref_squeeze %dma_wait3A_1146 : memref<1x4096xi32, #tpu.memory_space<hbm>> -> memref<4096xi32, #tpu.memory_space<hbm>>
    tpu.wait_dma2 semaphore(%arg14 : memref<!tpu.dma_semaphore, #tpu.memory_space<semaphore_mem>>) src(%dma_wait3A_1147 : memref<4096xi32, #tpu.memory_space<hbm>>) dst(%arg9 : memref<4096xi32, #tpu.memory_space<vmem>>)
    %dma_wait3A_1148 = arith.constant 19 : i32
    %dma_wait3A_1149 = arith.constant 0 : i32
    %dma_wait3A_1150 = tpu.memref_slice %arg5[%dma_wait3A_1148, %add3A, %dma_wait3A_1149] : memref<26x32x4096xf32, #tpu.memory_space<hbm>> -> memref<1x1x4096xf32, #tpu.memory_space<hbm>>
    %dma_wait3A_1151 = tpu.memref_squeeze %dma_wait3A_1150 : memref<1x1x4096xf32, #tpu.memory_space<hbm>> -> memref<4096xf32, #tpu.memory_space<hbm>>
    %dma_wait3A_1152 = arith.constant 0 : i32
    %dma_wait3A_1153 = tpu.memref_slice %arg5[%dma_wait3A_1148, %add3A, %dma_wait3A_1152] : memref<26x32x4096xf32, #tpu.memory_space<hbm>> -> memref<1x1x4096xf32, #tpu.memory_space<hbm>>
    %dma_wait3A_1154 = tpu.memref_squeeze %dma_wait3A_1153 : memref<1x1x4096xf32, #tpu.memory_space<hbm>> -> memref<4096xf32, #tpu.memory_space<hbm>>
    tpu.wait_dma2 semaphore(%arg16 : memref<!tpu.dma_semaphore, #tpu.memory_space<semaphore_mem>>) src(%arg11 : memref<4096xf32, #tpu.memory_space<vmem>>) dst(%dma_wait3A_1154 : memref<4096xf32, #tpu.memory_space<hbm>>)
    %scan3A_1155 = arith.constant 0 : i32
    %scan3A_1156 = arith.constant 256 : i32
    %scan3A_1157 = arith.addi %scan3A_1155, %scan3A_1156 : i32
    %scan3A_1158 = arith.constant 1 : i32
    scf.for %scan3A_1376 = %scan3A_1155 to %scan3A_1157 step %scan3A_1158  : i32 {
      %mul3A_1377 = arith.constant 1 : i32
      %mul3A_1378 = arith.muli %scan3A_1376, %mul3A_1377 : i32
      %add3A_1379 = arith.constant 0 : i32
      %add3A_1380 = arith.addi %add3A_1379, %mul3A_1378 : i32
      %mul3A_1381 = arith.constant 16 : i32
      %mul3A_1382 = arith.muli %add3A_1380, %mul3A_1381 : i32
      %get3A = arith.index_cast %mul3A_1382 : i32 to index
      %get3A_1383 = tpu.vector_load %arg9[%get3A] {strides = array<i32>} : memref<4096xi32, #tpu.memory_space<vmem>>, vector<16xi32>,
      %add3A_1384 = arith.constant 1 : i32
      %add3A_1385 = vector.broadcast %add3A_1384 : i32 to vector<16xi32>
      %add3A_1386 = arith.addi %get3A_1383, %add3A_1385 : vector<16xi32>
      %gather3A = tpu.vector_load_idx %arg7[%add3A_1386] : memref<38656xf32, #tpu.memory_space<vmem>>[vector<16xi32>], vector<16xf32>,
      %swap3A = arith.index_cast %mul3A_1382 : i32 to index
      %swap3A_1387 = tpu.vector_load %arg11[%swap3A] {strides = array<i32>} : memref<4096xf32, #tpu.memory_space<vmem>>, vector<16xf32>,
      tpu.vector_store %arg11[%swap3A], %gather3A {strides = array<i32>} : memref<4096xf32, #tpu.memory_space<vmem>>, vector<16xf32>,
    }
    %scan3A_1159 = arith.constant 256 : i32
    %dma_start3A_1160 = arith.constant 21 : i32
    %dma_start3A_1161 = arith.constant 0 : i32
    %dma_start3A_1162 = tpu.memref_slice %arg5[%dma_start3A_1160, %add3A, %dma_start3A_1161] : memref<26x32x4096xf32, #tpu.memory_space<hbm>> -> memref<1x1x4096xf32, #tpu.memory_space<hbm>>
    %dma_start3A_1163 = tpu.memref_squeeze %dma_start3A_1162 : memref<1x1x4096xf32, #tpu.memory_space<hbm>> -> memref<4096xf32, #tpu.memory_space<hbm>>
    %dma_start3A_1164 = arith.constant 0 : i32
    %dma_start3A_1165 = tpu.memref_slice %arg5[%dma_start3A_1160, %add3A, %dma_start3A_1164] : memref<26x32x4096xf32, #tpu.memory_space<hbm>> -> memref<1x1x4096xf32, #tpu.memory_space<hbm>>
    %dma_start3A_1166 = tpu.memref_squeeze %dma_start3A_1165 : memref<1x1x4096xf32, #tpu.memory_space<hbm>> -> memref<4096xf32, #tpu.memory_space<hbm>>
    tpu.enqueue_dma source(%arg11 : memref<4096xf32, #tpu.memory_space<vmem>>) target(%dma_start3A_1166 : memref<4096xf32, #tpu.memory_space<hbm>>) target_semaphore(%arg16 : memref<!tpu.dma_semaphore, #tpu.memory_space<semaphore_mem>>)
    %dma_start3A_1167 = arith.constant 0 : i32
    %dma_start3A_1168 = tpu.memref_slice %arg7[%dma_start3A_1167] : memref<38656xf32, #tpu.memory_space<vmem>> -> memref<38656xf32, #tpu.memory_space<vmem>>
    %dma_start3A_1169 = arith.constant 884480 : i32
    %dma_start3A_1170 = tpu.memref_slice %arg3[%add3A, %dma_start3A_1169] : memref<32x1000000xf32, #tpu.memory_space<hbm>> -> memref<1x38656xf32, #tpu.memory_space<hbm>>
    %dma_start3A_1171 = tpu.memref_squeeze %dma_start3A_1170 : memref<1x38656xf32, #tpu.memory_space<hbm>> -> memref<38656xf32, #tpu.memory_space<hbm>>
    %dma_start3A_1172 = arith.constant 0 : i32
    %dma_start3A_1173 = tpu.memref_slice %arg7[%dma_start3A_1172] : memref<38656xf32, #tpu.memory_space<vmem>> -> memref<38656xf32, #tpu.memory_space<vmem>>
    %dma_start3A_1174 = arith.constant 884480 : i32
    %dma_start3A_1175 = tpu.memref_slice %arg3[%add3A, %dma_start3A_1174] : memref<32x1000000xf32, #tpu.memory_space<hbm>> -> memref<1x38656xf32, #tpu.memory_space<hbm>>
    %dma_start3A_1176 = tpu.memref_squeeze %dma_start3A_1175 : memref<1x38656xf32, #tpu.memory_space<hbm>> -> memref<38656xf32, #tpu.memory_space<hbm>>
    tpu.enqueue_dma source(%dma_start3A_1176 : memref<38656xf32, #tpu.memory_space<hbm>>) target(%dma_start3A_1173 : memref<38656xf32, #tpu.memory_space<vmem>>) target_semaphore(%arg14 : memref<!tpu.dma_semaphore, #tpu.memory_space<semaphore_mem>>)
    %dma_start3A_1177 = arith.constant 23 : i32
    %dma_start3A_1178 = arith.constant 0 : i32
    %dma_start3A_1179 = tpu.memref_slice %arg2[%dma_start3A_1177, %dma_start3A_1178] : memref<26x4096xi32, #tpu.memory_space<hbm>> -> memref<1x4096xi32, #tpu.memory_space<hbm>>
    %dma_start3A_1180 = tpu.memref_squeeze %dma_start3A_1179 : memref<1x4096xi32, #tpu.memory_space<hbm>> -> memref<4096xi32, #tpu.memory_space<hbm>>
    %dma_start3A_1181 = arith.constant 0 : i32
    %dma_start3A_1182 = tpu.memref_slice %arg2[%dma_start3A_1177, %dma_start3A_1181] : memref<26x4096xi32, #tpu.memory_space<hbm>> -> memref<1x4096xi32, #tpu.memory_space<hbm>>
    %dma_start3A_1183 = tpu.memref_squeeze %dma_start3A_1182 : memref<1x4096xi32, #tpu.memory_space<hbm>> -> memref<4096xi32, #tpu.memory_space<hbm>>
    tpu.enqueue_dma source(%dma_start3A_1183 : memref<4096xi32, #tpu.memory_space<hbm>>) target(%arg9 : memref<4096xi32, #tpu.memory_space<vmem>>) target_semaphore(%arg14 : memref<!tpu.dma_semaphore, #tpu.memory_space<semaphore_mem>>)
    %dma_wait3A_1184 = arith.constant 0 : i32
    %dma_wait3A_1185 = tpu.memref_slice %arg6[%dma_wait3A_1184] : memref<38656xf32, #tpu.memory_space<vmem>> -> memref<38656xf32, #tpu.memory_space<vmem>>
    %dma_wait3A_1186 = arith.constant 846080 : i32
    %dma_wait3A_1187 = tpu.memref_slice %arg3[%add3A, %dma_wait3A_1186] : memref<32x1000000xf32, #tpu.memory_space<hbm>> -> memref<1x38656xf32, #tpu.memory_space<hbm>>
    %dma_wait3A_1188 = tpu.memref_squeeze %dma_wait3A_1187 : memref<1x38656xf32, #tpu.memory_space<hbm>> -> memref<38656xf32, #tpu.memory_space<hbm>>
    %dma_wait3A_1189 = arith.constant 0 : i32
    %dma_wait3A_1190 = tpu.memref_slice %arg6[%dma_wait3A_1189] : memref<38656xf32, #tpu.memory_space<vmem>> -> memref<38656xf32, #tpu.memory_space<vmem>>
    %dma_wait3A_1191 = arith.constant 846080 : i32
    %dma_wait3A_1192 = tpu.memref_slice %arg3[%add3A, %dma_wait3A_1191] : memref<32x1000000xf32, #tpu.memory_space<hbm>> -> memref<1x38656xf32, #tpu.memory_space<hbm>>
    %dma_wait3A_1193 = tpu.memref_squeeze %dma_wait3A_1192 : memref<1x38656xf32, #tpu.memory_space<hbm>> -> memref<38656xf32, #tpu.memory_space<hbm>>
    tpu.wait_dma2 semaphore(%arg13 : memref<!tpu.dma_semaphore, #tpu.memory_space<semaphore_mem>>) src(%dma_wait3A_1193 : memref<38656xf32, #tpu.memory_space<hbm>>) dst(%dma_wait3A_1190 : memref<38656xf32, #tpu.memory_space<vmem>>)
    %dma_wait3A_1194 = arith.constant 22 : i32
    %dma_wait3A_1195 = arith.constant 0 : i32
    %dma_wait3A_1196 = tpu.memref_slice %arg2[%dma_wait3A_1194, %dma_wait3A_1195] : memref<26x4096xi32, #tpu.memory_space<hbm>> -> memref<1x4096xi32, #tpu.memory_space<hbm>>
    %dma_wait3A_1197 = tpu.memref_squeeze %dma_wait3A_1196 : memref<1x4096xi32, #tpu.memory_space<hbm>> -> memref<4096xi32, #tpu.memory_space<hbm>>
    %dma_wait3A_1198 = arith.constant 0 : i32
    %dma_wait3A_1199 = tpu.memref_slice %arg2[%dma_wait3A_1194, %dma_wait3A_1198] : memref<26x4096xi32, #tpu.memory_space<hbm>> -> memref<1x4096xi32, #tpu.memory_space<hbm>>
    %dma_wait3A_1200 = tpu.memref_squeeze %dma_wait3A_1199 : memref<1x4096xi32, #tpu.memory_space<hbm>> -> memref<4096xi32, #tpu.memory_space<hbm>>
    tpu.wait_dma2 semaphore(%arg13 : memref<!tpu.dma_semaphore, #tpu.memory_space<semaphore_mem>>) src(%dma_wait3A_1200 : memref<4096xi32, #tpu.memory_space<hbm>>) dst(%arg8 : memref<4096xi32, #tpu.memory_space<vmem>>)
    %dma_wait3A_1201 = arith.constant 20 : i32
    %dma_wait3A_1202 = arith.constant 0 : i32
    %dma_wait3A_1203 = tpu.memref_slice %arg5[%dma_wait3A_1201, %add3A, %dma_wait3A_1202] : memref<26x32x4096xf32, #tpu.memory_space<hbm>> -> memref<1x1x4096xf32, #tpu.memory_space<hbm>>
    %dma_wait3A_1204 = tpu.memref_squeeze %dma_wait3A_1203 : memref<1x1x4096xf32, #tpu.memory_space<hbm>> -> memref<4096xf32, #tpu.memory_space<hbm>>
    %dma_wait3A_1205 = arith.constant 0 : i32
    %dma_wait3A_1206 = tpu.memref_slice %arg5[%dma_wait3A_1201, %add3A, %dma_wait3A_1205] : memref<26x32x4096xf32, #tpu.memory_space<hbm>> -> memref<1x1x4096xf32, #tpu.memory_space<hbm>>
    %dma_wait3A_1207 = tpu.memref_squeeze %dma_wait3A_1206 : memref<1x1x4096xf32, #tpu.memory_space<hbm>> -> memref<4096xf32, #tpu.memory_space<hbm>>
    tpu.wait_dma2 semaphore(%arg15 : memref<!tpu.dma_semaphore, #tpu.memory_space<semaphore_mem>>) src(%arg10 : memref<4096xf32, #tpu.memory_space<vmem>>) dst(%dma_wait3A_1207 : memref<4096xf32, #tpu.memory_space<hbm>>)
    %scan3A_1208 = arith.constant 0 : i32
    %scan3A_1209 = arith.constant 256 : i32
    %scan3A_1210 = arith.addi %scan3A_1208, %scan3A_1209 : i32
    %scan3A_1211 = arith.constant 1 : i32
    scf.for %scan3A_1376 = %scan3A_1208 to %scan3A_1210 step %scan3A_1211  : i32 {
      %mul3A_1377 = arith.constant 1 : i32
      %mul3A_1378 = arith.muli %scan3A_1376, %mul3A_1377 : i32
      %add3A_1379 = arith.constant 0 : i32
      %add3A_1380 = arith.addi %add3A_1379, %mul3A_1378 : i32
      %mul3A_1381 = arith.constant 16 : i32
      %mul3A_1382 = arith.muli %add3A_1380, %mul3A_1381 : i32
      %get3A = arith.index_cast %mul3A_1382 : i32 to index
      %get3A_1383 = tpu.vector_load %arg8[%get3A] {strides = array<i32>} : memref<4096xi32, #tpu.memory_space<vmem>>, vector<16xi32>,
      %add3A_1384 = arith.constant 62 : i32
      %add3A_1385 = vector.broadcast %add3A_1384 : i32 to vector<16xi32>
      %add3A_1386 = arith.addi %get3A_1383, %add3A_1385 : vector<16xi32>
      %gather3A = tpu.vector_load_idx %arg6[%add3A_1386] : memref<38656xf32, #tpu.memory_space<vmem>>[vector<16xi32>], vector<16xf32>,
      %swap3A = arith.index_cast %mul3A_1382 : i32 to index
      %swap3A_1387 = tpu.vector_load %arg10[%swap3A] {strides = array<i32>} : memref<4096xf32, #tpu.memory_space<vmem>>, vector<16xf32>,
      tpu.vector_store %arg10[%swap3A], %gather3A {strides = array<i32>} : memref<4096xf32, #tpu.memory_space<vmem>>, vector<16xf32>,
    }
    %scan3A_1212 = arith.constant 256 : i32
    %dma_start3A_1213 = arith.constant 22 : i32
    %dma_start3A_1214 = arith.constant 0 : i32
    %dma_start3A_1215 = tpu.memref_slice %arg5[%dma_start3A_1213, %add3A, %dma_start3A_1214] : memref<26x32x4096xf32, #tpu.memory_space<hbm>> -> memref<1x1x4096xf32, #tpu.memory_space<hbm>>
    %dma_start3A_1216 = tpu.memref_squeeze %dma_start3A_1215 : memref<1x1x4096xf32, #tpu.memory_space<hbm>> -> memref<4096xf32, #tpu.memory_space<hbm>>
    %dma_start3A_1217 = arith.constant 0 : i32
    %dma_start3A_1218 = tpu.memref_slice %arg5[%dma_start3A_1213, %add3A, %dma_start3A_1217] : memref<26x32x4096xf32, #tpu.memory_space<hbm>> -> memref<1x1x4096xf32, #tpu.memory_space<hbm>>
    %dma_start3A_1219 = tpu.memref_squeeze %dma_start3A_1218 : memref<1x1x4096xf32, #tpu.memory_space<hbm>> -> memref<4096xf32, #tpu.memory_space<hbm>>
    tpu.enqueue_dma source(%arg10 : memref<4096xf32, #tpu.memory_space<vmem>>) target(%dma_start3A_1219 : memref<4096xf32, #tpu.memory_space<hbm>>) target_semaphore(%arg15 : memref<!tpu.dma_semaphore, #tpu.memory_space<semaphore_mem>>)
    %dma_start3A_1220 = arith.constant 0 : i32
    %dma_start3A_1221 = tpu.memref_slice %arg6[%dma_start3A_1220] : memref<38656xf32, #tpu.memory_space<vmem>> -> memref<38656xf32, #tpu.memory_space<vmem>>
    %dma_start3A_1222 = arith.constant 923008 : i32
    %dma_start3A_1223 = tpu.memref_slice %arg3[%add3A, %dma_start3A_1222] : memref<32x1000000xf32, #tpu.memory_space<hbm>> -> memref<1x38656xf32, #tpu.memory_space<hbm>>
    %dma_start3A_1224 = tpu.memref_squeeze %dma_start3A_1223 : memref<1x38656xf32, #tpu.memory_space<hbm>> -> memref<38656xf32, #tpu.memory_space<hbm>>
    %dma_start3A_1225 = arith.constant 0 : i32
    %dma_start3A_1226 = tpu.memref_slice %arg6[%dma_start3A_1225] : memref<38656xf32, #tpu.memory_space<vmem>> -> memref<38656xf32, #tpu.memory_space<vmem>>
    %dma_start3A_1227 = arith.constant 923008 : i32
    %dma_start3A_1228 = tpu.memref_slice %arg3[%add3A, %dma_start3A_1227] : memref<32x1000000xf32, #tpu.memory_space<hbm>> -> memref<1x38656xf32, #tpu.memory_space<hbm>>
    %dma_start3A_1229 = tpu.memref_squeeze %dma_start3A_1228 : memref<1x38656xf32, #tpu.memory_space<hbm>> -> memref<38656xf32, #tpu.memory_space<hbm>>
    tpu.enqueue_dma source(%dma_start3A_1229 : memref<38656xf32, #tpu.memory_space<hbm>>) target(%dma_start3A_1226 : memref<38656xf32, #tpu.memory_space<vmem>>) target_semaphore(%arg13 : memref<!tpu.dma_semaphore, #tpu.memory_space<semaphore_mem>>)
    %dma_start3A_1230 = arith.constant 24 : i32
    %dma_start3A_1231 = arith.constant 0 : i32
    %dma_start3A_1232 = tpu.memref_slice %arg2[%dma_start3A_1230, %dma_start3A_1231] : memref<26x4096xi32, #tpu.memory_space<hbm>> -> memref<1x4096xi32, #tpu.memory_space<hbm>>
    %dma_start3A_1233 = tpu.memref_squeeze %dma_start3A_1232 : memref<1x4096xi32, #tpu.memory_space<hbm>> -> memref<4096xi32, #tpu.memory_space<hbm>>
    %dma_start3A_1234 = arith.constant 0 : i32
    %dma_start3A_1235 = tpu.memref_slice %arg2[%dma_start3A_1230, %dma_start3A_1234] : memref<26x4096xi32, #tpu.memory_space<hbm>> -> memref<1x4096xi32, #tpu.memory_space<hbm>>
    %dma_start3A_1236 = tpu.memref_squeeze %dma_start3A_1235 : memref<1x4096xi32, #tpu.memory_space<hbm>> -> memref<4096xi32, #tpu.memory_space<hbm>>
    tpu.enqueue_dma source(%dma_start3A_1236 : memref<4096xi32, #tpu.memory_space<hbm>>) target(%arg8 : memref<4096xi32, #tpu.memory_space<vmem>>) target_semaphore(%arg13 : memref<!tpu.dma_semaphore, #tpu.memory_space<semaphore_mem>>)
    %dma_wait3A_1237 = arith.constant 0 : i32
    %dma_wait3A_1238 = tpu.memref_slice %arg7[%dma_wait3A_1237] : memref<38656xf32, #tpu.memory_space<vmem>> -> memref<38656xf32, #tpu.memory_space<vmem>>
    %dma_wait3A_1239 = arith.constant 884480 : i32
    %dma_wait3A_1240 = tpu.memref_slice %arg3[%add3A, %dma_wait3A_1239] : memref<32x1000000xf32, #tpu.memory_space<hbm>> -> memref<1x38656xf32, #tpu.memory_space<hbm>>
    %dma_wait3A_1241 = tpu.memref_squeeze %dma_wait3A_1240 : memref<1x38656xf32, #tpu.memory_space<hbm>> -> memref<38656xf32, #tpu.memory_space<hbm>>
    %dma_wait3A_1242 = arith.constant 0 : i32
    %dma_wait3A_1243 = tpu.memref_slice %arg7[%dma_wait3A_1242] : memref<38656xf32, #tpu.memory_space<vmem>> -> memref<38656xf32, #tpu.memory_space<vmem>>
    %dma_wait3A_1244 = arith.constant 884480 : i32
    %dma_wait3A_1245 = tpu.memref_slice %arg3[%add3A, %dma_wait3A_1244] : memref<32x1000000xf32, #tpu.memory_space<hbm>> -> memref<1x38656xf32, #tpu.memory_space<hbm>>
    %dma_wait3A_1246 = tpu.memref_squeeze %dma_wait3A_1245 : memref<1x38656xf32, #tpu.memory_space<hbm>> -> memref<38656xf32, #tpu.memory_space<hbm>>
    tpu.wait_dma2 semaphore(%arg14 : memref<!tpu.dma_semaphore, #tpu.memory_space<semaphore_mem>>) src(%dma_wait3A_1246 : memref<38656xf32, #tpu.memory_space<hbm>>) dst(%dma_wait3A_1243 : memref<38656xf32, #tpu.memory_space<vmem>>)
    %dma_wait3A_1247 = arith.constant 23 : i32
    %dma_wait3A_1248 = arith.constant 0 : i32
    %dma_wait3A_1249 = tpu.memref_slice %arg2[%dma_wait3A_1247, %dma_wait3A_1248] : memref<26x4096xi32, #tpu.memory_space<hbm>> -> memref<1x4096xi32, #tpu.memory_space<hbm>>
    %dma_wait3A_1250 = tpu.memref_squeeze %dma_wait3A_1249 : memref<1x4096xi32, #tpu.memory_space<hbm>> -> memref<4096xi32, #tpu.memory_space<hbm>>
    %dma_wait3A_1251 = arith.constant 0 : i32
    %dma_wait3A_1252 = tpu.memref_slice %arg2[%dma_wait3A_1247, %dma_wait3A_1251] : memref<26x4096xi32, #tpu.memory_space<hbm>> -> memref<1x4096xi32, #tpu.memory_space<hbm>>
    %dma_wait3A_1253 = tpu.memref_squeeze %dma_wait3A_1252 : memref<1x4096xi32, #tpu.memory_space<hbm>> -> memref<4096xi32, #tpu.memory_space<hbm>>
    tpu.wait_dma2 semaphore(%arg14 : memref<!tpu.dma_semaphore, #tpu.memory_space<semaphore_mem>>) src(%dma_wait3A_1253 : memref<4096xi32, #tpu.memory_space<hbm>>) dst(%arg9 : memref<4096xi32, #tpu.memory_space<vmem>>)
    %dma_wait3A_1254 = arith.constant 21 : i32
    %dma_wait3A_1255 = arith.constant 0 : i32
    %dma_wait3A_1256 = tpu.memref_slice %arg5[%dma_wait3A_1254, %add3A, %dma_wait3A_1255] : memref<26x32x4096xf32, #tpu.memory_space<hbm>> -> memref<1x1x4096xf32, #tpu.memory_space<hbm>>
    %dma_wait3A_1257 = tpu.memref_squeeze %dma_wait3A_1256 : memref<1x1x4096xf32, #tpu.memory_space<hbm>> -> memref<4096xf32, #tpu.memory_space<hbm>>
    %dma_wait3A_1258 = arith.constant 0 : i32
    %dma_wait3A_1259 = tpu.memref_slice %arg5[%dma_wait3A_1254, %add3A, %dma_wait3A_1258] : memref<26x32x4096xf32, #tpu.memory_space<hbm>> -> memref<1x1x4096xf32, #tpu.memory_space<hbm>>
    %dma_wait3A_1260 = tpu.memref_squeeze %dma_wait3A_1259 : memref<1x1x4096xf32, #tpu.memory_space<hbm>> -> memref<4096xf32, #tpu.memory_space<hbm>>
    tpu.wait_dma2 semaphore(%arg16 : memref<!tpu.dma_semaphore, #tpu.memory_space<semaphore_mem>>) src(%arg11 : memref<4096xf32, #tpu.memory_space<vmem>>) dst(%dma_wait3A_1260 : memref<4096xf32, #tpu.memory_space<hbm>>)
    %scan3A_1261 = arith.constant 0 : i32
    %scan3A_1262 = arith.constant 256 : i32
    %scan3A_1263 = arith.addi %scan3A_1261, %scan3A_1262 : i32
    %scan3A_1264 = arith.constant 1 : i32
    scf.for %scan3A_1376 = %scan3A_1261 to %scan3A_1263 step %scan3A_1264  : i32 {
      %mul3A_1377 = arith.constant 1 : i32
      %mul3A_1378 = arith.muli %scan3A_1376, %mul3A_1377 : i32
      %add3A_1379 = arith.constant 0 : i32
      %add3A_1380 = arith.addi %add3A_1379, %mul3A_1378 : i32
      %mul3A_1381 = arith.constant 16 : i32
      %mul3A_1382 = arith.muli %add3A_1380, %mul3A_1381 : i32
      %get3A = arith.index_cast %mul3A_1382 : i32 to index
      %get3A_1383 = tpu.vector_load %arg9[%get3A] {strides = array<i32>} : memref<4096xi32, #tpu.memory_space<vmem>>, vector<16xi32>,
      %add3A_1384 = arith.constant 123 : i32
      %add3A_1385 = vector.broadcast %add3A_1384 : i32 to vector<16xi32>
      %add3A_1386 = arith.addi %get3A_1383, %add3A_1385 : vector<16xi32>
      %gather3A = tpu.vector_load_idx %arg7[%add3A_1386] : memref<38656xf32, #tpu.memory_space<vmem>>[vector<16xi32>], vector<16xf32>,
      %swap3A = arith.index_cast %mul3A_1382 : i32 to index
      %swap3A_1387 = tpu.vector_load %arg11[%swap3A] {strides = array<i32>} : memref<4096xf32, #tpu.memory_space<vmem>>, vector<16xf32>,
      tpu.vector_store %arg11[%swap3A], %gather3A {strides = array<i32>} : memref<4096xf32, #tpu.memory_space<vmem>>, vector<16xf32>,
    }
    %scan3A_1265 = arith.constant 256 : i32
    %dma_start3A_1266 = arith.constant 23 : i32
    %dma_start3A_1267 = arith.constant 0 : i32
    %dma_start3A_1268 = tpu.memref_slice %arg5[%dma_start3A_1266, %add3A, %dma_start3A_1267] : memref<26x32x4096xf32, #tpu.memory_space<hbm>> -> memref<1x1x4096xf32, #tpu.memory_space<hbm>>
    %dma_start3A_1269 = tpu.memref_squeeze %dma_start3A_1268 : memref<1x1x4096xf32, #tpu.memory_space<hbm>> -> memref<4096xf32, #tpu.memory_space<hbm>>
    %dma_start3A_1270 = arith.constant 0 : i32
    %dma_start3A_1271 = tpu.memref_slice %arg5[%dma_start3A_1266, %add3A, %dma_start3A_1270] : memref<26x32x4096xf32, #tpu.memory_space<hbm>> -> memref<1x1x4096xf32, #tpu.memory_space<hbm>>
    %dma_start3A_1272 = tpu.memref_squeeze %dma_start3A_1271 : memref<1x1x4096xf32, #tpu.memory_space<hbm>> -> memref<4096xf32, #tpu.memory_space<hbm>>
    tpu.enqueue_dma source(%arg11 : memref<4096xf32, #tpu.memory_space<vmem>>) target(%dma_start3A_1272 : memref<4096xf32, #tpu.memory_space<hbm>>) target_semaphore(%arg16 : memref<!tpu.dma_semaphore, #tpu.memory_space<semaphore_mem>>)
    %dma_start3A_1273 = arith.constant 0 : i32
    %dma_start3A_1274 = tpu.memref_slice %arg7[%dma_start3A_1273] : memref<38656xf32, #tpu.memory_space<vmem>> -> memref<38528xf32, #tpu.memory_space<vmem>>
    %dma_start3A_1275 = arith.constant 961408 : i32
    %dma_start3A_1276 = tpu.memref_slice %arg3[%add3A, %dma_start3A_1275] : memref<32x1000000xf32, #tpu.memory_space<hbm>> -> memref<1x38528xf32, #tpu.memory_space<hbm>>
    %dma_start3A_1277 = tpu.memref_squeeze %dma_start3A_1276 : memref<1x38528xf32, #tpu.memory_space<hbm>> -> memref<38528xf32, #tpu.memory_space<hbm>>
    %dma_start3A_1278 = arith.constant 0 : i32
    %dma_start3A_1279 = tpu.memref_slice %arg7[%dma_start3A_1278] : memref<38656xf32, #tpu.memory_space<vmem>> -> memref<38528xf32, #tpu.memory_space<vmem>>
    %dma_start3A_1280 = arith.constant 961408 : i32
    %dma_start3A_1281 = tpu.memref_slice %arg3[%add3A, %dma_start3A_1280] : memref<32x1000000xf32, #tpu.memory_space<hbm>> -> memref<1x38528xf32, #tpu.memory_space<hbm>>
    %dma_start3A_1282 = tpu.memref_squeeze %dma_start3A_1281 : memref<1x38528xf32, #tpu.memory_space<hbm>> -> memref<38528xf32, #tpu.memory_space<hbm>>
    tpu.enqueue_dma source(%dma_start3A_1282 : memref<38528xf32, #tpu.memory_space<hbm>>) target(%dma_start3A_1279 : memref<38528xf32, #tpu.memory_space<vmem>>) target_semaphore(%arg14 : memref<!tpu.dma_semaphore, #tpu.memory_space<semaphore_mem>>)
    %dma_start3A_1283 = arith.constant 25 : i32
    %dma_start3A_1284 = arith.constant 0 : i32
    %dma_start3A_1285 = tpu.memref_slice %arg2[%dma_start3A_1283, %dma_start3A_1284] : memref<26x4096xi32, #tpu.memory_space<hbm>> -> memref<1x4096xi32, #tpu.memory_space<hbm>>
    %dma_start3A_1286 = tpu.memref_squeeze %dma_start3A_1285 : memref<1x4096xi32, #tpu.memory_space<hbm>> -> memref<4096xi32, #tpu.memory_space<hbm>>
    %dma_start3A_1287 = arith.constant 0 : i32
    %dma_start3A_1288 = tpu.memref_slice %arg2[%dma_start3A_1283, %dma_start3A_1287] : memref<26x4096xi32, #tpu.memory_space<hbm>> -> memref<1x4096xi32, #tpu.memory_space<hbm>>
    %dma_start3A_1289 = tpu.memref_squeeze %dma_start3A_1288 : memref<1x4096xi32, #tpu.memory_space<hbm>> -> memref<4096xi32, #tpu.memory_space<hbm>>
    tpu.enqueue_dma source(%dma_start3A_1289 : memref<4096xi32, #tpu.memory_space<hbm>>) target(%arg9 : memref<4096xi32, #tpu.memory_space<vmem>>) target_semaphore(%arg14 : memref<!tpu.dma_semaphore, #tpu.memory_space<semaphore_mem>>)
    %dma_wait3A_1290 = arith.constant 0 : i32
    %dma_wait3A_1291 = tpu.memref_slice %arg6[%dma_wait3A_1290] : memref<38656xf32, #tpu.memory_space<vmem>> -> memref<38656xf32, #tpu.memory_space<vmem>>
    %dma_wait3A_1292 = arith.constant 923008 : i32
    %dma_wait3A_1293 = tpu.memref_slice %arg3[%add3A, %dma_wait3A_1292] : memref<32x1000000xf32, #tpu.memory_space<hbm>> -> memref<1x38656xf32, #tpu.memory_space<hbm>>
    %dma_wait3A_1294 = tpu.memref_squeeze %dma_wait3A_1293 : memref<1x38656xf32, #tpu.memory_space<hbm>> -> memref<38656xf32, #tpu.memory_space<hbm>>
    %dma_wait3A_1295 = arith.constant 0 : i32
    %dma_wait3A_1296 = tpu.memref_slice %arg6[%dma_wait3A_1295] : memref<38656xf32, #tpu.memory_space<vmem>> -> memref<38656xf32, #tpu.memory_space<vmem>>
    %dma_wait3A_1297 = arith.constant 923008 : i32
    %dma_wait3A_1298 = tpu.memref_slice %arg3[%add3A, %dma_wait3A_1297] : memref<32x1000000xf32, #tpu.memory_space<hbm>> -> memref<1x38656xf32, #tpu.memory_space<hbm>>
    %dma_wait3A_1299 = tpu.memref_squeeze %dma_wait3A_1298 : memref<1x38656xf32, #tpu.memory_space<hbm>> -> memref<38656xf32, #tpu.memory_space<hbm>>
    tpu.wait_dma2 semaphore(%arg13 : memref<!tpu.dma_semaphore, #tpu.memory_space<semaphore_mem>>) src(%dma_wait3A_1299 : memref<38656xf32, #tpu.memory_space<hbm>>) dst(%dma_wait3A_1296 : memref<38656xf32, #tpu.memory_space<vmem>>)
    %dma_wait3A_1300 = arith.constant 24 : i32
    %dma_wait3A_1301 = arith.constant 0 : i32
    %dma_wait3A_1302 = tpu.memref_slice %arg2[%dma_wait3A_1300, %dma_wait3A_1301] : memref<26x4096xi32, #tpu.memory_space<hbm>> -> memref<1x4096xi32, #tpu.memory_space<hbm>>
    %dma_wait3A_1303 = tpu.memref_squeeze %dma_wait3A_1302 : memref<1x4096xi32, #tpu.memory_space<hbm>> -> memref<4096xi32, #tpu.memory_space<hbm>>
    %dma_wait3A_1304 = arith.constant 0 : i32
    %dma_wait3A_1305 = tpu.memref_slice %arg2[%dma_wait3A_1300, %dma_wait3A_1304] : memref<26x4096xi32, #tpu.memory_space<hbm>> -> memref<1x4096xi32, #tpu.memory_space<hbm>>
    %dma_wait3A_1306 = tpu.memref_squeeze %dma_wait3A_1305 : memref<1x4096xi32, #tpu.memory_space<hbm>> -> memref<4096xi32, #tpu.memory_space<hbm>>
    tpu.wait_dma2 semaphore(%arg13 : memref<!tpu.dma_semaphore, #tpu.memory_space<semaphore_mem>>) src(%dma_wait3A_1306 : memref<4096xi32, #tpu.memory_space<hbm>>) dst(%arg8 : memref<4096xi32, #tpu.memory_space<vmem>>)
    %dma_wait3A_1307 = arith.constant 22 : i32
    %dma_wait3A_1308 = arith.constant 0 : i32
    %dma_wait3A_1309 = tpu.memref_slice %arg5[%dma_wait3A_1307, %add3A, %dma_wait3A_1308] : memref<26x32x4096xf32, #tpu.memory_space<hbm>> -> memref<1x1x4096xf32, #tpu.memory_space<hbm>>
    %dma_wait3A_1310 = tpu.memref_squeeze %dma_wait3A_1309 : memref<1x1x4096xf32, #tpu.memory_space<hbm>> -> memref<4096xf32, #tpu.memory_space<hbm>>
    %dma_wait3A_1311 = arith.constant 0 : i32
    %dma_wait3A_1312 = tpu.memref_slice %arg5[%dma_wait3A_1307, %add3A, %dma_wait3A_1311] : memref<26x32x4096xf32, #tpu.memory_space<hbm>> -> memref<1x1x4096xf32, #tpu.memory_space<hbm>>
    %dma_wait3A_1313 = tpu.memref_squeeze %dma_wait3A_1312 : memref<1x1x4096xf32, #tpu.memory_space<hbm>> -> memref<4096xf32, #tpu.memory_space<hbm>>
    tpu.wait_dma2 semaphore(%arg15 : memref<!tpu.dma_semaphore, #tpu.memory_space<semaphore_mem>>) src(%arg10 : memref<4096xf32, #tpu.memory_space<vmem>>) dst(%dma_wait3A_1313 : memref<4096xf32, #tpu.memory_space<hbm>>)
    %scan3A_1314 = arith.constant 0 : i32
    %scan3A_1315 = arith.constant 256 : i32
    %scan3A_1316 = arith.addi %scan3A_1314, %scan3A_1315 : i32
    %scan3A_1317 = arith.constant 1 : i32
    scf.for %scan3A_1376 = %scan3A_1314 to %scan3A_1316 step %scan3A_1317  : i32 {
      %mul3A_1377 = arith.constant 1 : i32
      %mul3A_1378 = arith.muli %scan3A_1376, %mul3A_1377 : i32
      %add3A_1379 = arith.constant 0 : i32
      %add3A_1380 = arith.addi %add3A_1379, %mul3A_1378 : i32
      %mul3A_1381 = arith.constant 16 : i32
      %mul3A_1382 = arith.muli %add3A_1380, %mul3A_1381 : i32
      %get3A = arith.index_cast %mul3A_1382 : i32 to index
      %get3A_1383 = tpu.vector_load %arg8[%get3A] {strides = array<i32>} : memref<4096xi32, #tpu.memory_space<vmem>>, vector<16xi32>,
      %add3A_1384 = arith.constant 56 : i32
      %add3A_1385 = vector.broadcast %add3A_1384 : i32 to vector<16xi32>
      %add3A_1386 = arith.addi %get3A_1383, %add3A_1385 : vector<16xi32>
      %gather3A = tpu.vector_load_idx %arg6[%add3A_1386] : memref<38656xf32, #tpu.memory_space<vmem>>[vector<16xi32>], vector<16xf32>,
      %swap3A = arith.index_cast %mul3A_1382 : i32 to index
      %swap3A_1387 = tpu.vector_load %arg10[%swap3A] {strides = array<i32>} : memref<4096xf32, #tpu.memory_space<vmem>>, vector<16xf32>,
      tpu.vector_store %arg10[%swap3A], %gather3A {strides = array<i32>} : memref<4096xf32, #tpu.memory_space<vmem>>, vector<16xf32>,
    }
    %scan3A_1318 = arith.constant 256 : i32
    %dma_start3A_1319 = arith.constant 24 : i32
    %dma_start3A_1320 = arith.constant 0 : i32
    %dma_start3A_1321 = tpu.memref_slice %arg5[%dma_start3A_1319, %add3A, %dma_start3A_1320] : memref<26x32x4096xf32, #tpu.memory_space<hbm>> -> memref<1x1x4096xf32, #tpu.memory_space<hbm>>
    %dma_start3A_1322 = tpu.memref_squeeze %dma_start3A_1321 : memref<1x1x4096xf32, #tpu.memory_space<hbm>> -> memref<4096xf32, #tpu.memory_space<hbm>>
    %dma_start3A_1323 = arith.constant 0 : i32
    %dma_start3A_1324 = tpu.memref_slice %arg5[%dma_start3A_1319, %add3A, %dma_start3A_1323] : memref<26x32x4096xf32, #tpu.memory_space<hbm>> -> memref<1x1x4096xf32, #tpu.memory_space<hbm>>
    %dma_start3A_1325 = tpu.memref_squeeze %dma_start3A_1324 : memref<1x1x4096xf32, #tpu.memory_space<hbm>> -> memref<4096xf32, #tpu.memory_space<hbm>>
    tpu.enqueue_dma source(%arg10 : memref<4096xf32, #tpu.memory_space<vmem>>) target(%dma_start3A_1325 : memref<4096xf32, #tpu.memory_space<hbm>>) target_semaphore(%arg15 : memref<!tpu.dma_semaphore, #tpu.memory_space<semaphore_mem>>)
    %dma_wait3A_1326 = arith.constant 0 : i32
    %dma_wait3A_1327 = tpu.memref_slice %arg7[%dma_wait3A_1326] : memref<38656xf32, #tpu.memory_space<vmem>> -> memref<38528xf32, #tpu.memory_space<vmem>>
    %dma_wait3A_1328 = arith.constant 961408 : i32
    %dma_wait3A_1329 = tpu.memref_slice %arg3[%add3A, %dma_wait3A_1328] : memref<32x1000000xf32, #tpu.memory_space<hbm>> -> memref<1x38528xf32, #tpu.memory_space<hbm>>
    %dma_wait3A_1330 = tpu.memref_squeeze %dma_wait3A_1329 : memref<1x38528xf32, #tpu.memory_space<hbm>> -> memref<38528xf32, #tpu.memory_space<hbm>>
    %dma_wait3A_1331 = arith.constant 0 : i32
    %dma_wait3A_1332 = tpu.memref_slice %arg7[%dma_wait3A_1331] : memref<38656xf32, #tpu.memory_space<vmem>> -> memref<38528xf32, #tpu.memory_space<vmem>>
    %dma_wait3A_1333 = arith.constant 961408 : i32
    %dma_wait3A_1334 = tpu.memref_slice %arg3[%add3A, %dma_wait3A_1333] : memref<32x1000000xf32, #tpu.memory_space<hbm>> -> memref<1x38528xf32, #tpu.memory_space<hbm>>
    %dma_wait3A_1335 = tpu.memref_squeeze %dma_wait3A_1334 : memref<1x38528xf32, #tpu.memory_space<hbm>> -> memref<38528xf32, #tpu.memory_space<hbm>>
    tpu.wait_dma2 semaphore(%arg14 : memref<!tpu.dma_semaphore, #tpu.memory_space<semaphore_mem>>) src(%dma_wait3A_1335 : memref<38528xf32, #tpu.memory_space<hbm>>) dst(%dma_wait3A_1332 : memref<38528xf32, #tpu.memory_space<vmem>>)
    %dma_wait3A_1336 = arith.constant 25 : i32
    %dma_wait3A_1337 = arith.constant 0 : i32
    %dma_wait3A_1338 = tpu.memref_slice %arg2[%dma_wait3A_1336, %dma_wait3A_1337] : memref<26x4096xi32, #tpu.memory_space<hbm>> -> memref<1x4096xi32, #tpu.memory_space<hbm>>
    %dma_wait3A_1339 = tpu.memref_squeeze %dma_wait3A_1338 : memref<1x4096xi32, #tpu.memory_space<hbm>> -> memref<4096xi32, #tpu.memory_space<hbm>>
    %dma_wait3A_1340 = arith.constant 0 : i32
    %dma_wait3A_1341 = tpu.memref_slice %arg2[%dma_wait3A_1336, %dma_wait3A_1340] : memref<26x4096xi32, #tpu.memory_space<hbm>> -> memref<1x4096xi32, #tpu.memory_space<hbm>>
    %dma_wait3A_1342 = tpu.memref_squeeze %dma_wait3A_1341 : memref<1x4096xi32, #tpu.memory_space<hbm>> -> memref<4096xi32, #tpu.memory_space<hbm>>
    tpu.wait_dma2 semaphore(%arg14 : memref<!tpu.dma_semaphore, #tpu.memory_space<semaphore_mem>>) src(%dma_wait3A_1342 : memref<4096xi32, #tpu.memory_space<hbm>>) dst(%arg9 : memref<4096xi32, #tpu.memory_space<vmem>>)
    %dma_wait3A_1343 = arith.constant 23 : i32
    %dma_wait3A_1344 = arith.constant 0 : i32
    %dma_wait3A_1345 = tpu.memref_slice %arg5[%dma_wait3A_1343, %add3A, %dma_wait3A_1344] : memref<26x32x4096xf32, #tpu.memory_space<hbm>> -> memref<1x1x4096xf32, #tpu.memory_space<hbm>>
    %dma_wait3A_1346 = tpu.memref_squeeze %dma_wait3A_1345 : memref<1x1x4096xf32, #tpu.memory_space<hbm>> -> memref<4096xf32, #tpu.memory_space<hbm>>
    %dma_wait3A_1347 = arith.constant 0 : i32
    %dma_wait3A_1348 = tpu.memref_slice %arg5[%dma_wait3A_1343, %add3A, %dma_wait3A_1347] : memref<26x32x4096xf32, #tpu.memory_space<hbm>> -> memref<1x1x4096xf32, #tpu.memory_space<hbm>>
    %dma_wait3A_1349 = tpu.memref_squeeze %dma_wait3A_1348 : memref<1x1x4096xf32, #tpu.memory_space<hbm>> -> memref<4096xf32, #tpu.memory_space<hbm>>
    tpu.wait_dma2 semaphore(%arg16 : memref<!tpu.dma_semaphore, #tpu.memory_space<semaphore_mem>>) src(%arg11 : memref<4096xf32, #tpu.memory_space<vmem>>) dst(%dma_wait3A_1349 : memref<4096xf32, #tpu.memory_space<hbm>>)
    %scan3A_1350 = arith.constant 0 : i32
    %scan3A_1351 = arith.constant 256 : i32
    %scan3A_1352 = arith.addi %scan3A_1350, %scan3A_1351 : i32
    %scan3A_1353 = arith.constant 1 : i32
    scf.for %scan3A_1376 = %scan3A_1350 to %scan3A_1352 step %scan3A_1353  : i32 {
      %mul3A_1377 = arith.constant 1 : i32
      %mul3A_1378 = arith.muli %scan3A_1376, %mul3A_1377 : i32
      %add3A_1379 = arith.constant 0 : i32
      %add3A_1380 = arith.addi %add3A_1379, %mul3A_1378 : i32
      %mul3A_1381 = arith.constant 16 : i32
      %mul3A_1382 = arith.muli %add3A_1380, %mul3A_1381 : i32
      %get3A = arith.index_cast %mul3A_1382 : i32 to index
      %get3A_1383 = tpu.vector_load %arg9[%get3A] {strides = array<i32>} : memref<4096xi32, #tpu.memory_space<vmem>>, vector<16xi32>,
      %add3A_1384 = arith.constant 117 : i32
      %add3A_1385 = vector.broadcast %add3A_1384 : i32 to vector<16xi32>
      %add3A_1386 = arith.addi %get3A_1383, %add3A_1385 : vector<16xi32>
      %ge3A = arith.constant 38528 : i32
      %ge3A_1387 = vector.broadcast %ge3A : i32 to vector<16xi32>
      %ge3A_1388 = arith.cmpi sge, %add3A_1386, %ge3A_1387 : vector<16xi32>
      %min3A = arith.constant 38527 : i32
      %min3A_1389 = vector.broadcast %min3A : i32 to vector<16xi32>
      %min3A_1390 = arith.minsi %add3A_1386, %min3A_1389 : vector<16xi32>
      %gather3A = tpu.vector_load_idx %arg7[%min3A_1390] : memref<38656xf32, #tpu.memory_space<vmem>>[vector<16xi32>], vector<16xf32>,
      %sub3A = arith.constant 38528 : i32
      %sub3A_1391 = vector.broadcast %sub3A : i32 to vector<16xi32>
      %sub3A_1392 = arith.subi %add3A_1386, %sub3A_1391 : vector<16xi32>
      %max3A = arith.constant 0 : i32
      %max3A_1393 = vector.broadcast %max3A : i32 to vector<16xi32>
      %max3A_1394 = arith.maxsi %sub3A_1392, %max3A_1393 : vector<16xi32>
      %gather3A_1395 = tpu.vector_load_idx %arg12[%max3A_1394] : memref<128xf32, #tpu.memory_space<vmem>>[vector<16xi32>], vector<16xf32>,
      %select_n3A = arith.select %ge3A_1388, %gather3A_1395, %gather3A : vector<16xi1>, vector<16xf32>
      %swap3A = arith.index_cast %mul3A_1382 : i32 to index
      %swap3A_1396 = tpu.vector_load %arg11[%swap3A] {strides = array<i32>} : memref<4096xf32, #tpu.memory_space<vmem>>, vector<16xf32>,
      tpu.vector_store %arg11[%swap3A], %select_n3A {strides = array<i32>} : memref<4096xf32, #tpu.memory_space<vmem>>, vector<16xf32>,
    }
    %scan3A_1354 = arith.constant 256 : i32
    %dma_start3A_1355 = arith.constant 25 : i32
    %dma_start3A_1356 = arith.constant 0 : i32
    %dma_start3A_1357 = tpu.memref_slice %arg5[%dma_start3A_1355, %add3A, %dma_start3A_1356] : memref<26x32x4096xf32, #tpu.memory_space<hbm>> -> memref<1x1x4096xf32, #tpu.memory_space<hbm>>
    %dma_start3A_1358 = tpu.memref_squeeze %dma_start3A_1357 : memref<1x1x4096xf32, #tpu.memory_space<hbm>> -> memref<4096xf32, #tpu.memory_space<hbm>>
    %dma_start3A_1359 = arith.constant 0 : i32
    %dma_start3A_1360 = tpu.memref_slice %arg5[%dma_start3A_1355, %add3A, %dma_start3A_1359] : memref<26x32x4096xf32, #tpu.memory_space<hbm>> -> memref<1x1x4096xf32, #tpu.memory_space<hbm>>
    %dma_start3A_1361 = tpu.memref_squeeze %dma_start3A_1360 : memref<1x1x4096xf32, #tpu.memory_space<hbm>> -> memref<4096xf32, #tpu.memory_space<hbm>>
    tpu.enqueue_dma source(%arg11 : memref<4096xf32, #tpu.memory_space<vmem>>) target(%dma_start3A_1361 : memref<4096xf32, #tpu.memory_space<hbm>>) target_semaphore(%arg16 : memref<!tpu.dma_semaphore, #tpu.memory_space<semaphore_mem>>)
    %dma_wait3A_1362 = arith.constant 24 : i32
    %dma_wait3A_1363 = arith.constant 0 : i32
    %dma_wait3A_1364 = tpu.memref_slice %arg5[%dma_wait3A_1362, %add3A, %dma_wait3A_1363] : memref<26x32x4096xf32, #tpu.memory_space<hbm>> -> memref<1x1x4096xf32, #tpu.memory_space<hbm>>
    %dma_wait3A_1365 = tpu.memref_squeeze %dma_wait3A_1364 : memref<1x1x4096xf32, #tpu.memory_space<hbm>> -> memref<4096xf32, #tpu.memory_space<hbm>>
    %dma_wait3A_1366 = arith.constant 0 : i32
    %dma_wait3A_1367 = tpu.memref_slice %arg5[%dma_wait3A_1362, %add3A, %dma_wait3A_1366] : memref<26x32x4096xf32, #tpu.memory_space<hbm>> -> memref<1x1x4096xf32, #tpu.memory_space<hbm>>
    %dma_wait3A_1368 = tpu.memref_squeeze %dma_wait3A_1367 : memref<1x1x4096xf32, #tpu.memory_space<hbm>> -> memref<4096xf32, #tpu.memory_space<hbm>>
    tpu.wait_dma2 semaphore(%arg15 : memref<!tpu.dma_semaphore, #tpu.memory_space<semaphore_mem>>) src(%arg10 : memref<4096xf32, #tpu.memory_space<vmem>>) dst(%dma_wait3A_1368 : memref<4096xf32, #tpu.memory_space<hbm>>)
    %dma_wait3A_1369 = arith.constant 25 : i32
    %dma_wait3A_1370 = arith.constant 0 : i32
    %dma_wait3A_1371 = tpu.memref_slice %arg5[%dma_wait3A_1369, %add3A, %dma_wait3A_1370] : memref<26x32x4096xf32, #tpu.memory_space<hbm>> -> memref<1x1x4096xf32, #tpu.memory_space<hbm>>
    %dma_wait3A_1372 = tpu.memref_squeeze %dma_wait3A_1371 : memref<1x1x4096xf32, #tpu.memory_space<hbm>> -> memref<4096xf32, #tpu.memory_space<hbm>>
    %dma_wait3A_1373 = arith.constant 0 : i32
    %dma_wait3A_1374 = tpu.memref_slice %arg5[%dma_wait3A_1369, %add3A, %dma_wait3A_1373] : memref<26x32x4096xf32, #tpu.memory_space<hbm>> -> memref<1x1x4096xf32, #tpu.memory_space<hbm>>
    %dma_wait3A_1375 = tpu.memref_squeeze %dma_wait3A_1374 : memref<1x1x4096xf32, #tpu.memory_space<hbm>> -> memref<4096xf32, #tpu.memory_space<hbm>>
    tpu.wait_dma2 semaphore(%arg16 : memref<!tpu.dma_semaphore, #tpu.memory_space<semaphore_mem>>) src(%arg11 : memref<4096xf32, #tpu.memory_space<vmem>>) dst(%dma_wait3A_1375 : memref<4096xf32, #tpu.memory_space<hbm>>)
    return
  }
}

</mosaic_0001>

<sc_bundles>
// kernel: kernel.3.cloned.1.call-start
scs
__scs_entry_jumppad:
0x0: {  	(pc) =	sbr.rel $0x88, $3  }
0x1: {  	(tag) =	ssettag $0x0;
	lr =	simm.s32 $0x1  }
0x2: {  	[smem:$0x3F9F] =	sst lr;
	_ =	strace $0xD0000000  }
0x3: {  	_ = 	snop  }
0x4: {  	_ = 	snop  }
0x5: {  	_ = 	snop  }
0x6: {  	_ = 	snop  }
0x7: {  	_ = 	snop  }
__scs_overlays_trampoline_lowered:
0x8: {  	[smem:$0x3FAE] =	sst s0  }
0x9: {  	[smem:$0x3FAF] =	sst s1  }
0xa: {  	[smem:$0x3FB0] =	sst s2  }
0xb: {  	[smem:$0x3FB1] =	sst s3  }
0xc: {  	[smem:$0x3FB2] =	sst s4  }
0xd: {  	[smem:$0x3FB3] =	sst s5  }
0xe: {  	[smem:$0x3FB4] =	sst s6  }
0xf: {  	[smem:$0x3FB5] =	sst s7  }
0x10: {  	[smem:$0x3FB6] =	sst s8  }
0x11: {  	[smem:$0x3FB7] =	sst s9;
	s0 =	simm.s32 @!p0 $0x0  }
0x12: {  	s1 =	sld [smem:$0x3F9D];
	s0 =	simm.s32 @p0 $0x1  }
0x13: {  	[smem:$0x3FB8] =	sst s0;
	s0 =	simm.s32 @!p1 $0x0  }
0x14: {  	s2 =	sld [smem:$0x3F9C];
	s0 =	simm.s32 @p1 $0x1  }
0x15: {  	[smem:$0x3FB9] =	sst s0;
	s0 =	simm.s32 @!p2 $0x0  }
0x16: {  	s3 =	sld [smem:$0x3FDB];
	s0 =	simm.s32 @p2 $0x1  }
0x17: {  	s4 =	simm.s32 $0x1BF5;
	[smem:$0x3FBB] =	sst s0  }
0x18: {  	s0 =	sld [smem:$0x3F9E];
	_ =	swait.ge [sflag:s4], $0x0  }
0x19: {  	s7 =	sld [smem:$0x3F9F]  }
0x1a: {  	s8 =	sadd.s32 $0xFFFFE003, lr  }
0x1b: {  	s9 =	sadd.s32 $0xFFFFFEF7, lr;
	s5 =	simm.s32 $0xFFFFFFFF;
	p2 =	slt.u32 s8, $0xFFFFF086  }
0x1c: {  	p1 =	slt.u32 s9, $0xF7A;
	s5 =	simm.s32 @!p2 $0x0  }
0x1d: {  	s5 =	simm.s32 @p1 $0x1;
	p0 =	seq.s32 s7, s2  }
0x1e: {  	s7 =	smul.u32 @!p0 $0xF7A, s2;
	p2 =	seq.s32 @!p0 s5, $0x0  }
0x1f: {  	s9 =	smul.u32 $0xF7A, s1;
	s8 =	simm.s32 @!p0 $0x1BF5;
	p2 =	por !p2, p0  }
0x20: {  	[sflag:s8] =	ssyncset.s32 @!p0 $0xFFFFF086;
	s6 =	sadd.s32 @!p0 s3, s7;
	s7 =	simm.s32 @!p0 $0x108  }
0x21: {  	s3 =	sadd.s32 s3, s9;
	s6 =	sadd.s32 @!p0 $0x88, s6;
	s7 =	simm.s32 @p2 $0x1082  }
0x22: {  	[simem:s7], [sflag:s8] =	dma.local @!p0 [hbm:s6], $0xF7A  }
0x23: {  	s9 =	sor.u32 $0xD0000000, s2;
	s6 =	simm.s32 $0x108;
	_ =	swait.ge @!p0 [sflag:s8], $0x0  }
0x24: {  	s3 =	sadd.s32 $0x88, s3;
	s6 =	simm.s32 @!p1 $0x1082;
	[sflag:s4] =	ssyncset.s32 $0xFFFFF086  }
0x25: {  	[simem:s6], [sflag:s4] =	dma.local [hbm:s3], $0xF7A  }
0x26: {  	[smem:$0x3F9F] =	sst s1;
	(tag) =	ssettag s2;
	_ =	strace s9  }
0x27: {  	s1 =	sld [smem:$0x3FAF]  }
0x28: {  	s2 =	sld [smem:$0x3FB0]  }
0x29: {  	s4 =	sld [smem:$0x3FB2]  }
0x2a: {  	p0 =	seq.s32 s5, $0x0;
	s5 =	sld [smem:$0x3FB3]  }
0x2b: {  	s6 =	sld [smem:$0x3FB4]  }
0x2c: {  	s7 =	sld [smem:$0x3FB5]  }
0x2d: {  	s3 =	simm.s32 $0x108;
	s8 =	sld [smem:$0x3FB6]  }
0x2e: {  	s3 =	simm.s32 @!p0 $0x1082;
	s9 =	sld [smem:$0x3FB7]  }
0x2f: {  	lr =	sadd.s32 s0, s3;
	s0 =	sld [smem:$0x3FAE]  }
0x30: {  	s3 =	sld [smem:$0x3FB1]  }
0x31: {  	[smem:$0x3FBA] =	sst s10  }
0x32: {  	s10 =	sld [smem:$0x3FB8];
	_ =	sdelay $0x3  }
0x33: {  	p0 =	seq.s32 s10, $0x1;
	s10 =	sld [smem:$0x3FBA];
	_ =	sdelay $0x3  }
0x34: {  	[smem:$0x3FBA] =	sst s10  }
0x35: {  	s10 =	sld [smem:$0x3FB9];
	_ =	sdelay $0x3  }
0x36: {  	p1 =	seq.s32 s10, $0x1;
	s10 =	sld [smem:$0x3FBA];
	_ =	sdelay $0x3  }
0x37: {  	[smem:$0x3FBA] =	sst s10  }
0x38: {  	s10 =	sld [smem:$0x3FBB]  }
0x39: {  	_ = 	snop;
	(pc) =	sbr.ind lr, $3  }
0x3a: {  	_ = 	snop  }
0x3b: {  	_ = 	snop  }
0x3c: {  	p2 =	seq.s32 s10, $0x1;
	s10 =	sld [smem:$0x3FBA]  }
0x3d: {  	_ =	shalt  }
0x3e: {  	_ =	shalt  }
0x3f: {  	_ =	shalt  }
0x40: {  	_ =	shalt  }
0x41: {  	_ =	shalt  }
0x42: {  	_ =	shalt  }
0x43: {  	_ =	shalt  }
0x44: {  	_ =	shalt  }
0x45: {  	_ =	shalt  }
0x46: {  	_ =	shalt  }
0x47: {  	_ =	shalt  }
0x48: {  	_ =	shalt  }
0x49: {  	_ =	shalt  }
0x4a: {  	_ =	shalt  }
0x4b: {  	_ =	shalt  }
0x4c: {  	_ =	shalt  }
0x4d: {  	_ =	shalt  }
0x4e: {  	_ =	shalt  }
0x4f: {  	_ =	shalt  }
0x50: {  	_ =	shalt  }
0x51: {  	_ =	shalt  }
0x52: {  	_ =	shalt  }
0x53: {  	_ =	shalt  }
0x54: {  	_ =	shalt  }
0x55: {  	_ =	shalt  }
0x56: {  	_ =	shalt  }
0x57: {  	_ =	shalt  }
0x58: {  	_ =	shalt  }
0x59: {  	_ =	shalt  }
0x5a: {  	_ =	shalt  }
0x5b: {  	_ =	shalt  }
0x5c: {  	_ =	shalt  }
0x5d: {  	_ =	shalt  }
0x5e: {  	_ =	shalt  }
0x5f: {  	_ =	shalt  }
0x60: {  	_ =	shalt  }
0x61: {  	_ =	shalt  }
0x62: {  	_ =	shalt  }
0x63: {  	_ =	shalt  }
0x64: {  	_ =	shalt  }
0x65: {  	_ =	shalt  }
0x66: {  	_ =	shalt  }
0x67: {  	_ =	shalt  }
0x68: {  	_ =	shalt  }
0x69: {  	_ =	shalt  }
0x6a: {  	_ =	shalt  }
0x6b: {  	_ =	shalt  }
0x6c: {  	_ =	shalt  }
0x6d: {  	_ =	shalt  }
0x6e: {  	_ =	shalt  }
0x6f: {  	_ =	shalt  }
0x70: {  	_ =	shalt  }
0x71: {  	_ =	shalt  }
0x72: {  	_ =	shalt  }
0x73: {  	_ =	shalt  }
0x74: {  	_ =	shalt  }
0x75: {  	_ =	shalt  }
0x76: {  	_ =	shalt  }
0x77: {  	_ =	shalt  }
0x78: {  	_ =	shalt  }
0x79: {  	_ =	shalt  }
0x7a: {  	_ =	shalt  }
0x7b: {  	_ =	shalt  }
0x7c: {  	_ =	shalt  }
0x7d: {  	_ =	shalt  }
0x7e: {  	_ =	shalt  }
0x7f: {  	_ =	shalt  }
0x80: {  	_ =	shalt  }
0x81: {  	_ =	shalt  }
0x82: {  	_ =	shalt  }
0x83: {  	_ =	shalt  }
0x84: {  	_ =	shalt  }
0x85: {  	_ =	shalt  }
0x86: {  	_ =	shalt  }
0x87: {  	_ =	shalt  }
.Lfunc_end0:
.L_simem_size_0:
called_computation_lowered:
.L_overlay_start_0:
0x88: {  	s2 =	sld [smem:$0x3FD9]  }
0x89: {  	s3 =	sld [smem:$0x3FFE];
	_ =	sdelay $0x1  }
0x8a: {  	s1 =	srdreg.scid  }
0x8b: {  	s0 =	sand.u32 $0x1, s1  }
0x8c: {  	s17 =	sshll.u32 s0, $0xA;
	s2 =	sadd.s32 s3, s2  }
0x8d: {  	s2 =	sadd.s32 s2, s17  }
0x8e: {  	[smem:$0x3FC6] =	sst s2  }
0x8f: {  	_ = 	snop  }
0x90: {  	s2 =	sld [smem:$0x3FC9]  }
0x91: {  	s18 =	sld [smem:$0x3FC8]  }
0x92: {  	s4 =	sld [smem:$0x3FD0];
	(tm) =	ssettm $0x1  }
0x93: {  	s5 =	sld [smem:$0x3FFB];
	_ =	sdelay $0x3  }
0x94: {  	_ =	strace s5  }
0x95: {  	s5 =	sld [smem:$0x3FFC];
	_ =	sdelay $0x3  }
0x96: {  	_ =	strace s5  }
0x97: {  	s5 =	sld [smem:$0x3FFD];
	_ =	sdelay $0x3  }
0x98: {  	_ =	strace s5  }
0x99: {  	_ =	strace $0x8FFFFFFF  }
0x9a: {  	s19 =	sld [smem:$0x3FDB];
	_ =	sdelay $0x1  }
0x9b: {  	s6 =	simm.s32 $_scs_section_size  }
0x9c: {  	s7 =	simm.s32 $_size__tile_overlayer_lowered;
	s8 =	simm.s32 $_tile_overlayer_lowered  }
0x9d: {  	s22 =	simm.s32 $0x1BFF;
	s21 =	sshll.u32 s8, $0x1;
	s5 =	sadd.s32 s6, s19  }
0x9e: {  	s9 =	simm.s32 $0x0;
	s20 =	sshll.u32 s7, $0x1;
	s7 =	sadd.s32 s21, s5  }
0x9f: {  	[timem:s9], [sflag:s22] =	dma.local [hbm:s7], s20  }
0xa0: {  	_ =	swait.ge [sflag:s22], s20  }
0xa1: {  	s6 =	ssub.s32 $0x0, s20;
	[sflag:s22] =	ssyncset.done $0x0  }
0xa2: {  	[sflag:s22] =	ssyncadd.s32 s6;
	_ =	sdelay $0x1  }
0xa3: {  	s23 =	simm.s32 $0x1B8B  }
0xa4: {  	_ =	swait.ge [sflag:s23], $0x1  }
0xa5: {  	[sflag:s23] =	ssyncset.done $0x0  }
0xa6: {  	s25 =	simm.s32 $0x1B8E;
	s24 =	sld [smem:$0x3FFE];
	[sflag:s23] =	ssyncadd.s32 $0xFFFFFFFF  }
0xa7: {  	s26 =	simm.s32 $execute0_lowered;
	[smem:$0x3FD2] =	sst s25  }
0xa8: {  	s7 =	sshll.u32 s26, $0x1;
	_ =	strace $0x80000046;
	[dreg:$0x1] =	wrdreg $0xFFFFFFFF  }
0xa9: {  	s28 =	simm.s32 $_size_execute0_lowered;
	s5 =	sadd.s32 s5, s7;
	[dreg:$0x0] =	wrdreg $0x0  }
0xaa: {  	s7 =	sshll.u32 s28, $0x1;
	[dreg:$0x2] =	wrdreg s5  }
0xab: {  	[dreg:$0x3] =	wrdreg s7  }
0xac: {  	[dreg:$0x4] =	wrdreg $0xC0  }
0xad: {  	_ =	task [dreg:s9], $0x5FFFF  }
0xae: {  	[dreg:$0x1] =	wrdreg $0xFFFFFFFF  }
0xaf: {  	[dreg:$0x0] =	wrdreg $0x60  }
0xb0: {  	[dreg:$0x2] =	wrdreg s2  }
0xb1: {  	[dreg:$0x3] =	wrdreg s18  }
0xb2: {  	[dreg:$0x4] =	wrdreg s24  }
0xb3: {  	[dreg:$0x5] =	wrdreg s4  }
0xb4: {  	[dreg:$0x6] =	wrdreg $0x9  }
0xb5: {  	_ =	task.clear_ibuf [dreg:s9], $0x7FFFF;
	_ =	strace $0x90000046  }
0xb6: {  	s29 =	simm.s32 $0x9;
	_ =	strace $0x80000048  }
0xb7: {  	_ =	swait.ge [sflag:s29], $0x1  }
0xb8: {  	[sflag:s29] =	ssyncadd.s32 $0xFFFFFFFF  }
0xb9: {  	_ =	strace $0x90000048  }
0xba: {  	_ =	sfence  }
0xbb: {  	s30 =	sld [smem:$0x0];
	_ =	sdelay $0x2  }
0xbc: {  	s31 =	sshll.u32 s1, $0xD;
	s1 =	sshrl.u32 s1, $0x2  }
0xbd: {  	s3 =	sand.u32 $0x4000, s31;
	s1 =	sadd.s32 s1, s30  }
0xbe: {  	s0 =	sor.u32 s3, s0;
	s1 =	sshll.u32 s1, $0x11  }
0xbf: {  	s0 =	sor.u32 s1, s0  }
0xc0: {  	s0 =	sadd.s32 $0x8F2B, s0  }
0xc1: {  	[sflag:s0] =	ssyncadd.remote.s32 $0x1  }
0xc2: {  	_ =	sfence.sel $0xFFFF  }
0xc3: {  	[dreg:$0x0] =	wrdreg $0xFFFFFFFF;
	(pc) =	sbr.abs _section_cstart, $3  }
0xc4: {  	[dreg:$0x1] =	wrdreg $0xFFFFFFFF  }
0xc5: {  	_ =	task.clear_ibuf [dreg:s9], $0x2FFFF;
	_ =	strace $0x9FFFFFFF  }
0xc6: {  	(tm) =	ssettm $0x7FFFFFFF  }
0xc7: {  	_ =	shalt  }
tec
execute0_lowered:
.L_overlay_start_1:
0x0: {  	(tag) =	ssettag $0x1  }
0x1: {  	s0 =	rddreg [dreg:$0x1]  }
0x2: {  	s2 =	rddreg [dreg:$0x2]  }
0x3: {  	s1 =	srdreg.scid;
	s5 =	stileid.u32  }
0x4: {  	s4 =	rddreg [dreg:$0x3];
	s3 =	sand.u32 $0x1, s1;
	s20 =	sshll.u32 s5, $0x8  }
0x5: {  	s6 =	sshrl.u32 s5, $0x2;
	s1 =	simm.s32 $0x0;
	s21 =	sshll.u32 s3, $0x7  }
0x6: {  	s7 =	sand.u32 $0x300, s20;
	s22 =	sshll.u32 s6, $0xA;
	s3 =	ssub.s32 $0x2, s3  }
0x7: {  	s8 =	smul.u32 $0x7A1400, s6;
	[smem:$0x7FF] =	sst s1;
	s7 =	sor.u32 s21, s7  }
0x8: {  	s6 =	sshll.u32 s6, $0xF;
	s9 =	sshrl.u32 s3, $0x1;
	s5 =	sor.u32 s22, s7  }
0x9: {  	s3 =	ssub.s32 s3, s9;
	s6 =	sor.u32 s6, s7;
	s5 =	sshrl.u32 s5, $0x3  }
0xa: {  	s6 =	sshrl.u32 s6, $0x3;
	s2 =	sadd.s32 s5, s2;
	s5 =	sor.u32 s8, s7  }
0xb: {  	s23 =	sadd.s32 $0x4B000, s5;
	s26 =	sadd.s32 $0x96000, s5;
	s10 =	sadd.s32 $0x12C400, s5  }
0xc: {  	s4 =	sadd.s32 s4, s6;
	s12 =	sadd.s32 $0x177800, s5;
	s14 =	sadd.s32 $0x1C2800, s5  }
0xd: {  	s8 =	sshrl.u32 s5, $0x3;
	s16 =	sadd.s32 $0x20DC00, s5;
	s18 =	sadd.s32 $0x258C00, s5  }
0xe: {  	s20 =	sadd.s32 $0x2A4000, s5;
	s22 =	sadd.s32 $0x2EF000, s5;
	s8 =	sadd.s32 s0, s8  }
0xf: {  	s24 =	sshrl.u32 s23, $0x3;
	s7 =	sshrl.u32 s26, $0x3;
	s11 =	sshrl.u32 s10, $0x3  }
0x10: {  	s13 =	sshrl.u32 s12, $0x3;
	s15 =	sshrl.u32 s14, $0x3;
	s17 =	sshrl.u32 s16, $0x3  }
0x11: {  	s19 =	sshrl.u32 s18, $0x3;
	s21 =	sshrl.u32 s20, $0x3;
	s26 =	sadd.s32 $0x385400, s5  }
0x12: {  	s23 =	sshrl.u32 s22, $0x3;
	s10 =	sadd.s32 $0x41B800, s5;
	s12 =	sadd.s32 $0x466C00, s5  }
0x13: {  	s14 =	sadd.s32 $0x4B1C00, s5;
	s16 =	sadd.s32 $0x4FD000, s5;
	s18 =	sadd.s32 $0x548000, s5  }
0x14: {  	[dreg:$0x5] =	wrdreg s8;
	s25 =	sadd.s32 s0, s24;
	s8 =	sadd.s32 $0xE1400, s5  }
0x15: {  	s6 =	sadd.s32 s0, s7;
	[dreg:$0x6] =	wrdreg s25;
	s9 =	sshrl.u32 s8, $0x3  }
0x16: {  	s20 =	sadd.s32 $0x593400, s5;
	[dreg:$0x7] =	wrdreg s6;
	s6 =	sadd.s32 s0, s9  }
0x17: {  	s22 =	sadd.s32 $0x5DE400, s5;
	[dreg:$0x8] =	wrdreg s6;
	s6 =	sadd.s32 s0, s11  }
0x18: {  	s24 =	sadd.s32 $0x33A400, s5;
	[dreg:$0x9] =	wrdreg s6;
	s6 =	sadd.s32 s0, s13  }
0x19: {  	s7 =	sshrl.u32 s26, $0x3;
	[dreg:$0xa] =	wrdreg s6;
	s6 =	sadd.s32 s0, s15  }
0x1a: {  	s26 =	sadd.s32 $0x6BF800, s5;
	[dreg:$0xb] =	wrdreg s6;
	s6 =	sadd.s32 s0, s17  }
0x1b: {  	s25 =	sshrl.u32 s24, $0x3;
	[dreg:$0xc] =	wrdreg s6;
	s6 =	sadd.s32 s0, s19  }
0x1c: {  	s8 =	sadd.s32 $0x3D0800, s5;
	[dreg:$0xd] =	wrdreg s6;
	s6 =	sadd.s32 s0, s21  }
0x1d: {  	s24 =	sadd.s32 $0x629800, s5;
	[dreg:$0xe] =	wrdreg s6;
	s6 =	sadd.s32 s0, s23  }
0x1e: {  	s9 =	sshrl.u32 s8, $0x3;
	[dreg:$0xf] =	wrdreg s6;
	s6 =	sadd.s32 s0, s25  }
0x1f: {  	s8 =	sshrl.u32 s26, $0x3;
	[dreg:$0x10] =	wrdreg s6;
	s6 =	sadd.s32 s0, s7  }
0x20: {  	s7 =	sshrl.u32 s24, $0x3;
	[dreg:$0x11] =	wrdreg s6;
	s6 =	sadd.s32 s0, s9  }
0x21: {  	s11 =	sshrl.u32 s10, $0x3;
	s7 =	sadd.s32 s0, s7;
	[dreg:$0x12] =	wrdreg s6  }
0x22: {  	s13 =	sshrl.u32 s12, $0x3;
	s6 =	sadd.s32 s0, s11;
	[dreg:$0x1a] =	wrdreg s7  }
0x23: {  	s15 =	sshrl.u32 s14, $0x3;
	[dreg:$0x13] =	wrdreg s6;
	s6 =	sadd.s32 s0, s13  }
0x24: {  	s17 =	sshrl.u32 s16, $0x3;
	[dreg:$0x14] =	wrdreg s6;
	s6 =	sadd.s32 s0, s15  }
0x25: {  	s19 =	sshrl.u32 s18, $0x3;
	[dreg:$0x15] =	wrdreg s6;
	s6 =	sadd.s32 s0, s17  }
0x26: {  	s21 =	sshrl.u32 s20, $0x3;
	[dreg:$0x16] =	wrdreg s6;
	s6 =	sadd.s32 s0, s19  }
0x27: {  	s23 =	sshrl.u32 s22, $0x3;
	[dreg:$0x17] =	wrdreg s6;
	s6 =	sadd.s32 s0, s21  }
0x28: {  	s25 =	sadd.s32 $0x674800, s5;
	[dreg:$0x18] =	wrdreg s6;
	s6 =	sadd.s32 s0, s23  }
0x29: {  	s7 =	sadd.s32 s0, s8;
	[dreg:$0x19] =	wrdreg s6;
	s6 =	sshrl.u32 s25, $0x3  }
0x2a: {  	s8 =	sadd.s32 $0x70AC00, s5;
	[dreg:$0x1c] =	wrdreg s7;
	s6 =	sadd.s32 s0, s6  }
0x2b: {  	s5 =	sadd.s32 $0x755C00, s5;
	[dreg:$0x1b] =	wrdreg s6;
	s6 =	sshrl.u32 s8, $0x3  }
0x2c: {  	s7 =	rddreg [dreg:$0x0];
	s5 =	sshrl.u32 s5, $0x3;
	s6 =	sadd.s32 s0, s6  }
0x2d: {  	s0 =	sadd.s32 s0, s5;
	[dreg:$0x1d] =	wrdreg s6  }
0x2e: {  	s9 =	sadd.s32 $0x400, s2;
	[dreg:$0x1e] =	wrdreg s0  }
0x2f: {  	s10 =	smax.u32 s3, $0x1;
	_ =	strace $0x80000047;
	[dreg:$0x1f] =	wrdreg s9  }
0x30: {  	s11 =	sadd.s32 $0x10, s7;
	[smem:$0x7D6] =	sst s10  }
0x31: {  	s12 =	sadd.s32 $0x20, s7;
	[smem:$0x7D7] =	sst s11  }
0x32: {  	s13 =	sadd.s32 $0x4000, s4;
	[smem:$0x7D8] =	sst s12  }
0x33: {  	s14 =	sadd.s32 $0x30, s7;
	[smem:$0x7D9] =	sst s13  }
0x34: {  	s15 =	sadd.s32 $0x8000, s4;
	[smem:$0x7DA] =	sst s14  }
0x35: {  	s16 =	sadd.s32 $0x40, s7;
	[smem:$0x7DB] =	sst s15  }
0x36: {  	s17 =	sadd.s32 $0xC000, s4;
	[smem:$0x7DC] =	sst s16  }
0x37: {  	s18 =	sadd.s32 $0x50, s7;
	[smem:$0x7DD] =	sst s17  }
0x38: {  	s19 =	sadd.s32 $0x10000, s4;
	[smem:$0x7DE] =	sst s18  }
0x39: {  	s20 =	sadd.s32 $0x60, s7;
	[smem:$0x7DF] =	sst s19  }
0x3a: {  	s21 =	sadd.s32 $0x14000, s4;
	[smem:$0x7E0] =	sst s20  }
0x3b: {  	s22 =	sadd.s32 $0x70, s7;
	[smem:$0x7E1] =	sst s21  }
0x3c: {  	s23 =	sadd.s32 $0x18000, s4;
	[smem:$0x7E2] =	sst s22  }
0x3d: {  	s24 =	sadd.s32 $0x1000, s7;
	[smem:$0x7E3] =	sst s23  }
0x3e: {  	s25 =	sadd.s32 $0x1C000, s4;
	[smem:$0x7E4] =	sst s24  }
0x3f: {  	s26 =	sadd.s32 $0x1010, s7;
	[smem:$0x7E5] =	sst s25  }
0x40: {  	s2 =	sadd.s32 $0x20000, s4;
	[smem:$0x7E6] =	sst s26  }
0x41: {  	s3 =	sadd.s32 $0x1020, s7;
	[smem:$0x7E7] =	sst s2  }
0x42: {  	s5 =	sadd.s32 $0x24000, s4;
	[smem:$0x7E8] =	sst s3  }
0x43: {  	s6 =	sadd.s32 $0x1030, s7;
	[smem:$0x7E9] =	sst s5  }
0x44: {  	s8 =	sadd.s32 $0x28000, s4;
	[smem:$0x7EA] =	sst s6  }
0x45: {  	[smem:$0x7EB] =	sst s8;
	s9 =	sadd.s32 $0x1040, s7  }
0x46: {  	s10 =	sadd.s32 $0x2C000, s4;
	[smem:$0x7EC] =	sst s9  }
0x47: {  	s11 =	sadd.s32 $0x1050, s7;
	[smem:$0x7ED] =	sst s10  }
0x48: {  	s12 =	sadd.s32 $0x30000, s4;
	[smem:$0x7EE] =	sst s11  }
0x49: {  	s13 =	sadd.s32 $0x1060, s7;
	[smem:$0x7EF] =	sst s12  }
0x4a: {  	s14 =	sadd.s32 $0x34000, s4;
	[smem:$0x7F0] =	sst s13  }
0x4b: {  	s15 =	sadd.s32 $0x1070, s7;
	[smem:$0x7F1] =	sst s14  }
0x4c: {  	s16 =	sadd.s32 $0x38000, s4;
	[smem:$0x7F2] =	sst s15  }
0x4d: {  	s17 =	sadd.s32 $0x2000, s7;
	[smem:$0x7F3] =	sst s16  }
0x4e: {  	s18 =	sadd.s32 $0x3C000, s4;
	[smem:$0x7F4] =	sst s17  }
0x4f: {  	s28 =	simm.s32 $0x400;
	s19 =	sadd.s32 $0x2010, s7;
	[smem:$0x7F5] =	sst s18  }
0x50: {  	s30 =	simm.s32 $0x12E00;
	s20 =	sadd.s32 $0x40000, s4;
	[smem:$0x7F6] =	sst s19  }
0x51: {  	s31 =	simm.s32 $0x9700;
	s21 =	sadd.s32 $0x2020, s7;
	[smem:$0x7F7] =	sst s20  }
0x52: {  	s29 =	simm.s32 $0x14E00;
	s22 =	sadd.s32 $0x44000, s4;
	[smem:$0x7F8] =	sst s21  }
0x53: {  	s0 =	simm.s32 $0x1;
	s23 =	sadd.s32 $0x2030, s7;
	[smem:$0x7F9] =	sst s22  }
0x54: {  	s24 =	sadd.s32 $0x48000, s4;
	s25 =	sadd.s32 $0x2040, s7;
	[smem:$0x7FA] =	sst s23  }
0x55: {  	s26 =	sadd.s32 $0x4C000, s4;
	s2 =	simm.s32 $0x2;
	[smem:$0x7FB] =	sst s24  }
0x56: {  	s3 =	simm.s32 $0x15E00;
	s5 =	simm.s32 $0x3;
	[smem:$0x7FC] =	sst s25  }
0x57: {  	s6 =	simm.s32 $0x4;
	[smem:$0x7FD] =	sst s26;
	s12 =	sadd.s32 $0x2050, s7  }
0x58: {  	s13 =	sadd.s32 $0x50000, s4;
	s14 =	sadd.s32 $0x2060, s7;
	s15 =	sadd.s32 $0x54000, s4  }
0x59: {  	s16 =	sadd.s32 $0x2070, s7;
	s17 =	sadd.s32 $0x58000, s4;
	s18 =	sadd.s32 $0x3000, s7  }
0x5a: {  	s19 =	sadd.s32 $0x5C000, s4;
	s20 =	sadd.s32 $0x3010, s7;
	s21 =	sadd.s32 $0x60000, s4  }
0x5b: {  	s22 =	sadd.s32 $0x64000, s4;
	s23 =	simm.s32 $0x16E00;
	s24 =	simm.s32 $0x5  }
0x5c: {  	s25 =	simm.s32 $0x80;
	s26 =	simm.s32 $0x13E00;
	s7 =	simm.s32 $0x0  }
.LBB2_1:
0x5d: {  	s8 =	rddreg [dreg:$0x1f]  }
0x5e: {  	[tilespmem:s23], [sflag:$0x5] =	stream.linear.gather [hbm4b:s8+s1], $0x80, $0x38;
	[tilespmem:$0x16E80] =	vst v63  }
0x5f: {  	_ =	swait.ge [sflag:s24], $0x80  }
0x60: {  	[sflag:s24] =	ssyncset.done $0x0;
	s11 =	rddreg [dreg:$0x5]  }
0x61: {  	s10 =	rddreg [dreg:$0x6];
	[sflag:s24] =	ssyncadd.s32 $0xFFFFFF80  }
0x62: {  	[tilespmem:s1], [sflag:$0x1] =	stream.strided.gather [hbm4b:s11+s25], $0x9700, s28, s25, $0x38;
	[tilespmem:$0x16E80] =	vst v63  }
0x63: {  	s9 =	rddreg [dreg:$0x0]  }
0x64: {  	[tilespmem:s30], [sflag:$0x1] =	stream.strided.gather [hbm4b:s9+s25], $0x1000, s28, s25, $0x38;
	[tilespmem:$0x16E80] =	vst v63  }
0x65: {  	s11 =	sld [smem:$0x7D7]  }
0x66: {  	[tilespmem:s31], [sflag:$0x2] =	stream.strided.gather [hbm4b:s10+s25], $0x9700, s28, s25, $0x38;
	[tilespmem:$0x16E80] =	vst v63  }
0x67: {  	_ = 	snop  }
0x68: {  	[tilespmem:s26], [sflag:$0x2] =	stream.strided.gather [hbm4b:s11+s25], $0x1000, s28, s25, $0x38;
	[tilespmem:$0x16E80] =	vst v63  }
0x69: {  	_ =	swait.ge [sflag:s0], $0x9700  }
0x6a: {  	[sflag:s0] =	ssyncset.done $0x0  }
0x6b: {  	[sflag:s0] =	ssyncadd.s32 $0xFFFF6900  }
0x6c: {  	_ =	swait.ge [sflag:s0], $0x1000  }
0x6d: {  	[sflag:s0] =	ssyncset.done $0x0  }
0x6e: {  	s8 =	simm.s32 $0x0;
	[sflag:s0] =	ssyncadd.s32 $0xFFFFF000  }
0x6f: {  	v0 =	vld [tilespmem:s8+$0x12E00];
	_ =	sdelay $0x7  }
0x70: {  	s9 =	simm.s32 $0x10;
	s10 =	simm.s32 $0x80;
	v0 =	vld.idx.msk [tilespmem:v0+s1+$0x0], $0xffff  }
.LBB2_2:
0x71: {  	p0 =	sne.s32 s10, $0x3FC0;
	v1 =	vld [tilespmem:s9+$0x12E00];
	_ =	sdelay $0x3  }
.Ltmp0:
0x72: {  	(pc) =	sbr.rel @p0 .LBB2_2-.Ltmp0, $2  }
0x73: {  	[tilespmem:s8+$0x14E00] =	vst v0;
	s8 =	smov.u32 s9;
	_ =	sdelay $0x2  }
0x74: {  	s9 =	sshra.s32 s10, $0x2;
	s10 =	sadd.s32 $0x40, s10;
	v0 =	vld.idx.msk [tilespmem:v1+s1+$0x0], $0xffff  }
0x75: {  	v1 =	vld [tilespmem:s9+$0x12E00];
	_ =	sdelay $0x6  }
0x76: {  	[tilespmem:s8+$0x14E00] =	vst v0  }
0x77: {  	v0 =	vld.idx.msk [tilespmem:v1+s1+$0x0], $0xffff;
	_ =	sdelay $0x4  }
0x78: {  	s10 =	rddreg [dreg:$0x7];
	[tilespmem:s9+$0x14E00] =	vst v0  }
0x79: {  	[hbm4b:s4+s25] =	stream.strided.scatter [tilespmem:s29], [sflag:$0x3], $0x1000, s28, s25, $0x38;
	[tilespmem:$0x16E80] =	vst v63  }
0x7a: {  	s11 =	sld [smem:$0x7D8];
	s9 =	simm.s32 $0x0  }
0x7b: {  	[tilespmem:s9], [sflag:$0x1] =	stream.strided.gather [hbm4b:s10+s25], $0x9700, s28, s25, $0x38;
	[tilespmem:$0x16E80] =	vst v63  }
0x7c: {  	_ = 	snop  }
0x7d: {  	[tilespmem:s30], [sflag:$0x1] =	stream.strided.gather [hbm4b:s11+s25], $0x1000, s28, s25, $0x38;
	[tilespmem:$0x16E80] =	vst v63  }
0x7e: {  	_ =	swait.ge [sflag:s2], $0x9700  }
0x7f: {  	[sflag:s2] =	ssyncset.done $0x0  }
0x80: {  	[sflag:s2] =	ssyncadd.s32 $0xFFFF6900  }
0x81: {  	_ =	swait.ge [sflag:s2], $0x1000  }
0x82: {  	[sflag:s2] =	ssyncset.done $0x0  }
0x83: {  	s9 =	simm.s32 $0x0;
	[sflag:s2] =	ssyncadd.s32 $0xFFFFF000  }
0x84: {  	v0 =	vld [tilespmem:s9+$0x13E00];
	_ =	sdelay $0x4  }
0x85: {  	s8 =	simm.s32 $0x10;
	v0 =	vadd.s32 $0x3D, v0  }
0x86: {  	v2 =	vld [tilespmem:s8+$0x13E00];
	_ =	sdelay $0x3  }
0x87: {  	v1 =	vld.idx.msk [tilespmem:v0+s31+$0x0], $0xffff  }
0x88: {  	v0 =	vadd.s32 $0x3D, v2  }
0x89: {  	s10 =	simm.s32 $0x20;
	s11 =	simm.s32 $0xC0  }
.LBB2_4:
0x8a: {  	p0 =	sne.s32 s11, $0x3FC0;
	v2 =	vld [tilespmem:s10+$0x13E00];
	_ =	sdelay $0x1  }
.Ltmp1:
0x8b: {  	[tilespmem:s9+$0x15E00] =	vst v1;
	s9 =	smov.u32 s8;
	s8 =	smov.u32 s10;
	(pc) =	sbr.rel @p0 .LBB2_4-.Ltmp1, $3  }
0x8c: {  	v1 =	vld.idx.msk [tilespmem:v0+s31+$0x0], $0xffff;
	_ =	sdelay $0x1  }
0x8d: {  	v0 =	vadd.s32 $0x3D, v2  }
0x8e: {  	s10 =	sshra.s32 s11, $0x2;
	s11 =	sadd.s32 $0x40, s11  }
0x8f: {  	v2 =	vld [tilespmem:s10+$0x13E00];
	_ =	sdelay $0x2  }
0x90: {  	[tilespmem:s9+$0x15E00] =	vst v1  }
0x91: {  	v0 =	vld.idx.msk [tilespmem:v0+s31+$0x0], $0xffff  }
0x92: {  	v1 =	vadd.s32 $0x3D, v2;
	_ =	sdelay $0x3  }
0x93: {  	[tilespmem:s8+$0x15E00] =	vst v0  }
0x94: {  	v0 =	vld.idx.msk [tilespmem:v1+s31+$0x0], $0xffff;
	_ =	sdelay $0x2  }
0x95: {  	s9 =	sld [smem:$0x7D9];
	_ =	sdelay $0x1  }
0x96: {  	s11 =	sld [smem:$0x7DA];
	[tilespmem:s10+$0x15E00] =	vst v0  }
0x97: {  	[hbm4b:s9+s25] =	stream.strided.scatter [tilespmem:s3], [sflag:$0x4], $0x1000, s28, s25, $0x38;
	[tilespmem:$0x16E80] =	vst v63  }
0x98: {  	s10 =	rddreg [dreg:$0x8]  }
0x99: {  	[tilespmem:s31], [sflag:$0x2] =	stream.strided.gather [hbm4b:s10+s25], $0x9700, s28, s25, $0x38;
	[tilespmem:$0x16E80] =	vst v63  }
0x9a: {  	_ = 	snop  }
0x9b: {  	[tilespmem:s26], [sflag:$0x2] =	stream.strided.gather [hbm4b:s11+s25], $0x1000, s28, s25, $0x38;
	[tilespmem:$0x16E80] =	vst v63  }
0x9c: {  	_ =	swait.ge [sflag:s0], $0x9700  }
0x9d: {  	[sflag:s0] =	ssyncset.done $0x0  }
0x9e: {  	[sflag:s0] =	ssyncadd.s32 $0xFFFF6900  }
0x9f: {  	_ =	swait.ge [sflag:s0], $0x1000  }
0xa0: {  	[sflag:s0] =	ssyncset.done $0x0  }
0xa1: {  	[sflag:s0] =	ssyncadd.s32 $0xFFFFF000  }
0xa2: {  	_ =	swait.ge [sflag:s5], $0x1000  }
0xa3: {  	[sflag:s5] =	ssyncset.done $0x0  }
0xa4: {  	s9 =	simm.s32 $0x0;
	[sflag:s5] =	ssyncadd.s32 $0xFFFFF000  }
0xa5: {  	v0 =	vld [tilespmem:s9+$0x12E00];
	_ =	sdelay $0x4  }
0xa6: {  	s8 =	simm.s32 $0x10;
	v0 =	vadd.s32 $0x7A, v0  }
0xa7: {  	v2 =	vld [tilespmem:s8+$0x12E00];
	_ =	sdelay $0x3  }
0xa8: {  	v1 =	vld.idx.msk [tilespmem:v0+s1+$0x0], $0xffff  }
0xa9: {  	v0 =	vadd.s32 $0x7A, v2  }
0xaa: {  	s10 =	simm.s32 $0x20;
	s11 =	simm.s32 $0xC0  }
.LBB2_6:
0xab: {  	p0 =	sne.s32 s11, $0x3FC0;
	v2 =	vld [tilespmem:s10+$0x12E00];
	_ =	sdelay $0x1  }
.Ltmp2:
0xac: {  	[tilespmem:s9+$0x14E00] =	vst v1;
	s9 =	smov.u32 s8;
	s8 =	smov.u32 s10;
	(pc) =	sbr.rel @p0 .LBB2_6-.Ltmp2, $3  }
0xad: {  	v1 =	vld.idx.msk [tilespmem:v0+s1+$0x0], $0xffff;
	_ =	sdelay $0x1  }
0xae: {  	v0 =	vadd.s32 $0x7A, v2  }
0xaf: {  	s10 =	sshra.s32 s11, $0x2;
	s11 =	sadd.s32 $0x40, s11  }
0xb0: {  	v2 =	vld [tilespmem:s10+$0x12E00];
	_ =	sdelay $0x2  }
0xb1: {  	[tilespmem:s9+$0x14E00] =	vst v1  }
0xb2: {  	v0 =	vld.idx.msk [tilespmem:v0+s1+$0x0], $0xffff  }
0xb3: {  	v1 =	vadd.s32 $0x7A, v2;
	_ =	sdelay $0x3  }
0xb4: {  	[tilespmem:s8+$0x14E00] =	vst v0  }
0xb5: {  	v0 =	vld.idx.msk [tilespmem:v1+s1+$0x0], $0xffff;
	_ =	sdelay $0x2  }
0xb6: {  	s11 =	sld [smem:$0x7DB];
	_ =	sdelay $0x1  }
0xb7: {  	[tilespmem:s10+$0x14E00] =	vst v0;
	s10 =	rddreg [dreg:$0x9]  }
0xb8: {  	[hbm4b:s11+s25] =	stream.strided.scatter [tilespmem:s29], [sflag:$0x3], $0x1000, s28, s25, $0x38;
	[tilespmem:$0x16E80] =	vst v63  }
0xb9: {  	s9 =	simm.s32 $0x0;
	s11 =	sld [smem:$0x7DC]  }
0xba: {  	[tilespmem:s9], [sflag:$0x1] =	stream.strided.gather [hbm4b:s10+s25], $0x9700, s28, s25, $0x38;
	[tilespmem:$0x16E80] =	vst v63  }
0xbb: {  	_ = 	snop  }
0xbc: {  	[tilespmem:s30], [sflag:$0x1] =	stream.strided.gather [hbm4b:s11+s25], $0x1000, s28, s25, $0x38;
	[tilespmem:$0x16E80] =	vst v63  }
0xbd: {  	_ =	swait.ge [sflag:s2], $0x9700  }
0xbe: {  	[sflag:s2] =	ssyncset.done $0x0  }
0xbf: {  	[sflag:s2] =	ssyncadd.s32 $0xFFFF6900  }
0xc0: {  	_ =	swait.ge [sflag:s2], $0x1000  }
0xc1: {  	[sflag:s2] =	ssyncset.done $0x0  }
0xc2: {  	[sflag:s2] =	ssyncadd.s32 $0xFFFFF000  }
0xc3: {  	_ =	swait.ge [sflag:s6], $0x1000  }
0xc4: {  	[sflag:s6] =	ssyncset.done $0x0  }
0xc5: {  	s9 =	simm.s32 $0x0;
	[sflag:s6] =	ssyncadd.s32 $0xFFFFF000  }
0xc6: {  	v0 =	vld [tilespmem:s9+$0x13E00];
	_ =	sdelay $0x4  }
0xc7: {  	s8 =	simm.s32 $0x10;
	v0 =	vadd.s32 $0x37, v0  }
0xc8: {  	v2 =	vld [tilespmem:s8+$0x13E00];
	_ =	sdelay $0x3  }
0xc9: {  	v1 =	vld.idx.msk [tilespmem:v0+s31+$0x0], $0xffff  }
0xca: {  	v0 =	vadd.s32 $0x37, v2  }
0xcb: {  	s10 =	simm.s32 $0x20;
	s11 =	simm.s32 $0xC0  }
.LBB2_8:
0xcc: {  	p0 =	sne.s32 s11, $0x3FC0;
	v2 =	vld [tilespmem:s10+$0x13E00];
	_ =	sdelay $0x1  }
.Ltmp3:
0xcd: {  	[tilespmem:s9+$0x15E00] =	vst v1;
	s9 =	smov.u32 s8;
	s8 =	smov.u32 s10;
	(pc) =	sbr.rel @p0 .LBB2_8-.Ltmp3, $3  }
0xce: {  	v1 =	vld.idx.msk [tilespmem:v0+s31+$0x0], $0xffff;
	_ =	sdelay $0x1  }
0xcf: {  	v0 =	vadd.s32 $0x37, v2  }
0xd0: {  	s10 =	sshra.s32 s11, $0x2;
	s11 =	sadd.s32 $0x40, s11  }
0xd1: {  	v2 =	vld [tilespmem:s10+$0x13E00];
	_ =	sdelay $0x2  }
0xd2: {  	[tilespmem:s9+$0x15E00] =	vst v1  }
0xd3: {  	v0 =	vld.idx.msk [tilespmem:v0+s31+$0x0], $0xffff  }
0xd4: {  	v1 =	vadd.s32 $0x37, v2;
	_ =	sdelay $0x3  }
0xd5: {  	[tilespmem:s8+$0x15E00] =	vst v0  }
0xd6: {  	v0 =	vld.idx.msk [tilespmem:v1+s31+$0x0], $0xffff;
	_ =	sdelay $0x2  }
0xd7: {  	s9 =	sld [smem:$0x7DD];
	_ =	sdelay $0x1  }
0xd8: {  	s11 =	sld [smem:$0x7DE];
	[tilespmem:s10+$0x15E00] =	vst v0  }
0xd9: {  	[hbm4b:s9+s25] =	stream.strided.scatter [tilespmem:s3], [sflag:$0x4], $0x1000, s28, s25, $0x38;
	[tilespmem:$0x16E80] =	vst v63  }
0xda: {  	s10 =	rddreg [dreg:$0xa]  }
0xdb: {  	[tilespmem:s31], [sflag:$0x2] =	stream.strided.gather [hbm4b:s10+s25], $0x9700, s28, s25, $0x38;
	[tilespmem:$0x16E80] =	vst v63  }
0xdc: {  	_ = 	snop  }
0xdd: {  	[tilespmem:s26], [sflag:$0x2] =	stream.strided.gather [hbm4b:s11+s25], $0x1000, s28, s25, $0x38;
	[tilespmem:$0x16E80] =	vst v63  }
0xde: {  	_ =	swait.ge [sflag:s0], $0x9700  }
0xdf: {  	[sflag:s0] =	ssyncset.done $0x0  }
0xe0: {  	[sflag:s0] =	ssyncadd.s32 $0xFFFF6900  }
0xe1: {  	_ =	swait.ge [sflag:s0], $0x1000  }
0xe2: {  	[sflag:s0] =	ssyncset.done $0x0  }
0xe3: {  	[sflag:s0] =	ssyncadd.s32 $0xFFFFF000  }
0xe4: {  	_ =	swait.ge [sflag:s5], $0x1000  }
0xe5: {  	[sflag:s5] =	ssyncset.done $0x0  }
0xe6: {  	s9 =	simm.s32 $0x0;
	[sflag:s5] =	ssyncadd.s32 $0xFFFFF000  }
0xe7: {  	v0 =	vld [tilespmem:s9+$0x12E00];
	_ =	sdelay $0x4  }
0xe8: {  	s8 =	simm.s32 $0x10;
	v0 =	vadd.s32 $0x74, v0  }
0xe9: {  	v2 =	vld [tilespmem:s8+$0x12E00];
	_ =	sdelay $0x3  }
0xea: {  	v1 =	vld.idx.msk [tilespmem:v0+s1+$0x0], $0xffff  }
0xeb: {  	v0 =	vadd.s32 $0x74, v2  }
0xec: {  	s10 =	simm.s32 $0x20;
	s11 =	simm.s32 $0xC0  }
.LBB2_10:
0xed: {  	p0 =	sne.s32 s11, $0x3FC0;
	v2 =	vld [tilespmem:s10+$0x12E00];
	_ =	sdelay $0x1  }
.Ltmp4:
0xee: {  	[tilespmem:s9+$0x14E00] =	vst v1;
	s9 =	smov.u32 s8;
	s8 =	smov.u32 s10;
	(pc) =	sbr.rel @p0 .LBB2_10-.Ltmp4, $3  }
0xef: {  	v1 =	vld.idx.msk [tilespmem:v0+s1+$0x0], $0xffff;
	_ =	sdelay $0x1  }
0xf0: {  	v0 =	vadd.s32 $0x74, v2  }
0xf1: {  	s10 =	sshra.s32 s11, $0x2;
	s11 =	sadd.s32 $0x40, s11  }
0xf2: {  	v2 =	vld [tilespmem:s10+$0x12E00];
	_ =	sdelay $0x2  }
0xf3: {  	[tilespmem:s9+$0x14E00] =	vst v1  }
0xf4: {  	v0 =	vld.idx.msk [tilespmem:v0+s1+$0x0], $0xffff  }
0xf5: {  	v1 =	vadd.s32 $0x74, v2;
	_ =	sdelay $0x3  }
0xf6: {  	[tilespmem:s8+$0x14E00] =	vst v0  }
0xf7: {  	v0 =	vld.idx.msk [tilespmem:v1+s1+$0x0], $0xffff;
	_ =	sdelay $0x2  }
0xf8: {  	s11 =	sld [smem:$0x7DF];
	_ =	sdelay $0x1  }
0xf9: {  	[tilespmem:s10+$0x14E00] =	vst v0;
	s10 =	rddreg [dreg:$0xb]  }
0xfa: {  	[hbm4b:s11+s25] =	stream.strided.scatter [tilespmem:s29], [sflag:$0x3], $0x1000, s28, s25, $0x38;
	[tilespmem:$0x16E80] =	vst v63  }
0xfb: {  	s9 =	simm.s32 $0x0;
	s11 =	sld [smem:$0x7E0]  }
0xfc: {  	[tilespmem:s9], [sflag:$0x1] =	stream.strided.gather [hbm4b:s10+s25], $0x9700, s28, s25, $0x38;
	[tilespmem:$0x16E80] =	vst v63  }
0xfd: {  	_ = 	snop  }
0xfe: {  	[tilespmem:s30], [sflag:$0x1] =	stream.strided.gather [hbm4b:s11+s25], $0x1000, s28, s25, $0x38;
	[tilespmem:$0x16E80] =	vst v63  }
0xff: {  	_ =	swait.ge [sflag:s2], $0x9700  }
0x100: {  	[sflag:s2] =	ssyncset.done $0x0  }
0x101: {  	[sflag:s2] =	ssyncadd.s32 $0xFFFF6900  }
0x102: {  	_ =	swait.ge [sflag:s2], $0x1000  }
0x103: {  	[sflag:s2] =	ssyncset.done $0x0  }
0x104: {  	[sflag:s2] =	ssyncadd.s32 $0xFFFFF000  }
0x105: {  	_ =	swait.ge [sflag:s6], $0x1000  }
0x106: {  	[sflag:s6] =	ssyncset.done $0x0  }
0x107: {  	s9 =	simm.s32 $0x0;
	[sflag:s6] =	ssyncadd.s32 $0xFFFFF000  }
0x108: {  	v0 =	vld [tilespmem:s9+$0x13E00];
	_ =	sdelay $0x4  }
0x109: {  	s8 =	simm.s32 $0x10;
	v0 =	vadd.s32 $0x31, v0  }
0x10a: {  	v2 =	vld [tilespmem:s8+$0x13E00];
	_ =	sdelay $0x3  }
0x10b: {  	v1 =	vld.idx.msk [tilespmem:v0+s31+$0x0], $0xffff  }
0x10c: {  	v0 =	vadd.s32 $0x31, v2  }
0x10d: {  	s10 =	simm.s32 $0x20;
	s11 =	simm.s32 $0xC0  }
.LBB2_12:
0x10e: {  	p0 =	sne.s32 s11, $0x3FC0;
	v2 =	vld [tilespmem:s10+$0x13E00];
	_ =	sdelay $0x1  }
.Ltmp5:
0x10f: {  	[tilespmem:s9+$0x15E00] =	vst v1;
	s9 =	smov.u32 s8;
	s8 =	smov.u32 s10;
	(pc) =	sbr.rel @p0 .LBB2_12-.Ltmp5, $3  }
0x110: {  	v1 =	vld.idx.msk [tilespmem:v0+s31+$0x0], $0xffff;
	_ =	sdelay $0x1  }
0x111: {  	v0 =	vadd.s32 $0x31, v2  }
0x112: {  	s10 =	sshra.s32 s11, $0x2;
	s11 =	sadd.s32 $0x40, s11  }
0x113: {  	v2 =	vld [tilespmem:s10+$0x13E00];
	_ =	sdelay $0x2  }
0x114: {  	[tilespmem:s9+$0x15E00] =	vst v1  }
0x115: {  	v0 =	vld.idx.msk [tilespmem:v0+s31+$0x0], $0xffff  }
0x116: {  	v1 =	vadd.s32 $0x31, v2;
	_ =	sdelay $0x3  }
0x117: {  	[tilespmem:s8+$0x15E00] =	vst v0  }
0x118: {  	v0 =	vld.idx.msk [tilespmem:v1+s31+$0x0], $0xffff;
	_ =	sdelay $0x2  }
0x119: {  	s9 =	sld [smem:$0x7E1];
	_ =	sdelay $0x1  }
0x11a: {  	s11 =	sld [smem:$0x7E2];
	[tilespmem:s10+$0x15E00] =	vst v0  }
0x11b: {  	[hbm4b:s9+s25] =	stream.strided.scatter [tilespmem:s3], [sflag:$0x4], $0x1000, s28, s25, $0x38;
	[tilespmem:$0x16E80] =	vst v63  }
0x11c: {  	s10 =	rddreg [dreg:$0xc]  }
0x11d: {  	[tilespmem:s31], [sflag:$0x2] =	stream.strided.gather [hbm4b:s10+s25], $0x9700, s28, s25, $0x38;
	[tilespmem:$0x16E80] =	vst v63  }
0x11e: {  	_ = 	snop  }
0x11f: {  	[tilespmem:s26], [sflag:$0x2] =	stream.strided.gather [hbm4b:s11+s25], $0x1000, s28, s25, $0x38;
	[tilespmem:$0x16E80] =	vst v63  }
0x120: {  	_ =	swait.ge [sflag:s0], $0x9700  }
0x121: {  	[sflag:s0] =	ssyncset.done $0x0  }
0x122: {  	[sflag:s0] =	ssyncadd.s32 $0xFFFF6900  }
0x123: {  	_ =	swait.ge [sflag:s0], $0x1000  }
0x124: {  	[sflag:s0] =	ssyncset.done $0x0  }
0x125: {  	[sflag:s0] =	ssyncadd.s32 $0xFFFFF000  }
0x126: {  	_ =	swait.ge [sflag:s5], $0x1000  }
0x127: {  	[sflag:s5] =	ssyncset.done $0x0  }
0x128: {  	s9 =	simm.s32 $0x0;
	[sflag:s5] =	ssyncadd.s32 $0xFFFFF000  }
0x129: {  	v0 =	vld [tilespmem:s9+$0x12E00];
	_ =	sdelay $0x4  }
0x12a: {  	s8 =	simm.s32 $0x10;
	v0 =	vadd.s32 $0x6E, v0  }
0x12b: {  	v2 =	vld [tilespmem:s8+$0x12E00];
	_ =	sdelay $0x3  }
0x12c: {  	v1 =	vld.idx.msk [tilespmem:v0+s1+$0x0], $0xffff  }
0x12d: {  	v0 =	vadd.s32 $0x6E, v2  }
0x12e: {  	s10 =	simm.s32 $0x20;
	s11 =	simm.s32 $0xC0  }
.LBB2_14:
0x12f: {  	p0 =	sne.s32 s11, $0x3FC0;
	v2 =	vld [tilespmem:s10+$0x12E00];
	_ =	sdelay $0x1  }
.Ltmp6:
0x130: {  	[tilespmem:s9+$0x14E00] =	vst v1;
	s9 =	smov.u32 s8;
	s8 =	smov.u32 s10;
	(pc) =	sbr.rel @p0 .LBB2_14-.Ltmp6, $3  }
0x131: {  	v1 =	vld.idx.msk [tilespmem:v0+s1+$0x0], $0xffff;
	_ =	sdelay $0x1  }
0x132: {  	v0 =	vadd.s32 $0x6E, v2  }
0x133: {  	s10 =	sshra.s32 s11, $0x2;
	s11 =	sadd.s32 $0x40, s11  }
0x134: {  	v2 =	vld [tilespmem:s10+$0x12E00];
	_ =	sdelay $0x2  }
0x135: {  	[tilespmem:s9+$0x14E00] =	vst v1  }
0x136: {  	v0 =	vld.idx.msk [tilespmem:v0+s1+$0x0], $0xffff  }
0x137: {  	v1 =	vadd.s32 $0x6E, v2;
	_ =	sdelay $0x3  }
0x138: {  	[tilespmem:s8+$0x14E00] =	vst v0  }
0x139: {  	v0 =	vld.idx.msk [tilespmem:v1+s1+$0x0], $0xffff;
	_ =	sdelay $0x2  }
0x13a: {  	s11 =	sld [smem:$0x7E3];
	_ =	sdelay $0x1  }
0x13b: {  	[tilespmem:s10+$0x14E00] =	vst v0;
	s10 =	rddreg [dreg:$0xd]  }
0x13c: {  	[hbm4b:s11+s25] =	stream.strided.scatter [tilespmem:s29], [sflag:$0x3], $0x1000, s28, s25, $0x38;
	[tilespmem:$0x16E80] =	vst v63  }
0x13d: {  	s9 =	simm.s32 $0x0;
	s11 =	sld [smem:$0x7E4]  }
0x13e: {  	[tilespmem:s9], [sflag:$0x1] =	stream.strided.gather [hbm4b:s10+s25], $0x9700, s28, s25, $0x38;
	[tilespmem:$0x16E80] =	vst v63  }
0x13f: {  	_ = 	snop  }
0x140: {  	[tilespmem:s30], [sflag:$0x1] =	stream.strided.gather [hbm4b:s11+s25], $0x1000, s28, s25, $0x38;
	[tilespmem:$0x16E80] =	vst v63  }
0x141: {  	_ =	swait.ge [sflag:s2], $0x9700  }
0x142: {  	[sflag:s2] =	ssyncset.done $0x0  }
0x143: {  	[sflag:s2] =	ssyncadd.s32 $0xFFFF6900  }
0x144: {  	_ =	swait.ge [sflag:s2], $0x1000  }
0x145: {  	[sflag:s2] =	ssyncset.done $0x0  }
0x146: {  	[sflag:s2] =	ssyncadd.s32 $0xFFFFF000  }
0x147: {  	_ =	swait.ge [sflag:s6], $0x1000  }
0x148: {  	[sflag:s6] =	ssyncset.done $0x0  }
0x149: {  	s9 =	simm.s32 $0x0;
	[sflag:s6] =	ssyncadd.s32 $0xFFFFF000  }
0x14a: {  	v0 =	vld [tilespmem:s9+$0x13E00];
	_ =	sdelay $0x4  }
0x14b: {  	s8 =	simm.s32 $0x10;
	v0 =	vadd.s32 $0x2B, v0  }
0x14c: {  	v2 =	vld [tilespmem:s8+$0x13E00];
	_ =	sdelay $0x3  }
0x14d: {  	v1 =	vld.idx.msk [tilespmem:v0+s31+$0x0], $0xffff  }
0x14e: {  	v0 =	vadd.s32 $0x2B, v2  }
0x14f: {  	s10 =	simm.s32 $0x20;
	s11 =	simm.s32 $0xC0  }
.LBB2_16:
0x150: {  	p0 =	sne.s32 s11, $0x3FC0;
	v2 =	vld [tilespmem:s10+$0x13E00];
	_ =	sdelay $0x1  }
.Ltmp7:
0x151: {  	[tilespmem:s9+$0x15E00] =	vst v1;
	s9 =	smov.u32 s8;
	s8 =	smov.u32 s10;
	(pc) =	sbr.rel @p0 .LBB2_16-.Ltmp7, $3  }
0x152: {  	v1 =	vld.idx.msk [tilespmem:v0+s31+$0x0], $0xffff;
	_ =	sdelay $0x1  }
0x153: {  	v0 =	vadd.s32 $0x2B, v2  }
0x154: {  	s10 =	sshra.s32 s11, $0x2;
	s11 =	sadd.s32 $0x40, s11  }
0x155: {  	v2 =	vld [tilespmem:s10+$0x13E00];
	_ =	sdelay $0x2  }
0x156: {  	[tilespmem:s9+$0x15E00] =	vst v1  }
0x157: {  	v0 =	vld.idx.msk [tilespmem:v0+s31+$0x0], $0xffff  }
0x158: {  	v1 =	vadd.s32 $0x2B, v2;
	_ =	sdelay $0x3  }
0x159: {  	[tilespmem:s8+$0x15E00] =	vst v0  }
0x15a: {  	v0 =	vld.idx.msk [tilespmem:v1+s31+$0x0], $0xffff;
	_ =	sdelay $0x2  }
0x15b: {  	s9 =	sld [smem:$0x7E5];
	_ =	sdelay $0x1  }
0x15c: {  	s11 =	sld [smem:$0x7E6];
	[tilespmem:s10+$0x15E00] =	vst v0  }
0x15d: {  	[hbm4b:s9+s25] =	stream.strided.scatter [tilespmem:s3], [sflag:$0x4], $0x1000, s28, s25, $0x38;
	[tilespmem:$0x16E80] =	vst v63  }
0x15e: {  	s10 =	rddreg [dreg:$0xe]  }
0x15f: {  	[tilespmem:s31], [sflag:$0x2] =	stream.strided.gather [hbm4b:s10+s25], $0x9700, s28, s25, $0x38;
	[tilespmem:$0x16E80] =	vst v63  }
0x160: {  	_ = 	snop  }
0x161: {  	[tilespmem:s26], [sflag:$0x2] =	stream.strided.gather [hbm4b:s11+s25], $0x1000, s28, s25, $0x38;
	[tilespmem:$0x16E80] =	vst v63  }
0x162: {  	_ =	swait.ge [sflag:s0], $0x9700  }
0x163: {  	[sflag:s0] =	ssyncset.done $0x0  }
0x164: {  	[sflag:s0] =	ssyncadd.s32 $0xFFFF6900  }
0x165: {  	_ =	swait.ge [sflag:s0], $0x1000  }
0x166: {  	[sflag:s0] =	ssyncset.done $0x0  }
0x167: {  	[sflag:s0] =	ssyncadd.s32 $0xFFFFF000  }
0x168: {  	_ =	swait.ge [sflag:s5], $0x1000  }
0x169: {  	[sflag:s5] =	ssyncset.done $0x0  }
0x16a: {  	s9 =	simm.s32 $0x0;
	[sflag:s5] =	ssyncadd.s32 $0xFFFFF000  }
0x16b: {  	v0 =	vld [tilespmem:s9+$0x12E00];
	_ =	sdelay $0x4  }
0x16c: {  	s8 =	simm.s32 $0x10;
	v0 =	vadd.s32 $0x68, v0  }
0x16d: {  	v2 =	vld [tilespmem:s8+$0x12E00];
	_ =	sdelay $0x3  }
0x16e: {  	v1 =	vld.idx.msk [tilespmem:v0+s1+$0x0], $0xffff  }
0x16f: {  	v0 =	vadd.s32 $0x68, v2  }
0x170: {  	s10 =	simm.s32 $0x20;
	s11 =	simm.s32 $0xC0  }
.LBB2_18:
0x171: {  	p0 =	sne.s32 s11, $0x3FC0;
	v2 =	vld [tilespmem:s10+$0x12E00];
	_ =	sdelay $0x1  }
.Ltmp8:
0x172: {  	[tilespmem:s9+$0x14E00] =	vst v1;
	s9 =	smov.u32 s8;
	s8 =	smov.u32 s10;
	(pc) =	sbr.rel @p0 .LBB2_18-.Ltmp8, $3  }
0x173: {  	v1 =	vld.idx.msk [tilespmem:v0+s1+$0x0], $0xffff;
	_ =	sdelay $0x1  }
0x174: {  	v0 =	vadd.s32 $0x68, v2  }
0x175: {  	s10 =	sshra.s32 s11, $0x2;
	s11 =	sadd.s32 $0x40, s11  }
0x176: {  	v2 =	vld [tilespmem:s10+$0x12E00];
	_ =	sdelay $0x2  }
0x177: {  	[tilespmem:s9+$0x14E00] =	vst v1  }
0x178: {  	v0 =	vld.idx.msk [tilespmem:v0+s1+$0x0], $0xffff  }
0x179: {  	v1 =	vadd.s32 $0x68, v2;
	_ =	sdelay $0x3  }
0x17a: {  	[tilespmem:s8+$0x14E00] =	vst v0  }
0x17b: {  	v0 =	vld.idx.msk [tilespmem:v1+s1+$0x0], $0xffff;
	_ =	sdelay $0x2  }
0x17c: {  	s11 =	sld [smem:$0x7E7];
	_ =	sdelay $0x1  }
0x17d: {  	[tilespmem:s10+$0x14E00] =	vst v0;
	s10 =	rddreg [dreg:$0xf]  }
0x17e: {  	[hbm4b:s11+s25] =	stream.strided.scatter [tilespmem:s29], [sflag:$0x3], $0x1000, s28, s25, $0x38;
	[tilespmem:$0x16E80] =	vst v63  }
0x17f: {  	s9 =	simm.s32 $0x0;
	s11 =	sld [smem:$0x7E8]  }
0x180: {  	[tilespmem:s9], [sflag:$0x1] =	stream.strided.gather [hbm4b:s10+s25], $0x9700, s28, s25, $0x38;
	[tilespmem:$0x16E80] =	vst v63  }
0x181: {  	_ = 	snop  }
0x182: {  	[tilespmem:s30], [sflag:$0x1] =	stream.strided.gather [hbm4b:s11+s25], $0x1000, s28, s25, $0x38;
	[tilespmem:$0x16E80] =	vst v63  }
0x183: {  	_ =	swait.ge [sflag:s2], $0x9700  }
0x184: {  	[sflag:s2] =	ssyncset.done $0x0  }
0x185: {  	[sflag:s2] =	ssyncadd.s32 $0xFFFF6900  }
0x186: {  	_ =	swait.ge [sflag:s2], $0x1000  }
0x187: {  	[sflag:s2] =	ssyncset.done $0x0  }
0x188: {  	[sflag:s2] =	ssyncadd.s32 $0xFFFFF000  }
0x189: {  	_ =	swait.ge [sflag:s6], $0x1000  }
0x18a: {  	[sflag:s6] =	ssyncset.done $0x0  }
0x18b: {  	s9 =	simm.s32 $0x0;
	[sflag:s6] =	ssyncadd.s32 $0xFFFFF000  }
0x18c: {  	v0 =	vld [tilespmem:s9+$0x13E00];
	_ =	sdelay $0x4  }
0x18d: {  	s8 =	simm.s32 $0x10;
	v0 =	vadd.s32 $0x25, v0  }
0x18e: {  	v2 =	vld [tilespmem:s8+$0x13E00];
	_ =	sdelay $0x3  }
0x18f: {  	v1 =	vld.idx.msk [tilespmem:v0+s31+$0x0], $0xffff  }
0x190: {  	v0 =	vadd.s32 $0x25, v2  }
0x191: {  	s10 =	simm.s32 $0x20;
	s11 =	simm.s32 $0xC0  }
.LBB2_20:
0x192: {  	p0 =	sne.s32 s11, $0x3FC0;
	v2 =	vld [tilespmem:s10+$0x13E00];
	_ =	sdelay $0x1  }
.Ltmp9:
0x193: {  	[tilespmem:s9+$0x15E00] =	vst v1;
	s9 =	smov.u32 s8;
	s8 =	smov.u32 s10;
	(pc) =	sbr.rel @p0 .LBB2_20-.Ltmp9, $3  }
0x194: {  	v1 =	vld.idx.msk [tilespmem:v0+s31+$0x0], $0xffff;
	_ =	sdelay $0x1  }
0x195: {  	v0 =	vadd.s32 $0x25, v2  }
0x196: {  	s10 =	sshra.s32 s11, $0x2;
	s11 =	sadd.s32 $0x40, s11  }
0x197: {  	v2 =	vld [tilespmem:s10+$0x13E00];
	_ =	sdelay $0x2  }
0x198: {  	[tilespmem:s9+$0x15E00] =	vst v1  }
0x199: {  	v0 =	vld.idx.msk [tilespmem:v0+s31+$0x0], $0xffff  }
0x19a: {  	v1 =	vadd.s32 $0x25, v2;
	_ =	sdelay $0x3  }
0x19b: {  	[tilespmem:s8+$0x15E00] =	vst v0  }
0x19c: {  	v0 =	vld.idx.msk [tilespmem:v1+s31+$0x0], $0xffff;
	_ =	sdelay $0x2  }
0x19d: {  	s9 =	sld [smem:$0x7E9];
	_ =	sdelay $0x1  }
0x19e: {  	s11 =	sld [smem:$0x7EA];
	[tilespmem:s10+$0x15E00] =	vst v0  }
0x19f: {  	[hbm4b:s9+s25] =	stream.strided.scatter [tilespmem:s3], [sflag:$0x4], $0x1000, s28, s25, $0x38;
	[tilespmem:$0x16E80] =	vst v63  }
0x1a0: {  	s10 =	rddreg [dreg:$0x10]  }
0x1a1: {  	[tilespmem:s31], [sflag:$0x2] =	stream.strided.gather [hbm4b:s10+s25], $0x9700, s28, s25, $0x38;
	[tilespmem:$0x16E80] =	vst v63  }
0x1a2: {  	_ = 	snop  }
0x1a3: {  	[tilespmem:s26], [sflag:$0x2] =	stream.strided.gather [hbm4b:s11+s25], $0x1000, s28, s25, $0x38;
	[tilespmem:$0x16E80] =	vst v63  }
0x1a4: {  	_ =	swait.ge [sflag:s0], $0x9700  }
0x1a5: {  	[sflag:s0] =	ssyncset.done $0x0  }
0x1a6: {  	[sflag:s0] =	ssyncadd.s32 $0xFFFF6900  }
0x1a7: {  	_ =	swait.ge [sflag:s0], $0x1000  }
0x1a8: {  	[sflag:s0] =	ssyncset.done $0x0  }
0x1a9: {  	[sflag:s0] =	ssyncadd.s32 $0xFFFFF000  }
0x1aa: {  	_ =	swait.ge [sflag:s5], $0x1000  }
0x1ab: {  	[sflag:s5] =	ssyncset.done $0x0  }
0x1ac: {  	s9 =	simm.s32 $0x0;
	[sflag:s5] =	ssyncadd.s32 $0xFFFFF000  }
0x1ad: {  	v0 =	vld [tilespmem:s9+$0x12E00];
	_ =	sdelay $0x4  }
0x1ae: {  	s8 =	simm.s32 $0x10;
	v0 =	vadd.s32 $0x62, v0  }
0x1af: {  	v2 =	vld [tilespmem:s8+$0x12E00];
	_ =	sdelay $0x3  }
0x1b0: {  	v1 =	vld.idx.msk [tilespmem:v0+s1+$0x0], $0xffff  }
0x1b1: {  	v0 =	vadd.s32 $0x62, v2  }
0x1b2: {  	s10 =	simm.s32 $0x20;
	s11 =	simm.s32 $0xC0  }
.LBB2_22:
0x1b3: {  	p0 =	sne.s32 s11, $0x3FC0;
	v2 =	vld [tilespmem:s10+$0x12E00];
	_ =	sdelay $0x1  }
.Ltmp10:
0x1b4: {  	[tilespmem:s9+$0x14E00] =	vst v1;
	s9 =	smov.u32 s8;
	s8 =	smov.u32 s10;
	(pc) =	sbr.rel @p0 .LBB2_22-.Ltmp10, $3  }
0x1b5: {  	v1 =	vld.idx.msk [tilespmem:v0+s1+$0x0], $0xffff;
	_ =	sdelay $0x1  }
0x1b6: {  	v0 =	vadd.s32 $0x62, v2  }
0x1b7: {  	s10 =	sshra.s32 s11, $0x2;
	s11 =	sadd.s32 $0x40, s11  }
0x1b8: {  	v2 =	vld [tilespmem:s10+$0x12E00];
	_ =	sdelay $0x2  }
0x1b9: {  	[tilespmem:s9+$0x14E00] =	vst v1  }
0x1ba: {  	v0 =	vld.idx.msk [tilespmem:v0+s1+$0x0], $0xffff  }
0x1bb: {  	v1 =	vadd.s32 $0x62, v2;
	_ =	sdelay $0x3  }
0x1bc: {  	[tilespmem:s8+$0x14E00] =	vst v0  }
0x1bd: {  	v0 =	vld.idx.msk [tilespmem:v1+s1+$0x0], $0xffff;
	_ =	sdelay $0x2  }
0x1be: {  	s11 =	sld [smem:$0x7EB];
	_ =	sdelay $0x1  }
0x1bf: {  	[tilespmem:s10+$0x14E00] =	vst v0;
	s10 =	rddreg [dreg:$0x11]  }
0x1c0: {  	[hbm4b:s11+s25] =	stream.strided.scatter [tilespmem:s29], [sflag:$0x3], $0x1000, s28, s25, $0x38;
	[tilespmem:$0x16E80] =	vst v63  }
0x1c1: {  	s9 =	simm.s32 $0x0;
	s11 =	sld [smem:$0x7EC]  }
0x1c2: {  	[tilespmem:s9], [sflag:$0x1] =	stream.strided.gather [hbm4b:s10+s25], $0x9700, s28, s25, $0x38;
	[tilespmem:$0x16E80] =	vst v63  }
0x1c3: {  	_ = 	snop  }
0x1c4: {  	[tilespmem:s30], [sflag:$0x1] =	stream.strided.gather [hbm4b:s11+s25], $0x1000, s28, s25, $0x38;
	[tilespmem:$0x16E80] =	vst v63  }
0x1c5: {  	_ =	swait.ge [sflag:s2], $0x9700  }
0x1c6: {  	[sflag:s2] =	ssyncset.done $0x0  }
0x1c7: {  	[sflag:s2] =	ssyncadd.s32 $0xFFFF6900  }
0x1c8: {  	_ =	swait.ge [sflag:s2], $0x1000  }
0x1c9: {  	[sflag:s2] =	ssyncset.done $0x0  }
0x1ca: {  	[sflag:s2] =	ssyncadd.s32 $0xFFFFF000  }
0x1cb: {  	_ =	swait.ge [sflag:s6], $0x1000  }
0x1cc: {  	[sflag:s6] =	ssyncset.done $0x0  }
0x1cd: {  	s9 =	simm.s32 $0x0;
	[sflag:s6] =	ssyncadd.s32 $0xFFFFF000  }
0x1ce: {  	v0 =	vld [tilespmem:s9+$0x13E00];
	_ =	sdelay $0x4  }
0x1cf: {  	s8 =	simm.s32 $0x10;
	v0 =	vadd.s32 $0x1F, v0  }
0x1d0: {  	v2 =	vld [tilespmem:s8+$0x13E00];
	_ =	sdelay $0x3  }
0x1d1: {  	v1 =	vld.idx.msk [tilespmem:v0+s31+$0x0], $0xffff  }
0x1d2: {  	v0 =	vadd.s32 $0x1F, v2  }
0x1d3: {  	s10 =	simm.s32 $0x20;
	s11 =	simm.s32 $0xC0  }
.LBB2_24:
0x1d4: {  	p0 =	sne.s32 s11, $0x3FC0;
	v2 =	vld [tilespmem:s10+$0x13E00];
	_ =	sdelay $0x1  }
.Ltmp11:
0x1d5: {  	[tilespmem:s9+$0x15E00] =	vst v1;
	s9 =	smov.u32 s8;
	s8 =	smov.u32 s10;
	(pc) =	sbr.rel @p0 .LBB2_24-.Ltmp11, $3  }
0x1d6: {  	v1 =	vld.idx.msk [tilespmem:v0+s31+$0x0], $0xffff;
	_ =	sdelay $0x1  }
0x1d7: {  	v0 =	vadd.s32 $0x1F, v2  }
0x1d8: {  	s10 =	sshra.s32 s11, $0x2;
	s11 =	sadd.s32 $0x40, s11  }
0x1d9: {  	v2 =	vld [tilespmem:s10+$0x13E00];
	_ =	sdelay $0x2  }
0x1da: {  	[tilespmem:s9+$0x15E00] =	vst v1  }
0x1db: {  	v0 =	vld.idx.msk [tilespmem:v0+s31+$0x0], $0xffff  }
0x1dc: {  	v1 =	vadd.s32 $0x1F, v2;
	_ =	sdelay $0x3  }
0x1dd: {  	[tilespmem:s8+$0x15E00] =	vst v0  }
0x1de: {  	v0 =	vld.idx.msk [tilespmem:v1+s31+$0x0], $0xffff;
	_ =	sdelay $0x2  }
0x1df: {  	s9 =	sld [smem:$0x7ED];
	_ =	sdelay $0x1  }
0x1e0: {  	s11 =	sld [smem:$0x7EE];
	[tilespmem:s10+$0x15E00] =	vst v0  }
0x1e1: {  	[hbm4b:s9+s25] =	stream.strided.scatter [tilespmem:s3], [sflag:$0x4], $0x1000, s28, s25, $0x38;
	[tilespmem:$0x16E80] =	vst v63  }
0x1e2: {  	s10 =	rddreg [dreg:$0x12]  }
0x1e3: {  	[tilespmem:s31], [sflag:$0x2] =	stream.strided.gather [hbm4b:s10+s25], $0x9700, s28, s25, $0x38;
	[tilespmem:$0x16E80] =	vst v63  }
0x1e4: {  	_ = 	snop  }
0x1e5: {  	[tilespmem:s26], [sflag:$0x2] =	stream.strided.gather [hbm4b:s11+s25], $0x1000, s28, s25, $0x38;
	[tilespmem:$0x16E80] =	vst v63  }
0x1e6: {  	_ =	swait.ge [sflag:s0], $0x9700  }
0x1e7: {  	[sflag:s0] =	ssyncset.done $0x0  }
0x1e8: {  	[sflag:s0] =	ssyncadd.s32 $0xFFFF6900  }
0x1e9: {  	_ =	swait.ge [sflag:s0], $0x1000  }
0x1ea: {  	[sflag:s0] =	ssyncset.done $0x0  }
0x1eb: {  	[sflag:s0] =	ssyncadd.s32 $0xFFFFF000  }
0x1ec: {  	_ =	swait.ge [sflag:s5], $0x1000  }
0x1ed: {  	[sflag:s5] =	ssyncset.done $0x0  }
0x1ee: {  	s9 =	simm.s32 $0x0;
	[sflag:s5] =	ssyncadd.s32 $0xFFFFF000  }
0x1ef: {  	v0 =	vld [tilespmem:s9+$0x12E00];
	_ =	sdelay $0x4  }
0x1f0: {  	s8 =	simm.s32 $0x10;
	v0 =	vadd.s32 $0x5C, v0  }
0x1f1: {  	v2 =	vld [tilespmem:s8+$0x12E00];
	_ =	sdelay $0x3  }
0x1f2: {  	v1 =	vld.idx.msk [tilespmem:v0+s1+$0x0], $0xffff  }
0x1f3: {  	v0 =	vadd.s32 $0x5C, v2  }
0x1f4: {  	s10 =	simm.s32 $0x20;
	s11 =	simm.s32 $0xC0  }
.LBB2_26:
0x1f5: {  	p0 =	sne.s32 s11, $0x3FC0;
	v2 =	vld [tilespmem:s10+$0x12E00];
	_ =	sdelay $0x1  }
.Ltmp12:
0x1f6: {  	[tilespmem:s9+$0x14E00] =	vst v1;
	s9 =	smov.u32 s8;
	s8 =	smov.u32 s10;
	(pc) =	sbr.rel @p0 .LBB2_26-.Ltmp12, $3  }
0x1f7: {  	v1 =	vld.idx.msk [tilespmem:v0+s1+$0x0], $0xffff;
	_ =	sdelay $0x1  }
0x1f8: {  	v0 =	vadd.s32 $0x5C, v2  }
0x1f9: {  	s10 =	sshra.s32 s11, $0x2;
	s11 =	sadd.s32 $0x40, s11  }
0x1fa: {  	v2 =	vld [tilespmem:s10+$0x12E00];
	_ =	sdelay $0x2  }
0x1fb: {  	[tilespmem:s9+$0x14E00] =	vst v1  }
0x1fc: {  	v0 =	vld.idx.msk [tilespmem:v0+s1+$0x0], $0xffff  }
0x1fd: {  	v1 =	vadd.s32 $0x5C, v2;
	_ =	sdelay $0x3  }
0x1fe: {  	[tilespmem:s8+$0x14E00] =	vst v0  }
0x1ff: {  	v0 =	vld.idx.msk [tilespmem:v1+s1+$0x0], $0xffff;
	_ =	sdelay $0x2  }
0x200: {  	s11 =	sld [smem:$0x7EF];
	_ =	sdelay $0x1  }
0x201: {  	[tilespmem:s10+$0x14E00] =	vst v0;
	s10 =	rddreg [dreg:$0x13]  }
0x202: {  	[hbm4b:s11+s25] =	stream.strided.scatter [tilespmem:s29], [sflag:$0x3], $0x1000, s28, s25, $0x38;
	[tilespmem:$0x16E80] =	vst v63  }
0x203: {  	s9 =	simm.s32 $0x0;
	s11 =	sld [smem:$0x7F0]  }
0x204: {  	[tilespmem:s9], [sflag:$0x1] =	stream.strided.gather [hbm4b:s10+s25], $0x9700, s28, s25, $0x38;
	[tilespmem:$0x16E80] =	vst v63  }
0x205: {  	_ = 	snop  }
0x206: {  	[tilespmem:s30], [sflag:$0x1] =	stream.strided.gather [hbm4b:s11+s25], $0x1000, s28, s25, $0x38;
	[tilespmem:$0x16E80] =	vst v63  }
0x207: {  	_ =	swait.ge [sflag:s2], $0x9700  }
0x208: {  	[sflag:s2] =	ssyncset.done $0x0  }
0x209: {  	[sflag:s2] =	ssyncadd.s32 $0xFFFF6900  }
0x20a: {  	_ =	swait.ge [sflag:s2], $0x1000  }
0x20b: {  	[sflag:s2] =	ssyncset.done $0x0  }
0x20c: {  	[sflag:s2] =	ssyncadd.s32 $0xFFFFF000  }
0x20d: {  	_ =	swait.ge [sflag:s6], $0x1000  }
0x20e: {  	[sflag:s6] =	ssyncset.done $0x0  }
0x20f: {  	s9 =	simm.s32 $0x0;
	[sflag:s6] =	ssyncadd.s32 $0xFFFFF000  }
0x210: {  	v0 =	vld [tilespmem:s9+$0x13E00];
	_ =	sdelay $0x4  }
0x211: {  	s8 =	simm.s32 $0x10;
	v0 =	vadd.s32 $0x19, v0  }
0x212: {  	v2 =	vld [tilespmem:s8+$0x13E00];
	_ =	sdelay $0x3  }
0x213: {  	v1 =	vld.idx.msk [tilespmem:v0+s31+$0x0], $0xffff  }
0x214: {  	v0 =	vadd.s32 $0x19, v2  }
0x215: {  	s10 =	simm.s32 $0x20;
	s11 =	simm.s32 $0xC0  }
.LBB2_28:
0x216: {  	p0 =	sne.s32 s11, $0x3FC0;
	v2 =	vld [tilespmem:s10+$0x13E00];
	_ =	sdelay $0x1  }
.Ltmp13:
0x217: {  	[tilespmem:s9+$0x15E00] =	vst v1;
	s9 =	smov.u32 s8;
	s8 =	smov.u32 s10;
	(pc) =	sbr.rel @p0 .LBB2_28-.Ltmp13, $3  }
0x218: {  	v1 =	vld.idx.msk [tilespmem:v0+s31+$0x0], $0xffff;
	_ =	sdelay $0x1  }
0x219: {  	v0 =	vadd.s32 $0x19, v2  }
0x21a: {  	s10 =	sshra.s32 s11, $0x2;
	s11 =	sadd.s32 $0x40, s11  }
0x21b: {  	v2 =	vld [tilespmem:s10+$0x13E00];
	_ =	sdelay $0x2  }
0x21c: {  	[tilespmem:s9+$0x15E00] =	vst v1  }
0x21d: {  	v0 =	vld.idx.msk [tilespmem:v0+s31+$0x0], $0xffff  }
0x21e: {  	v1 =	vadd.s32 $0x19, v2;
	_ =	sdelay $0x3  }
0x21f: {  	[tilespmem:s8+$0x15E00] =	vst v0  }
0x220: {  	v0 =	vld.idx.msk [tilespmem:v1+s31+$0x0], $0xffff;
	_ =	sdelay $0x2  }
0x221: {  	s9 =	sld [smem:$0x7F1];
	_ =	sdelay $0x1  }
0x222: {  	s11 =	sld [smem:$0x7F2];
	[tilespmem:s10+$0x15E00] =	vst v0  }
0x223: {  	[hbm4b:s9+s25] =	stream.strided.scatter [tilespmem:s3], [sflag:$0x4], $0x1000, s28, s25, $0x38;
	[tilespmem:$0x16E80] =	vst v63  }
0x224: {  	s10 =	rddreg [dreg:$0x14]  }
0x225: {  	[tilespmem:s31], [sflag:$0x2] =	stream.strided.gather [hbm4b:s10+s25], $0x9700, s28, s25, $0x38;
	[tilespmem:$0x16E80] =	vst v63  }
0x226: {  	_ = 	snop  }
0x227: {  	[tilespmem:s26], [sflag:$0x2] =	stream.strided.gather [hbm4b:s11+s25], $0x1000, s28, s25, $0x38;
	[tilespmem:$0x16E80] =	vst v63  }
0x228: {  	_ =	swait.ge [sflag:s0], $0x9700  }
0x229: {  	[sflag:s0] =	ssyncset.done $0x0  }
0x22a: {  	[sflag:s0] =	ssyncadd.s32 $0xFFFF6900  }
0x22b: {  	_ =	swait.ge [sflag:s0], $0x1000  }
0x22c: {  	[sflag:s0] =	ssyncset.done $0x0  }
0x22d: {  	[sflag:s0] =	ssyncadd.s32 $0xFFFFF000  }
0x22e: {  	_ =	swait.ge [sflag:s5], $0x1000  }
0x22f: {  	[sflag:s5] =	ssyncset.done $0x0  }
0x230: {  	s9 =	simm.s32 $0x0;
	[sflag:s5] =	ssyncadd.s32 $0xFFFFF000  }
0x231: {  	v0 =	vld [tilespmem:s9+$0x12E00];
	_ =	sdelay $0x4  }
0x232: {  	s8 =	simm.s32 $0x10;
	v0 =	vadd.s32 $0x56, v0  }
0x233: {  	v2 =	vld [tilespmem:s8+$0x12E00];
	_ =	sdelay $0x3  }
0x234: {  	v1 =	vld.idx.msk [tilespmem:v0+s1+$0x0], $0xffff  }
0x235: {  	v0 =	vadd.s32 $0x56, v2  }
0x236: {  	s10 =	simm.s32 $0x20;
	s11 =	simm.s32 $0xC0  }
.LBB2_30:
0x237: {  	p0 =	sne.s32 s11, $0x3FC0;
	v2 =	vld [tilespmem:s10+$0x12E00];
	_ =	sdelay $0x1  }
.Ltmp14:
0x238: {  	[tilespmem:s9+$0x14E00] =	vst v1;
	s9 =	smov.u32 s8;
	s8 =	smov.u32 s10;
	(pc) =	sbr.rel @p0 .LBB2_30-.Ltmp14, $3  }
0x239: {  	v1 =	vld.idx.msk [tilespmem:v0+s1+$0x0], $0xffff;
	_ =	sdelay $0x1  }
0x23a: {  	v0 =	vadd.s32 $0x56, v2  }
0x23b: {  	s10 =	sshra.s32 s11, $0x2;
	s11 =	sadd.s32 $0x40, s11  }
0x23c: {  	v2 =	vld [tilespmem:s10+$0x12E00];
	_ =	sdelay $0x2  }
0x23d: {  	[tilespmem:s9+$0x14E00] =	vst v1  }
0x23e: {  	v0 =	vld.idx.msk [tilespmem:v0+s1+$0x0], $0xffff  }
0x23f: {  	v1 =	vadd.s32 $0x56, v2;
	_ =	sdelay $0x3  }
0x240: {  	[tilespmem:s8+$0x14E00] =	vst v0  }
0x241: {  	v0 =	vld.idx.msk [tilespmem:v1+s1+$0x0], $0xffff;
	_ =	sdelay $0x2  }
0x242: {  	s11 =	sld [smem:$0x7F3];
	_ =	sdelay $0x1  }
0x243: {  	[tilespmem:s10+$0x14E00] =	vst v0;
	s10 =	rddreg [dreg:$0x15]  }
0x244: {  	[hbm4b:s11+s25] =	stream.strided.scatter [tilespmem:s29], [sflag:$0x3], $0x1000, s28, s25, $0x38;
	[tilespmem:$0x16E80] =	vst v63  }
0x245: {  	s9 =	simm.s32 $0x0;
	s11 =	sld [smem:$0x7F4]  }
0x246: {  	[tilespmem:s9], [sflag:$0x1] =	stream.strided.gather [hbm4b:s10+s25], $0x9700, s28, s25, $0x38;
	[tilespmem:$0x16E80] =	vst v63  }
0x247: {  	_ = 	snop  }
0x248: {  	[tilespmem:s30], [sflag:$0x1] =	stream.strided.gather [hbm4b:s11+s25], $0x1000, s28, s25, $0x38;
	[tilespmem:$0x16E80] =	vst v63  }
0x249: {  	_ =	swait.ge [sflag:s2], $0x9700  }
0x24a: {  	[sflag:s2] =	ssyncset.done $0x0  }
0x24b: {  	[sflag:s2] =	ssyncadd.s32 $0xFFFF6900  }
0x24c: {  	_ =	swait.ge [sflag:s2], $0x1000  }
0x24d: {  	[sflag:s2] =	ssyncset.done $0x0  }
0x24e: {  	[sflag:s2] =	ssyncadd.s32 $0xFFFFF000  }
0x24f: {  	_ =	swait.ge [sflag:s6], $0x1000  }
0x250: {  	[sflag:s6] =	ssyncset.done $0x0  }
0x251: {  	s9 =	simm.s32 $0x0;
	[sflag:s6] =	ssyncadd.s32 $0xFFFFF000  }
0x252: {  	v0 =	vld [tilespmem:s9+$0x13E00];
	_ =	sdelay $0x4  }
0x253: {  	s8 =	simm.s32 $0x10;
	v0 =	vadd.s32 $0x13, v0  }
0x254: {  	v2 =	vld [tilespmem:s8+$0x13E00];
	_ =	sdelay $0x3  }
0x255: {  	v1 =	vld.idx.msk [tilespmem:v0+s31+$0x0], $0xffff  }
0x256: {  	v0 =	vadd.s32 $0x13, v2  }
0x257: {  	s10 =	simm.s32 $0x20;
	s11 =	simm.s32 $0xC0  }
.LBB2_32:
0x258: {  	p0 =	sne.s32 s11, $0x3FC0;
	v2 =	vld [tilespmem:s10+$0x13E00];
	_ =	sdelay $0x1  }
.Ltmp15:
0x259: {  	[tilespmem:s9+$0x15E00] =	vst v1;
	s9 =	smov.u32 s8;
	s8 =	smov.u32 s10;
	(pc) =	sbr.rel @p0 .LBB2_32-.Ltmp15, $3  }
0x25a: {  	v1 =	vld.idx.msk [tilespmem:v0+s31+$0x0], $0xffff;
	_ =	sdelay $0x1  }
0x25b: {  	v0 =	vadd.s32 $0x13, v2  }
0x25c: {  	s10 =	sshra.s32 s11, $0x2;
	s11 =	sadd.s32 $0x40, s11  }
0x25d: {  	v2 =	vld [tilespmem:s10+$0x13E00];
	_ =	sdelay $0x2  }
0x25e: {  	[tilespmem:s9+$0x15E00] =	vst v1  }
0x25f: {  	v0 =	vld.idx.msk [tilespmem:v0+s31+$0x0], $0xffff  }
0x260: {  	v1 =	vadd.s32 $0x13, v2;
	_ =	sdelay $0x3  }
0x261: {  	[tilespmem:s8+$0x15E00] =	vst v0  }
0x262: {  	v0 =	vld.idx.msk [tilespmem:v1+s31+$0x0], $0xffff;
	_ =	sdelay $0x2  }
0x263: {  	s9 =	sld [smem:$0x7F5];
	_ =	sdelay $0x1  }
0x264: {  	s11 =	sld [smem:$0x7F6];
	[tilespmem:s10+$0x15E00] =	vst v0  }
0x265: {  	[hbm4b:s9+s25] =	stream.strided.scatter [tilespmem:s3], [sflag:$0x4], $0x1000, s28, s25, $0x38;
	[tilespmem:$0x16E80] =	vst v63  }
0x266: {  	s10 =	rddreg [dreg:$0x16]  }
0x267: {  	[tilespmem:s31], [sflag:$0x2] =	stream.strided.gather [hbm4b:s10+s25], $0x9700, s28, s25, $0x38;
	[tilespmem:$0x16E80] =	vst v63  }
0x268: {  	_ = 	snop  }
0x269: {  	[tilespmem:s26], [sflag:$0x2] =	stream.strided.gather [hbm4b:s11+s25], $0x1000, s28, s25, $0x38;
	[tilespmem:$0x16E80] =	vst v63  }
0x26a: {  	_ =	swait.ge [sflag:s0], $0x9700  }
0x26b: {  	[sflag:s0] =	ssyncset.done $0x0  }
0x26c: {  	[sflag:s0] =	ssyncadd.s32 $0xFFFF6900  }
0x26d: {  	_ =	swait.ge [sflag:s0], $0x1000  }
0x26e: {  	[sflag:s0] =	ssyncset.done $0x0  }
0x26f: {  	[sflag:s0] =	ssyncadd.s32 $0xFFFFF000  }
0x270: {  	_ =	swait.ge [sflag:s5], $0x1000  }
0x271: {  	[sflag:s5] =	ssyncset.done $0x0  }
0x272: {  	s9 =	simm.s32 $0x0;
	[sflag:s5] =	ssyncadd.s32 $0xFFFFF000  }
0x273: {  	v0 =	vld [tilespmem:s9+$0x12E00];
	_ =	sdelay $0x4  }
0x274: {  	s8 =	simm.s32 $0x10;
	v0 =	vadd.s32 $0x50, v0  }
0x275: {  	v2 =	vld [tilespmem:s8+$0x12E00];
	_ =	sdelay $0x3  }
0x276: {  	v1 =	vld.idx.msk [tilespmem:v0+s1+$0x0], $0xffff  }
0x277: {  	v0 =	vadd.s32 $0x50, v2  }
0x278: {  	s10 =	simm.s32 $0x20;
	s11 =	simm.s32 $0xC0  }
.LBB2_34:
0x279: {  	p0 =	sne.s32 s11, $0x3FC0;
	v2 =	vld [tilespmem:s10+$0x12E00];
	_ =	sdelay $0x1  }
.Ltmp16:
0x27a: {  	[tilespmem:s9+$0x14E00] =	vst v1;
	s9 =	smov.u32 s8;
	s8 =	smov.u32 s10;
	(pc) =	sbr.rel @p0 .LBB2_34-.Ltmp16, $3  }
0x27b: {  	v1 =	vld.idx.msk [tilespmem:v0+s1+$0x0], $0xffff;
	_ =	sdelay $0x1  }
0x27c: {  	v0 =	vadd.s32 $0x50, v2  }
0x27d: {  	s10 =	sshra.s32 s11, $0x2;
	s11 =	sadd.s32 $0x40, s11  }
0x27e: {  	v2 =	vld [tilespmem:s10+$0x12E00];
	_ =	sdelay $0x2  }
0x27f: {  	[tilespmem:s9+$0x14E00] =	vst v1  }
0x280: {  	v0 =	vld.idx.msk [tilespmem:v0+s1+$0x0], $0xffff  }
0x281: {  	v1 =	vadd.s32 $0x50, v2;
	_ =	sdelay $0x3  }
0x282: {  	[tilespmem:s8+$0x14E00] =	vst v0  }
0x283: {  	v0 =	vld.idx.msk [tilespmem:v1+s1+$0x0], $0xffff;
	_ =	sdelay $0x2  }
0x284: {  	s11 =	sld [smem:$0x7F7];
	_ =	sdelay $0x1  }
0x285: {  	[tilespmem:s10+$0x14E00] =	vst v0;
	s10 =	rddreg [dreg:$0x17]  }
0x286: {  	[hbm4b:s11+s25] =	stream.strided.scatter [tilespmem:s29], [sflag:$0x3], $0x1000, s28, s25, $0x38;
	[tilespmem:$0x16E80] =	vst v63  }
0x287: {  	s9 =	simm.s32 $0x0;
	s11 =	sld [smem:$0x7F8]  }
0x288: {  	[tilespmem:s9], [sflag:$0x1] =	stream.strided.gather [hbm4b:s10+s25], $0x9700, s28, s25, $0x38;
	[tilespmem:$0x16E80] =	vst v63  }
0x289: {  	_ = 	snop  }
0x28a: {  	[tilespmem:s30], [sflag:$0x1] =	stream.strided.gather [hbm4b:s11+s25], $0x1000, s28, s25, $0x38;
	[tilespmem:$0x16E80] =	vst v63  }
0x28b: {  	_ =	swait.ge [sflag:s2], $0x9700  }
0x28c: {  	[sflag:s2] =	ssyncset.done $0x0  }
0x28d: {  	[sflag:s2] =	ssyncadd.s32 $0xFFFF6900  }
0x28e: {  	_ =	swait.ge [sflag:s2], $0x1000  }
0x28f: {  	[sflag:s2] =	ssyncset.done $0x0  }
0x290: {  	[sflag:s2] =	ssyncadd.s32 $0xFFFFF000  }
0x291: {  	_ =	swait.ge [sflag:s6], $0x1000  }
0x292: {  	[sflag:s6] =	ssyncset.done $0x0  }
0x293: {  	s9 =	simm.s32 $0x0;
	[sflag:s6] =	ssyncadd.s32 $0xFFFFF000  }
0x294: {  	v0 =	vld [tilespmem:s9+$0x13E00];
	_ =	sdelay $0x4  }
0x295: {  	s8 =	simm.s32 $0x10;
	v0 =	vadd.s32 $0xD, v0  }
0x296: {  	v2 =	vld [tilespmem:s8+$0x13E00];
	_ =	sdelay $0x3  }
0x297: {  	v1 =	vld.idx.msk [tilespmem:v0+s31+$0x0], $0xffff  }
0x298: {  	v0 =	vadd.s32 $0xD, v2  }
0x299: {  	s10 =	simm.s32 $0x20;
	s11 =	simm.s32 $0xC0  }
.LBB2_36:
0x29a: {  	p0 =	sne.s32 s11, $0x3FC0;
	v2 =	vld [tilespmem:s10+$0x13E00];
	_ =	sdelay $0x1  }
.Ltmp17:
0x29b: {  	[tilespmem:s9+$0x15E00] =	vst v1;
	s9 =	smov.u32 s8;
	s8 =	smov.u32 s10;
	(pc) =	sbr.rel @p0 .LBB2_36-.Ltmp17, $3  }
0x29c: {  	v1 =	vld.idx.msk [tilespmem:v0+s31+$0x0], $0xffff;
	_ =	sdelay $0x1  }
0x29d: {  	v0 =	vadd.s32 $0xD, v2  }
0x29e: {  	s10 =	sshra.s32 s11, $0x2;
	s11 =	sadd.s32 $0x40, s11  }
0x29f: {  	v2 =	vld [tilespmem:s10+$0x13E00];
	_ =	sdelay $0x2  }
0x2a0: {  	[tilespmem:s9+$0x15E00] =	vst v1  }
0x2a1: {  	v0 =	vld.idx.msk [tilespmem:v0+s31+$0x0], $0xffff  }
0x2a2: {  	v1 =	vadd.s32 $0xD, v2;
	_ =	sdelay $0x3  }
0x2a3: {  	[tilespmem:s8+$0x15E00] =	vst v0  }
0x2a4: {  	v0 =	vld.idx.msk [tilespmem:v1+s31+$0x0], $0xffff;
	_ =	sdelay $0x2  }
0x2a5: {  	s9 =	sld [smem:$0x7F9];
	_ =	sdelay $0x1  }
0x2a6: {  	s11 =	sld [smem:$0x7FA];
	[tilespmem:s10+$0x15E00] =	vst v0  }
0x2a7: {  	[hbm4b:s9+s25] =	stream.strided.scatter [tilespmem:s3], [sflag:$0x4], $0x1000, s28, s25, $0x38;
	[tilespmem:$0x16E80] =	vst v63  }
0x2a8: {  	s10 =	rddreg [dreg:$0x18]  }
0x2a9: {  	[tilespmem:s31], [sflag:$0x2] =	stream.strided.gather [hbm4b:s10+s25], $0x9700, s28, s25, $0x38;
	[tilespmem:$0x16E80] =	vst v63  }
0x2aa: {  	_ = 	snop  }
0x2ab: {  	[tilespmem:s26], [sflag:$0x2] =	stream.strided.gather [hbm4b:s11+s25], $0x1000, s28, s25, $0x38;
	[tilespmem:$0x16E80] =	vst v63  }
0x2ac: {  	_ =	swait.ge [sflag:s0], $0x9700  }
0x2ad: {  	[sflag:s0] =	ssyncset.done $0x0  }
0x2ae: {  	[sflag:s0] =	ssyncadd.s32 $0xFFFF6900  }
0x2af: {  	_ =	swait.ge [sflag:s0], $0x1000  }
0x2b0: {  	[sflag:s0] =	ssyncset.done $0x0  }
0x2b1: {  	[sflag:s0] =	ssyncadd.s32 $0xFFFFF000  }
0x2b2: {  	_ =	swait.ge [sflag:s5], $0x1000  }
0x2b3: {  	[sflag:s5] =	ssyncset.done $0x0  }
0x2b4: {  	s9 =	simm.s32 $0x0;
	[sflag:s5] =	ssyncadd.s32 $0xFFFFF000  }
0x2b5: {  	v0 =	vld [tilespmem:s9+$0x12E00];
	_ =	sdelay $0x4  }
0x2b6: {  	s8 =	simm.s32 $0x10;
	v0 =	vadd.s32 $0x4A, v0  }
0x2b7: {  	v2 =	vld [tilespmem:s8+$0x12E00];
	_ =	sdelay $0x3  }
0x2b8: {  	v1 =	vld.idx.msk [tilespmem:v0+s1+$0x0], $0xffff  }
0x2b9: {  	v0 =	vadd.s32 $0x4A, v2  }
0x2ba: {  	s10 =	simm.s32 $0x20;
	s11 =	simm.s32 $0xC0  }
.LBB2_38:
0x2bb: {  	p0 =	sne.s32 s11, $0x3FC0;
	v2 =	vld [tilespmem:s10+$0x12E00];
	_ =	sdelay $0x1  }
.Ltmp18:
0x2bc: {  	[tilespmem:s9+$0x14E00] =	vst v1;
	s9 =	smov.u32 s8;
	s8 =	smov.u32 s10;
	(pc) =	sbr.rel @p0 .LBB2_38-.Ltmp18, $3  }
0x2bd: {  	v1 =	vld.idx.msk [tilespmem:v0+s1+$0x0], $0xffff;
	_ =	sdelay $0x1  }
0x2be: {  	v0 =	vadd.s32 $0x4A, v2  }
0x2bf: {  	s10 =	sshra.s32 s11, $0x2;
	s11 =	sadd.s32 $0x40, s11  }
0x2c0: {  	v2 =	vld [tilespmem:s10+$0x12E00];
	_ =	sdelay $0x2  }
0x2c1: {  	[tilespmem:s9+$0x14E00] =	vst v1  }
0x2c2: {  	v0 =	vld.idx.msk [tilespmem:v0+s1+$0x0], $0xffff  }
0x2c3: {  	v1 =	vadd.s32 $0x4A, v2;
	_ =	sdelay $0x3  }
0x2c4: {  	[tilespmem:s8+$0x14E00] =	vst v0  }
0x2c5: {  	v0 =	vld.idx.msk [tilespmem:v1+s1+$0x0], $0xffff;
	_ =	sdelay $0x2  }
0x2c6: {  	s11 =	sld [smem:$0x7FB];
	_ =	sdelay $0x1  }
0x2c7: {  	[tilespmem:s10+$0x14E00] =	vst v0;
	s10 =	rddreg [dreg:$0x19]  }
0x2c8: {  	[hbm4b:s11+s25] =	stream.strided.scatter [tilespmem:s29], [sflag:$0x3], $0x1000, s28, s25, $0x38;
	[tilespmem:$0x16E80] =	vst v63  }
0x2c9: {  	s9 =	simm.s32 $0x0;
	s11 =	sld [smem:$0x7FC]  }
0x2ca: {  	[tilespmem:s9], [sflag:$0x1] =	stream.strided.gather [hbm4b:s10+s25], $0x9700, s28, s25, $0x38;
	[tilespmem:$0x16E80] =	vst v63  }
0x2cb: {  	_ = 	snop  }
0x2cc: {  	[tilespmem:s30], [sflag:$0x1] =	stream.strided.gather [hbm4b:s11+s25], $0x1000, s28, s25, $0x38;
	[tilespmem:$0x16E80] =	vst v63  }
0x2cd: {  	_ =	swait.ge [sflag:s2], $0x9700  }
0x2ce: {  	[sflag:s2] =	ssyncset.done $0x0  }
0x2cf: {  	[sflag:s2] =	ssyncadd.s32 $0xFFFF6900  }
0x2d0: {  	_ =	swait.ge [sflag:s2], $0x1000  }
0x2d1: {  	[sflag:s2] =	ssyncset.done $0x0  }
0x2d2: {  	[sflag:s2] =	ssyncadd.s32 $0xFFFFF000  }
0x2d3: {  	_ =	swait.ge [sflag:s6], $0x1000  }
0x2d4: {  	[sflag:s6] =	ssyncset.done $0x0  }
0x2d5: {  	s9 =	simm.s32 $0x0;
	[sflag:s6] =	ssyncadd.s32 $0xFFFFF000  }
0x2d6: {  	v0 =	vld [tilespmem:s9+$0x13E00];
	_ =	sdelay $0x4  }
0x2d7: {  	s8 =	simm.s32 $0x10;
	v0 =	vadd.s32 $0x7, v0  }
0x2d8: {  	v2 =	vld [tilespmem:s8+$0x13E00];
	_ =	sdelay $0x3  }
0x2d9: {  	v1 =	vld.idx.msk [tilespmem:v0+s31+$0x0], $0xffff  }
0x2da: {  	v0 =	vadd.s32 $0x7, v2  }
0x2db: {  	s10 =	simm.s32 $0x20;
	s11 =	simm.s32 $0xC0  }
.LBB2_40:
0x2dc: {  	p0 =	sne.s32 s11, $0x3FC0;
	v2 =	vld [tilespmem:s10+$0x13E00];
	_ =	sdelay $0x1  }
.Ltmp19:
0x2dd: {  	[tilespmem:s9+$0x15E00] =	vst v1;
	s9 =	smov.u32 s8;
	s8 =	smov.u32 s10;
	(pc) =	sbr.rel @p0 .LBB2_40-.Ltmp19, $3  }
0x2de: {  	v1 =	vld.idx.msk [tilespmem:v0+s31+$0x0], $0xffff;
	_ =	sdelay $0x1  }
0x2df: {  	v0 =	vadd.s32 $0x7, v2  }
0x2e0: {  	s10 =	sshra.s32 s11, $0x2;
	s11 =	sadd.s32 $0x40, s11  }
0x2e1: {  	v2 =	vld [tilespmem:s10+$0x13E00];
	_ =	sdelay $0x2  }
0x2e2: {  	[tilespmem:s9+$0x15E00] =	vst v1  }
0x2e3: {  	v0 =	vld.idx.msk [tilespmem:v0+s31+$0x0], $0xffff  }
0x2e4: {  	v1 =	vadd.s32 $0x7, v2;
	_ =	sdelay $0x3  }
0x2e5: {  	[tilespmem:s8+$0x15E00] =	vst v0  }
0x2e6: {  	v0 =	vld.idx.msk [tilespmem:v1+s31+$0x0], $0xffff;
	_ =	sdelay $0x4  }
0x2e7: {  	[tilespmem:s10+$0x15E00] =	vst v0;
	s10 =	sld [smem:$0x7FD];
	_ =	sdelay $0x2  }
0x2e8: {  	[hbm4b:s10+s25] =	stream.strided.scatter [tilespmem:s3], [sflag:$0x4], $0x1000, s28, s25, $0x38;
	[tilespmem:$0x16E80] =	vst v63  }
0x2e9: {  	s11 =	rddreg [dreg:$0x1a]  }
0x2ea: {  	[tilespmem:s31], [sflag:$0x2] =	stream.strided.gather [hbm4b:s11+s25], $0x9700, s28, s25, $0x38;
	[tilespmem:$0x16E80] =	vst v63  }
0x2eb: {  	_ = 	snop  }
0x2ec: {  	[tilespmem:s26], [sflag:$0x2] =	stream.strided.gather [hbm4b:s12+s25], $0x1000, s28, s25, $0x38;
	[tilespmem:$0x16E80] =	vst v63  }
0x2ed: {  	_ =	swait.ge [sflag:s0], $0x9700  }
0x2ee: {  	[sflag:s0] =	ssyncset.done $0x0  }
0x2ef: {  	[sflag:s0] =	ssyncadd.s32 $0xFFFF6900  }
0x2f0: {  	_ =	swait.ge [sflag:s0], $0x1000  }
0x2f1: {  	[sflag:s0] =	ssyncset.done $0x0  }
0x2f2: {  	[sflag:s0] =	ssyncadd.s32 $0xFFFFF000  }
0x2f3: {  	_ =	swait.ge [sflag:s5], $0x1000  }
0x2f4: {  	[sflag:s5] =	ssyncset.done $0x0  }
0x2f5: {  	s9 =	simm.s32 $0x0;
	[sflag:s5] =	ssyncadd.s32 $0xFFFFF000  }
0x2f6: {  	v0 =	vld [tilespmem:s9+$0x12E00];
	_ =	sdelay $0x4  }
0x2f7: {  	s8 =	simm.s32 $0x10;
	v0 =	vadd.s32 $0x44, v0  }
0x2f8: {  	v2 =	vld [tilespmem:s8+$0x12E00];
	_ =	sdelay $0x3  }
0x2f9: {  	v1 =	vld.idx.msk [tilespmem:v0+s1+$0x0], $0xffff  }
0x2fa: {  	v0 =	vadd.s32 $0x44, v2  }
0x2fb: {  	s10 =	simm.s32 $0x20;
	s11 =	simm.s32 $0xC0  }
.LBB2_42:
0x2fc: {  	p0 =	sne.s32 s11, $0x3FC0;
	v2 =	vld [tilespmem:s10+$0x12E00];
	_ =	sdelay $0x1  }
.Ltmp20:
0x2fd: {  	[tilespmem:s9+$0x14E00] =	vst v1;
	s9 =	smov.u32 s8;
	s8 =	smov.u32 s10;
	(pc) =	sbr.rel @p0 .LBB2_42-.Ltmp20, $3  }
0x2fe: {  	v1 =	vld.idx.msk [tilespmem:v0+s1+$0x0], $0xffff;
	_ =	sdelay $0x1  }
0x2ff: {  	v0 =	vadd.s32 $0x44, v2  }
0x300: {  	s10 =	sshra.s32 s11, $0x2;
	s11 =	sadd.s32 $0x40, s11  }
0x301: {  	v2 =	vld [tilespmem:s10+$0x12E00];
	_ =	sdelay $0x2  }
0x302: {  	[tilespmem:s9+$0x14E00] =	vst v1  }
0x303: {  	v0 =	vld.idx.msk [tilespmem:v0+s1+$0x0], $0xffff  }
0x304: {  	v1 =	vadd.s32 $0x44, v2;
	_ =	sdelay $0x3  }
0x305: {  	[tilespmem:s8+$0x14E00] =	vst v0  }
0x306: {  	v0 =	vld.idx.msk [tilespmem:v1+s1+$0x0], $0xffff;
	_ =	sdelay $0x4  }
0x307: {  	[tilespmem:s10+$0x14E00] =	vst v0  }
0x308: {  	[hbm4b:s13+s25] =	stream.strided.scatter [tilespmem:s29], [sflag:$0x3], $0x1000, s28, s25, $0x38;
	[tilespmem:$0x16E80] =	vst v63  }
0x309: {  	s11 =	rddreg [dreg:$0x1b];
	s10 =	simm.s32 $0x0  }
0x30a: {  	[tilespmem:s10], [sflag:$0x1] =	stream.strided.gather [hbm4b:s11+s25], $0x9700, s28, s25, $0x38;
	[tilespmem:$0x16E80] =	vst v63  }
0x30b: {  	_ = 	snop  }
0x30c: {  	[tilespmem:s30], [sflag:$0x1] =	stream.strided.gather [hbm4b:s14+s25], $0x1000, s28, s25, $0x38;
	[tilespmem:$0x16E80] =	vst v63  }
0x30d: {  	_ =	swait.ge [sflag:s2], $0x9700  }
0x30e: {  	[sflag:s2] =	ssyncset.done $0x0  }
0x30f: {  	[sflag:s2] =	ssyncadd.s32 $0xFFFF6900  }
0x310: {  	_ =	swait.ge [sflag:s2], $0x1000  }
0x311: {  	[sflag:s2] =	ssyncset.done $0x0  }
0x312: {  	[sflag:s2] =	ssyncadd.s32 $0xFFFFF000  }
0x313: {  	_ =	swait.ge [sflag:s6], $0x1000  }
0x314: {  	[sflag:s6] =	ssyncset.done $0x0  }
0x315: {  	s9 =	simm.s32 $0x0;
	[sflag:s6] =	ssyncadd.s32 $0xFFFFF000  }
0x316: {  	v0 =	vld [tilespmem:s9+$0x13E00];
	_ =	sdelay $0x4  }
0x317: {  	s8 =	simm.s32 $0x10;
	v0 =	vadd.s32 $0x1, v0  }
0x318: {  	v2 =	vld [tilespmem:s8+$0x13E00];
	_ =	sdelay $0x3  }
0x319: {  	v1 =	vld.idx.msk [tilespmem:v0+s31+$0x0], $0xffff  }
0x31a: {  	v0 =	vadd.s32 $0x1, v2  }
0x31b: {  	s10 =	simm.s32 $0x20;
	s11 =	simm.s32 $0xC0  }
.LBB2_44:
0x31c: {  	p0 =	sne.s32 s11, $0x3FC0;
	v2 =	vld [tilespmem:s10+$0x13E00];
	_ =	sdelay $0x1  }
.Ltmp21:
0x31d: {  	[tilespmem:s9+$0x15E00] =	vst v1;
	s9 =	smov.u32 s8;
	s8 =	smov.u32 s10;
	(pc) =	sbr.rel @p0 .LBB2_44-.Ltmp21, $3  }
0x31e: {  	v1 =	vld.idx.msk [tilespmem:v0+s31+$0x0], $0xffff;
	_ =	sdelay $0x1  }
0x31f: {  	v0 =	vadd.s32 $0x1, v2  }
0x320: {  	s10 =	sshra.s32 s11, $0x2;
	s11 =	sadd.s32 $0x40, s11  }
0x321: {  	v2 =	vld [tilespmem:s10+$0x13E00];
	_ =	sdelay $0x2  }
0x322: {  	[tilespmem:s9+$0x15E00] =	vst v1  }
0x323: {  	v0 =	vld.idx.msk [tilespmem:v0+s31+$0x0], $0xffff  }
0x324: {  	v1 =	vadd.s32 $0x1, v2;
	_ =	sdelay $0x3  }
0x325: {  	[tilespmem:s8+$0x15E00] =	vst v0  }
0x326: {  	v0 =	vld.idx.msk [tilespmem:v1+s31+$0x0], $0xffff;
	_ =	sdelay $0x4  }
0x327: {  	[tilespmem:s10+$0x15E00] =	vst v0  }
0x328: {  	[hbm4b:s15+s25] =	stream.strided.scatter [tilespmem:s3], [sflag:$0x4], $0x1000, s28, s25, $0x38;
	[tilespmem:$0x16E80] =	vst v63  }
0x329: {  	s11 =	rddreg [dreg:$0x1c]  }
0x32a: {  	[tilespmem:s31], [sflag:$0x2] =	stream.strided.gather [hbm4b:s11+s25], $0x9700, s28, s25, $0x38;
	[tilespmem:$0x16E80] =	vst v63  }
0x32b: {  	_ = 	snop  }
0x32c: {  	[tilespmem:s26], [sflag:$0x2] =	stream.strided.gather [hbm4b:s16+s25], $0x1000, s28, s25, $0x38;
	[tilespmem:$0x16E80] =	vst v63  }
0x32d: {  	_ =	swait.ge [sflag:s0], $0x9700  }
0x32e: {  	[sflag:s0] =	ssyncset.done $0x0  }
0x32f: {  	[sflag:s0] =	ssyncadd.s32 $0xFFFF6900  }
0x330: {  	_ =	swait.ge [sflag:s0], $0x1000  }
0x331: {  	[sflag:s0] =	ssyncset.done $0x0  }
0x332: {  	[sflag:s0] =	ssyncadd.s32 $0xFFFFF000  }
0x333: {  	_ =	swait.ge [sflag:s5], $0x1000  }
0x334: {  	[sflag:s5] =	ssyncset.done $0x0  }
0x335: {  	s9 =	simm.s32 $0x0;
	[sflag:s5] =	ssyncadd.s32 $0xFFFFF000  }
0x336: {  	v0 =	vld [tilespmem:s9+$0x12E00];
	_ =	sdelay $0x4  }
0x337: {  	s8 =	simm.s32 $0x10;
	v0 =	vadd.s32 $0x3E, v0  }
0x338: {  	v2 =	vld [tilespmem:s8+$0x12E00];
	_ =	sdelay $0x3  }
0x339: {  	v1 =	vld.idx.msk [tilespmem:v0+s1+$0x0], $0xffff  }
0x33a: {  	v0 =	vadd.s32 $0x3E, v2  }
0x33b: {  	s10 =	simm.s32 $0x20;
	s11 =	simm.s32 $0xC0  }
.LBB2_46:
0x33c: {  	p0 =	sne.s32 s11, $0x3FC0;
	v2 =	vld [tilespmem:s10+$0x12E00];
	_ =	sdelay $0x1  }
.Ltmp22:
0x33d: {  	[tilespmem:s9+$0x14E00] =	vst v1;
	s9 =	smov.u32 s8;
	s8 =	smov.u32 s10;
	(pc) =	sbr.rel @p0 .LBB2_46-.Ltmp22, $3  }
0x33e: {  	v1 =	vld.idx.msk [tilespmem:v0+s1+$0x0], $0xffff;
	_ =	sdelay $0x1  }
0x33f: {  	v0 =	vadd.s32 $0x3E, v2  }
0x340: {  	s10 =	sshra.s32 s11, $0x2;
	s11 =	sadd.s32 $0x40, s11  }
0x341: {  	v2 =	vld [tilespmem:s10+$0x12E00];
	_ =	sdelay $0x2  }
0x342: {  	[tilespmem:s9+$0x14E00] =	vst v1  }
0x343: {  	v0 =	vld.idx.msk [tilespmem:v0+s1+$0x0], $0xffff  }
0x344: {  	v1 =	vadd.s32 $0x3E, v2;
	_ =	sdelay $0x3  }
0x345: {  	[tilespmem:s8+$0x14E00] =	vst v0  }
0x346: {  	v0 =	vld.idx.msk [tilespmem:v1+s1+$0x0], $0xffff;
	_ =	sdelay $0x4  }
0x347: {  	[tilespmem:s10+$0x14E00] =	vst v0  }
0x348: {  	[hbm4b:s17+s25] =	stream.strided.scatter [tilespmem:s29], [sflag:$0x3], $0x1000, s28, s25, $0x38;
	[tilespmem:$0x16E80] =	vst v63  }
0x349: {  	s11 =	rddreg [dreg:$0x1d];
	s10 =	simm.s32 $0x0  }
0x34a: {  	[tilespmem:s10], [sflag:$0x1] =	stream.strided.gather [hbm4b:s11+s25], $0x9700, s28, s25, $0x38;
	[tilespmem:$0x16E80] =	vst v63  }
0x34b: {  	_ = 	snop  }
0x34c: {  	[tilespmem:s30], [sflag:$0x1] =	stream.strided.gather [hbm4b:s18+s25], $0x1000, s28, s25, $0x38;
	[tilespmem:$0x16E80] =	vst v63  }
0x34d: {  	_ =	swait.ge [sflag:s2], $0x9700  }
0x34e: {  	[sflag:s2] =	ssyncset.done $0x0  }
0x34f: {  	[sflag:s2] =	ssyncadd.s32 $0xFFFF6900  }
0x350: {  	_ =	swait.ge [sflag:s2], $0x1000  }
0x351: {  	[sflag:s2] =	ssyncset.done $0x0  }
0x352: {  	[sflag:s2] =	ssyncadd.s32 $0xFFFFF000  }
0x353: {  	_ =	swait.ge [sflag:s6], $0x1000  }
0x354: {  	[sflag:s6] =	ssyncset.done $0x0  }
0x355: {  	s9 =	simm.s32 $0x0;
	[sflag:s6] =	ssyncadd.s32 $0xFFFFF000  }
0x356: {  	v0 =	vld [tilespmem:s9+$0x13E00];
	_ =	sdelay $0x4  }
0x357: {  	s8 =	simm.s32 $0x10;
	v0 =	vadd.s32 $0x7B, v0  }
0x358: {  	v2 =	vld [tilespmem:s8+$0x13E00];
	_ =	sdelay $0x3  }
0x359: {  	v1 =	vld.idx.msk [tilespmem:v0+s31+$0x0], $0xffff  }
0x35a: {  	v0 =	vadd.s32 $0x7B, v2  }
0x35b: {  	s10 =	simm.s32 $0x20;
	s11 =	simm.s32 $0xC0  }
.LBB2_48:
0x35c: {  	p0 =	sne.s32 s11, $0x3FC0;
	v2 =	vld [tilespmem:s10+$0x13E00];
	_ =	sdelay $0x1  }
.Ltmp23:
0x35d: {  	[tilespmem:s9+$0x15E00] =	vst v1;
	s9 =	smov.u32 s8;
	s8 =	smov.u32 s10;
	(pc) =	sbr.rel @p0 .LBB2_48-.Ltmp23, $3  }
0x35e: {  	v1 =	vld.idx.msk [tilespmem:v0+s31+$0x0], $0xffff;
	_ =	sdelay $0x1  }
0x35f: {  	v0 =	vadd.s32 $0x7B, v2  }
0x360: {  	s10 =	sshra.s32 s11, $0x2;
	s11 =	sadd.s32 $0x40, s11  }
0x361: {  	v2 =	vld [tilespmem:s10+$0x13E00];
	_ =	sdelay $0x2  }
0x362: {  	[tilespmem:s9+$0x15E00] =	vst v1  }
0x363: {  	v0 =	vld.idx.msk [tilespmem:v0+s31+$0x0], $0xffff  }
0x364: {  	v1 =	vadd.s32 $0x7B, v2;
	_ =	sdelay $0x3  }
0x365: {  	[tilespmem:s8+$0x15E00] =	vst v0  }
0x366: {  	v0 =	vld.idx.msk [tilespmem:v1+s31+$0x0], $0xffff;
	_ =	sdelay $0x4  }
0x367: {  	[tilespmem:s10+$0x15E00] =	vst v0  }
0x368: {  	[hbm4b:s19+s25] =	stream.strided.scatter [tilespmem:s3], [sflag:$0x4], $0x1000, s28, s25, $0x38;
	[tilespmem:$0x16E80] =	vst v63  }
0x369: {  	s11 =	rddreg [dreg:$0x1e]  }
0x36a: {  	[tilespmem:s31], [sflag:$0x2] =	stream.strided.gather [hbm4b:s11+s25], $0x9680, s28, s25, $0x38;
	[tilespmem:$0x16E80] =	vst v63  }
0x36b: {  	_ = 	snop  }
0x36c: {  	[tilespmem:s26], [sflag:$0x2] =	stream.strided.gather [hbm4b:s20+s25], $0x1000, s28, s25, $0x38;
	[tilespmem:$0x16E80] =	vst v63  }
0x36d: {  	_ =	swait.ge [sflag:s0], $0x9700  }
0x36e: {  	[sflag:s0] =	ssyncset.done $0x0  }
0x36f: {  	[sflag:s0] =	ssyncadd.s32 $0xFFFF6900  }
0x370: {  	_ =	swait.ge [sflag:s0], $0x1000  }
0x371: {  	[sflag:s0] =	ssyncset.done $0x0  }
0x372: {  	[sflag:s0] =	ssyncadd.s32 $0xFFFFF000  }
0x373: {  	_ =	swait.ge [sflag:s5], $0x1000  }
0x374: {  	[sflag:s5] =	ssyncset.done $0x0  }
0x375: {  	s9 =	simm.s32 $0x0;
	[sflag:s5] =	ssyncadd.s32 $0xFFFFF000  }
0x376: {  	v0 =	vld [tilespmem:s9+$0x12E00];
	_ =	sdelay $0x4  }
0x377: {  	s8 =	simm.s32 $0x10;
	v0 =	vadd.s32 $0x38, v0  }
0x378: {  	v2 =	vld [tilespmem:s8+$0x12E00];
	_ =	sdelay $0x3  }
0x379: {  	v1 =	vld.idx.msk [tilespmem:v0+s1+$0x0], $0xffff  }
0x37a: {  	v0 =	vadd.s32 $0x38, v2  }
0x37b: {  	s10 =	simm.s32 $0x20;
	s11 =	simm.s32 $0xC0  }
.LBB2_50:
0x37c: {  	p0 =	sne.s32 s11, $0x3FC0;
	v2 =	vld [tilespmem:s10+$0x12E00];
	_ =	sdelay $0x1  }
.Ltmp24:
0x37d: {  	[tilespmem:s9+$0x14E00] =	vst v1;
	s9 =	smov.u32 s8;
	s8 =	smov.u32 s10;
	(pc) =	sbr.rel @p0 .LBB2_50-.Ltmp24, $3  }
0x37e: {  	v1 =	vld.idx.msk [tilespmem:v0+s1+$0x0], $0xffff;
	_ =	sdelay $0x1  }
0x37f: {  	v0 =	vadd.s32 $0x38, v2  }
0x380: {  	s10 =	sshra.s32 s11, $0x2;
	s11 =	sadd.s32 $0x40, s11  }
0x381: {  	v2 =	vld [tilespmem:s10+$0x12E00];
	_ =	sdelay $0x2  }
0x382: {  	[tilespmem:s9+$0x14E00] =	vst v1  }
0x383: {  	v0 =	vld.idx.msk [tilespmem:v0+s1+$0x0], $0xffff  }
0x384: {  	v1 =	vadd.s32 $0x38, v2;
	_ =	sdelay $0x3  }
0x385: {  	[tilespmem:s8+$0x14E00] =	vst v0  }
0x386: {  	v0 =	vld.idx.msk [tilespmem:v1+s1+$0x0], $0xffff;
	_ =	sdelay $0x4  }
0x387: {  	[tilespmem:s10+$0x14E00] =	vst v0  }
0x388: {  	[hbm4b:s21+s25] =	stream.strided.scatter [tilespmem:s29], [sflag:$0x3], $0x1000, s28, s25, $0x38;
	[tilespmem:$0x16E80] =	vst v63  }
0x389: {  	_ =	swait.ge [sflag:s2], $0x9680  }
0x38a: {  	[sflag:s2] =	ssyncset.done $0x0  }
0x38b: {  	[sflag:s2] =	ssyncadd.s32 $0xFFFF6980  }
0x38c: {  	_ =	swait.ge [sflag:s2], $0x1000  }
0x38d: {  	[sflag:s2] =	ssyncset.done $0x0  }
0x38e: {  	[sflag:s2] =	ssyncadd.s32 $0xFFFFF000  }
0x38f: {  	_ =	swait.ge [sflag:s6], $0x1000  }
0x390: {  	[sflag:s6] =	ssyncset.done $0x0  }
0x391: {  	s9 =	simm.s32 $0x0;
	[sflag:s6] =	ssyncadd.s32 $0xFFFFF000  }
0x392: {  	v0 =	vld [tilespmem:s9+$0x13E00];
	_ =	sdelay $0x4  }
0x393: {  	v1 =	vadd.s32 $0xFFFF69F5, v0  }
0x394: {  	v0 =	vadd.s32 $0x75, v0;
	vm0 =	vgt.s32 v1, $0x0  }
0x395: {  	s8 =	simm.s32 $0x10;
	vm2 =	vgt.s32 v0, $0x967F;
	v1 =	vnsel vm0, $0x0, v1  }
0x396: {  	v2 =	vld [tilespmem:s8+$0x13E00];
	v3 =	vsel vm2, $0x967F, v0;
	_ =	sdelay $0x3  }
0x397: {  	v0 =	vld.idx.msk [tilespmem:v1+s23+$0x0], $0xffff  }
0x398: {  	v4 =	vadd.s32 $0xFFFF69F5, v2;
	v1 =	vld.idx.msk [tilespmem:v3+s31+$0x0], $0xffff  }
0x399: {  	v2 =	vadd.s32 $0x75, v2;
	vm3 =	vgt.s32 v4, $0x0  }
0x39a: {  	vm1 =	vgt.s32 v2, $0x967F;
	v3 =	vnsel vm3, $0x0, v4  }
0x39b: {  	s10 =	simm.s32 $0x20;
	v4 =	vsel vm1, $0x967F, v2  }
0x39c: {  	s11 =	simm.s32 $0xC0;
	vm0 =	vmmov vm2;
	v2 =	vld [tilespmem:s10+$0x13E00]  }
.LBB2_52:
0x39d: {  	p0 =	sne.s32 s11, $0x3FC0;
	v0 =	vsel vm0, v0, v1;
	vm0 =	vmmov vm1  }
0x39e: {  	[tilespmem:s9+$0x15E00] =	vst v0;
	s9 =	smov.u32 s8;
	s8 =	smov.u32 s10  }
0x39f: {  	v0 =	vld.idx.msk [tilespmem:v3+s23+$0x0], $0xffff  }
0x3a0: {  	v1 =	vld.idx.msk [tilespmem:v4+s31+$0x0], $0xffff  }
.Ltmp25:
0x3a1: {  	v3 =	vadd.s32 $0xFFFF69F5, v2;
	(pc) =	sbr.rel @p0 .LBB2_52-.Ltmp25, $4  }
0x3a2: {  	v2 =	vadd.s32 $0x75, v2;
	vm2 =	vgt.s32 v3, $0x0  }
0x3a3: {  	vm1 =	vgt.s32 v2, $0x967F;
	v3 =	vnsel vm2, $0x0, v3  }
0x3a4: {  	s10 =	sshra.s32 s11, $0x2;
	v4 =	vsel vm1, $0x967F, v2  }
0x3a5: {  	s11 =	sadd.s32 $0x40, s11;
	v2 =	vld [tilespmem:s10+$0x13E00]  }
0x3a6: {  	_ =	sdelay $0x1  }
0x3a7: {  	v0 =	vsel vm0, v0, v1  }
0x3a8: {  	[tilespmem:s9+$0x15E00] =	vst v0  }
0x3a9: {  	v0 =	vld.idx.msk [tilespmem:v3+s23+$0x0], $0xffff  }
0x3aa: {  	v60 =	vld.idx.msk [tilespmem:v4+s31+$0x0], $0xffff;
	v61 =	vadd.s32 $0xFFFF69F5, v2  }
0x3ab: {  	v62 =	vadd.s32 $0x75, v2;
	vm13 =	vgt.s32 v61, $0x0  }
0x3ac: {  	vm2 =	vgt.s32 v62, $0x967F;
	v3 =	vnsel vm13, $0x0, v61  }
0x3ad: {  	v2 =	vsel vm2, $0x967F, v62  }
0x3ae: {  	vm14 =	vmmov vm1  }
0x3af: {  	v0 =	vsel vm14, v0, v60  }
0x3b0: {  	[tilespmem:s8+$0x15E00] =	vst v0  }
0x3b1: {  	v0 =	vld.idx.msk [tilespmem:v3+s23+$0x0], $0xffff  }
0x3b2: {  	v63 =	vld.idx.msk [tilespmem:v2+s31+$0x0], $0xffff;
	_ =	sdelay $0x3  }
0x3b3: {  	vm15 =	vmmov vm2  }
0x3b4: {  	v0 =	vsel vm15, v0, v63  }
0x3b5: {  	[tilespmem:s10+$0x15E00] =	vst v0  }
0x3b6: {  	[hbm4b:s22+s25] =	stream.strided.scatter [tilespmem:s3], [sflag:$0x4], $0x1000, s28, s25, $0x38;
	[tilespmem:$0x16E80] =	vst v63  }
0x3b7: {  	_ =	swait.ge [sflag:s5], $0x1000  }
0x3b8: {  	[sflag:s5] =	ssyncset.done $0x0  }
0x3b9: {  	[sflag:s5] =	ssyncadd.s32 $0xFFFFF000  }
0x3ba: {  	_ =	swait.ge [sflag:s6], $0x1000  }
0x3bb: {  	s11 =	sld [smem:$0x7D6];
	_ =	sdelay $0x1  }
0x3bc: {  	s7 =	sadd.s32 $0x1, s7  }
0x3bd: {  	p0 =	sne.s32 s7, s11  }
.Ltmp26:
0x3be: {  	_ = 	snop;
	(pc) =	sbr.rel @p0 .LBB2_1-.Ltmp26, $3  }
0x3bf: {  	_ =	sdelay $0x1  }
0x3c0: {  	[sflag:s6] =	ssyncset.done $0x0  }
0x3c1: {  	[sflag:s6] =	ssyncadd.s32 $0xFFFFF000  }
0x3c2: {  	_ =	sfence.sel $0x180000  }
0x3c3: {  	[bflag:$0x0] =	sbarrier.arrive $0xFFFF  }
0x3c4: {  	_ =	strace $0x90000047  }
0x3c5: {  	s0 =	stileid.u32;
	[bflag:$0x2] =	sbarrier.arrive $0xFFFF  }
0x3c6: {  	p0 =	sne.s32 s0, $0x0;
	s0 =	rddreg [dreg:$0x4]  }
0x3c7: {  	s0 =	sadd.s32 @!p0 $0x100000, s0  }
0x3c8: {  	[sflag:s0] =	ssyncadd.tile.s32 @!p0 $0x1;
	_ =	shalt  }
.Lfunc_end2:
_tile_overlayer_lowered:
.L_overlay_start_2:
0x3c9: {  	(tag) =	ssettag $0x2  }
0x3ca: {  	s0 =	rddreg [dreg:$0x0];
	s2 =	stileid.u32  }
0x3cb: {  	s1 =	rddreg [dreg:$0x1];
	p0 =	sne.s32 s2, $0x0  }
0x3cc: {  	s3 =	rddreg [dreg:$0x2];
	[bflag:$0x3] =	sbarrier.arrive $0xFFFF;
	s2 =	simm.s32 @!p0 $0x1C05  }
0x3cd: {  	[timem:s3], [sflag:s2] =	dma.local @!p0 [hbm:s0], s1  }
0x3ce: {  	s0 =	simm.s32 @!p0 $0x5  }
0x3cf: {  	_ =	swait.ge @!p0 [sflag:s0], s1  }
0x3d0: {  	s1 =	ssub.s32 @!p0 $0x0, s1;
	[sflag:s0] =	ssyncset.done @!p0 $0x0  }
0x3d1: {  	[sflag:s0] =	ssyncadd.s32 @!p0 s1  }
0x3d2: {  	[bflag:$0x3] =	sbarrier.arrive $0xFFFF  }
0x3d3: {  	_ =	shalt  }

</sc_bundles>
